<compile_context>
chip_gen: v7x
topology: tpu7x:2x2x1
jax: 0.10.2.dev20260603
libtpu: 0.0.44.dev20260713+nightly
codegen_flags: <defaults>
</compile_context>

<pallas_src>
import functools

import jax
import jax.numpy as jnp
from jax import lax
from jax.experimental import pallas as pl
from jax.experimental.pallas import tpu as pltpu
from jax.experimental.pallas import tpu_sc as plsc

_HEIGHT = 8
_TOPICS = 64
_NTIME = 24
_BATCH = 16384
_NC = 2
_NS = 16
_NW = _NC * _NS
_BPW = _BATCH // _NW
_CHUNK = 128
_NCHUNK = _BPW // _CHUNK
_LANES = 16


def _stage_indices(loc_hbm, t_hbm, g7_hbm, loc_v, t_v, c7_v, sem, rb):
    pltpu.sync_copy(loc_hbm.at[pl.ds(rb, _NCHUNK)], loc_v)
    pltpu.sync_copy(t_hbm.at[pl.ds(rb, _NCHUNK)], t_v)
    cps = [
        pltpu.async_copy(g7_hbm.at[loc_v.at[j]], c7_v.at[j], sem)
        for j in range(_NCHUNK)
    ]
    for cp in cps:
        cp.wait()


_REPS = (128, 64, 16, 4, 1, 1, 1, 1)


def _fill_ridx(levels, t_v, c7_v, ridx_v):
    for j in range(_NCHUNK):
        def ridx_body(v, _, j=j):
            s = pl.ds(v * _LANES, _LANES)
            c7 = c7_v[j, s]
            t = t_v[j, s]
            li = lax.shift_right_logical(c7, 7)
            lo = lax.bitwise_and(c7, 127)
            for i, h in enumerate(levels):
                if h == 0:
                    row = t
                else:
                    sh = 7 - h
                    cell = lax.bitwise_or(
                        lax.shift_left(lax.shift_right_logical(li, sh), h),
                        lax.shift_right_logical(lo, sh))
                    row = cell * _NTIME + t
                reps = _REPS[h]
                if reps > 1:
                    rep = lax.bitwise_and(lo, reps - 1)
                    row = row + rep * ((4 ** h) * _NTIME)
                ridx_v[i, j, s] = row
            return 0
        lax.fori_loop(0, _CHUNK // _LANES, ridx_body, 0)


def _body_low(loc_hbm, t_hbm, g7_hbm, p0, p1, p2, p3, p4, p5,
              out_hbm, loc_v, t_v, c7_v, ridx_v, bufs_v, sem):
    params = (p0, p1, p2, p3, p4, p5)
    nlev = len(params)
    wid = lax.axis_index("s") * _NC + lax.axis_index("c")
    rb = wid * _NCHUNK

    _stage_indices(loc_hbm, t_hbm, g7_hbm, loc_v, t_v, c7_v, sem, rb)
    _fill_ridx(tuple(range(nlev)), t_v, c7_v, ridx_v)

    for j in range(_NCHUNK):
        cps = [
            pltpu.async_copy(params[h].at[ridx_v.at[h, j]], bufs_v.at[h], sem)
            for h in range(nlev)
        ]
        for cp in cps:
            cp.wait()

        def acc_body(r, _):
            for c in range(_TOPICS // _LANES):
                s = pl.ds(c * _LANES, _LANES)
                x = bufs_v[0, r, s]
                for h in range(1, nlev):
                    x = x + bufs_v[h, r, s]
                bufs_v[0, r, s] = x
            return 0
        lax.fori_loop(0, _CHUNK, acc_body, 0)

        pltpu.sync_copy(bufs_v.at[0],
                        out_hbm.at[pl.ds(wid * _BPW + j * _CHUNK, _CHUNK)])


def _body_high(loc_hbm, t_hbm, g7_hbm, part_hbm, p6, p7,
               out_hbm, loc_v, t_v, c7_v, ridx_v, bufs_v, part_v, sem):
    params = (p6, p7)
    wid = lax.axis_index("s") * _NC + lax.axis_index("c")
    rb = wid * _NCHUNK

    _stage_indices(loc_hbm, t_hbm, g7_hbm, loc_v, t_v, c7_v, sem, rb)
    _fill_ridx((6, 7), t_v, c7_v, ridx_v)

    for j in range(_NCHUNK):
        base = wid * _BPW + j * _CHUNK
        cps = [
            pltpu.async_copy(params[h].at[ridx_v.at[h, j]], bufs_v.at[h], sem)
            for h in range(2)
        ]
        cps.append(pltpu.async_copy(part_hbm.at[pl.ds(base, _CHUNK)],
                                    part_v, sem))
        for cp in cps:
            cp.wait()

        def acc_body(r, _):
            for c in range(_TOPICS // _LANES):
                s = pl.ds(c * _LANES, _LANES)
                part_v[r, s] = part_v[r, s] + bufs_v[0, r, s] + bufs_v[1, r, s]
            return 0
        lax.fori_loop(0, _CHUNK, acc_body, 0)

        pltpu.sync_copy(part_v, out_hbm.at[pl.ds(base, _CHUNK)])


def kernel(location_indices, time_slices, grid_assign,
           param_0, param_1, param_2, param_3,
           param_4, param_5, param_6, param_7):
    loc2 = location_indices.astype(jnp.int32).reshape(_BATCH // _CHUNK, _CHUNK)
    t2 = time_slices.astype(jnp.int32).reshape(_BATCH // _CHUNK, _CHUNK)
    g7 = grid_assign[_HEIGHT - 1].astype(jnp.int32)
    low = [jnp.tile(p.reshape(-1, _TOPICS), (_REPS[h], 1))
           if _REPS[h] > 1 else p.reshape(-1, _TOPICS)
           for h, p in enumerate(
               (param_0, param_1, param_2, param_3, param_4, param_5))]
    high = [p.reshape(-1, _TOPICS) for p in (param_6, param_7)]

    mesh = plsc.VectorSubcoreMesh(core_axis_name="c", subcore_axis_name="s")
    cparams = pltpu.CompilerParams(use_tc_tiling_on_sc=False)
    out_ty = jax.ShapeDtypeStruct((_BATCH, _TOPICS), jnp.float32)
    idx_scr = [
        pltpu.VMEM((_NCHUNK, _CHUNK), jnp.int32),
        pltpu.VMEM((_NCHUNK, _CHUNK), jnp.int32),
        pltpu.VMEM((_NCHUNK, _CHUNK), jnp.int32),
    ]

    run_low = functools.partial(
        pl.kernel, mesh=mesh, compiler_params=cparams, out_type=out_ty,
        scratch_types=idx_scr + [
            pltpu.VMEM((6, _NCHUNK, _CHUNK), jnp.int32),
            pltpu.VMEM((6, _CHUNK, _TOPICS), jnp.float32),
            pltpu.SemaphoreType.DMA,
        ],
    )(_body_low)
    part = run_low(loc2, t2, g7, *low)

    run_high = functools.partial(
        pl.kernel, mesh=mesh, compiler_params=cparams, out_type=out_ty,
        scratch_types=idx_scr + [
            pltpu.VMEM((2, _NCHUNK, _CHUNK), jnp.int32),
            pltpu.VMEM((2, _CHUNK, _TOPICS), jnp.float32),
            pltpu.VMEM((_CHUNK, _TOPICS), jnp.float32),
            pltpu.SemaphoreType.DMA,
        ],
    )(_body_high)
    return run_high(loc2, t2, g7, part, *high)

# --- scband reference (transcript-rebuilt; emitter-appended) ---
"""Pipeline reference for scband-spatial-pyramid-parameters-4380866642085 (READ-ONLY COPY).

The authoritative reference and input builder live on the scoring server;
editing this copy changes nothing except your own understanding.
"""

import jax, jax.numpy as jnp
import numpy as np

HEIGHT = 8
NUM_LOC = 100000
NUM_TOPICS = 64
NUM_TIME = 24
BATCH = 16384


def _build_pyramid(locations, height):
    lat_min, lat_max = locations[:, 0].min(), locations[:, 0].max()
    lon_min, lon_max = locations[:, 1].min(), locations[:, 1].max()
    lat_range = lat_max - lat_min
    lon_range = lon_max - lon_min
    lat_min -= lat_range * 0.01
    lat_max += lat_range * 0.01
    lon_min -= lon_range * 0.01
    lon_max += lon_range * 0.01
    assigns = []
    for h in range(height):
        n = 2 ** h
        lat_cs = (lat_max - lat_min) / n
        lon_cs = (lon_max - lon_min) / n
        li = np.minimum(((locations[:, 0] - lat_min) / lat_cs).astype(np.int64), n - 1)
        lo = np.minimum(((locations[:, 1] - lon_min) / lon_cs).astype(np.int64), n - 1)
        assigns.append(li * n + lo)
    return np.stack(assigns, axis=0).astype(np.int64)


def setup_inputs(seed: int = 0) -> dict:
    key = jax.random.key(seed)
    rng = np.random.default_rng(0)
    locations = np.stack([rng.uniform(-90.0, 90.0, NUM_LOC), rng.uniform(-180.0, 180.0, NUM_LOC)], axis=1)
    grid_assign = jnp.asarray(_build_pyramid(locations, HEIGHT))
    keys = jax.random.split(key, 2 + HEIGHT)
    location_indices = jax.random.randint(keys[0], (BATCH,), 0, NUM_LOC, dtype=jnp.int64) if jax.config.jax_enable_x64 else jax.random.randint(keys[0], (BATCH,), 0, NUM_LOC).astype(jnp.int32)
    time_slices = jax.random.randint(keys[1], (BATCH,), 0, NUM_TIME).astype(jnp.int32)
    inp = {
        "location_indices": location_indices,
        "time_slices": time_slices,
        "grid_assign": grid_assign,
    }
    for h in range(HEIGHT):
        inp["param_%d" % h] = jax.random.normal(keys[2 + h], (4 ** h, NUM_TIME, NUM_TOPICS), dtype=jnp.float32) * 0.01
    return inp


def reference(location_indices, time_slices, grid_assign, param_0, param_1, param_2, param_3, param_4, param_5, param_6, param_7):
    params = (param_0, param_1, param_2, param_3, param_4, param_5, param_6, param_7)
    agg = jnp.zeros((location_indices.shape[0], NUM_TOPICS), dtype=jnp.float32)
    for h in range(HEIGHT):
        cells = jnp.take(grid_assign[h], location_indices, axis=0)
        agg = agg + params[h][cells, time_slices, :]
    return agg

if __name__ == "__main__":
    import jax
    _d = setup_inputs()
    print(jax.jit(kernel)(*tuple(_d.values())))

</pallas_src>

<mosaic_0001>
#map = affine_map<(d0, d1) -> (0, 0)>
#map1 = affine_map<(d0, d1) -> (0)>
module attributes {stable_mosaic.version = 14 : i64} {
  func.func @_body_high(%arg0: i32, %arg1: i32, %arg2: memref<128x128xi32, #tpu.memory_space<hbm>>, %arg3: memref<128x128xi32, #tpu.memory_space<hbm>>, %arg4: memref<100000xi32, #tpu.memory_space<hbm>>, %arg5: memref<16384x64xf32, #tpu.memory_space<hbm>>, %arg6: memref<98304x64xf32, #tpu.memory_space<hbm>>, %arg7: memref<393216x64xf32, #tpu.memory_space<hbm>>, %arg8: memref<16384x64xf32, #tpu.memory_space<hbm>>, %arg9: memref<4x128xi32, #tpu.memory_space<vmem>>, %arg10: memref<4x128xi32, #tpu.memory_space<vmem>>, %arg11: memref<4x128xi32, #tpu.memory_space<vmem>>, %arg12: memref<2x4x128xi32, #tpu.memory_space<vmem>>, %arg13: memref<2x128x64xf32, #tpu.memory_space<vmem>>, %arg14: memref<128x64xf32, #tpu.memory_space<vmem>>, %arg15: memref<!tpu.dma_semaphore, #tpu.memory_space<semaphore_mem>>) attributes {dimension_semantics = [#tpu.dimension_semantics<core_parallel>, #tpu.dimension_semantics<subcore_parallel>], iteration_bounds = array<i64: 2, 16>, scalar_prefetch = 0 : i64, scratch_operands = 7 : i64, tpu.core_type = #tpu.core_type<sc_vector_subcore>, window_params = [{transform_indices = #map}, {transform_indices = #map}, {transform_indices = #map1}, {transform_indices = #map}, {transform_indices = #map}, {transform_indices = #map}, {transform_indices = #map}]} {
    %mul3A = arith.constant 2 : i32
    %mul3A_0 = arith.muli %arg1, %mul3A : i32
    %add3A = arith.addi %mul3A_0, %arg0 : i32
    %mul3A_1 = arith.constant 4 : i32
    %mul3A_2 = arith.muli %add3A, %mul3A_1 : i32
    "tpu.region"() ({
      %run_scoped3A = tpu.sem_alloc : memref<!tpu.dma_semaphore, #tpu.memory_space<semaphore_mem>>
      %dma_start3A_392 = arith.constant 0 : i32
      %dma_start3A_393 = tpu.memref_slice %arg2[%mul3A_2, %dma_start3A_392] : memref<128x128xi32, #tpu.memory_space<hbm>> -> memref<4x128xi32, #tpu.memory_space<hbm>>
      %dma_start3A_394 = arith.constant 0 : i32
      %dma_start3A_395 = tpu.memref_slice %arg2[%mul3A_2, %dma_start3A_394] : memref<128x128xi32, #tpu.memory_space<hbm>> -> memref<4x128xi32, #tpu.memory_space<hbm>>
      tpu.enqueue_dma source(%dma_start3A_395 : memref<4x128xi32, #tpu.memory_space<hbm>>) target(%arg9 : memref<4x128xi32, #tpu.memory_space<vmem>>) target_semaphore(%run_scoped3A : memref<!tpu.dma_semaphore, #tpu.memory_space<semaphore_mem>>)
      %dma_wait3A_396 = arith.constant 0 : i32
      %dma_wait3A_397 = tpu.memref_slice %arg2[%mul3A_2, %dma_wait3A_396] : memref<128x128xi32, #tpu.memory_space<hbm>> -> memref<4x128xi32, #tpu.memory_space<hbm>>
      %dma_wait3A_398 = arith.constant 0 : i32
      %dma_wait3A_399 = tpu.memref_slice %arg2[%mul3A_2, %dma_wait3A_398] : memref<128x128xi32, #tpu.memory_space<hbm>> -> memref<4x128xi32, #tpu.memory_space<hbm>>
      tpu.wait_dma2 semaphore(%run_scoped3A : memref<!tpu.dma_semaphore, #tpu.memory_space<semaphore_mem>>) src(%dma_wait3A_399 : memref<4x128xi32, #tpu.memory_space<hbm>>) dst(%arg9 : memref<4x128xi32, #tpu.memory_space<vmem>>)
      tpu.yield
    }) : () -> ()
    "tpu.region"() ({
      %run_scoped3A = tpu.sem_alloc : memref<!tpu.dma_semaphore, #tpu.memory_space<semaphore_mem>>
      %dma_start3A_392 = arith.constant 0 : i32
      %dma_start3A_393 = tpu.memref_slice %arg3[%mul3A_2, %dma_start3A_392] : memref<128x128xi32, #tpu.memory_space<hbm>> -> memref<4x128xi32, #tpu.memory_space<hbm>>
      %dma_start3A_394 = arith.constant 0 : i32
      %dma_start3A_395 = tpu.memref_slice %arg3[%mul3A_2, %dma_start3A_394] : memref<128x128xi32, #tpu.memory_space<hbm>> -> memref<4x128xi32, #tpu.memory_space<hbm>>
      tpu.enqueue_dma source(%dma_start3A_395 : memref<4x128xi32, #tpu.memory_space<hbm>>) target(%arg10 : memref<4x128xi32, #tpu.memory_space<vmem>>) target_semaphore(%run_scoped3A : memref<!tpu.dma_semaphore, #tpu.memory_space<semaphore_mem>>)
      %dma_wait3A_396 = arith.constant 0 : i32
      %dma_wait3A_397 = tpu.memref_slice %arg3[%mul3A_2, %dma_wait3A_396] : memref<128x128xi32, #tpu.memory_space<hbm>> -> memref<4x128xi32, #tpu.memory_space<hbm>>
      %dma_wait3A_398 = arith.constant 0 : i32
      %dma_wait3A_399 = tpu.memref_slice %arg3[%mul3A_2, %dma_wait3A_398] : memref<128x128xi32, #tpu.memory_space<hbm>> -> memref<4x128xi32, #tpu.memory_space<hbm>>
      tpu.wait_dma2 semaphore(%run_scoped3A : memref<!tpu.dma_semaphore, #tpu.memory_space<semaphore_mem>>) src(%dma_wait3A_399 : memref<4x128xi32, #tpu.memory_space<hbm>>) dst(%arg10 : memref<4x128xi32, #tpu.memory_space<vmem>>)
      tpu.yield
    }) : () -> ()
    %dma_start3A = arith.constant 0 : i32
    %dma_start3A_3 = arith.constant 0 : i32
    %dma_start3A_4 = arith.constant 0 : i32
    %dma_start3A_5 = tpu.memref_slice %arg11[%dma_start3A_3, %dma_start3A_4] : memref<4x128xi32, #tpu.memory_space<vmem>> -> memref<1x128xi32, #tpu.memory_space<vmem>>
    %dma_start3A_6 = tpu.memref_squeeze %dma_start3A_5 : memref<1x128xi32, #tpu.memory_space<vmem>> -> memref<128xi32, #tpu.memory_space<vmem>>
    %dma_start3A_7 = arith.constant 0 : i32
    %dma_start3A_8 = tpu.memref_slice %arg9[%dma_start3A, %dma_start3A_7] : memref<4x128xi32, #tpu.memory_space<vmem>> -> memref<1x128xi32, #tpu.memory_space<vmem>>
    %dma_start3A_9 = tpu.memref_squeeze %dma_start3A_8 : memref<1x128xi32, #tpu.memory_space<vmem>> -> memref<128xi32, #tpu.memory_space<vmem>>
    %dma_start3A_10 = arith.constant 0 : i32
    %dma_start3A_11 = tpu.memref_slice %arg4[%dma_start3A_10] : memref<100000xi32, #tpu.memory_space<hbm>> -> memref<100000xi32, #tpu.memory_space<hbm>>
    tpu.enqueue_indirect_dma source(%dma_start3A_11 : memref<100000xi32, #tpu.memory_space<hbm>>) target(%dma_start3A_6 : memref<128xi32, #tpu.memory_space<vmem>>) offsets(%dma_start3A_9 : memref<128xi32, #tpu.memory_space<vmem>>) semaphore(%arg15 : memref<!tpu.dma_semaphore, #tpu.memory_space<semaphore_mem>>)
    %dma_start3A_12 = arith.constant 1 : i32
    %dma_start3A_13 = arith.constant 1 : i32
    %dma_start3A_14 = arith.constant 0 : i32
    %dma_start3A_15 = tpu.memref_slice %arg11[%dma_start3A_13, %dma_start3A_14] : memref<4x128xi32, #tpu.memory_space<vmem>> -> memref<1x128xi32, #tpu.memory_space<vmem>>
    %dma_start3A_16 = tpu.memref_squeeze %dma_start3A_15 : memref<1x128xi32, #tpu.memory_space<vmem>> -> memref<128xi32, #tpu.memory_space<vmem>>
    %dma_start3A_17 = arith.constant 0 : i32
    %dma_start3A_18 = tpu.memref_slice %arg9[%dma_start3A_12, %dma_start3A_17] : memref<4x128xi32, #tpu.memory_space<vmem>> -> memref<1x128xi32, #tpu.memory_space<vmem>>
    %dma_start3A_19 = tpu.memref_squeeze %dma_start3A_18 : memref<1x128xi32, #tpu.memory_space<vmem>> -> memref<128xi32, #tpu.memory_space<vmem>>
    %dma_start3A_20 = arith.constant 0 : i32
    %dma_start3A_21 = tpu.memref_slice %arg4[%dma_start3A_20] : memref<100000xi32, #tpu.memory_space<hbm>> -> memref<100000xi32, #tpu.memory_space<hbm>>
    tpu.enqueue_indirect_dma source(%dma_start3A_21 : memref<100000xi32, #tpu.memory_space<hbm>>) target(%dma_start3A_16 : memref<128xi32, #tpu.memory_space<vmem>>) offsets(%dma_start3A_19 : memref<128xi32, #tpu.memory_space<vmem>>) semaphore(%arg15 : memref<!tpu.dma_semaphore, #tpu.memory_space<semaphore_mem>>)
    %dma_start3A_22 = arith.constant 2 : i32
    %dma_start3A_23 = arith.constant 2 : i32
    %dma_start3A_24 = arith.constant 0 : i32
    %dma_start3A_25 = tpu.memref_slice %arg11[%dma_start3A_23, %dma_start3A_24] : memref<4x128xi32, #tpu.memory_space<vmem>> -> memref<1x128xi32, #tpu.memory_space<vmem>>
    %dma_start3A_26 = tpu.memref_squeeze %dma_start3A_25 : memref<1x128xi32, #tpu.memory_space<vmem>> -> memref<128xi32, #tpu.memory_space<vmem>>
    %dma_start3A_27 = arith.constant 0 : i32
    %dma_start3A_28 = tpu.memref_slice %arg9[%dma_start3A_22, %dma_start3A_27] : memref<4x128xi32, #tpu.memory_space<vmem>> -> memref<1x128xi32, #tpu.memory_space<vmem>>
    %dma_start3A_29 = tpu.memref_squeeze %dma_start3A_28 : memref<1x128xi32, #tpu.memory_space<vmem>> -> memref<128xi32, #tpu.memory_space<vmem>>
    %dma_start3A_30 = arith.constant 0 : i32
    %dma_start3A_31 = tpu.memref_slice %arg4[%dma_start3A_30] : memref<100000xi32, #tpu.memory_space<hbm>> -> memref<100000xi32, #tpu.memory_space<hbm>>
    tpu.enqueue_indirect_dma source(%dma_start3A_31 : memref<100000xi32, #tpu.memory_space<hbm>>) target(%dma_start3A_26 : memref<128xi32, #tpu.memory_space<vmem>>) offsets(%dma_start3A_29 : memref<128xi32, #tpu.memory_space<vmem>>) semaphore(%arg15 : memref<!tpu.dma_semaphore, #tpu.memory_space<semaphore_mem>>)
    %dma_start3A_32 = arith.constant 3 : i32
    %dma_start3A_33 = arith.constant 3 : i32
    %dma_start3A_34 = arith.constant 0 : i32
    %dma_start3A_35 = tpu.memref_slice %arg11[%dma_start3A_33, %dma_start3A_34] : memref<4x128xi32, #tpu.memory_space<vmem>> -> memref<1x128xi32, #tpu.memory_space<vmem>>
    %dma_start3A_36 = tpu.memref_squeeze %dma_start3A_35 : memref<1x128xi32, #tpu.memory_space<vmem>> -> memref<128xi32, #tpu.memory_space<vmem>>
    %dma_start3A_37 = arith.constant 0 : i32
    %dma_start3A_38 = tpu.memref_slice %arg9[%dma_start3A_32, %dma_start3A_37] : memref<4x128xi32, #tpu.memory_space<vmem>> -> memref<1x128xi32, #tpu.memory_space<vmem>>
    %dma_start3A_39 = tpu.memref_squeeze %dma_start3A_38 : memref<1x128xi32, #tpu.memory_space<vmem>> -> memref<128xi32, #tpu.memory_space<vmem>>
    %dma_start3A_40 = arith.constant 0 : i32
    %dma_start3A_41 = tpu.memref_slice %arg4[%dma_start3A_40] : memref<100000xi32, #tpu.memory_space<hbm>> -> memref<100000xi32, #tpu.memory_space<hbm>>
    tpu.enqueue_indirect_dma source(%dma_start3A_41 : memref<100000xi32, #tpu.memory_space<hbm>>) target(%dma_start3A_36 : memref<128xi32, #tpu.memory_space<vmem>>) offsets(%dma_start3A_39 : memref<128xi32, #tpu.memory_space<vmem>>) semaphore(%arg15 : memref<!tpu.dma_semaphore, #tpu.memory_space<semaphore_mem>>)
    %dma_wait3A = arith.constant 0 : i32
    %dma_wait3A_42 = arith.constant 0 : i32
    %dma_wait3A_43 = arith.constant 0 : i32
    %dma_wait3A_44 = tpu.memref_slice %arg11[%dma_wait3A_42, %dma_wait3A_43] : memref<4x128xi32, #tpu.memory_space<vmem>> -> memref<1x128xi32, #tpu.memory_space<vmem>>
    %dma_wait3A_45 = tpu.memref_squeeze %dma_wait3A_44 : memref<1x128xi32, #tpu.memory_space<vmem>> -> memref<128xi32, #tpu.memory_space<vmem>>
    %dma_wait3A_46 = arith.constant 0 : i32
    %dma_wait3A_47 = tpu.memref_slice %arg9[%dma_wait3A, %dma_wait3A_46] : memref<4x128xi32, #tpu.memory_space<vmem>> -> memref<1x128xi32, #tpu.memory_space<vmem>>
    %dma_wait3A_48 = tpu.memref_squeeze %dma_wait3A_47 : memref<1x128xi32, #tpu.memory_space<vmem>> -> memref<128xi32, #tpu.memory_space<vmem>>
    %dma_wait3A_49 = arith.constant 0 : i32
    %dma_wait3A_50 = tpu.memref_slice %arg4[%dma_wait3A_49] : memref<100000xi32, #tpu.memory_space<hbm>> -> memref<100000xi32, #tpu.memory_space<hbm>>
    tpu.wait_indirect_dma semaphore(%arg15 : memref<!tpu.dma_semaphore, #tpu.memory_space<semaphore_mem>>) src(%dma_wait3A_50 : memref<100000xi32, #tpu.memory_space<hbm>>) dst(%dma_wait3A_45 : memref<128xi32, #tpu.memory_space<vmem>>)
    %dma_wait3A_51 = arith.constant 1 : i32
    %dma_wait3A_52 = arith.constant 1 : i32
    %dma_wait3A_53 = arith.constant 0 : i32
    %dma_wait3A_54 = tpu.memref_slice %arg11[%dma_wait3A_52, %dma_wait3A_53] : memref<4x128xi32, #tpu.memory_space<vmem>> -> memref<1x128xi32, #tpu.memory_space<vmem>>
    %dma_wait3A_55 = tpu.memref_squeeze %dma_wait3A_54 : memref<1x128xi32, #tpu.memory_space<vmem>> -> memref<128xi32, #tpu.memory_space<vmem>>
    %dma_wait3A_56 = arith.constant 0 : i32
    %dma_wait3A_57 = tpu.memref_slice %arg9[%dma_wait3A_51, %dma_wait3A_56] : memref<4x128xi32, #tpu.memory_space<vmem>> -> memref<1x128xi32, #tpu.memory_space<vmem>>
    %dma_wait3A_58 = tpu.memref_squeeze %dma_wait3A_57 : memref<1x128xi32, #tpu.memory_space<vmem>> -> memref<128xi32, #tpu.memory_space<vmem>>
    %dma_wait3A_59 = arith.constant 0 : i32
    %dma_wait3A_60 = tpu.memref_slice %arg4[%dma_wait3A_59] : memref<100000xi32, #tpu.memory_space<hbm>> -> memref<100000xi32, #tpu.memory_space<hbm>>
    tpu.wait_indirect_dma semaphore(%arg15 : memref<!tpu.dma_semaphore, #tpu.memory_space<semaphore_mem>>) src(%dma_wait3A_60 : memref<100000xi32, #tpu.memory_space<hbm>>) dst(%dma_wait3A_55 : memref<128xi32, #tpu.memory_space<vmem>>)
    %dma_wait3A_61 = arith.constant 2 : i32
    %dma_wait3A_62 = arith.constant 2 : i32
    %dma_wait3A_63 = arith.constant 0 : i32
    %dma_wait3A_64 = tpu.memref_slice %arg11[%dma_wait3A_62, %dma_wait3A_63] : memref<4x128xi32, #tpu.memory_space<vmem>> -> memref<1x128xi32, #tpu.memory_space<vmem>>
    %dma_wait3A_65 = tpu.memref_squeeze %dma_wait3A_64 : memref<1x128xi32, #tpu.memory_space<vmem>> -> memref<128xi32, #tpu.memory_space<vmem>>
    %dma_wait3A_66 = arith.constant 0 : i32
    %dma_wait3A_67 = tpu.memref_slice %arg9[%dma_wait3A_61, %dma_wait3A_66] : memref<4x128xi32, #tpu.memory_space<vmem>> -> memref<1x128xi32, #tpu.memory_space<vmem>>
    %dma_wait3A_68 = tpu.memref_squeeze %dma_wait3A_67 : memref<1x128xi32, #tpu.memory_space<vmem>> -> memref<128xi32, #tpu.memory_space<vmem>>
    %dma_wait3A_69 = arith.constant 0 : i32
    %dma_wait3A_70 = tpu.memref_slice %arg4[%dma_wait3A_69] : memref<100000xi32, #tpu.memory_space<hbm>> -> memref<100000xi32, #tpu.memory_space<hbm>>
    tpu.wait_indirect_dma semaphore(%arg15 : memref<!tpu.dma_semaphore, #tpu.memory_space<semaphore_mem>>) src(%dma_wait3A_70 : memref<100000xi32, #tpu.memory_space<hbm>>) dst(%dma_wait3A_65 : memref<128xi32, #tpu.memory_space<vmem>>)
    %dma_wait3A_71 = arith.constant 3 : i32
    %dma_wait3A_72 = arith.constant 3 : i32
    %dma_wait3A_73 = arith.constant 0 : i32
    %dma_wait3A_74 = tpu.memref_slice %arg11[%dma_wait3A_72, %dma_wait3A_73] : memref<4x128xi32, #tpu.memory_space<vmem>> -> memref<1x128xi32, #tpu.memory_space<vmem>>
    %dma_wait3A_75 = tpu.memref_squeeze %dma_wait3A_74 : memref<1x128xi32, #tpu.memory_space<vmem>> -> memref<128xi32, #tpu.memory_space<vmem>>
    %dma_wait3A_76 = arith.constant 0 : i32
    %dma_wait3A_77 = tpu.memref_slice %arg9[%dma_wait3A_71, %dma_wait3A_76] : memref<4x128xi32, #tpu.memory_space<vmem>> -> memref<1x128xi32, #tpu.memory_space<vmem>>
    %dma_wait3A_78 = tpu.memref_squeeze %dma_wait3A_77 : memref<1x128xi32, #tpu.memory_space<vmem>> -> memref<128xi32, #tpu.memory_space<vmem>>
    %dma_wait3A_79 = arith.constant 0 : i32
    %dma_wait3A_80 = tpu.memref_slice %arg4[%dma_wait3A_79] : memref<100000xi32, #tpu.memory_space<hbm>> -> memref<100000xi32, #tpu.memory_space<hbm>>
    tpu.wait_indirect_dma semaphore(%arg15 : memref<!tpu.dma_semaphore, #tpu.memory_space<semaphore_mem>>) src(%dma_wait3A_80 : memref<100000xi32, #tpu.memory_space<hbm>>) dst(%dma_wait3A_75 : memref<128xi32, #tpu.memory_space<vmem>>)
    %scan3A = arith.constant 0 : i32
    %scan3A_81 = arith.constant 0 : i32
    %scan3A_82 = arith.constant 8 : i32
    %scan3A_83 = arith.addi %scan3A_81, %scan3A_82 : i32
    %scan3A_84 = arith.constant 1 : i32
    %scan3A_85 = scf.for %scan3A_392 = %scan3A_81 to %scan3A_83 step %scan3A_84 iter_args(%scan3A_393 = %scan3A) -> (i32)  : i32 {
      %mul3A_394 = arith.constant 16 : i32
      %mul3A_395 = arith.muli %scan3A_392, %mul3A_394 : i32
      %get3A = arith.constant 0 : i32
      %get3A_396 = arith.index_cast %get3A : i32 to index
      %get3A_397 = arith.index_cast %mul3A_395 : i32 to index
      %get3A_398 = tpu.vector_load %arg11[%get3A_396, %get3A_397] {strides = array<i32>} : memref<4x128xi32, #tpu.memory_space<vmem>>, vector<1x16xi32>,
      %get3A_399 = vector.shape_cast %get3A_398 : vector<1x16xi32> to vector<16xi32>
      %get3A_400 = arith.constant 0 : i32
      %get3A_401 = arith.index_cast %get3A_400 : i32 to index
      %get3A_402 = arith.index_cast %mul3A_395 : i32 to index
      %get3A_403 = tpu.vector_load %arg10[%get3A_401, %get3A_402] {strides = array<i32>} : memref<4x128xi32, #tpu.memory_space<vmem>>, vector<1x16xi32>,
      %get3A_404 = vector.shape_cast %get3A_403 : vector<1x16xi32> to vector<16xi32>
      %shift_right_logical3A = arith.constant 7 : i32
      %shift_right_logical3A_405 = vector.broadcast %shift_right_logical3A : i32 to vector<16xi32>
      %shift_right_logical3A_406 = arith.shrui %get3A_399, %shift_right_logical3A_405 : vector<16xi32>
      %and3A = arith.constant 127 : i32
      %and3A_407 = vector.broadcast %and3A : i32 to vector<16xi32>
      %and3A_408 = arith.andi %get3A_399, %and3A_407 : vector<16xi32>
      %shift_right_logical3A_409 = arith.constant 1 : i32
      %shift_right_logical3A_410 = vector.broadcast %shift_right_logical3A_409 : i32 to vector<16xi32>
      %shift_right_logical3A_411 = arith.shrui %shift_right_logical3A_406, %shift_right_logical3A_410 : vector<16xi32>
      %shift_left3A = arith.constant 6 : i32
      %shift_left3A_412 = vector.broadcast %shift_left3A : i32 to vector<16xi32>
      %shift_left3A_413 = arith.shli %shift_right_logical3A_411, %shift_left3A_412 : vector<16xi32>
      %shift_right_logical3A_414 = arith.constant 1 : i32
      %shift_right_logical3A_415 = vector.broadcast %shift_right_logical3A_414 : i32 to vector<16xi32>
      %shift_right_logical3A_416 = arith.shrui %and3A_408, %shift_right_logical3A_415 : vector<16xi32>
      %or3A = arith.ori %shift_left3A_413, %shift_right_logical3A_416 : vector<16xi32>
      %mul3A_417 = arith.constant 24 : i32
      %mul3A_418 = vector.broadcast %mul3A_417 : i32 to vector<16xi32>
      %mul3A_419 = arith.muli %or3A, %mul3A_418 : vector<16xi32>
      %add3A_420 = arith.addi %mul3A_419, %get3A_404 : vector<16xi32>
      %swap3A = arith.constant 0 : i32
      %swap3A_421 = arith.constant 0 : i32
      %swap3A_422 = arith.index_cast %swap3A : i32 to index
      %swap3A_423 = arith.index_cast %swap3A_421 : i32 to index
      %swap3A_424 = arith.index_cast %mul3A_395 : i32 to index
      %swap3A_425 = tpu.vector_load %arg12[%swap3A_422, %swap3A_423, %swap3A_424] {strides = array<i32>} : memref<2x4x128xi32, #tpu.memory_space<vmem>>, vector<1x1x16xi32>,
      %swap3A_426 = vector.shape_cast %swap3A_425 : vector<1x1x16xi32> to vector<16xi32>
      %swap3A_427 = vector.shape_cast %add3A_420 : vector<16xi32> to vector<1x1x16xi32>
      tpu.vector_store %arg12[%swap3A_422, %swap3A_423, %swap3A_424], %swap3A_427 {strides = array<i32>} : memref<2x4x128xi32, #tpu.memory_space<vmem>>, vector<1x1x16xi32>,
      %shift_right_logical3A_428 = arith.constant 0 : i32
      %shift_right_logical3A_429 = vector.broadcast %shift_right_logical3A_428 : i32 to vector<16xi32>
      %shift_right_logical3A_430 = arith.shrui %shift_right_logical3A_406, %shift_right_logical3A_429 : vector<16xi32>
      %shift_left3A_431 = arith.constant 7 : i32
      %shift_left3A_432 = vector.broadcast %shift_left3A_431 : i32 to vector<16xi32>
      %shift_left3A_433 = arith.shli %shift_right_logical3A_430, %shift_left3A_432 : vector<16xi32>
      %shift_right_logical3A_434 = arith.constant 0 : i32
      %shift_right_logical3A_435 = vector.broadcast %shift_right_logical3A_434 : i32 to vector<16xi32>
      %shift_right_logical3A_436 = arith.shrui %and3A_408, %shift_right_logical3A_435 : vector<16xi32>
      %or3A_437 = arith.ori %shift_left3A_433, %shift_right_logical3A_436 : vector<16xi32>
      %mul3A_438 = arith.constant 24 : i32
      %mul3A_439 = vector.broadcast %mul3A_438 : i32 to vector<16xi32>
      %mul3A_440 = arith.muli %or3A_437, %mul3A_439 : vector<16xi32>
      %add3A_441 = arith.addi %mul3A_440, %get3A_404 : vector<16xi32>
      %swap3A_442 = arith.constant 1 : i32
      %swap3A_443 = arith.constant 0 : i32
      %swap3A_444 = arith.index_cast %swap3A_442 : i32 to index
      %swap3A_445 = arith.index_cast %swap3A_443 : i32 to index
      %swap3A_446 = arith.index_cast %mul3A_395 : i32 to index
      %swap3A_447 = tpu.vector_load %arg12[%swap3A_444, %swap3A_445, %swap3A_446] {strides = array<i32>} : memref<2x4x128xi32, #tpu.memory_space<vmem>>, vector<1x1x16xi32>,
      %swap3A_448 = vector.shape_cast %swap3A_447 : vector<1x1x16xi32> to vector<16xi32>
      %swap3A_449 = vector.shape_cast %add3A_441 : vector<16xi32> to vector<1x1x16xi32>
      tpu.vector_store %arg12[%swap3A_444, %swap3A_445, %swap3A_446], %swap3A_449 {strides = array<i32>} : memref<2x4x128xi32, #tpu.memory_space<vmem>>, vector<1x1x16xi32>,
      %scan3A_450 = arith.constant 0 : i32
      scf.yield %scan3A_450 : i32
    }
    %scan3A_86 = arith.constant 8 : i32
    %scan3A_87 = arith.constant 0 : i32
    %scan3A_88 = arith.constant 0 : i32
    %scan3A_89 = arith.constant 8 : i32
    %scan3A_90 = arith.addi %scan3A_88, %scan3A_89 : i32
    %scan3A_91 = arith.constant 1 : i32
    %scan3A_92 = scf.for %scan3A_392 = %scan3A_88 to %scan3A_90 step %scan3A_91 iter_args(%scan3A_393 = %scan3A_87) -> (i32)  : i32 {
      %mul3A_394 = arith.constant 16 : i32
      %mul3A_395 = arith.muli %scan3A_392, %mul3A_394 : i32
      %get3A = arith.constant 1 : i32
      %get3A_396 = arith.index_cast %get3A : i32 to index
      %get3A_397 = arith.index_cast %mul3A_395 : i32 to index
      %get3A_398 = tpu.vector_load %arg11[%get3A_396, %get3A_397] {strides = array<i32>} : memref<4x128xi32, #tpu.memory_space<vmem>>, vector<1x16xi32>,
      %get3A_399 = vector.shape_cast %get3A_398 : vector<1x16xi32> to vector<16xi32>
      %get3A_400 = arith.constant 1 : i32
      %get3A_401 = arith.index_cast %get3A_400 : i32 to index
      %get3A_402 = arith.index_cast %mul3A_395 : i32 to index
      %get3A_403 = tpu.vector_load %arg10[%get3A_401, %get3A_402] {strides = array<i32>} : memref<4x128xi32, #tpu.memory_space<vmem>>, vector<1x16xi32>,
      %get3A_404 = vector.shape_cast %get3A_403 : vector<1x16xi32> to vector<16xi32>
      %shift_right_logical3A = arith.constant 7 : i32
      %shift_right_logical3A_405 = vector.broadcast %shift_right_logical3A : i32 to vector<16xi32>
      %shift_right_logical3A_406 = arith.shrui %get3A_399, %shift_right_logical3A_405 : vector<16xi32>
      %and3A = arith.constant 127 : i32
      %and3A_407 = vector.broadcast %and3A : i32 to vector<16xi32>
      %and3A_408 = arith.andi %get3A_399, %and3A_407 : vector<16xi32>
      %shift_right_logical3A_409 = arith.constant 1 : i32
      %shift_right_logical3A_410 = vector.broadcast %shift_right_logical3A_409 : i32 to vector<16xi32>
      %shift_right_logical3A_411 = arith.shrui %shift_right_logical3A_406, %shift_right_logical3A_410 : vector<16xi32>
      %shift_left3A = arith.constant 6 : i32
      %shift_left3A_412 = vector.broadcast %shift_left3A : i32 to vector<16xi32>
      %shift_left3A_413 = arith.shli %shift_right_logical3A_411, %shift_left3A_412 : vector<16xi32>
      %shift_right_logical3A_414 = arith.constant 1 : i32
      %shift_right_logical3A_415 = vector.broadcast %shift_right_logical3A_414 : i32 to vector<16xi32>
      %shift_right_logical3A_416 = arith.shrui %and3A_408, %shift_right_logical3A_415 : vector<16xi32>
      %or3A = arith.ori %shift_left3A_413, %shift_right_logical3A_416 : vector<16xi32>
      %mul3A_417 = arith.constant 24 : i32
      %mul3A_418 = vector.broadcast %mul3A_417 : i32 to vector<16xi32>
      %mul3A_419 = arith.muli %or3A, %mul3A_418 : vector<16xi32>
      %add3A_420 = arith.addi %mul3A_419, %get3A_404 : vector<16xi32>
      %swap3A = arith.constant 0 : i32
      %swap3A_421 = arith.constant 1 : i32
      %swap3A_422 = arith.index_cast %swap3A : i32 to index
      %swap3A_423 = arith.index_cast %swap3A_421 : i32 to index
      %swap3A_424 = arith.index_cast %mul3A_395 : i32 to index
      %swap3A_425 = tpu.vector_load %arg12[%swap3A_422, %swap3A_423, %swap3A_424] {strides = array<i32>} : memref<2x4x128xi32, #tpu.memory_space<vmem>>, vector<1x1x16xi32>,
      %swap3A_426 = vector.shape_cast %swap3A_425 : vector<1x1x16xi32> to vector<16xi32>
      %swap3A_427 = vector.shape_cast %add3A_420 : vector<16xi32> to vector<1x1x16xi32>
      tpu.vector_store %arg12[%swap3A_422, %swap3A_423, %swap3A_424], %swap3A_427 {strides = array<i32>} : memref<2x4x128xi32, #tpu.memory_space<vmem>>, vector<1x1x16xi32>,
      %shift_right_logical3A_428 = arith.constant 0 : i32
      %shift_right_logical3A_429 = vector.broadcast %shift_right_logical3A_428 : i32 to vector<16xi32>
      %shift_right_logical3A_430 = arith.shrui %shift_right_logical3A_406, %shift_right_logical3A_429 : vector<16xi32>
      %shift_left3A_431 = arith.constant 7 : i32
      %shift_left3A_432 = vector.broadcast %shift_left3A_431 : i32 to vector<16xi32>
      %shift_left3A_433 = arith.shli %shift_right_logical3A_430, %shift_left3A_432 : vector<16xi32>
      %shift_right_logical3A_434 = arith.constant 0 : i32
      %shift_right_logical3A_435 = vector.broadcast %shift_right_logical3A_434 : i32 to vector<16xi32>
      %shift_right_logical3A_436 = arith.shrui %and3A_408, %shift_right_logical3A_435 : vector<16xi32>
      %or3A_437 = arith.ori %shift_left3A_433, %shift_right_logical3A_436 : vector<16xi32>
      %mul3A_438 = arith.constant 24 : i32
      %mul3A_439 = vector.broadcast %mul3A_438 : i32 to vector<16xi32>
      %mul3A_440 = arith.muli %or3A_437, %mul3A_439 : vector<16xi32>
      %add3A_441 = arith.addi %mul3A_440, %get3A_404 : vector<16xi32>
      %swap3A_442 = arith.constant 1 : i32
      %swap3A_443 = arith.constant 1 : i32
      %swap3A_444 = arith.index_cast %swap3A_442 : i32 to index
      %swap3A_445 = arith.index_cast %swap3A_443 : i32 to index
      %swap3A_446 = arith.index_cast %mul3A_395 : i32 to index
      %swap3A_447 = tpu.vector_load %arg12[%swap3A_444, %swap3A_445, %swap3A_446] {strides = array<i32>} : memref<2x4x128xi32, #tpu.memory_space<vmem>>, vector<1x1x16xi32>,
      %swap3A_448 = vector.shape_cast %swap3A_447 : vector<1x1x16xi32> to vector<16xi32>
      %swap3A_449 = vector.shape_cast %add3A_441 : vector<16xi32> to vector<1x1x16xi32>
      tpu.vector_store %arg12[%swap3A_444, %swap3A_445, %swap3A_446], %swap3A_449 {strides = array<i32>} : memref<2x4x128xi32, #tpu.memory_space<vmem>>, vector<1x1x16xi32>,
      %scan3A_450 = arith.constant 0 : i32
      scf.yield %scan3A_450 : i32
    }
    %scan3A_93 = arith.constant 8 : i32
    %scan3A_94 = arith.constant 0 : i32
    %scan3A_95 = arith.constant 0 : i32
    %scan3A_96 = arith.constant 8 : i32
    %scan3A_97 = arith.addi %scan3A_95, %scan3A_96 : i32
    %scan3A_98 = arith.constant 1 : i32
    %scan3A_99 = scf.for %scan3A_392 = %scan3A_95 to %scan3A_97 step %scan3A_98 iter_args(%scan3A_393 = %scan3A_94) -> (i32)  : i32 {
      %mul3A_394 = arith.constant 16 : i32
      %mul3A_395 = arith.muli %scan3A_392, %mul3A_394 : i32
      %get3A = arith.constant 2 : i32
      %get3A_396 = arith.index_cast %get3A : i32 to index
      %get3A_397 = arith.index_cast %mul3A_395 : i32 to index
      %get3A_398 = tpu.vector_load %arg11[%get3A_396, %get3A_397] {strides = array<i32>} : memref<4x128xi32, #tpu.memory_space<vmem>>, vector<1x16xi32>,
      %get3A_399 = vector.shape_cast %get3A_398 : vector<1x16xi32> to vector<16xi32>
      %get3A_400 = arith.constant 2 : i32
      %get3A_401 = arith.index_cast %get3A_400 : i32 to index
      %get3A_402 = arith.index_cast %mul3A_395 : i32 to index
      %get3A_403 = tpu.vector_load %arg10[%get3A_401, %get3A_402] {strides = array<i32>} : memref<4x128xi32, #tpu.memory_space<vmem>>, vector<1x16xi32>,
      %get3A_404 = vector.shape_cast %get3A_403 : vector<1x16xi32> to vector<16xi32>
      %shift_right_logical3A = arith.constant 7 : i32
      %shift_right_logical3A_405 = vector.broadcast %shift_right_logical3A : i32 to vector<16xi32>
      %shift_right_logical3A_406 = arith.shrui %get3A_399, %shift_right_logical3A_405 : vector<16xi32>
      %and3A = arith.constant 127 : i32
      %and3A_407 = vector.broadcast %and3A : i32 to vector<16xi32>
      %and3A_408 = arith.andi %get3A_399, %and3A_407 : vector<16xi32>
      %shift_right_logical3A_409 = arith.constant 1 : i32
      %shift_right_logical3A_410 = vector.broadcast %shift_right_logical3A_409 : i32 to vector<16xi32>
      %shift_right_logical3A_411 = arith.shrui %shift_right_logical3A_406, %shift_right_logical3A_410 : vector<16xi32>
      %shift_left3A = arith.constant 6 : i32
      %shift_left3A_412 = vector.broadcast %shift_left3A : i32 to vector<16xi32>
      %shift_left3A_413 = arith.shli %shift_right_logical3A_411, %shift_left3A_412 : vector<16xi32>
      %shift_right_logical3A_414 = arith.constant 1 : i32
      %shift_right_logical3A_415 = vector.broadcast %shift_right_logical3A_414 : i32 to vector<16xi32>
      %shift_right_logical3A_416 = arith.shrui %and3A_408, %shift_right_logical3A_415 : vector<16xi32>
      %or3A = arith.ori %shift_left3A_413, %shift_right_logical3A_416 : vector<16xi32>
      %mul3A_417 = arith.constant 24 : i32
      %mul3A_418 = vector.broadcast %mul3A_417 : i32 to vector<16xi32>
      %mul3A_419 = arith.muli %or3A, %mul3A_418 : vector<16xi32>
      %add3A_420 = arith.addi %mul3A_419, %get3A_404 : vector<16xi32>
      %swap3A = arith.constant 0 : i32
      %swap3A_421 = arith.constant 2 : i32
      %swap3A_422 = arith.index_cast %swap3A : i32 to index
      %swap3A_423 = arith.index_cast %swap3A_421 : i32 to index
      %swap3A_424 = arith.index_cast %mul3A_395 : i32 to index
      %swap3A_425 = tpu.vector_load %arg12[%swap3A_422, %swap3A_423, %swap3A_424] {strides = array<i32>} : memref<2x4x128xi32, #tpu.memory_space<vmem>>, vector<1x1x16xi32>,
      %swap3A_426 = vector.shape_cast %swap3A_425 : vector<1x1x16xi32> to vector<16xi32>
      %swap3A_427 = vector.shape_cast %add3A_420 : vector<16xi32> to vector<1x1x16xi32>
      tpu.vector_store %arg12[%swap3A_422, %swap3A_423, %swap3A_424], %swap3A_427 {strides = array<i32>} : memref<2x4x128xi32, #tpu.memory_space<vmem>>, vector<1x1x16xi32>,
      %shift_right_logical3A_428 = arith.constant 0 : i32
      %shift_right_logical3A_429 = vector.broadcast %shift_right_logical3A_428 : i32 to vector<16xi32>
      %shift_right_logical3A_430 = arith.shrui %shift_right_logical3A_406, %shift_right_logical3A_429 : vector<16xi32>
      %shift_left3A_431 = arith.constant 7 : i32
      %shift_left3A_432 = vector.broadcast %shift_left3A_431 : i32 to vector<16xi32>
      %shift_left3A_433 = arith.shli %shift_right_logical3A_430, %shift_left3A_432 : vector<16xi32>
      %shift_right_logical3A_434 = arith.constant 0 : i32
      %shift_right_logical3A_435 = vector.broadcast %shift_right_logical3A_434 : i32 to vector<16xi32>
      %shift_right_logical3A_436 = arith.shrui %and3A_408, %shift_right_logical3A_435 : vector<16xi32>
      %or3A_437 = arith.ori %shift_left3A_433, %shift_right_logical3A_436 : vector<16xi32>
      %mul3A_438 = arith.constant 24 : i32
      %mul3A_439 = vector.broadcast %mul3A_438 : i32 to vector<16xi32>
      %mul3A_440 = arith.muli %or3A_437, %mul3A_439 : vector<16xi32>
      %add3A_441 = arith.addi %mul3A_440, %get3A_404 : vector<16xi32>
      %swap3A_442 = arith.constant 1 : i32
      %swap3A_443 = arith.constant 2 : i32
      %swap3A_444 = arith.index_cast %swap3A_442 : i32 to index
      %swap3A_445 = arith.index_cast %swap3A_443 : i32 to index
      %swap3A_446 = arith.index_cast %mul3A_395 : i32 to index
      %swap3A_447 = tpu.vector_load %arg12[%swap3A_444, %swap3A_445, %swap3A_446] {strides = array<i32>} : memref<2x4x128xi32, #tpu.memory_space<vmem>>, vector<1x1x16xi32>,
      %swap3A_448 = vector.shape_cast %swap3A_447 : vector<1x1x16xi32> to vector<16xi32>
      %swap3A_449 = vector.shape_cast %add3A_441 : vector<16xi32> to vector<1x1x16xi32>
      tpu.vector_store %arg12[%swap3A_444, %swap3A_445, %swap3A_446], %swap3A_449 {strides = array<i32>} : memref<2x4x128xi32, #tpu.memory_space<vmem>>, vector<1x1x16xi32>,
      %scan3A_450 = arith.constant 0 : i32
      scf.yield %scan3A_450 : i32
    }
    %scan3A_100 = arith.constant 8 : i32
    %scan3A_101 = arith.constant 0 : i32
    %scan3A_102 = arith.constant 0 : i32
    %scan3A_103 = arith.constant 8 : i32
    %scan3A_104 = arith.addi %scan3A_102, %scan3A_103 : i32
    %scan3A_105 = arith.constant 1 : i32
    %scan3A_106 = scf.for %scan3A_392 = %scan3A_102 to %scan3A_104 step %scan3A_105 iter_args(%scan3A_393 = %scan3A_101) -> (i32)  : i32 {
      %mul3A_394 = arith.constant 16 : i32
      %mul3A_395 = arith.muli %scan3A_392, %mul3A_394 : i32
      %get3A = arith.constant 3 : i32
      %get3A_396 = arith.index_cast %get3A : i32 to index
      %get3A_397 = arith.index_cast %mul3A_395 : i32 to index
      %get3A_398 = tpu.vector_load %arg11[%get3A_396, %get3A_397] {strides = array<i32>} : memref<4x128xi32, #tpu.memory_space<vmem>>, vector<1x16xi32>,
      %get3A_399 = vector.shape_cast %get3A_398 : vector<1x16xi32> to vector<16xi32>
      %get3A_400 = arith.constant 3 : i32
      %get3A_401 = arith.index_cast %get3A_400 : i32 to index
      %get3A_402 = arith.index_cast %mul3A_395 : i32 to index
      %get3A_403 = tpu.vector_load %arg10[%get3A_401, %get3A_402] {strides = array<i32>} : memref<4x128xi32, #tpu.memory_space<vmem>>, vector<1x16xi32>,
      %get3A_404 = vector.shape_cast %get3A_403 : vector<1x16xi32> to vector<16xi32>
      %shift_right_logical3A = arith.constant 7 : i32
      %shift_right_logical3A_405 = vector.broadcast %shift_right_logical3A : i32 to vector<16xi32>
      %shift_right_logical3A_406 = arith.shrui %get3A_399, %shift_right_logical3A_405 : vector<16xi32>
      %and3A = arith.constant 127 : i32
      %and3A_407 = vector.broadcast %and3A : i32 to vector<16xi32>
      %and3A_408 = arith.andi %get3A_399, %and3A_407 : vector<16xi32>
      %shift_right_logical3A_409 = arith.constant 1 : i32
      %shift_right_logical3A_410 = vector.broadcast %shift_right_logical3A_409 : i32 to vector<16xi32>
      %shift_right_logical3A_411 = arith.shrui %shift_right_logical3A_406, %shift_right_logical3A_410 : vector<16xi32>
      %shift_left3A = arith.constant 6 : i32
      %shift_left3A_412 = vector.broadcast %shift_left3A : i32 to vector<16xi32>
      %shift_left3A_413 = arith.shli %shift_right_logical3A_411, %shift_left3A_412 : vector<16xi32>
      %shift_right_logical3A_414 = arith.constant 1 : i32
      %shift_right_logical3A_415 = vector.broadcast %shift_right_logical3A_414 : i32 to vector<16xi32>
      %shift_right_logical3A_416 = arith.shrui %and3A_408, %shift_right_logical3A_415 : vector<16xi32>
      %or3A = arith.ori %shift_left3A_413, %shift_right_logical3A_416 : vector<16xi32>
      %mul3A_417 = arith.constant 24 : i32
      %mul3A_418 = vector.broadcast %mul3A_417 : i32 to vector<16xi32>
      %mul3A_419 = arith.muli %or3A, %mul3A_418 : vector<16xi32>
      %add3A_420 = arith.addi %mul3A_419, %get3A_404 : vector<16xi32>
      %swap3A = arith.constant 0 : i32
      %swap3A_421 = arith.constant 3 : i32
      %swap3A_422 = arith.index_cast %swap3A : i32 to index
      %swap3A_423 = arith.index_cast %swap3A_421 : i32 to index
      %swap3A_424 = arith.index_cast %mul3A_395 : i32 to index
      %swap3A_425 = tpu.vector_load %arg12[%swap3A_422, %swap3A_423, %swap3A_424] {strides = array<i32>} : memref<2x4x128xi32, #tpu.memory_space<vmem>>, vector<1x1x16xi32>,
      %swap3A_426 = vector.shape_cast %swap3A_425 : vector<1x1x16xi32> to vector<16xi32>
      %swap3A_427 = vector.shape_cast %add3A_420 : vector<16xi32> to vector<1x1x16xi32>
      tpu.vector_store %arg12[%swap3A_422, %swap3A_423, %swap3A_424], %swap3A_427 {strides = array<i32>} : memref<2x4x128xi32, #tpu.memory_space<vmem>>, vector<1x1x16xi32>,
      %shift_right_logical3A_428 = arith.constant 0 : i32
      %shift_right_logical3A_429 = vector.broadcast %shift_right_logical3A_428 : i32 to vector<16xi32>
      %shift_right_logical3A_430 = arith.shrui %shift_right_logical3A_406, %shift_right_logical3A_429 : vector<16xi32>
      %shift_left3A_431 = arith.constant 7 : i32
      %shift_left3A_432 = vector.broadcast %shift_left3A_431 : i32 to vector<16xi32>
      %shift_left3A_433 = arith.shli %shift_right_logical3A_430, %shift_left3A_432 : vector<16xi32>
      %shift_right_logical3A_434 = arith.constant 0 : i32
      %shift_right_logical3A_435 = vector.broadcast %shift_right_logical3A_434 : i32 to vector<16xi32>
      %shift_right_logical3A_436 = arith.shrui %and3A_408, %shift_right_logical3A_435 : vector<16xi32>
      %or3A_437 = arith.ori %shift_left3A_433, %shift_right_logical3A_436 : vector<16xi32>
      %mul3A_438 = arith.constant 24 : i32
      %mul3A_439 = vector.broadcast %mul3A_438 : i32 to vector<16xi32>
      %mul3A_440 = arith.muli %or3A_437, %mul3A_439 : vector<16xi32>
      %add3A_441 = arith.addi %mul3A_440, %get3A_404 : vector<16xi32>
      %swap3A_442 = arith.constant 1 : i32
      %swap3A_443 = arith.constant 3 : i32
      %swap3A_444 = arith.index_cast %swap3A_442 : i32 to index
      %swap3A_445 = arith.index_cast %swap3A_443 : i32 to index
      %swap3A_446 = arith.index_cast %mul3A_395 : i32 to index
      %swap3A_447 = tpu.vector_load %arg12[%swap3A_444, %swap3A_445, %swap3A_446] {strides = array<i32>} : memref<2x4x128xi32, #tpu.memory_space<vmem>>, vector<1x1x16xi32>,
      %swap3A_448 = vector.shape_cast %swap3A_447 : vector<1x1x16xi32> to vector<16xi32>
      %swap3A_449 = vector.shape_cast %add3A_441 : vector<16xi32> to vector<1x1x16xi32>
      tpu.vector_store %arg12[%swap3A_444, %swap3A_445, %swap3A_446], %swap3A_449 {strides = array<i32>} : memref<2x4x128xi32, #tpu.memory_space<vmem>>, vector<1x1x16xi32>,
      %scan3A_450 = arith.constant 0 : i32
      scf.yield %scan3A_450 : i32
    }
    %scan3A_107 = arith.constant 8 : i32
    %mul3A_108 = arith.constant 512 : i32
    %mul3A_109 = arith.muli %add3A, %mul3A_108 : i32
    %add3A_110 = arith.constant 0 : i32
    %add3A_111 = arith.addi %mul3A_109, %add3A_110 : i32
    %dma_start3A_112 = arith.constant 0 : i32
    %dma_start3A_113 = arith.constant 0 : i32
    %dma_start3A_114 = arith.constant 0 : i32
    %dma_start3A_115 = arith.constant 0 : i32
    %dma_start3A_116 = arith.constant 0 : i32
    %dma_start3A_117 = tpu.memref_slice %arg13[%dma_start3A_114, %dma_start3A_115, %dma_start3A_116] : memref<2x128x64xf32, #tpu.memory_space<vmem>> -> memref<1x128x64xf32, #tpu.memory_space<vmem>>
    %dma_start3A_118 = tpu.memref_squeeze %dma_start3A_117 : memref<1x128x64xf32, #tpu.memory_space<vmem>> -> memref<128x64xf32, #tpu.memory_space<vmem>>
    %dma_start3A_119 = arith.constant 0 : i32
    %dma_start3A_120 = tpu.memref_slice %arg12[%dma_start3A_112, %dma_start3A_113, %dma_start3A_119] : memref<2x4x128xi32, #tpu.memory_space<vmem>> -> memref<1x1x128xi32, #tpu.memory_space<vmem>>
    %dma_start3A_121 = tpu.memref_squeeze %dma_start3A_120 : memref<1x1x128xi32, #tpu.memory_space<vmem>> -> memref<128xi32, #tpu.memory_space<vmem>>
    %dma_start3A_122 = arith.constant 0 : i32
    %dma_start3A_123 = arith.constant 0 : i32
    %dma_start3A_124 = tpu.memref_slice %arg6[%dma_start3A_122, %dma_start3A_123] : memref<98304x64xf32, #tpu.memory_space<hbm>> -> memref<98304x64xf32, #tpu.memory_space<hbm>>
    tpu.enqueue_indirect_dma source(%dma_start3A_124 : memref<98304x64xf32, #tpu.memory_space<hbm>>) target(%dma_start3A_118 : memref<128x64xf32, #tpu.memory_space<vmem>>) offsets(%dma_start3A_121 : memref<128xi32, #tpu.memory_space<vmem>>) semaphore(%arg15 : memref<!tpu.dma_semaphore, #tpu.memory_space<semaphore_mem>>)
    %dma_start3A_125 = arith.constant 1 : i32
    %dma_start3A_126 = arith.constant 0 : i32
    %dma_start3A_127 = arith.constant 1 : i32
    %dma_start3A_128 = arith.constant 0 : i32
    %dma_start3A_129 = arith.constant 0 : i32
    %dma_start3A_130 = tpu.memref_slice %arg13[%dma_start3A_127, %dma_start3A_128, %dma_start3A_129] : memref<2x128x64xf32, #tpu.memory_space<vmem>> -> memref<1x128x64xf32, #tpu.memory_space<vmem>>
    %dma_start3A_131 = tpu.memref_squeeze %dma_start3A_130 : memref<1x128x64xf32, #tpu.memory_space<vmem>> -> memref<128x64xf32, #tpu.memory_space<vmem>>
    %dma_start3A_132 = arith.constant 0 : i32
    %dma_start3A_133 = tpu.memref_slice %arg12[%dma_start3A_125, %dma_start3A_126, %dma_start3A_132] : memref<2x4x128xi32, #tpu.memory_space<vmem>> -> memref<1x1x128xi32, #tpu.memory_space<vmem>>
    %dma_start3A_134 = tpu.memref_squeeze %dma_start3A_133 : memref<1x1x128xi32, #tpu.memory_space<vmem>> -> memref<128xi32, #tpu.memory_space<vmem>>
    %dma_start3A_135 = arith.constant 0 : i32
    %dma_start3A_136 = arith.constant 0 : i32
    %dma_start3A_137 = tpu.memref_slice %arg7[%dma_start3A_135, %dma_start3A_136] : memref<393216x64xf32, #tpu.memory_space<hbm>> -> memref<393216x64xf32, #tpu.memory_space<hbm>>
    tpu.enqueue_indirect_dma source(%dma_start3A_137 : memref<393216x64xf32, #tpu.memory_space<hbm>>) target(%dma_start3A_131 : memref<128x64xf32, #tpu.memory_space<vmem>>) offsets(%dma_start3A_134 : memref<128xi32, #tpu.memory_space<vmem>>) semaphore(%arg15 : memref<!tpu.dma_semaphore, #tpu.memory_space<semaphore_mem>>)
    %dma_start3A_138 = arith.constant 0 : i32
    %dma_start3A_139 = tpu.memref_slice %arg5[%add3A_111, %dma_start3A_138] : memref<16384x64xf32, #tpu.memory_space<hbm>> -> memref<128x64xf32, #tpu.memory_space<hbm>>
    %dma_start3A_140 = arith.constant 0 : i32
    %dma_start3A_141 = tpu.memref_slice %arg5[%add3A_111, %dma_start3A_140] : memref<16384x64xf32, #tpu.memory_space<hbm>> -> memref<128x64xf32, #tpu.memory_space<hbm>>
    tpu.enqueue_dma source(%dma_start3A_141 : memref<128x64xf32, #tpu.memory_space<hbm>>) target(%arg14 : memref<128x64xf32, #tpu.memory_space<vmem>>) target_semaphore(%arg15 : memref<!tpu.dma_semaphore, #tpu.memory_space<semaphore_mem>>)
    %dma_wait3A_142 = arith.constant 0 : i32
    %dma_wait3A_143 = arith.constant 0 : i32
    %dma_wait3A_144 = arith.constant 0 : i32
    %dma_wait3A_145 = arith.constant 0 : i32
    %dma_wait3A_146 = arith.constant 0 : i32
    %dma_wait3A_147 = tpu.memref_slice %arg13[%dma_wait3A_144, %dma_wait3A_145, %dma_wait3A_146] : memref<2x128x64xf32, #tpu.memory_space<vmem>> -> memref<1x128x64xf32, #tpu.memory_space<vmem>>
    %dma_wait3A_148 = tpu.memref_squeeze %dma_wait3A_147 : memref<1x128x64xf32, #tpu.memory_space<vmem>> -> memref<128x64xf32, #tpu.memory_space<vmem>>
    %dma_wait3A_149 = arith.constant 0 : i32
    %dma_wait3A_150 = tpu.memref_slice %arg12[%dma_wait3A_142, %dma_wait3A_143, %dma_wait3A_149] : memref<2x4x128xi32, #tpu.memory_space<vmem>> -> memref<1x1x128xi32, #tpu.memory_space<vmem>>
    %dma_wait3A_151 = tpu.memref_squeeze %dma_wait3A_150 : memref<1x1x128xi32, #tpu.memory_space<vmem>> -> memref<128xi32, #tpu.memory_space<vmem>>
    %dma_wait3A_152 = arith.constant 0 : i32
    %dma_wait3A_153 = arith.constant 0 : i32
    %dma_wait3A_154 = tpu.memref_slice %arg6[%dma_wait3A_152, %dma_wait3A_153] : memref<98304x64xf32, #tpu.memory_space<hbm>> -> memref<98304x64xf32, #tpu.memory_space<hbm>>
    tpu.wait_indirect_dma semaphore(%arg15 : memref<!tpu.dma_semaphore, #tpu.memory_space<semaphore_mem>>) src(%dma_wait3A_154 : memref<98304x64xf32, #tpu.memory_space<hbm>>) dst(%dma_wait3A_148 : memref<128x64xf32, #tpu.memory_space<vmem>>)
    %dma_wait3A_155 = arith.constant 1 : i32
    %dma_wait3A_156 = arith.constant 0 : i32
    %dma_wait3A_157 = arith.constant 1 : i32
    %dma_wait3A_158 = arith.constant 0 : i32
    %dma_wait3A_159 = arith.constant 0 : i32
    %dma_wait3A_160 = tpu.memref_slice %arg13[%dma_wait3A_157, %dma_wait3A_158, %dma_wait3A_159] : memref<2x128x64xf32, #tpu.memory_space<vmem>> -> memref<1x128x64xf32, #tpu.memory_space<vmem>>
    %dma_wait3A_161 = tpu.memref_squeeze %dma_wait3A_160 : memref<1x128x64xf32, #tpu.memory_space<vmem>> -> memref<128x64xf32, #tpu.memory_space<vmem>>
    %dma_wait3A_162 = arith.constant 0 : i32
    %dma_wait3A_163 = tpu.memref_slice %arg12[%dma_wait3A_155, %dma_wait3A_156, %dma_wait3A_162] : memref<2x4x128xi32, #tpu.memory_space<vmem>> -> memref<1x1x128xi32, #tpu.memory_space<vmem>>
    %dma_wait3A_164 = tpu.memref_squeeze %dma_wait3A_163 : memref<1x1x128xi32, #tpu.memory_space<vmem>> -> memref<128xi32, #tpu.memory_space<vmem>>
    %dma_wait3A_165 = arith.constant 0 : i32
    %dma_wait3A_166 = arith.constant 0 : i32
    %dma_wait3A_167 = tpu.memref_slice %arg7[%dma_wait3A_165, %dma_wait3A_166] : memref<393216x64xf32, #tpu.memory_space<hbm>> -> memref<393216x64xf32, #tpu.memory_space<hbm>>
    tpu.wait_indirect_dma semaphore(%arg15 : memref<!tpu.dma_semaphore, #tpu.memory_space<semaphore_mem>>) src(%dma_wait3A_167 : memref<393216x64xf32, #tpu.memory_space<hbm>>) dst(%dma_wait3A_161 : memref<128x64xf32, #tpu.memory_space<vmem>>)
    %dma_wait3A_168 = arith.constant 0 : i32
    %dma_wait3A_169 = tpu.memref_slice %arg5[%add3A_111, %dma_wait3A_168] : memref<16384x64xf32, #tpu.memory_space<hbm>> -> memref<128x64xf32, #tpu.memory_space<hbm>>
    %dma_wait3A_170 = arith.constant 0 : i32
    %dma_wait3A_171 = tpu.memref_slice %arg5[%add3A_111, %dma_wait3A_170] : memref<16384x64xf32, #tpu.memory_space<hbm>> -> memref<128x64xf32, #tpu.memory_space<hbm>>
    tpu.wait_dma2 semaphore(%arg15 : memref<!tpu.dma_semaphore, #tpu.memory_space<semaphore_mem>>) src(%dma_wait3A_171 : memref<128x64xf32, #tpu.memory_space<hbm>>) dst(%arg14 : memref<128x64xf32, #tpu.memory_space<vmem>>)
    %scan3A_172 = arith.constant 0 : i32
    %scan3A_173 = arith.constant 0 : i32
    %scan3A_174 = arith.constant 128 : i32
    %scan3A_175 = arith.addi %scan3A_173, %scan3A_174 : i32
    %scan3A_176 = arith.constant 1 : i32
    %scan3A_177 = scf.for %scan3A_392 = %scan3A_173 to %scan3A_175 step %scan3A_176 iter_args(%scan3A_393 = %scan3A_172) -> (i32)  : i32 {
      %get3A = arith.index_cast %scan3A_392 : i32 to index
      %get3A_394 = arith.constant 0 : index
      %get3A_395 = tpu.vector_load %arg14[%get3A, %get3A_394] {strides = array<i32>} : memref<128x64xf32, #tpu.memory_space<vmem>>, vector<1x16xf32>,
      %get3A_396 = vector.shape_cast %get3A_395 : vector<1x16xf32> to vector<16xf32>
      %get3A_397 = arith.constant 0 : i32
      %get3A_398 = arith.index_cast %get3A_397 : i32 to index
      %get3A_399 = arith.index_cast %scan3A_392 : i32 to index
      %get3A_400 = arith.constant 0 : index
      %get3A_401 = tpu.vector_load %arg13[%get3A_398, %get3A_399, %get3A_400] {strides = array<i32>} : memref<2x128x64xf32, #tpu.memory_space<vmem>>, vector<1x1x16xf32>,
      %get3A_402 = vector.shape_cast %get3A_401 : vector<1x1x16xf32> to vector<16xf32>
      %add3A_403 = arith.addf %get3A_396, %get3A_402 : vector<16xf32>
      %get3A_404 = arith.constant 1 : i32
      %get3A_405 = arith.index_cast %get3A_404 : i32 to index
      %get3A_406 = arith.index_cast %scan3A_392 : i32 to index
      %get3A_407 = arith.constant 0 : index
      %get3A_408 = tpu.vector_load %arg13[%get3A_405, %get3A_406, %get3A_407] {strides = array<i32>} : memref<2x128x64xf32, #tpu.memory_space<vmem>>, vector<1x1x16xf32>,
      %get3A_409 = vector.shape_cast %get3A_408 : vector<1x1x16xf32> to vector<16xf32>
      %add3A_410 = arith.addf %add3A_403, %get3A_409 : vector<16xf32>
      %swap3A = arith.index_cast %scan3A_392 : i32 to index
      %swap3A_411 = arith.constant 0 : index
      %swap3A_412 = tpu.vector_load %arg14[%swap3A, %swap3A_411] {strides = array<i32>} : memref<128x64xf32, #tpu.memory_space<vmem>>, vector<1x16xf32>,
      %swap3A_413 = vector.shape_cast %swap3A_412 : vector<1x16xf32> to vector<16xf32>
      %swap3A_414 = vector.shape_cast %add3A_410 : vector<16xf32> to vector<1x16xf32>
      tpu.vector_store %arg14[%swap3A, %swap3A_411], %swap3A_414 {strides = array<i32>} : memref<128x64xf32, #tpu.memory_space<vmem>>, vector<1x16xf32>,
      %get3A_415 = arith.index_cast %scan3A_392 : i32 to index
      %get3A_416 = arith.constant 16 : index
      %get3A_417 = tpu.vector_load %arg14[%get3A_415, %get3A_416] {strides = array<i32>} : memref<128x64xf32, #tpu.memory_space<vmem>>, vector<1x16xf32>,
      %get3A_418 = vector.shape_cast %get3A_417 : vector<1x16xf32> to vector<16xf32>
      %get3A_419 = arith.constant 0 : i32
      %get3A_420 = arith.index_cast %get3A_419 : i32 to index
      %get3A_421 = arith.index_cast %scan3A_392 : i32 to index
      %get3A_422 = arith.constant 16 : index
      %get3A_423 = tpu.vector_load %arg13[%get3A_420, %get3A_421, %get3A_422] {strides = array<i32>} : memref<2x128x64xf32, #tpu.memory_space<vmem>>, vector<1x1x16xf32>,
      %get3A_424 = vector.shape_cast %get3A_423 : vector<1x1x16xf32> to vector<16xf32>
      %add3A_425 = arith.addf %get3A_418, %get3A_424 : vector<16xf32>
      %get3A_426 = arith.constant 1 : i32
      %get3A_427 = arith.index_cast %get3A_426 : i32 to index
      %get3A_428 = arith.index_cast %scan3A_392 : i32 to index
      %get3A_429 = arith.constant 16 : index
      %get3A_430 = tpu.vector_load %arg13[%get3A_427, %get3A_428, %get3A_429] {strides = array<i32>} : memref<2x128x64xf32, #tpu.memory_space<vmem>>, vector<1x1x16xf32>,
      %get3A_431 = vector.shape_cast %get3A_430 : vector<1x1x16xf32> to vector<16xf32>
      %add3A_432 = arith.addf %add3A_425, %get3A_431 : vector<16xf32>
      %swap3A_433 = arith.index_cast %scan3A_392 : i32 to index
      %swap3A_434 = arith.constant 16 : index
      %swap3A_435 = tpu.vector_load %arg14[%swap3A_433, %swap3A_434] {strides = array<i32>} : memref<128x64xf32, #tpu.memory_space<vmem>>, vector<1x16xf32>,
      %swap3A_436 = vector.shape_cast %swap3A_435 : vector<1x16xf32> to vector<16xf32>
      %swap3A_437 = vector.shape_cast %add3A_432 : vector<16xf32> to vector<1x16xf32>
      tpu.vector_store %arg14[%swap3A_433, %swap3A_434], %swap3A_437 {strides = array<i32>} : memref<128x64xf32, #tpu.memory_space<vmem>>, vector<1x16xf32>,
      %get3A_438 = arith.index_cast %scan3A_392 : i32 to index
      %get3A_439 = arith.constant 32 : index
      %get3A_440 = tpu.vector_load %arg14[%get3A_438, %get3A_439] {strides = array<i32>} : memref<128x64xf32, #tpu.memory_space<vmem>>, vector<1x16xf32>,
      %get3A_441 = vector.shape_cast %get3A_440 : vector<1x16xf32> to vector<16xf32>
      %get3A_442 = arith.constant 0 : i32
      %get3A_443 = arith.index_cast %get3A_442 : i32 to index
      %get3A_444 = arith.index_cast %scan3A_392 : i32 to index
      %get3A_445 = arith.constant 32 : index
      %get3A_446 = tpu.vector_load %arg13[%get3A_443, %get3A_444, %get3A_445] {strides = array<i32>} : memref<2x128x64xf32, #tpu.memory_space<vmem>>, vector<1x1x16xf32>,
      %get3A_447 = vector.shape_cast %get3A_446 : vector<1x1x16xf32> to vector<16xf32>
      %add3A_448 = arith.addf %get3A_441, %get3A_447 : vector<16xf32>
      %get3A_449 = arith.constant 1 : i32
      %get3A_450 = arith.index_cast %get3A_449 : i32 to index
      %get3A_451 = arith.index_cast %scan3A_392 : i32 to index
      %get3A_452 = arith.constant 32 : index
      %get3A_453 = tpu.vector_load %arg13[%get3A_450, %get3A_451, %get3A_452] {strides = array<i32>} : memref<2x128x64xf32, #tpu.memory_space<vmem>>, vector<1x1x16xf32>,
      %get3A_454 = vector.shape_cast %get3A_453 : vector<1x1x16xf32> to vector<16xf32>
      %add3A_455 = arith.addf %add3A_448, %get3A_454 : vector<16xf32>
      %swap3A_456 = arith.index_cast %scan3A_392 : i32 to index
      %swap3A_457 = arith.constant 32 : index
      %swap3A_458 = tpu.vector_load %arg14[%swap3A_456, %swap3A_457] {strides = array<i32>} : memref<128x64xf32, #tpu.memory_space<vmem>>, vector<1x16xf32>,
      %swap3A_459 = vector.shape_cast %swap3A_458 : vector<1x16xf32> to vector<16xf32>
      %swap3A_460 = vector.shape_cast %add3A_455 : vector<16xf32> to vector<1x16xf32>
      tpu.vector_store %arg14[%swap3A_456, %swap3A_457], %swap3A_460 {strides = array<i32>} : memref<128x64xf32, #tpu.memory_space<vmem>>, vector<1x16xf32>,
      %get3A_461 = arith.index_cast %scan3A_392 : i32 to index
      %get3A_462 = arith.constant 48 : index
      %get3A_463 = tpu.vector_load %arg14[%get3A_461, %get3A_462] {strides = array<i32>} : memref<128x64xf32, #tpu.memory_space<vmem>>, vector<1x16xf32>,
      %get3A_464 = vector.shape_cast %get3A_463 : vector<1x16xf32> to vector<16xf32>
      %get3A_465 = arith.constant 0 : i32
      %get3A_466 = arith.index_cast %get3A_465 : i32 to index
      %get3A_467 = arith.index_cast %scan3A_392 : i32 to index
      %get3A_468 = arith.constant 48 : index
      %get3A_469 = tpu.vector_load %arg13[%get3A_466, %get3A_467, %get3A_468] {strides = array<i32>} : memref<2x128x64xf32, #tpu.memory_space<vmem>>, vector<1x1x16xf32>,
      %get3A_470 = vector.shape_cast %get3A_469 : vector<1x1x16xf32> to vector<16xf32>
      %add3A_471 = arith.addf %get3A_464, %get3A_470 : vector<16xf32>
      %get3A_472 = arith.constant 1 : i32
      %get3A_473 = arith.index_cast %get3A_472 : i32 to index
      %get3A_474 = arith.index_cast %scan3A_392 : i32 to index
      %get3A_475 = arith.constant 48 : index
      %get3A_476 = tpu.vector_load %arg13[%get3A_473, %get3A_474, %get3A_475] {strides = array<i32>} : memref<2x128x64xf32, #tpu.memory_space<vmem>>, vector<1x1x16xf32>,
      %get3A_477 = vector.shape_cast %get3A_476 : vector<1x1x16xf32> to vector<16xf32>
      %add3A_478 = arith.addf %add3A_471, %get3A_477 : vector<16xf32>
      %swap3A_479 = arith.index_cast %scan3A_392 : i32 to index
      %swap3A_480 = arith.constant 48 : index
      %swap3A_481 = tpu.vector_load %arg14[%swap3A_479, %swap3A_480] {strides = array<i32>} : memref<128x64xf32, #tpu.memory_space<vmem>>, vector<1x16xf32>,
      %swap3A_482 = vector.shape_cast %swap3A_481 : vector<1x16xf32> to vector<16xf32>
      %swap3A_483 = vector.shape_cast %add3A_478 : vector<16xf32> to vector<1x16xf32>
      tpu.vector_store %arg14[%swap3A_479, %swap3A_480], %swap3A_483 {strides = array<i32>} : memref<128x64xf32, #tpu.memory_space<vmem>>, vector<1x16xf32>,
      %scan3A_484 = arith.constant 0 : i32
      scf.yield %scan3A_484 : i32
    }
    %scan3A_178 = arith.constant 128 : i32
    "tpu.region"() ({
      %run_scoped3A = tpu.sem_alloc : memref<!tpu.dma_semaphore, #tpu.memory_space<semaphore_mem>>
      %dma_start3A_392 = arith.constant 0 : i32
      %dma_start3A_393 = tpu.memref_slice %arg8[%add3A_111, %dma_start3A_392] : memref<16384x64xf32, #tpu.memory_space<hbm>> -> memref<128x64xf32, #tpu.memory_space<hbm>>
      %dma_start3A_394 = arith.constant 0 : i32
      %dma_start3A_395 = tpu.memref_slice %arg8[%add3A_111, %dma_start3A_394] : memref<16384x64xf32, #tpu.memory_space<hbm>> -> memref<128x64xf32, #tpu.memory_space<hbm>>
      tpu.enqueue_dma source(%arg14 : memref<128x64xf32, #tpu.memory_space<vmem>>) target(%dma_start3A_395 : memref<128x64xf32, #tpu.memory_space<hbm>>) target_semaphore(%run_scoped3A : memref<!tpu.dma_semaphore, #tpu.memory_space<semaphore_mem>>)
      %dma_wait3A_396 = arith.constant 0 : i32
      %dma_wait3A_397 = tpu.memref_slice %arg8[%add3A_111, %dma_wait3A_396] : memref<16384x64xf32, #tpu.memory_space<hbm>> -> memref<128x64xf32, #tpu.memory_space<hbm>>
      %dma_wait3A_398 = arith.constant 0 : i32
      %dma_wait3A_399 = tpu.memref_slice %arg8[%add3A_111, %dma_wait3A_398] : memref<16384x64xf32, #tpu.memory_space<hbm>> -> memref<128x64xf32, #tpu.memory_space<hbm>>
      tpu.wait_dma2 semaphore(%run_scoped3A : memref<!tpu.dma_semaphore, #tpu.memory_space<semaphore_mem>>) src(%arg14 : memref<128x64xf32, #tpu.memory_space<vmem>>) dst(%dma_wait3A_399 : memref<128x64xf32, #tpu.memory_space<hbm>>)
      tpu.yield
    }) : () -> ()
    %mul3A_179 = arith.constant 512 : i32
    %mul3A_180 = arith.muli %add3A, %mul3A_179 : i32
    %add3A_181 = arith.constant 128 : i32
    %add3A_182 = arith.addi %mul3A_180, %add3A_181 : i32
    %dma_start3A_183 = arith.constant 0 : i32
    %dma_start3A_184 = arith.constant 1 : i32
    %dma_start3A_185 = arith.constant 0 : i32
    %dma_start3A_186 = arith.constant 0 : i32
    %dma_start3A_187 = arith.constant 0 : i32
    %dma_start3A_188 = tpu.memref_slice %arg13[%dma_start3A_185, %dma_start3A_186, %dma_start3A_187] : memref<2x128x64xf32, #tpu.memory_space<vmem>> -> memref<1x128x64xf32, #tpu.memory_space<vmem>>
    %dma_start3A_189 = tpu.memref_squeeze %dma_start3A_188 : memref<1x128x64xf32, #tpu.memory_space<vmem>> -> memref<128x64xf32, #tpu.memory_space<vmem>>
    %dma_start3A_190 = arith.constant 0 : i32
    %dma_start3A_191 = tpu.memref_slice %arg12[%dma_start3A_183, %dma_start3A_184, %dma_start3A_190] : memref<2x4x128xi32, #tpu.memory_space<vmem>> -> memref<1x1x128xi32, #tpu.memory_space<vmem>>
    %dma_start3A_192 = tpu.memref_squeeze %dma_start3A_191 : memref<1x1x128xi32, #tpu.memory_space<vmem>> -> memref<128xi32, #tpu.memory_space<vmem>>
    %dma_start3A_193 = arith.constant 0 : i32
    %dma_start3A_194 = arith.constant 0 : i32
    %dma_start3A_195 = tpu.memref_slice %arg6[%dma_start3A_193, %dma_start3A_194] : memref<98304x64xf32, #tpu.memory_space<hbm>> -> memref<98304x64xf32, #tpu.memory_space<hbm>>
    tpu.enqueue_indirect_dma source(%dma_start3A_195 : memref<98304x64xf32, #tpu.memory_space<hbm>>) target(%dma_start3A_189 : memref<128x64xf32, #tpu.memory_space<vmem>>) offsets(%dma_start3A_192 : memref<128xi32, #tpu.memory_space<vmem>>) semaphore(%arg15 : memref<!tpu.dma_semaphore, #tpu.memory_space<semaphore_mem>>)
    %dma_start3A_196 = arith.constant 1 : i32
    %dma_start3A_197 = arith.constant 1 : i32
    %dma_start3A_198 = arith.constant 1 : i32
    %dma_start3A_199 = arith.constant 0 : i32
    %dma_start3A_200 = arith.constant 0 : i32
    %dma_start3A_201 = tpu.memref_slice %arg13[%dma_start3A_198, %dma_start3A_199, %dma_start3A_200] : memref<2x128x64xf32, #tpu.memory_space<vmem>> -> memref<1x128x64xf32, #tpu.memory_space<vmem>>
    %dma_start3A_202 = tpu.memref_squeeze %dma_start3A_201 : memref<1x128x64xf32, #tpu.memory_space<vmem>> -> memref<128x64xf32, #tpu.memory_space<vmem>>
    %dma_start3A_203 = arith.constant 0 : i32
    %dma_start3A_204 = tpu.memref_slice %arg12[%dma_start3A_196, %dma_start3A_197, %dma_start3A_203] : memref<2x4x128xi32, #tpu.memory_space<vmem>> -> memref<1x1x128xi32, #tpu.memory_space<vmem>>
    %dma_start3A_205 = tpu.memref_squeeze %dma_start3A_204 : memref<1x1x128xi32, #tpu.memory_space<vmem>> -> memref<128xi32, #tpu.memory_space<vmem>>
    %dma_start3A_206 = arith.constant 0 : i32
    %dma_start3A_207 = arith.constant 0 : i32
    %dma_start3A_208 = tpu.memref_slice %arg7[%dma_start3A_206, %dma_start3A_207] : memref<393216x64xf32, #tpu.memory_space<hbm>> -> memref<393216x64xf32, #tpu.memory_space<hbm>>
    tpu.enqueue_indirect_dma source(%dma_start3A_208 : memref<393216x64xf32, #tpu.memory_space<hbm>>) target(%dma_start3A_202 : memref<128x64xf32, #tpu.memory_space<vmem>>) offsets(%dma_start3A_205 : memref<128xi32, #tpu.memory_space<vmem>>) semaphore(%arg15 : memref<!tpu.dma_semaphore, #tpu.memory_space<semaphore_mem>>)
    %dma_start3A_209 = arith.constant 0 : i32
    %dma_start3A_210 = tpu.memref_slice %arg5[%add3A_182, %dma_start3A_209] : memref<16384x64xf32, #tpu.memory_space<hbm>> -> memref<128x64xf32, #tpu.memory_space<hbm>>
    %dma_start3A_211 = arith.constant 0 : i32
    %dma_start3A_212 = tpu.memref_slice %arg5[%add3A_182, %dma_start3A_211] : memref<16384x64xf32, #tpu.memory_space<hbm>> -> memref<128x64xf32, #tpu.memory_space<hbm>>
    tpu.enqueue_dma source(%dma_start3A_212 : memref<128x64xf32, #tpu.memory_space<hbm>>) target(%arg14 : memref<128x64xf32, #tpu.memory_space<vmem>>) target_semaphore(%arg15 : memref<!tpu.dma_semaphore, #tpu.memory_space<semaphore_mem>>)
    %dma_wait3A_213 = arith.constant 0 : i32
    %dma_wait3A_214 = arith.constant 1 : i32
    %dma_wait3A_215 = arith.constant 0 : i32
    %dma_wait3A_216 = arith.constant 0 : i32
    %dma_wait3A_217 = arith.constant 0 : i32
    %dma_wait3A_218 = tpu.memref_slice %arg13[%dma_wait3A_215, %dma_wait3A_216, %dma_wait3A_217] : memref<2x128x64xf32, #tpu.memory_space<vmem>> -> memref<1x128x64xf32, #tpu.memory_space<vmem>>
    %dma_wait3A_219 = tpu.memref_squeeze %dma_wait3A_218 : memref<1x128x64xf32, #tpu.memory_space<vmem>> -> memref<128x64xf32, #tpu.memory_space<vmem>>
    %dma_wait3A_220 = arith.constant 0 : i32
    %dma_wait3A_221 = tpu.memref_slice %arg12[%dma_wait3A_213, %dma_wait3A_214, %dma_wait3A_220] : memref<2x4x128xi32, #tpu.memory_space<vmem>> -> memref<1x1x128xi32, #tpu.memory_space<vmem>>
    %dma_wait3A_222 = tpu.memref_squeeze %dma_wait3A_221 : memref<1x1x128xi32, #tpu.memory_space<vmem>> -> memref<128xi32, #tpu.memory_space<vmem>>
    %dma_wait3A_223 = arith.constant 0 : i32
    %dma_wait3A_224 = arith.constant 0 : i32
    %dma_wait3A_225 = tpu.memref_slice %arg6[%dma_wait3A_223, %dma_wait3A_224] : memref<98304x64xf32, #tpu.memory_space<hbm>> -> memref<98304x64xf32, #tpu.memory_space<hbm>>
    tpu.wait_indirect_dma semaphore(%arg15 : memref<!tpu.dma_semaphore, #tpu.memory_space<semaphore_mem>>) src(%dma_wait3A_225 : memref<98304x64xf32, #tpu.memory_space<hbm>>) dst(%dma_wait3A_219 : memref<128x64xf32, #tpu.memory_space<vmem>>)
    %dma_wait3A_226 = arith.constant 1 : i32
    %dma_wait3A_227 = arith.constant 1 : i32
    %dma_wait3A_228 = arith.constant 1 : i32
    %dma_wait3A_229 = arith.constant 0 : i32
    %dma_wait3A_230 = arith.constant 0 : i32
    %dma_wait3A_231 = tpu.memref_slice %arg13[%dma_wait3A_228, %dma_wait3A_229, %dma_wait3A_230] : memref<2x128x64xf32, #tpu.memory_space<vmem>> -> memref<1x128x64xf32, #tpu.memory_space<vmem>>
    %dma_wait3A_232 = tpu.memref_squeeze %dma_wait3A_231 : memref<1x128x64xf32, #tpu.memory_space<vmem>> -> memref<128x64xf32, #tpu.memory_space<vmem>>
    %dma_wait3A_233 = arith.constant 0 : i32
    %dma_wait3A_234 = tpu.memref_slice %arg12[%dma_wait3A_226, %dma_wait3A_227, %dma_wait3A_233] : memref<2x4x128xi32, #tpu.memory_space<vmem>> -> memref<1x1x128xi32, #tpu.memory_space<vmem>>
    %dma_wait3A_235 = tpu.memref_squeeze %dma_wait3A_234 : memref<1x1x128xi32, #tpu.memory_space<vmem>> -> memref<128xi32, #tpu.memory_space<vmem>>
    %dma_wait3A_236 = arith.constant 0 : i32
    %dma_wait3A_237 = arith.constant 0 : i32
    %dma_wait3A_238 = tpu.memref_slice %arg7[%dma_wait3A_236, %dma_wait3A_237] : memref<393216x64xf32, #tpu.memory_space<hbm>> -> memref<393216x64xf32, #tpu.memory_space<hbm>>
    tpu.wait_indirect_dma semaphore(%arg15 : memref<!tpu.dma_semaphore, #tpu.memory_space<semaphore_mem>>) src(%dma_wait3A_238 : memref<393216x64xf32, #tpu.memory_space<hbm>>) dst(%dma_wait3A_232 : memref<128x64xf32, #tpu.memory_space<vmem>>)
    %dma_wait3A_239 = arith.constant 0 : i32
    %dma_wait3A_240 = tpu.memref_slice %arg5[%add3A_182, %dma_wait3A_239] : memref<16384x64xf32, #tpu.memory_space<hbm>> -> memref<128x64xf32, #tpu.memory_space<hbm>>
    %dma_wait3A_241 = arith.constant 0 : i32
    %dma_wait3A_242 = tpu.memref_slice %arg5[%add3A_182, %dma_wait3A_241] : memref<16384x64xf32, #tpu.memory_space<hbm>> -> memref<128x64xf32, #tpu.memory_space<hbm>>
    tpu.wait_dma2 semaphore(%arg15 : memref<!tpu.dma_semaphore, #tpu.memory_space<semaphore_mem>>) src(%dma_wait3A_242 : memref<128x64xf32, #tpu.memory_space<hbm>>) dst(%arg14 : memref<128x64xf32, #tpu.memory_space<vmem>>)
    %scan3A_243 = arith.constant 0 : i32
    %scan3A_244 = arith.constant 0 : i32
    %scan3A_245 = arith.constant 128 : i32
    %scan3A_246 = arith.addi %scan3A_244, %scan3A_245 : i32
    %scan3A_247 = arith.constant 1 : i32
    %scan3A_248 = scf.for %scan3A_392 = %scan3A_244 to %scan3A_246 step %scan3A_247 iter_args(%scan3A_393 = %scan3A_243) -> (i32)  : i32 {
      %get3A = arith.index_cast %scan3A_392 : i32 to index
      %get3A_394 = arith.constant 0 : index
      %get3A_395 = tpu.vector_load %arg14[%get3A, %get3A_394] {strides = array<i32>} : memref<128x64xf32, #tpu.memory_space<vmem>>, vector<1x16xf32>,
      %get3A_396 = vector.shape_cast %get3A_395 : vector<1x16xf32> to vector<16xf32>
      %get3A_397 = arith.constant 0 : i32
      %get3A_398 = arith.index_cast %get3A_397 : i32 to index
      %get3A_399 = arith.index_cast %scan3A_392 : i32 to index
      %get3A_400 = arith.constant 0 : index
      %get3A_401 = tpu.vector_load %arg13[%get3A_398, %get3A_399, %get3A_400] {strides = array<i32>} : memref<2x128x64xf32, #tpu.memory_space<vmem>>, vector<1x1x16xf32>,
      %get3A_402 = vector.shape_cast %get3A_401 : vector<1x1x16xf32> to vector<16xf32>
      %add3A_403 = arith.addf %get3A_396, %get3A_402 : vector<16xf32>
      %get3A_404 = arith.constant 1 : i32
      %get3A_405 = arith.index_cast %get3A_404 : i32 to index
      %get3A_406 = arith.index_cast %scan3A_392 : i32 to index
      %get3A_407 = arith.constant 0 : index
      %get3A_408 = tpu.vector_load %arg13[%get3A_405, %get3A_406, %get3A_407] {strides = array<i32>} : memref<2x128x64xf32, #tpu.memory_space<vmem>>, vector<1x1x16xf32>,
      %get3A_409 = vector.shape_cast %get3A_408 : vector<1x1x16xf32> to vector<16xf32>
      %add3A_410 = arith.addf %add3A_403, %get3A_409 : vector<16xf32>
      %swap3A = arith.index_cast %scan3A_392 : i32 to index
      %swap3A_411 = arith.constant 0 : index
      %swap3A_412 = tpu.vector_load %arg14[%swap3A, %swap3A_411] {strides = array<i32>} : memref<128x64xf32, #tpu.memory_space<vmem>>, vector<1x16xf32>,
      %swap3A_413 = vector.shape_cast %swap3A_412 : vector<1x16xf32> to vector<16xf32>
      %swap3A_414 = vector.shape_cast %add3A_410 : vector<16xf32> to vector<1x16xf32>
      tpu.vector_store %arg14[%swap3A, %swap3A_411], %swap3A_414 {strides = array<i32>} : memref<128x64xf32, #tpu.memory_space<vmem>>, vector<1x16xf32>,
      %get3A_415 = arith.index_cast %scan3A_392 : i32 to index
      %get3A_416 = arith.constant 16 : index
      %get3A_417 = tpu.vector_load %arg14[%get3A_415, %get3A_416] {strides = array<i32>} : memref<128x64xf32, #tpu.memory_space<vmem>>, vector<1x16xf32>,
      %get3A_418 = vector.shape_cast %get3A_417 : vector<1x16xf32> to vector<16xf32>
      %get3A_419 = arith.constant 0 : i32
      %get3A_420 = arith.index_cast %get3A_419 : i32 to index
      %get3A_421 = arith.index_cast %scan3A_392 : i32 to index
      %get3A_422 = arith.constant 16 : index
      %get3A_423 = tpu.vector_load %arg13[%get3A_420, %get3A_421, %get3A_422] {strides = array<i32>} : memref<2x128x64xf32, #tpu.memory_space<vmem>>, vector<1x1x16xf32>,
      %get3A_424 = vector.shape_cast %get3A_423 : vector<1x1x16xf32> to vector<16xf32>
      %add3A_425 = arith.addf %get3A_418, %get3A_424 : vector<16xf32>
      %get3A_426 = arith.constant 1 : i32
      %get3A_427 = arith.index_cast %get3A_426 : i32 to index
      %get3A_428 = arith.index_cast %scan3A_392 : i32 to index
      %get3A_429 = arith.constant 16 : index
      %get3A_430 = tpu.vector_load %arg13[%get3A_427, %get3A_428, %get3A_429] {strides = array<i32>} : memref<2x128x64xf32, #tpu.memory_space<vmem>>, vector<1x1x16xf32>,
      %get3A_431 = vector.shape_cast %get3A_430 : vector<1x1x16xf32> to vector<16xf32>
      %add3A_432 = arith.addf %add3A_425, %get3A_431 : vector<16xf32>
      %swap3A_433 = arith.index_cast %scan3A_392 : i32 to index
      %swap3A_434 = arith.constant 16 : index
      %swap3A_435 = tpu.vector_load %arg14[%swap3A_433, %swap3A_434] {strides = array<i32>} : memref<128x64xf32, #tpu.memory_space<vmem>>, vector<1x16xf32>,
      %swap3A_436 = vector.shape_cast %swap3A_435 : vector<1x16xf32> to vector<16xf32>
      %swap3A_437 = vector.shape_cast %add3A_432 : vector<16xf32> to vector<1x16xf32>
      tpu.vector_store %arg14[%swap3A_433, %swap3A_434], %swap3A_437 {strides = array<i32>} : memref<128x64xf32, #tpu.memory_space<vmem>>, vector<1x16xf32>,
      %get3A_438 = arith.index_cast %scan3A_392 : i32 to index
      %get3A_439 = arith.constant 32 : index
      %get3A_440 = tpu.vector_load %arg14[%get3A_438, %get3A_439] {strides = array<i32>} : memref<128x64xf32, #tpu.memory_space<vmem>>, vector<1x16xf32>,
      %get3A_441 = vector.shape_cast %get3A_440 : vector<1x16xf32> to vector<16xf32>
      %get3A_442 = arith.constant 0 : i32
      %get3A_443 = arith.index_cast %get3A_442 : i32 to index
      %get3A_444 = arith.index_cast %scan3A_392 : i32 to index
      %get3A_445 = arith.constant 32 : index
      %get3A_446 = tpu.vector_load %arg13[%get3A_443, %get3A_444, %get3A_445] {strides = array<i32>} : memref<2x128x64xf32, #tpu.memory_space<vmem>>, vector<1x1x16xf32>,
      %get3A_447 = vector.shape_cast %get3A_446 : vector<1x1x16xf32> to vector<16xf32>
      %add3A_448 = arith.addf %get3A_441, %get3A_447 : vector<16xf32>
      %get3A_449 = arith.constant 1 : i32
      %get3A_450 = arith.index_cast %get3A_449 : i32 to index
      %get3A_451 = arith.index_cast %scan3A_392 : i32 to index
      %get3A_452 = arith.constant 32 : index
      %get3A_453 = tpu.vector_load %arg13[%get3A_450, %get3A_451, %get3A_452] {strides = array<i32>} : memref<2x128x64xf32, #tpu.memory_space<vmem>>, vector<1x1x16xf32>,
      %get3A_454 = vector.shape_cast %get3A_453 : vector<1x1x16xf32> to vector<16xf32>
      %add3A_455 = arith.addf %add3A_448, %get3A_454 : vector<16xf32>
      %swap3A_456 = arith.index_cast %scan3A_392 : i32 to index
      %swap3A_457 = arith.constant 32 : index
      %swap3A_458 = tpu.vector_load %arg14[%swap3A_456, %swap3A_457] {strides = array<i32>} : memref<128x64xf32, #tpu.memory_space<vmem>>, vector<1x16xf32>,
      %swap3A_459 = vector.shape_cast %swap3A_458 : vector<1x16xf32> to vector<16xf32>
      %swap3A_460 = vector.shape_cast %add3A_455 : vector<16xf32> to vector<1x16xf32>
      tpu.vector_store %arg14[%swap3A_456, %swap3A_457], %swap3A_460 {strides = array<i32>} : memref<128x64xf32, #tpu.memory_space<vmem>>, vector<1x16xf32>,
      %get3A_461 = arith.index_cast %scan3A_392 : i32 to index
      %get3A_462 = arith.constant 48 : index
      %get3A_463 = tpu.vector_load %arg14[%get3A_461, %get3A_462] {strides = array<i32>} : memref<128x64xf32, #tpu.memory_space<vmem>>, vector<1x16xf32>,
      %get3A_464 = vector.shape_cast %get3A_463 : vector<1x16xf32> to vector<16xf32>
      %get3A_465 = arith.constant 0 : i32
      %get3A_466 = arith.index_cast %get3A_465 : i32 to index
      %get3A_467 = arith.index_cast %scan3A_392 : i32 to index
      %get3A_468 = arith.constant 48 : index
      %get3A_469 = tpu.vector_load %arg13[%get3A_466, %get3A_467, %get3A_468] {strides = array<i32>} : memref<2x128x64xf32, #tpu.memory_space<vmem>>, vector<1x1x16xf32>,
      %get3A_470 = vector.shape_cast %get3A_469 : vector<1x1x16xf32> to vector<16xf32>
      %add3A_471 = arith.addf %get3A_464, %get3A_470 : vector<16xf32>
      %get3A_472 = arith.constant 1 : i32
      %get3A_473 = arith.index_cast %get3A_472 : i32 to index
      %get3A_474 = arith.index_cast %scan3A_392 : i32 to index
      %get3A_475 = arith.constant 48 : index
      %get3A_476 = tpu.vector_load %arg13[%get3A_473, %get3A_474, %get3A_475] {strides = array<i32>} : memref<2x128x64xf32, #tpu.memory_space<vmem>>, vector<1x1x16xf32>,
      %get3A_477 = vector.shape_cast %get3A_476 : vector<1x1x16xf32> to vector<16xf32>
      %add3A_478 = arith.addf %add3A_471, %get3A_477 : vector<16xf32>
      %swap3A_479 = arith.index_cast %scan3A_392 : i32 to index
      %swap3A_480 = arith.constant 48 : index
      %swap3A_481 = tpu.vector_load %arg14[%swap3A_479, %swap3A_480] {strides = array<i32>} : memref<128x64xf32, #tpu.memory_space<vmem>>, vector<1x16xf32>,
      %swap3A_482 = vector.shape_cast %swap3A_481 : vector<1x16xf32> to vector<16xf32>
      %swap3A_483 = vector.shape_cast %add3A_478 : vector<16xf32> to vector<1x16xf32>
      tpu.vector_store %arg14[%swap3A_479, %swap3A_480], %swap3A_483 {strides = array<i32>} : memref<128x64xf32, #tpu.memory_space<vmem>>, vector<1x16xf32>,
      %scan3A_484 = arith.constant 0 : i32
      scf.yield %scan3A_484 : i32
    }
    %scan3A_249 = arith.constant 128 : i32
    "tpu.region"() ({
      %run_scoped3A = tpu.sem_alloc : memref<!tpu.dma_semaphore, #tpu.memory_space<semaphore_mem>>
      %dma_start3A_392 = arith.constant 0 : i32
      %dma_start3A_393 = tpu.memref_slice %arg8[%add3A_182, %dma_start3A_392] : memref<16384x64xf32, #tpu.memory_space<hbm>> -> memref<128x64xf32, #tpu.memory_space<hbm>>
      %dma_start3A_394 = arith.constant 0 : i32
      %dma_start3A_395 = tpu.memref_slice %arg8[%add3A_182, %dma_start3A_394] : memref<16384x64xf32, #tpu.memory_space<hbm>> -> memref<128x64xf32, #tpu.memory_space<hbm>>
      tpu.enqueue_dma source(%arg14 : memref<128x64xf32, #tpu.memory_space<vmem>>) target(%dma_start3A_395 : memref<128x64xf32, #tpu.memory_space<hbm>>) target_semaphore(%run_scoped3A : memref<!tpu.dma_semaphore, #tpu.memory_space<semaphore_mem>>)
      %dma_wait3A_396 = arith.constant 0 : i32
      %dma_wait3A_397 = tpu.memref_slice %arg8[%add3A_182, %dma_wait3A_396] : memref<16384x64xf32, #tpu.memory_space<hbm>> -> memref<128x64xf32, #tpu.memory_space<hbm>>
      %dma_wait3A_398 = arith.constant 0 : i32
      %dma_wait3A_399 = tpu.memref_slice %arg8[%add3A_182, %dma_wait3A_398] : memref<16384x64xf32, #tpu.memory_space<hbm>> -> memref<128x64xf32, #tpu.memory_space<hbm>>
      tpu.wait_dma2 semaphore(%run_scoped3A : memref<!tpu.dma_semaphore, #tpu.memory_space<semaphore_mem>>) src(%arg14 : memref<128x64xf32, #tpu.memory_space<vmem>>) dst(%dma_wait3A_399 : memref<128x64xf32, #tpu.memory_space<hbm>>)
      tpu.yield
    }) : () -> ()
    %mul3A_250 = arith.constant 512 : i32
    %mul3A_251 = arith.muli %add3A, %mul3A_250 : i32
    %add3A_252 = arith.constant 256 : i32
    %add3A_253 = arith.addi %mul3A_251, %add3A_252 : i32
    %dma_start3A_254 = arith.constant 0 : i32
    %dma_start3A_255 = arith.constant 2 : i32
    %dma_start3A_256 = arith.constant 0 : i32
    %dma_start3A_257 = arith.constant 0 : i32
    %dma_start3A_258 = arith.constant 0 : i32
    %dma_start3A_259 = tpu.memref_slice %arg13[%dma_start3A_256, %dma_start3A_257, %dma_start3A_258] : memref<2x128x64xf32, #tpu.memory_space<vmem>> -> memref<1x128x64xf32, #tpu.memory_space<vmem>>
    %dma_start3A_260 = tpu.memref_squeeze %dma_start3A_259 : memref<1x128x64xf32, #tpu.memory_space<vmem>> -> memref<128x64xf32, #tpu.memory_space<vmem>>
    %dma_start3A_261 = arith.constant 0 : i32
    %dma_start3A_262 = tpu.memref_slice %arg12[%dma_start3A_254, %dma_start3A_255, %dma_start3A_261] : memref<2x4x128xi32, #tpu.memory_space<vmem>> -> memref<1x1x128xi32, #tpu.memory_space<vmem>>
    %dma_start3A_263 = tpu.memref_squeeze %dma_start3A_262 : memref<1x1x128xi32, #tpu.memory_space<vmem>> -> memref<128xi32, #tpu.memory_space<vmem>>
    %dma_start3A_264 = arith.constant 0 : i32
    %dma_start3A_265 = arith.constant 0 : i32
    %dma_start3A_266 = tpu.memref_slice %arg6[%dma_start3A_264, %dma_start3A_265] : memref<98304x64xf32, #tpu.memory_space<hbm>> -> memref<98304x64xf32, #tpu.memory_space<hbm>>
    tpu.enqueue_indirect_dma source(%dma_start3A_266 : memref<98304x64xf32, #tpu.memory_space<hbm>>) target(%dma_start3A_260 : memref<128x64xf32, #tpu.memory_space<vmem>>) offsets(%dma_start3A_263 : memref<128xi32, #tpu.memory_space<vmem>>) semaphore(%arg15 : memref<!tpu.dma_semaphore, #tpu.memory_space<semaphore_mem>>)
    %dma_start3A_267 = arith.constant 1 : i32
    %dma_start3A_268 = arith.constant 2 : i32
    %dma_start3A_269 = arith.constant 1 : i32
    %dma_start3A_270 = arith.constant 0 : i32
    %dma_start3A_271 = arith.constant 0 : i32
    %dma_start3A_272 = tpu.memref_slice %arg13[%dma_start3A_269, %dma_start3A_270, %dma_start3A_271] : memref<2x128x64xf32, #tpu.memory_space<vmem>> -> memref<1x128x64xf32, #tpu.memory_space<vmem>>
    %dma_start3A_273 = tpu.memref_squeeze %dma_start3A_272 : memref<1x128x64xf32, #tpu.memory_space<vmem>> -> memref<128x64xf32, #tpu.memory_space<vmem>>
    %dma_start3A_274 = arith.constant 0 : i32
    %dma_start3A_275 = tpu.memref_slice %arg12[%dma_start3A_267, %dma_start3A_268, %dma_start3A_274] : memref<2x4x128xi32, #tpu.memory_space<vmem>> -> memref<1x1x128xi32, #tpu.memory_space<vmem>>
    %dma_start3A_276 = tpu.memref_squeeze %dma_start3A_275 : memref<1x1x128xi32, #tpu.memory_space<vmem>> -> memref<128xi32, #tpu.memory_space<vmem>>
    %dma_start3A_277 = arith.constant 0 : i32
    %dma_start3A_278 = arith.constant 0 : i32
    %dma_start3A_279 = tpu.memref_slice %arg7[%dma_start3A_277, %dma_start3A_278] : memref<393216x64xf32, #tpu.memory_space<hbm>> -> memref<393216x64xf32, #tpu.memory_space<hbm>>
    tpu.enqueue_indirect_dma source(%dma_start3A_279 : memref<393216x64xf32, #tpu.memory_space<hbm>>) target(%dma_start3A_273 : memref<128x64xf32, #tpu.memory_space<vmem>>) offsets(%dma_start3A_276 : memref<128xi32, #tpu.memory_space<vmem>>) semaphore(%arg15 : memref<!tpu.dma_semaphore, #tpu.memory_space<semaphore_mem>>)
    %dma_start3A_280 = arith.constant 0 : i32
    %dma_start3A_281 = tpu.memref_slice %arg5[%add3A_253, %dma_start3A_280] : memref<16384x64xf32, #tpu.memory_space<hbm>> -> memref<128x64xf32, #tpu.memory_space<hbm>>
    %dma_start3A_282 = arith.constant 0 : i32
    %dma_start3A_283 = tpu.memref_slice %arg5[%add3A_253, %dma_start3A_282] : memref<16384x64xf32, #tpu.memory_space<hbm>> -> memref<128x64xf32, #tpu.memory_space<hbm>>
    tpu.enqueue_dma source(%dma_start3A_283 : memref<128x64xf32, #tpu.memory_space<hbm>>) target(%arg14 : memref<128x64xf32, #tpu.memory_space<vmem>>) target_semaphore(%arg15 : memref<!tpu.dma_semaphore, #tpu.memory_space<semaphore_mem>>)
    %dma_wait3A_284 = arith.constant 0 : i32
    %dma_wait3A_285 = arith.constant 2 : i32
    %dma_wait3A_286 = arith.constant 0 : i32
    %dma_wait3A_287 = arith.constant 0 : i32
    %dma_wait3A_288 = arith.constant 0 : i32
    %dma_wait3A_289 = tpu.memref_slice %arg13[%dma_wait3A_286, %dma_wait3A_287, %dma_wait3A_288] : memref<2x128x64xf32, #tpu.memory_space<vmem>> -> memref<1x128x64xf32, #tpu.memory_space<vmem>>
    %dma_wait3A_290 = tpu.memref_squeeze %dma_wait3A_289 : memref<1x128x64xf32, #tpu.memory_space<vmem>> -> memref<128x64xf32, #tpu.memory_space<vmem>>
    %dma_wait3A_291 = arith.constant 0 : i32
    %dma_wait3A_292 = tpu.memref_slice %arg12[%dma_wait3A_284, %dma_wait3A_285, %dma_wait3A_291] : memref<2x4x128xi32, #tpu.memory_space<vmem>> -> memref<1x1x128xi32, #tpu.memory_space<vmem>>
    %dma_wait3A_293 = tpu.memref_squeeze %dma_wait3A_292 : memref<1x1x128xi32, #tpu.memory_space<vmem>> -> memref<128xi32, #tpu.memory_space<vmem>>
    %dma_wait3A_294 = arith.constant 0 : i32
    %dma_wait3A_295 = arith.constant 0 : i32
    %dma_wait3A_296 = tpu.memref_slice %arg6[%dma_wait3A_294, %dma_wait3A_295] : memref<98304x64xf32, #tpu.memory_space<hbm>> -> memref<98304x64xf32, #tpu.memory_space<hbm>>
    tpu.wait_indirect_dma semaphore(%arg15 : memref<!tpu.dma_semaphore, #tpu.memory_space<semaphore_mem>>) src(%dma_wait3A_296 : memref<98304x64xf32, #tpu.memory_space<hbm>>) dst(%dma_wait3A_290 : memref<128x64xf32, #tpu.memory_space<vmem>>)
    %dma_wait3A_297 = arith.constant 1 : i32
    %dma_wait3A_298 = arith.constant 2 : i32
    %dma_wait3A_299 = arith.constant 1 : i32
    %dma_wait3A_300 = arith.constant 0 : i32
    %dma_wait3A_301 = arith.constant 0 : i32
    %dma_wait3A_302 = tpu.memref_slice %arg13[%dma_wait3A_299, %dma_wait3A_300, %dma_wait3A_301] : memref<2x128x64xf32, #tpu.memory_space<vmem>> -> memref<1x128x64xf32, #tpu.memory_space<vmem>>
    %dma_wait3A_303 = tpu.memref_squeeze %dma_wait3A_302 : memref<1x128x64xf32, #tpu.memory_space<vmem>> -> memref<128x64xf32, #tpu.memory_space<vmem>>
    %dma_wait3A_304 = arith.constant 0 : i32
    %dma_wait3A_305 = tpu.memref_slice %arg12[%dma_wait3A_297, %dma_wait3A_298, %dma_wait3A_304] : memref<2x4x128xi32, #tpu.memory_space<vmem>> -> memref<1x1x128xi32, #tpu.memory_space<vmem>>
    %dma_wait3A_306 = tpu.memref_squeeze %dma_wait3A_305 : memref<1x1x128xi32, #tpu.memory_space<vmem>> -> memref<128xi32, #tpu.memory_space<vmem>>
    %dma_wait3A_307 = arith.constant 0 : i32
    %dma_wait3A_308 = arith.constant 0 : i32
    %dma_wait3A_309 = tpu.memref_slice %arg7[%dma_wait3A_307, %dma_wait3A_308] : memref<393216x64xf32, #tpu.memory_space<hbm>> -> memref<393216x64xf32, #tpu.memory_space<hbm>>
    tpu.wait_indirect_dma semaphore(%arg15 : memref<!tpu.dma_semaphore, #tpu.memory_space<semaphore_mem>>) src(%dma_wait3A_309 : memref<393216x64xf32, #tpu.memory_space<hbm>>) dst(%dma_wait3A_303 : memref<128x64xf32, #tpu.memory_space<vmem>>)
    %dma_wait3A_310 = arith.constant 0 : i32
    %dma_wait3A_311 = tpu.memref_slice %arg5[%add3A_253, %dma_wait3A_310] : memref<16384x64xf32, #tpu.memory_space<hbm>> -> memref<128x64xf32, #tpu.memory_space<hbm>>
    %dma_wait3A_312 = arith.constant 0 : i32
    %dma_wait3A_313 = tpu.memref_slice %arg5[%add3A_253, %dma_wait3A_312] : memref<16384x64xf32, #tpu.memory_space<hbm>> -> memref<128x64xf32, #tpu.memory_space<hbm>>
    tpu.wait_dma2 semaphore(%arg15 : memref<!tpu.dma_semaphore, #tpu.memory_space<semaphore_mem>>) src(%dma_wait3A_313 : memref<128x64xf32, #tpu.memory_space<hbm>>) dst(%arg14 : memref<128x64xf32, #tpu.memory_space<vmem>>)
    %scan3A_314 = arith.constant 0 : i32
    %scan3A_315 = arith.constant 0 : i32
    %scan3A_316 = arith.constant 128 : i32
    %scan3A_317 = arith.addi %scan3A_315, %scan3A_316 : i32
    %scan3A_318 = arith.constant 1 : i32
    %scan3A_319 = scf.for %scan3A_392 = %scan3A_315 to %scan3A_317 step %scan3A_318 iter_args(%scan3A_393 = %scan3A_314) -> (i32)  : i32 {
      %get3A = arith.index_cast %scan3A_392 : i32 to index
      %get3A_394 = arith.constant 0 : index
      %get3A_395 = tpu.vector_load %arg14[%get3A, %get3A_394] {strides = array<i32>} : memref<128x64xf32, #tpu.memory_space<vmem>>, vector<1x16xf32>,
      %get3A_396 = vector.shape_cast %get3A_395 : vector<1x16xf32> to vector<16xf32>
      %get3A_397 = arith.constant 0 : i32
      %get3A_398 = arith.index_cast %get3A_397 : i32 to index
      %get3A_399 = arith.index_cast %scan3A_392 : i32 to index
      %get3A_400 = arith.constant 0 : index
      %get3A_401 = tpu.vector_load %arg13[%get3A_398, %get3A_399, %get3A_400] {strides = array<i32>} : memref<2x128x64xf32, #tpu.memory_space<vmem>>, vector<1x1x16xf32>,
      %get3A_402 = vector.shape_cast %get3A_401 : vector<1x1x16xf32> to vector<16xf32>
      %add3A_403 = arith.addf %get3A_396, %get3A_402 : vector<16xf32>
      %get3A_404 = arith.constant 1 : i32
      %get3A_405 = arith.index_cast %get3A_404 : i32 to index
      %get3A_406 = arith.index_cast %scan3A_392 : i32 to index
      %get3A_407 = arith.constant 0 : index
      %get3A_408 = tpu.vector_load %arg13[%get3A_405, %get3A_406, %get3A_407] {strides = array<i32>} : memref<2x128x64xf32, #tpu.memory_space<vmem>>, vector<1x1x16xf32>,
      %get3A_409 = vector.shape_cast %get3A_408 : vector<1x1x16xf32> to vector<16xf32>
      %add3A_410 = arith.addf %add3A_403, %get3A_409 : vector<16xf32>
      %swap3A = arith.index_cast %scan3A_392 : i32 to index
      %swap3A_411 = arith.constant 0 : index
      %swap3A_412 = tpu.vector_load %arg14[%swap3A, %swap3A_411] {strides = array<i32>} : memref<128x64xf32, #tpu.memory_space<vmem>>, vector<1x16xf32>,
      %swap3A_413 = vector.shape_cast %swap3A_412 : vector<1x16xf32> to vector<16xf32>
      %swap3A_414 = vector.shape_cast %add3A_410 : vector<16xf32> to vector<1x16xf32>
      tpu.vector_store %arg14[%swap3A, %swap3A_411], %swap3A_414 {strides = array<i32>} : memref<128x64xf32, #tpu.memory_space<vmem>>, vector<1x16xf32>,
      %get3A_415 = arith.index_cast %scan3A_392 : i32 to index
      %get3A_416 = arith.constant 16 : index
      %get3A_417 = tpu.vector_load %arg14[%get3A_415, %get3A_416] {strides = array<i32>} : memref<128x64xf32, #tpu.memory_space<vmem>>, vector<1x16xf32>,
      %get3A_418 = vector.shape_cast %get3A_417 : vector<1x16xf32> to vector<16xf32>
      %get3A_419 = arith.constant 0 : i32
      %get3A_420 = arith.index_cast %get3A_419 : i32 to index
      %get3A_421 = arith.index_cast %scan3A_392 : i32 to index
      %get3A_422 = arith.constant 16 : index
      %get3A_423 = tpu.vector_load %arg13[%get3A_420, %get3A_421, %get3A_422] {strides = array<i32>} : memref<2x128x64xf32, #tpu.memory_space<vmem>>, vector<1x1x16xf32>,
      %get3A_424 = vector.shape_cast %get3A_423 : vector<1x1x16xf32> to vector<16xf32>
      %add3A_425 = arith.addf %get3A_418, %get3A_424 : vector<16xf32>
      %get3A_426 = arith.constant 1 : i32
      %get3A_427 = arith.index_cast %get3A_426 : i32 to index
      %get3A_428 = arith.index_cast %scan3A_392 : i32 to index
      %get3A_429 = arith.constant 16 : index
      %get3A_430 = tpu.vector_load %arg13[%get3A_427, %get3A_428, %get3A_429] {strides = array<i32>} : memref<2x128x64xf32, #tpu.memory_space<vmem>>, vector<1x1x16xf32>,
      %get3A_431 = vector.shape_cast %get3A_430 : vector<1x1x16xf32> to vector<16xf32>
      %add3A_432 = arith.addf %add3A_425, %get3A_431 : vector<16xf32>
      %swap3A_433 = arith.index_cast %scan3A_392 : i32 to index
      %swap3A_434 = arith.constant 16 : index
      %swap3A_435 = tpu.vector_load %arg14[%swap3A_433, %swap3A_434] {strides = array<i32>} : memref<128x64xf32, #tpu.memory_space<vmem>>, vector<1x16xf32>,
      %swap3A_436 = vector.shape_cast %swap3A_435 : vector<1x16xf32> to vector<16xf32>
      %swap3A_437 = vector.shape_cast %add3A_432 : vector<16xf32> to vector<1x16xf32>
      tpu.vector_store %arg14[%swap3A_433, %swap3A_434], %swap3A_437 {strides = array<i32>} : memref<128x64xf32, #tpu.memory_space<vmem>>, vector<1x16xf32>,
      %get3A_438 = arith.index_cast %scan3A_392 : i32 to index
      %get3A_439 = arith.constant 32 : index
      %get3A_440 = tpu.vector_load %arg14[%get3A_438, %get3A_439] {strides = array<i32>} : memref<128x64xf32, #tpu.memory_space<vmem>>, vector<1x16xf32>,
      %get3A_441 = vector.shape_cast %get3A_440 : vector<1x16xf32> to vector<16xf32>
      %get3A_442 = arith.constant 0 : i32
      %get3A_443 = arith.index_cast %get3A_442 : i32 to index
      %get3A_444 = arith.index_cast %scan3A_392 : i32 to index
      %get3A_445 = arith.constant 32 : index
      %get3A_446 = tpu.vector_load %arg13[%get3A_443, %get3A_444, %get3A_445] {strides = array<i32>} : memref<2x128x64xf32, #tpu.memory_space<vmem>>, vector<1x1x16xf32>,
      %get3A_447 = vector.shape_cast %get3A_446 : vector<1x1x16xf32> to vector<16xf32>
      %add3A_448 = arith.addf %get3A_441, %get3A_447 : vector<16xf32>
      %get3A_449 = arith.constant 1 : i32
      %get3A_450 = arith.index_cast %get3A_449 : i32 to index
      %get3A_451 = arith.index_cast %scan3A_392 : i32 to index
      %get3A_452 = arith.constant 32 : index
      %get3A_453 = tpu.vector_load %arg13[%get3A_450, %get3A_451, %get3A_452] {strides = array<i32>} : memref<2x128x64xf32, #tpu.memory_space<vmem>>, vector<1x1x16xf32>,
      %get3A_454 = vector.shape_cast %get3A_453 : vector<1x1x16xf32> to vector<16xf32>
      %add3A_455 = arith.addf %add3A_448, %get3A_454 : vector<16xf32>
      %swap3A_456 = arith.index_cast %scan3A_392 : i32 to index
      %swap3A_457 = arith.constant 32 : index
      %swap3A_458 = tpu.vector_load %arg14[%swap3A_456, %swap3A_457] {strides = array<i32>} : memref<128x64xf32, #tpu.memory_space<vmem>>, vector<1x16xf32>,
      %swap3A_459 = vector.shape_cast %swap3A_458 : vector<1x16xf32> to vector<16xf32>
      %swap3A_460 = vector.shape_cast %add3A_455 : vector<16xf32> to vector<1x16xf32>
      tpu.vector_store %arg14[%swap3A_456, %swap3A_457], %swap3A_460 {strides = array<i32>} : memref<128x64xf32, #tpu.memory_space<vmem>>, vector<1x16xf32>,
      %get3A_461 = arith.index_cast %scan3A_392 : i32 to index
      %get3A_462 = arith.constant 48 : index
      %get3A_463 = tpu.vector_load %arg14[%get3A_461, %get3A_462] {strides = array<i32>} : memref<128x64xf32, #tpu.memory_space<vmem>>, vector<1x16xf32>,
      %get3A_464 = vector.shape_cast %get3A_463 : vector<1x16xf32> to vector<16xf32>
      %get3A_465 = arith.constant 0 : i32
      %get3A_466 = arith.index_cast %get3A_465 : i32 to index
      %get3A_467 = arith.index_cast %scan3A_392 : i32 to index
      %get3A_468 = arith.constant 48 : index
      %get3A_469 = tpu.vector_load %arg13[%get3A_466, %get3A_467, %get3A_468] {strides = array<i32>} : memref<2x128x64xf32, #tpu.memory_space<vmem>>, vector<1x1x16xf32>,
      %get3A_470 = vector.shape_cast %get3A_469 : vector<1x1x16xf32> to vector<16xf32>
      %add3A_471 = arith.addf %get3A_464, %get3A_470 : vector<16xf32>
      %get3A_472 = arith.constant 1 : i32
      %get3A_473 = arith.index_cast %get3A_472 : i32 to index
      %get3A_474 = arith.index_cast %scan3A_392 : i32 to index
      %get3A_475 = arith.constant 48 : index
      %get3A_476 = tpu.vector_load %arg13[%get3A_473, %get3A_474, %get3A_475] {strides = array<i32>} : memref<2x128x64xf32, #tpu.memory_space<vmem>>, vector<1x1x16xf32>,
      %get3A_477 = vector.shape_cast %get3A_476 : vector<1x1x16xf32> to vector<16xf32>
      %add3A_478 = arith.addf %add3A_471, %get3A_477 : vector<16xf32>
      %swap3A_479 = arith.index_cast %scan3A_392 : i32 to index
      %swap3A_480 = arith.constant 48 : index
      %swap3A_481 = tpu.vector_load %arg14[%swap3A_479, %swap3A_480] {strides = array<i32>} : memref<128x64xf32, #tpu.memory_space<vmem>>, vector<1x16xf32>,
      %swap3A_482 = vector.shape_cast %swap3A_481 : vector<1x16xf32> to vector<16xf32>
      %swap3A_483 = vector.shape_cast %add3A_478 : vector<16xf32> to vector<1x16xf32>
      tpu.vector_store %arg14[%swap3A_479, %swap3A_480], %swap3A_483 {strides = array<i32>} : memref<128x64xf32, #tpu.memory_space<vmem>>, vector<1x16xf32>,
      %scan3A_484 = arith.constant 0 : i32
      scf.yield %scan3A_484 : i32
    }
    %scan3A_320 = arith.constant 128 : i32
    "tpu.region"() ({
      %run_scoped3A = tpu.sem_alloc : memref<!tpu.dma_semaphore, #tpu.memory_space<semaphore_mem>>
      %dma_start3A_392 = arith.constant 0 : i32
      %dma_start3A_393 = tpu.memref_slice %arg8[%add3A_253, %dma_start3A_392] : memref<16384x64xf32, #tpu.memory_space<hbm>> -> memref<128x64xf32, #tpu.memory_space<hbm>>
      %dma_start3A_394 = arith.constant 0 : i32
      %dma_start3A_395 = tpu.memref_slice %arg8[%add3A_253, %dma_start3A_394] : memref<16384x64xf32, #tpu.memory_space<hbm>> -> memref<128x64xf32, #tpu.memory_space<hbm>>
      tpu.enqueue_dma source(%arg14 : memref<128x64xf32, #tpu.memory_space<vmem>>) target(%dma_start3A_395 : memref<128x64xf32, #tpu.memory_space<hbm>>) target_semaphore(%run_scoped3A : memref<!tpu.dma_semaphore, #tpu.memory_space<semaphore_mem>>)
      %dma_wait3A_396 = arith.constant 0 : i32
      %dma_wait3A_397 = tpu.memref_slice %arg8[%add3A_253, %dma_wait3A_396] : memref<16384x64xf32, #tpu.memory_space<hbm>> -> memref<128x64xf32, #tpu.memory_space<hbm>>
      %dma_wait3A_398 = arith.constant 0 : i32
      %dma_wait3A_399 = tpu.memref_slice %arg8[%add3A_253, %dma_wait3A_398] : memref<16384x64xf32, #tpu.memory_space<hbm>> -> memref<128x64xf32, #tpu.memory_space<hbm>>
      tpu.wait_dma2 semaphore(%run_scoped3A : memref<!tpu.dma_semaphore, #tpu.memory_space<semaphore_mem>>) src(%arg14 : memref<128x64xf32, #tpu.memory_space<vmem>>) dst(%dma_wait3A_399 : memref<128x64xf32, #tpu.memory_space<hbm>>)
      tpu.yield
    }) : () -> ()
    %mul3A_321 = arith.constant 512 : i32
    %mul3A_322 = arith.muli %add3A, %mul3A_321 : i32
    %add3A_323 = arith.constant 384 : i32
    %add3A_324 = arith.addi %mul3A_322, %add3A_323 : i32
    %dma_start3A_325 = arith.constant 0 : i32
    %dma_start3A_326 = arith.constant 3 : i32
    %dma_start3A_327 = arith.constant 0 : i32
    %dma_start3A_328 = arith.constant 0 : i32
    %dma_start3A_329 = arith.constant 0 : i32
    %dma_start3A_330 = tpu.memref_slice %arg13[%dma_start3A_327, %dma_start3A_328, %dma_start3A_329] : memref<2x128x64xf32, #tpu.memory_space<vmem>> -> memref<1x128x64xf32, #tpu.memory_space<vmem>>
    %dma_start3A_331 = tpu.memref_squeeze %dma_start3A_330 : memref<1x128x64xf32, #tpu.memory_space<vmem>> -> memref<128x64xf32, #tpu.memory_space<vmem>>
    %dma_start3A_332 = arith.constant 0 : i32
    %dma_start3A_333 = tpu.memref_slice %arg12[%dma_start3A_325, %dma_start3A_326, %dma_start3A_332] : memref<2x4x128xi32, #tpu.memory_space<vmem>> -> memref<1x1x128xi32, #tpu.memory_space<vmem>>
    %dma_start3A_334 = tpu.memref_squeeze %dma_start3A_333 : memref<1x1x128xi32, #tpu.memory_space<vmem>> -> memref<128xi32, #tpu.memory_space<vmem>>
    %dma_start3A_335 = arith.constant 0 : i32
    %dma_start3A_336 = arith.constant 0 : i32
    %dma_start3A_337 = tpu.memref_slice %arg6[%dma_start3A_335, %dma_start3A_336] : memref<98304x64xf32, #tpu.memory_space<hbm>> -> memref<98304x64xf32, #tpu.memory_space<hbm>>
    tpu.enqueue_indirect_dma source(%dma_start3A_337 : memref<98304x64xf32, #tpu.memory_space<hbm>>) target(%dma_start3A_331 : memref<128x64xf32, #tpu.memory_space<vmem>>) offsets(%dma_start3A_334 : memref<128xi32, #tpu.memory_space<vmem>>) semaphore(%arg15 : memref<!tpu.dma_semaphore, #tpu.memory_space<semaphore_mem>>)
    %dma_start3A_338 = arith.constant 1 : i32
    %dma_start3A_339 = arith.constant 3 : i32
    %dma_start3A_340 = arith.constant 1 : i32
    %dma_start3A_341 = arith.constant 0 : i32
    %dma_start3A_342 = arith.constant 0 : i32
    %dma_start3A_343 = tpu.memref_slice %arg13[%dma_start3A_340, %dma_start3A_341, %dma_start3A_342] : memref<2x128x64xf32, #tpu.memory_space<vmem>> -> memref<1x128x64xf32, #tpu.memory_space<vmem>>
    %dma_start3A_344 = tpu.memref_squeeze %dma_start3A_343 : memref<1x128x64xf32, #tpu.memory_space<vmem>> -> memref<128x64xf32, #tpu.memory_space<vmem>>
    %dma_start3A_345 = arith.constant 0 : i32
    %dma_start3A_346 = tpu.memref_slice %arg12[%dma_start3A_338, %dma_start3A_339, %dma_start3A_345] : memref<2x4x128xi32, #tpu.memory_space<vmem>> -> memref<1x1x128xi32, #tpu.memory_space<vmem>>
    %dma_start3A_347 = tpu.memref_squeeze %dma_start3A_346 : memref<1x1x128xi32, #tpu.memory_space<vmem>> -> memref<128xi32, #tpu.memory_space<vmem>>
    %dma_start3A_348 = arith.constant 0 : i32
    %dma_start3A_349 = arith.constant 0 : i32
    %dma_start3A_350 = tpu.memref_slice %arg7[%dma_start3A_348, %dma_start3A_349] : memref<393216x64xf32, #tpu.memory_space<hbm>> -> memref<393216x64xf32, #tpu.memory_space<hbm>>
    tpu.enqueue_indirect_dma source(%dma_start3A_350 : memref<393216x64xf32, #tpu.memory_space<hbm>>) target(%dma_start3A_344 : memref<128x64xf32, #tpu.memory_space<vmem>>) offsets(%dma_start3A_347 : memref<128xi32, #tpu.memory_space<vmem>>) semaphore(%arg15 : memref<!tpu.dma_semaphore, #tpu.memory_space<semaphore_mem>>)
    %dma_start3A_351 = arith.constant 0 : i32
    %dma_start3A_352 = tpu.memref_slice %arg5[%add3A_324, %dma_start3A_351] : memref<16384x64xf32, #tpu.memory_space<hbm>> -> memref<128x64xf32, #tpu.memory_space<hbm>>
    %dma_start3A_353 = arith.constant 0 : i32
    %dma_start3A_354 = tpu.memref_slice %arg5[%add3A_324, %dma_start3A_353] : memref<16384x64xf32, #tpu.memory_space<hbm>> -> memref<128x64xf32, #tpu.memory_space<hbm>>
    tpu.enqueue_dma source(%dma_start3A_354 : memref<128x64xf32, #tpu.memory_space<hbm>>) target(%arg14 : memref<128x64xf32, #tpu.memory_space<vmem>>) target_semaphore(%arg15 : memref<!tpu.dma_semaphore, #tpu.memory_space<semaphore_mem>>)
    %dma_wait3A_355 = arith.constant 0 : i32
    %dma_wait3A_356 = arith.constant 3 : i32
    %dma_wait3A_357 = arith.constant 0 : i32
    %dma_wait3A_358 = arith.constant 0 : i32
    %dma_wait3A_359 = arith.constant 0 : i32
    %dma_wait3A_360 = tpu.memref_slice %arg13[%dma_wait3A_357, %dma_wait3A_358, %dma_wait3A_359] : memref<2x128x64xf32, #tpu.memory_space<vmem>> -> memref<1x128x64xf32, #tpu.memory_space<vmem>>
    %dma_wait3A_361 = tpu.memref_squeeze %dma_wait3A_360 : memref<1x128x64xf32, #tpu.memory_space<vmem>> -> memref<128x64xf32, #tpu.memory_space<vmem>>
    %dma_wait3A_362 = arith.constant 0 : i32
    %dma_wait3A_363 = tpu.memref_slice %arg12[%dma_wait3A_355, %dma_wait3A_356, %dma_wait3A_362] : memref<2x4x128xi32, #tpu.memory_space<vmem>> -> memref<1x1x128xi32, #tpu.memory_space<vmem>>
    %dma_wait3A_364 = tpu.memref_squeeze %dma_wait3A_363 : memref<1x1x128xi32, #tpu.memory_space<vmem>> -> memref<128xi32, #tpu.memory_space<vmem>>
    %dma_wait3A_365 = arith.constant 0 : i32
    %dma_wait3A_366 = arith.constant 0 : i32
    %dma_wait3A_367 = tpu.memref_slice %arg6[%dma_wait3A_365, %dma_wait3A_366] : memref<98304x64xf32, #tpu.memory_space<hbm>> -> memref<98304x64xf32, #tpu.memory_space<hbm>>
    tpu.wait_indirect_dma semaphore(%arg15 : memref<!tpu.dma_semaphore, #tpu.memory_space<semaphore_mem>>) src(%dma_wait3A_367 : memref<98304x64xf32, #tpu.memory_space<hbm>>) dst(%dma_wait3A_361 : memref<128x64xf32, #tpu.memory_space<vmem>>)
    %dma_wait3A_368 = arith.constant 1 : i32
    %dma_wait3A_369 = arith.constant 3 : i32
    %dma_wait3A_370 = arith.constant 1 : i32
    %dma_wait3A_371 = arith.constant 0 : i32
    %dma_wait3A_372 = arith.constant 0 : i32
    %dma_wait3A_373 = tpu.memref_slice %arg13[%dma_wait3A_370, %dma_wait3A_371, %dma_wait3A_372] : memref<2x128x64xf32, #tpu.memory_space<vmem>> -> memref<1x128x64xf32, #tpu.memory_space<vmem>>
    %dma_wait3A_374 = tpu.memref_squeeze %dma_wait3A_373 : memref<1x128x64xf32, #tpu.memory_space<vmem>> -> memref<128x64xf32, #tpu.memory_space<vmem>>
    %dma_wait3A_375 = arith.constant 0 : i32
    %dma_wait3A_376 = tpu.memref_slice %arg12[%dma_wait3A_368, %dma_wait3A_369, %dma_wait3A_375] : memref<2x4x128xi32, #tpu.memory_space<vmem>> -> memref<1x1x128xi32, #tpu.memory_space<vmem>>
    %dma_wait3A_377 = tpu.memref_squeeze %dma_wait3A_376 : memref<1x1x128xi32, #tpu.memory_space<vmem>> -> memref<128xi32, #tpu.memory_space<vmem>>
    %dma_wait3A_378 = arith.constant 0 : i32
    %dma_wait3A_379 = arith.constant 0 : i32
    %dma_wait3A_380 = tpu.memref_slice %arg7[%dma_wait3A_378, %dma_wait3A_379] : memref<393216x64xf32, #tpu.memory_space<hbm>> -> memref<393216x64xf32, #tpu.memory_space<hbm>>
    tpu.wait_indirect_dma semaphore(%arg15 : memref<!tpu.dma_semaphore, #tpu.memory_space<semaphore_mem>>) src(%dma_wait3A_380 : memref<393216x64xf32, #tpu.memory_space<hbm>>) dst(%dma_wait3A_374 : memref<128x64xf32, #tpu.memory_space<vmem>>)
    %dma_wait3A_381 = arith.constant 0 : i32
    %dma_wait3A_382 = tpu.memref_slice %arg5[%add3A_324, %dma_wait3A_381] : memref<16384x64xf32, #tpu.memory_space<hbm>> -> memref<128x64xf32, #tpu.memory_space<hbm>>
    %dma_wait3A_383 = arith.constant 0 : i32
    %dma_wait3A_384 = tpu.memref_slice %arg5[%add3A_324, %dma_wait3A_383] : memref<16384x64xf32, #tpu.memory_space<hbm>> -> memref<128x64xf32, #tpu.memory_space<hbm>>
    tpu.wait_dma2 semaphore(%arg15 : memref<!tpu.dma_semaphore, #tpu.memory_space<semaphore_mem>>) src(%dma_wait3A_384 : memref<128x64xf32, #tpu.memory_space<hbm>>) dst(%arg14 : memref<128x64xf32, #tpu.memory_space<vmem>>)
    %scan3A_385 = arith.constant 0 : i32
    %scan3A_386 = arith.constant 0 : i32
    %scan3A_387 = arith.constant 128 : i32
    %scan3A_388 = arith.addi %scan3A_386, %scan3A_387 : i32
    %scan3A_389 = arith.constant 1 : i32
    %scan3A_390 = scf.for %scan3A_392 = %scan3A_386 to %scan3A_388 step %scan3A_389 iter_args(%scan3A_393 = %scan3A_385) -> (i32)  : i32 {
      %get3A = arith.index_cast %scan3A_392 : i32 to index
      %get3A_394 = arith.constant 0 : index
      %get3A_395 = tpu.vector_load %arg14[%get3A, %get3A_394] {strides = array<i32>} : memref<128x64xf32, #tpu.memory_space<vmem>>, vector<1x16xf32>,
      %get3A_396 = vector.shape_cast %get3A_395 : vector<1x16xf32> to vector<16xf32>
      %get3A_397 = arith.constant 0 : i32
      %get3A_398 = arith.index_cast %get3A_397 : i32 to index
      %get3A_399 = arith.index_cast %scan3A_392 : i32 to index
      %get3A_400 = arith.constant 0 : index
      %get3A_401 = tpu.vector_load %arg13[%get3A_398, %get3A_399, %get3A_400] {strides = array<i32>} : memref<2x128x64xf32, #tpu.memory_space<vmem>>, vector<1x1x16xf32>,
      %get3A_402 = vector.shape_cast %get3A_401 : vector<1x1x16xf32> to vector<16xf32>
      %add3A_403 = arith.addf %get3A_396, %get3A_402 : vector<16xf32>
      %get3A_404 = arith.constant 1 : i32
      %get3A_405 = arith.index_cast %get3A_404 : i32 to index
      %get3A_406 = arith.index_cast %scan3A_392 : i32 to index
      %get3A_407 = arith.constant 0 : index
      %get3A_408 = tpu.vector_load %arg13[%get3A_405, %get3A_406, %get3A_407] {strides = array<i32>} : memref<2x128x64xf32, #tpu.memory_space<vmem>>, vector<1x1x16xf32>,
      %get3A_409 = vector.shape_cast %get3A_408 : vector<1x1x16xf32> to vector<16xf32>
      %add3A_410 = arith.addf %add3A_403, %get3A_409 : vector<16xf32>
      %swap3A = arith.index_cast %scan3A_392 : i32 to index
      %swap3A_411 = arith.constant 0 : index
      %swap3A_412 = tpu.vector_load %arg14[%swap3A, %swap3A_411] {strides = array<i32>} : memref<128x64xf32, #tpu.memory_space<vmem>>, vector<1x16xf32>,
      %swap3A_413 = vector.shape_cast %swap3A_412 : vector<1x16xf32> to vector<16xf32>
      %swap3A_414 = vector.shape_cast %add3A_410 : vector<16xf32> to vector<1x16xf32>
      tpu.vector_store %arg14[%swap3A, %swap3A_411], %swap3A_414 {strides = array<i32>} : memref<128x64xf32, #tpu.memory_space<vmem>>, vector<1x16xf32>,
      %get3A_415 = arith.index_cast %scan3A_392 : i32 to index
      %get3A_416 = arith.constant 16 : index
      %get3A_417 = tpu.vector_load %arg14[%get3A_415, %get3A_416] {strides = array<i32>} : memref<128x64xf32, #tpu.memory_space<vmem>>, vector<1x16xf32>,
      %get3A_418 = vector.shape_cast %get3A_417 : vector<1x16xf32> to vector<16xf32>
      %get3A_419 = arith.constant 0 : i32
      %get3A_420 = arith.index_cast %get3A_419 : i32 to index
      %get3A_421 = arith.index_cast %scan3A_392 : i32 to index
      %get3A_422 = arith.constant 16 : index
      %get3A_423 = tpu.vector_load %arg13[%get3A_420, %get3A_421, %get3A_422] {strides = array<i32>} : memref<2x128x64xf32, #tpu.memory_space<vmem>>, vector<1x1x16xf32>,
      %get3A_424 = vector.shape_cast %get3A_423 : vector<1x1x16xf32> to vector<16xf32>
      %add3A_425 = arith.addf %get3A_418, %get3A_424 : vector<16xf32>
      %get3A_426 = arith.constant 1 : i32
      %get3A_427 = arith.index_cast %get3A_426 : i32 to index
      %get3A_428 = arith.index_cast %scan3A_392 : i32 to index
      %get3A_429 = arith.constant 16 : index
      %get3A_430 = tpu.vector_load %arg13[%get3A_427, %get3A_428, %get3A_429] {strides = array<i32>} : memref<2x128x64xf32, #tpu.memory_space<vmem>>, vector<1x1x16xf32>,
      %get3A_431 = vector.shape_cast %get3A_430 : vector<1x1x16xf32> to vector<16xf32>
      %add3A_432 = arith.addf %add3A_425, %get3A_431 : vector<16xf32>
      %swap3A_433 = arith.index_cast %scan3A_392 : i32 to index
      %swap3A_434 = arith.constant 16 : index
      %swap3A_435 = tpu.vector_load %arg14[%swap3A_433, %swap3A_434] {strides = array<i32>} : memref<128x64xf32, #tpu.memory_space<vmem>>, vector<1x16xf32>,
      %swap3A_436 = vector.shape_cast %swap3A_435 : vector<1x16xf32> to vector<16xf32>
      %swap3A_437 = vector.shape_cast %add3A_432 : vector<16xf32> to vector<1x16xf32>
      tpu.vector_store %arg14[%swap3A_433, %swap3A_434], %swap3A_437 {strides = array<i32>} : memref<128x64xf32, #tpu.memory_space<vmem>>, vector<1x16xf32>,
      %get3A_438 = arith.index_cast %scan3A_392 : i32 to index
      %get3A_439 = arith.constant 32 : index
      %get3A_440 = tpu.vector_load %arg14[%get3A_438, %get3A_439] {strides = array<i32>} : memref<128x64xf32, #tpu.memory_space<vmem>>, vector<1x16xf32>,
      %get3A_441 = vector.shape_cast %get3A_440 : vector<1x16xf32> to vector<16xf32>
      %get3A_442 = arith.constant 0 : i32
      %get3A_443 = arith.index_cast %get3A_442 : i32 to index
      %get3A_444 = arith.index_cast %scan3A_392 : i32 to index
      %get3A_445 = arith.constant 32 : index
      %get3A_446 = tpu.vector_load %arg13[%get3A_443, %get3A_444, %get3A_445] {strides = array<i32>} : memref<2x128x64xf32, #tpu.memory_space<vmem>>, vector<1x1x16xf32>,
      %get3A_447 = vector.shape_cast %get3A_446 : vector<1x1x16xf32> to vector<16xf32>
      %add3A_448 = arith.addf %get3A_441, %get3A_447 : vector<16xf32>
      %get3A_449 = arith.constant 1 : i32
      %get3A_450 = arith.index_cast %get3A_449 : i32 to index
      %get3A_451 = arith.index_cast %scan3A_392 : i32 to index
      %get3A_452 = arith.constant 32 : index
      %get3A_453 = tpu.vector_load %arg13[%get3A_450, %get3A_451, %get3A_452] {strides = array<i32>} : memref<2x128x64xf32, #tpu.memory_space<vmem>>, vector<1x1x16xf32>,
      %get3A_454 = vector.shape_cast %get3A_453 : vector<1x1x16xf32> to vector<16xf32>
      %add3A_455 = arith.addf %add3A_448, %get3A_454 : vector<16xf32>
      %swap3A_456 = arith.index_cast %scan3A_392 : i32 to index
      %swap3A_457 = arith.constant 32 : index
      %swap3A_458 = tpu.vector_load %arg14[%swap3A_456, %swap3A_457] {strides = array<i32>} : memref<128x64xf32, #tpu.memory_space<vmem>>, vector<1x16xf32>,
      %swap3A_459 = vector.shape_cast %swap3A_458 : vector<1x16xf32> to vector<16xf32>
      %swap3A_460 = vector.shape_cast %add3A_455 : vector<16xf32> to vector<1x16xf32>
      tpu.vector_store %arg14[%swap3A_456, %swap3A_457], %swap3A_460 {strides = array<i32>} : memref<128x64xf32, #tpu.memory_space<vmem>>, vector<1x16xf32>,
      %get3A_461 = arith.index_cast %scan3A_392 : i32 to index
      %get3A_462 = arith.constant 48 : index
      %get3A_463 = tpu.vector_load %arg14[%get3A_461, %get3A_462] {strides = array<i32>} : memref<128x64xf32, #tpu.memory_space<vmem>>, vector<1x16xf32>,
      %get3A_464 = vector.shape_cast %get3A_463 : vector<1x16xf32> to vector<16xf32>
      %get3A_465 = arith.constant 0 : i32
      %get3A_466 = arith.index_cast %get3A_465 : i32 to index
      %get3A_467 = arith.index_cast %scan3A_392 : i32 to index
      %get3A_468 = arith.constant 48 : index
      %get3A_469 = tpu.vector_load %arg13[%get3A_466, %get3A_467, %get3A_468] {strides = array<i32>} : memref<2x128x64xf32, #tpu.memory_space<vmem>>, vector<1x1x16xf32>,
      %get3A_470 = vector.shape_cast %get3A_469 : vector<1x1x16xf32> to vector<16xf32>
      %add3A_471 = arith.addf %get3A_464, %get3A_470 : vector<16xf32>
      %get3A_472 = arith.constant 1 : i32
      %get3A_473 = arith.index_cast %get3A_472 : i32 to index
      %get3A_474 = arith.index_cast %scan3A_392 : i32 to index
      %get3A_475 = arith.constant 48 : index
      %get3A_476 = tpu.vector_load %arg13[%get3A_473, %get3A_474, %get3A_475] {strides = array<i32>} : memref<2x128x64xf32, #tpu.memory_space<vmem>>, vector<1x1x16xf32>,
      %get3A_477 = vector.shape_cast %get3A_476 : vector<1x1x16xf32> to vector<16xf32>
      %add3A_478 = arith.addf %add3A_471, %get3A_477 : vector<16xf32>
      %swap3A_479 = arith.index_cast %scan3A_392 : i32 to index
      %swap3A_480 = arith.constant 48 : index
      %swap3A_481 = tpu.vector_load %arg14[%swap3A_479, %swap3A_480] {strides = array<i32>} : memref<128x64xf32, #tpu.memory_space<vmem>>, vector<1x16xf32>,
      %swap3A_482 = vector.shape_cast %swap3A_481 : vector<1x16xf32> to vector<16xf32>
      %swap3A_483 = vector.shape_cast %add3A_478 : vector<16xf32> to vector<1x16xf32>
      tpu.vector_store %arg14[%swap3A_479, %swap3A_480], %swap3A_483 {strides = array<i32>} : memref<128x64xf32, #tpu.memory_space<vmem>>, vector<1x16xf32>,
      %scan3A_484 = arith.constant 0 : i32
      scf.yield %scan3A_484 : i32
    }
    %scan3A_391 = arith.constant 128 : i32
    "tpu.region"() ({
      %run_scoped3A = tpu.sem_alloc : memref<!tpu.dma_semaphore, #tpu.memory_space<semaphore_mem>>
      %dma_start3A_392 = arith.constant 0 : i32
      %dma_start3A_393 = tpu.memref_slice %arg8[%add3A_324, %dma_start3A_392] : memref<16384x64xf32, #tpu.memory_space<hbm>> -> memref<128x64xf32, #tpu.memory_space<hbm>>
      %dma_start3A_394 = arith.constant 0 : i32
      %dma_start3A_395 = tpu.memref_slice %arg8[%add3A_324, %dma_start3A_394] : memref<16384x64xf32, #tpu.memory_space<hbm>> -> memref<128x64xf32, #tpu.memory_space<hbm>>
      tpu.enqueue_dma source(%arg14 : memref<128x64xf32, #tpu.memory_space<vmem>>) target(%dma_start3A_395 : memref<128x64xf32, #tpu.memory_space<hbm>>) target_semaphore(%run_scoped3A : memref<!tpu.dma_semaphore, #tpu.memory_space<semaphore_mem>>)
      %dma_wait3A_396 = arith.constant 0 : i32
      %dma_wait3A_397 = tpu.memref_slice %arg8[%add3A_324, %dma_wait3A_396] : memref<16384x64xf32, #tpu.memory_space<hbm>> -> memref<128x64xf32, #tpu.memory_space<hbm>>
      %dma_wait3A_398 = arith.constant 0 : i32
      %dma_wait3A_399 = tpu.memref_slice %arg8[%add3A_324, %dma_wait3A_398] : memref<16384x64xf32, #tpu.memory_space<hbm>> -> memref<128x64xf32, #tpu.memory_space<hbm>>
      tpu.wait_dma2 semaphore(%run_scoped3A : memref<!tpu.dma_semaphore, #tpu.memory_space<semaphore_mem>>) src(%arg14 : memref<128x64xf32, #tpu.memory_space<vmem>>) dst(%dma_wait3A_399 : memref<128x64xf32, #tpu.memory_space<hbm>>)
      tpu.yield
    }) : () -> ()
    return
  }
}

#map = affine_map<(d0, d1) -> (0, 0)>
#map1 = affine_map<(d0, d1) -> (0)>
module attributes {stable_mosaic.version = 14 : i64} {
  func.func @_body_low(%arg0: i32, %arg1: i32, %arg2: memref<128x128xi32, #tpu.memory_space<hbm>>, %arg3: memref<128x128xi32, #tpu.memory_space<hbm>>, %arg4: memref<100000xi32, #tpu.memory_space<hbm>>, %arg5: memref<3072x64xf32, #tpu.memory_space<hbm>>, %arg6: memref<6144x64xf32, #tpu.memory_space<hbm>>, %arg7: memref<6144x64xf32, #tpu.memory_space<hbm>>, %arg8: memref<6144x64xf32, #tpu.memory_space<hbm>>, %arg9: memref<6144x64xf32, #tpu.memory_space<hbm>>, %arg10: memref<24576x64xf32, #tpu.memory_space<hbm>>, %arg11: memref<16384x64xf32, #tpu.memory_space<hbm>>, %arg12: memref<4x128xi32, #tpu.memory_space<vmem>>, %arg13: memref<4x128xi32, #tpu.memory_space<vmem>>, %arg14: memref<4x128xi32, #tpu.memory_space<vmem>>, %arg15: memref<6x4x128xi32, #tpu.memory_space<vmem>>, %arg16: memref<6x128x64xf32, #tpu.memory_space<vmem>>, %arg17: memref<!tpu.dma_semaphore, #tpu.memory_space<semaphore_mem>>) attributes {dimension_semantics = [#tpu.dimension_semantics<core_parallel>, #tpu.dimension_semantics<subcore_parallel>], iteration_bounds = array<i64: 2, 16>, scalar_prefetch = 0 : i64, scratch_operands = 6 : i64, tpu.core_type = #tpu.core_type<sc_vector_subcore>, window_params = [{transform_indices = #map}, {transform_indices = #map}, {transform_indices = #map1}, {transform_indices = #map}, {transform_indices = #map}, {transform_indices = #map}, {transform_indices = #map}, {transform_indices = #map}, {transform_indices = #map}, {transform_indices = #map}]} {
    %mul3A = arith.constant 2 : i32
    %mul3A_0 = arith.muli %arg1, %mul3A : i32
    %add3A = arith.addi %mul3A_0, %arg0 : i32
    %mul3A_1 = arith.constant 4 : i32
    %mul3A_2 = arith.muli %add3A, %mul3A_1 : i32
    "tpu.region"() ({
      %run_scoped3A_779 = tpu.sem_alloc : memref<!tpu.dma_semaphore, #tpu.memory_space<semaphore_mem>>
      %dma_start3A_780 = arith.constant 0 : i32
      %dma_start3A_781 = tpu.memref_slice %arg2[%mul3A_2, %dma_start3A_780] : memref<128x128xi32, #tpu.memory_space<hbm>> -> memref<4x128xi32, #tpu.memory_space<hbm>>
      %dma_start3A_782 = arith.constant 0 : i32
      %dma_start3A_783 = tpu.memref_slice %arg2[%mul3A_2, %dma_start3A_782] : memref<128x128xi32, #tpu.memory_space<hbm>> -> memref<4x128xi32, #tpu.memory_space<hbm>>
      tpu.enqueue_dma source(%dma_start3A_783 : memref<4x128xi32, #tpu.memory_space<hbm>>) target(%arg12 : memref<4x128xi32, #tpu.memory_space<vmem>>) target_semaphore(%run_scoped3A_779 : memref<!tpu.dma_semaphore, #tpu.memory_space<semaphore_mem>>)
      %dma_wait3A_784 = arith.constant 0 : i32
      %dma_wait3A_785 = tpu.memref_slice %arg2[%mul3A_2, %dma_wait3A_784] : memref<128x128xi32, #tpu.memory_space<hbm>> -> memref<4x128xi32, #tpu.memory_space<hbm>>
      %dma_wait3A_786 = arith.constant 0 : i32
      %dma_wait3A_787 = tpu.memref_slice %arg2[%mul3A_2, %dma_wait3A_786] : memref<128x128xi32, #tpu.memory_space<hbm>> -> memref<4x128xi32, #tpu.memory_space<hbm>>
      tpu.wait_dma2 semaphore(%run_scoped3A_779 : memref<!tpu.dma_semaphore, #tpu.memory_space<semaphore_mem>>) src(%dma_wait3A_787 : memref<4x128xi32, #tpu.memory_space<hbm>>) dst(%arg12 : memref<4x128xi32, #tpu.memory_space<vmem>>)
      tpu.yield
    }) : () -> ()
    "tpu.region"() ({
      %run_scoped3A_779 = tpu.sem_alloc : memref<!tpu.dma_semaphore, #tpu.memory_space<semaphore_mem>>
      %dma_start3A_780 = arith.constant 0 : i32
      %dma_start3A_781 = tpu.memref_slice %arg3[%mul3A_2, %dma_start3A_780] : memref<128x128xi32, #tpu.memory_space<hbm>> -> memref<4x128xi32, #tpu.memory_space<hbm>>
      %dma_start3A_782 = arith.constant 0 : i32
      %dma_start3A_783 = tpu.memref_slice %arg3[%mul3A_2, %dma_start3A_782] : memref<128x128xi32, #tpu.memory_space<hbm>> -> memref<4x128xi32, #tpu.memory_space<hbm>>
      tpu.enqueue_dma source(%dma_start3A_783 : memref<4x128xi32, #tpu.memory_space<hbm>>) target(%arg13 : memref<4x128xi32, #tpu.memory_space<vmem>>) target_semaphore(%run_scoped3A_779 : memref<!tpu.dma_semaphore, #tpu.memory_space<semaphore_mem>>)
      %dma_wait3A_784 = arith.constant 0 : i32
      %dma_wait3A_785 = tpu.memref_slice %arg3[%mul3A_2, %dma_wait3A_784] : memref<128x128xi32, #tpu.memory_space<hbm>> -> memref<4x128xi32, #tpu.memory_space<hbm>>
      %dma_wait3A_786 = arith.constant 0 : i32
      %dma_wait3A_787 = tpu.memref_slice %arg3[%mul3A_2, %dma_wait3A_786] : memref<128x128xi32, #tpu.memory_space<hbm>> -> memref<4x128xi32, #tpu.memory_space<hbm>>
      tpu.wait_dma2 semaphore(%run_scoped3A_779 : memref<!tpu.dma_semaphore, #tpu.memory_space<semaphore_mem>>) src(%dma_wait3A_787 : memref<4x128xi32, #tpu.memory_space<hbm>>) dst(%arg13 : memref<4x128xi32, #tpu.memory_space<vmem>>)
      tpu.yield
    }) : () -> ()
    %dma_start3A = arith.constant 0 : i32
    %dma_start3A_3 = arith.constant 0 : i32
    %dma_start3A_4 = arith.constant 0 : i32
    %dma_start3A_5 = tpu.memref_slice %arg14[%dma_start3A_3, %dma_start3A_4] : memref<4x128xi32, #tpu.memory_space<vmem>> -> memref<1x128xi32, #tpu.memory_space<vmem>>
    %dma_start3A_6 = tpu.memref_squeeze %dma_start3A_5 : memref<1x128xi32, #tpu.memory_space<vmem>> -> memref<128xi32, #tpu.memory_space<vmem>>
    %dma_start3A_7 = arith.constant 0 : i32
    %dma_start3A_8 = tpu.memref_slice %arg12[%dma_start3A, %dma_start3A_7] : memref<4x128xi32, #tpu.memory_space<vmem>> -> memref<1x128xi32, #tpu.memory_space<vmem>>
    %dma_start3A_9 = tpu.memref_squeeze %dma_start3A_8 : memref<1x128xi32, #tpu.memory_space<vmem>> -> memref<128xi32, #tpu.memory_space<vmem>>
    %dma_start3A_10 = arith.constant 0 : i32
    %dma_start3A_11 = tpu.memref_slice %arg4[%dma_start3A_10] : memref<100000xi32, #tpu.memory_space<hbm>> -> memref<100000xi32, #tpu.memory_space<hbm>>
    tpu.enqueue_indirect_dma source(%dma_start3A_11 : memref<100000xi32, #tpu.memory_space<hbm>>) target(%dma_start3A_6 : memref<128xi32, #tpu.memory_space<vmem>>) offsets(%dma_start3A_9 : memref<128xi32, #tpu.memory_space<vmem>>) semaphore(%arg17 : memref<!tpu.dma_semaphore, #tpu.memory_space<semaphore_mem>>)
    %dma_start3A_12 = arith.constant 1 : i32
    %dma_start3A_13 = arith.constant 1 : i32
    %dma_start3A_14 = arith.constant 0 : i32
    %dma_start3A_15 = tpu.memref_slice %arg14[%dma_start3A_13, %dma_start3A_14] : memref<4x128xi32, #tpu.memory_space<vmem>> -> memref<1x128xi32, #tpu.memory_space<vmem>>
    %dma_start3A_16 = tpu.memref_squeeze %dma_start3A_15 : memref<1x128xi32, #tpu.memory_space<vmem>> -> memref<128xi32, #tpu.memory_space<vmem>>
    %dma_start3A_17 = arith.constant 0 : i32
    %dma_start3A_18 = tpu.memref_slice %arg12[%dma_start3A_12, %dma_start3A_17] : memref<4x128xi32, #tpu.memory_space<vmem>> -> memref<1x128xi32, #tpu.memory_space<vmem>>
    %dma_start3A_19 = tpu.memref_squeeze %dma_start3A_18 : memref<1x128xi32, #tpu.memory_space<vmem>> -> memref<128xi32, #tpu.memory_space<vmem>>
    %dma_start3A_20 = arith.constant 0 : i32
    %dma_start3A_21 = tpu.memref_slice %arg4[%dma_start3A_20] : memref<100000xi32, #tpu.memory_space<hbm>> -> memref<100000xi32, #tpu.memory_space<hbm>>
    tpu.enqueue_indirect_dma source(%dma_start3A_21 : memref<100000xi32, #tpu.memory_space<hbm>>) target(%dma_start3A_16 : memref<128xi32, #tpu.memory_space<vmem>>) offsets(%dma_start3A_19 : memref<128xi32, #tpu.memory_space<vmem>>) semaphore(%arg17 : memref<!tpu.dma_semaphore, #tpu.memory_space<semaphore_mem>>)
    %dma_start3A_22 = arith.constant 2 : i32
    %dma_start3A_23 = arith.constant 2 : i32
    %dma_start3A_24 = arith.constant 0 : i32
    %dma_start3A_25 = tpu.memref_slice %arg14[%dma_start3A_23, %dma_start3A_24] : memref<4x128xi32, #tpu.memory_space<vmem>> -> memref<1x128xi32, #tpu.memory_space<vmem>>
    %dma_start3A_26 = tpu.memref_squeeze %dma_start3A_25 : memref<1x128xi32, #tpu.memory_space<vmem>> -> memref<128xi32, #tpu.memory_space<vmem>>
    %dma_start3A_27 = arith.constant 0 : i32
    %dma_start3A_28 = tpu.memref_slice %arg12[%dma_start3A_22, %dma_start3A_27] : memref<4x128xi32, #tpu.memory_space<vmem>> -> memref<1x128xi32, #tpu.memory_space<vmem>>
    %dma_start3A_29 = tpu.memref_squeeze %dma_start3A_28 : memref<1x128xi32, #tpu.memory_space<vmem>> -> memref<128xi32, #tpu.memory_space<vmem>>
    %dma_start3A_30 = arith.constant 0 : i32
    %dma_start3A_31 = tpu.memref_slice %arg4[%dma_start3A_30] : memref<100000xi32, #tpu.memory_space<hbm>> -> memref<100000xi32, #tpu.memory_space<hbm>>
    tpu.enqueue_indirect_dma source(%dma_start3A_31 : memref<100000xi32, #tpu.memory_space<hbm>>) target(%dma_start3A_26 : memref<128xi32, #tpu.memory_space<vmem>>) offsets(%dma_start3A_29 : memref<128xi32, #tpu.memory_space<vmem>>) semaphore(%arg17 : memref<!tpu.dma_semaphore, #tpu.memory_space<semaphore_mem>>)
    %dma_start3A_32 = arith.constant 3 : i32
    %dma_start3A_33 = arith.constant 3 : i32
    %dma_start3A_34 = arith.constant 0 : i32
    %dma_start3A_35 = tpu.memref_slice %arg14[%dma_start3A_33, %dma_start3A_34] : memref<4x128xi32, #tpu.memory_space<vmem>> -> memref<1x128xi32, #tpu.memory_space<vmem>>
    %dma_start3A_36 = tpu.memref_squeeze %dma_start3A_35 : memref<1x128xi32, #tpu.memory_space<vmem>> -> memref<128xi32, #tpu.memory_space<vmem>>
    %dma_start3A_37 = arith.constant 0 : i32
    %dma_start3A_38 = tpu.memref_slice %arg12[%dma_start3A_32, %dma_start3A_37] : memref<4x128xi32, #tpu.memory_space<vmem>> -> memref<1x128xi32, #tpu.memory_space<vmem>>
    %dma_start3A_39 = tpu.memref_squeeze %dma_start3A_38 : memref<1x128xi32, #tpu.memory_space<vmem>> -> memref<128xi32, #tpu.memory_space<vmem>>
    %dma_start3A_40 = arith.constant 0 : i32
    %dma_start3A_41 = tpu.memref_slice %arg4[%dma_start3A_40] : memref<100000xi32, #tpu.memory_space<hbm>> -> memref<100000xi32, #tpu.memory_space<hbm>>
    tpu.enqueue_indirect_dma source(%dma_start3A_41 : memref<100000xi32, #tpu.memory_space<hbm>>) target(%dma_start3A_36 : memref<128xi32, #tpu.memory_space<vmem>>) offsets(%dma_start3A_39 : memref<128xi32, #tpu.memory_space<vmem>>) semaphore(%arg17 : memref<!tpu.dma_semaphore, #tpu.memory_space<semaphore_mem>>)
    %dma_wait3A = arith.constant 0 : i32
    %dma_wait3A_42 = arith.constant 0 : i32
    %dma_wait3A_43 = arith.constant 0 : i32
    %dma_wait3A_44 = tpu.memref_slice %arg14[%dma_wait3A_42, %dma_wait3A_43] : memref<4x128xi32, #tpu.memory_space<vmem>> -> memref<1x128xi32, #tpu.memory_space<vmem>>
    %dma_wait3A_45 = tpu.memref_squeeze %dma_wait3A_44 : memref<1x128xi32, #tpu.memory_space<vmem>> -> memref<128xi32, #tpu.memory_space<vmem>>
    %dma_wait3A_46 = arith.constant 0 : i32
    %dma_wait3A_47 = tpu.memref_slice %arg12[%dma_wait3A, %dma_wait3A_46] : memref<4x128xi32, #tpu.memory_space<vmem>> -> memref<1x128xi32, #tpu.memory_space<vmem>>
    %dma_wait3A_48 = tpu.memref_squeeze %dma_wait3A_47 : memref<1x128xi32, #tpu.memory_space<vmem>> -> memref<128xi32, #tpu.memory_space<vmem>>
    %dma_wait3A_49 = arith.constant 0 : i32
    %dma_wait3A_50 = tpu.memref_slice %arg4[%dma_wait3A_49] : memref<100000xi32, #tpu.memory_space<hbm>> -> memref<100000xi32, #tpu.memory_space<hbm>>
    tpu.wait_indirect_dma semaphore(%arg17 : memref<!tpu.dma_semaphore, #tpu.memory_space<semaphore_mem>>) src(%dma_wait3A_50 : memref<100000xi32, #tpu.memory_space<hbm>>) dst(%dma_wait3A_45 : memref<128xi32, #tpu.memory_space<vmem>>)
    %dma_wait3A_51 = arith.constant 1 : i32
    %dma_wait3A_52 = arith.constant 1 : i32
    %dma_wait3A_53 = arith.constant 0 : i32
    %dma_wait3A_54 = tpu.memref_slice %arg14[%dma_wait3A_52, %dma_wait3A_53] : memref<4x128xi32, #tpu.memory_space<vmem>> -> memref<1x128xi32, #tpu.memory_space<vmem>>
    %dma_wait3A_55 = tpu.memref_squeeze %dma_wait3A_54 : memref<1x128xi32, #tpu.memory_space<vmem>> -> memref<128xi32, #tpu.memory_space<vmem>>
    %dma_wait3A_56 = arith.constant 0 : i32
    %dma_wait3A_57 = tpu.memref_slice %arg12[%dma_wait3A_51, %dma_wait3A_56] : memref<4x128xi32, #tpu.memory_space<vmem>> -> memref<1x128xi32, #tpu.memory_space<vmem>>
    %dma_wait3A_58 = tpu.memref_squeeze %dma_wait3A_57 : memref<1x128xi32, #tpu.memory_space<vmem>> -> memref<128xi32, #tpu.memory_space<vmem>>
    %dma_wait3A_59 = arith.constant 0 : i32
    %dma_wait3A_60 = tpu.memref_slice %arg4[%dma_wait3A_59] : memref<100000xi32, #tpu.memory_space<hbm>> -> memref<100000xi32, #tpu.memory_space<hbm>>
    tpu.wait_indirect_dma semaphore(%arg17 : memref<!tpu.dma_semaphore, #tpu.memory_space<semaphore_mem>>) src(%dma_wait3A_60 : memref<100000xi32, #tpu.memory_space<hbm>>) dst(%dma_wait3A_55 : memref<128xi32, #tpu.memory_space<vmem>>)
    %dma_wait3A_61 = arith.constant 2 : i32
    %dma_wait3A_62 = arith.constant 2 : i32
    %dma_wait3A_63 = arith.constant 0 : i32
    %dma_wait3A_64 = tpu.memref_slice %arg14[%dma_wait3A_62, %dma_wait3A_63] : memref<4x128xi32, #tpu.memory_space<vmem>> -> memref<1x128xi32, #tpu.memory_space<vmem>>
    %dma_wait3A_65 = tpu.memref_squeeze %dma_wait3A_64 : memref<1x128xi32, #tpu.memory_space<vmem>> -> memref<128xi32, #tpu.memory_space<vmem>>
    %dma_wait3A_66 = arith.constant 0 : i32
    %dma_wait3A_67 = tpu.memref_slice %arg12[%dma_wait3A_61, %dma_wait3A_66] : memref<4x128xi32, #tpu.memory_space<vmem>> -> memref<1x128xi32, #tpu.memory_space<vmem>>
    %dma_wait3A_68 = tpu.memref_squeeze %dma_wait3A_67 : memref<1x128xi32, #tpu.memory_space<vmem>> -> memref<128xi32, #tpu.memory_space<vmem>>
    %dma_wait3A_69 = arith.constant 0 : i32
    %dma_wait3A_70 = tpu.memref_slice %arg4[%dma_wait3A_69] : memref<100000xi32, #tpu.memory_space<hbm>> -> memref<100000xi32, #tpu.memory_space<hbm>>
    tpu.wait_indirect_dma semaphore(%arg17 : memref<!tpu.dma_semaphore, #tpu.memory_space<semaphore_mem>>) src(%dma_wait3A_70 : memref<100000xi32, #tpu.memory_space<hbm>>) dst(%dma_wait3A_65 : memref<128xi32, #tpu.memory_space<vmem>>)
    %dma_wait3A_71 = arith.constant 3 : i32
    %dma_wait3A_72 = arith.constant 3 : i32
    %dma_wait3A_73 = arith.constant 0 : i32
    %dma_wait3A_74 = tpu.memref_slice %arg14[%dma_wait3A_72, %dma_wait3A_73] : memref<4x128xi32, #tpu.memory_space<vmem>> -> memref<1x128xi32, #tpu.memory_space<vmem>>
    %dma_wait3A_75 = tpu.memref_squeeze %dma_wait3A_74 : memref<1x128xi32, #tpu.memory_space<vmem>> -> memref<128xi32, #tpu.memory_space<vmem>>
    %dma_wait3A_76 = arith.constant 0 : i32
    %dma_wait3A_77 = tpu.memref_slice %arg12[%dma_wait3A_71, %dma_wait3A_76] : memref<4x128xi32, #tpu.memory_space<vmem>> -> memref<1x128xi32, #tpu.memory_space<vmem>>
    %dma_wait3A_78 = tpu.memref_squeeze %dma_wait3A_77 : memref<1x128xi32, #tpu.memory_space<vmem>> -> memref<128xi32, #tpu.memory_space<vmem>>
    %dma_wait3A_79 = arith.constant 0 : i32
    %dma_wait3A_80 = tpu.memref_slice %arg4[%dma_wait3A_79] : memref<100000xi32, #tpu.memory_space<hbm>> -> memref<100000xi32, #tpu.memory_space<hbm>>
    tpu.wait_indirect_dma semaphore(%arg17 : memref<!tpu.dma_semaphore, #tpu.memory_space<semaphore_mem>>) src(%dma_wait3A_80 : memref<100000xi32, #tpu.memory_space<hbm>>) dst(%dma_wait3A_75 : memref<128xi32, #tpu.memory_space<vmem>>)
    %scan3A = arith.constant 0 : i32
    %scan3A_81 = arith.constant 0 : i32
    %scan3A_82 = arith.constant 8 : i32
    %scan3A_83 = arith.addi %scan3A_81, %scan3A_82 : i32
    %scan3A_84 = arith.constant 1 : i32
    %scan3A_85 = scf.for %scan3A_779 = %scan3A_81 to %scan3A_83 step %scan3A_84 iter_args(%scan3A_780 = %scan3A) -> (i32)  : i32 {
      %mul3A_781 = arith.constant 16 : i32
      %mul3A_782 = arith.muli %scan3A_779, %mul3A_781 : i32
      %get3A = arith.constant 0 : i32
      %get3A_783 = arith.index_cast %get3A : i32 to index
      %get3A_784 = arith.index_cast %mul3A_782 : i32 to index
      %get3A_785 = tpu.vector_load %arg14[%get3A_783, %get3A_784] {strides = array<i32>} : memref<4x128xi32, #tpu.memory_space<vmem>>, vector<1x16xi32>,
      %get3A_786 = vector.shape_cast %get3A_785 : vector<1x16xi32> to vector<16xi32>
      %get3A_787 = arith.constant 0 : i32
      %get3A_788 = arith.index_cast %get3A_787 : i32 to index
      %get3A_789 = arith.index_cast %mul3A_782 : i32 to index
      %get3A_790 = tpu.vector_load %arg13[%get3A_788, %get3A_789] {strides = array<i32>} : memref<4x128xi32, #tpu.memory_space<vmem>>, vector<1x16xi32>,
      %get3A_791 = vector.shape_cast %get3A_790 : vector<1x16xi32> to vector<16xi32>
      %shift_right_logical3A = arith.constant 7 : i32
      %shift_right_logical3A_792 = vector.broadcast %shift_right_logical3A : i32 to vector<16xi32>
      %shift_right_logical3A_793 = arith.shrui %get3A_786, %shift_right_logical3A_792 : vector<16xi32>
      %and3A = arith.constant 127 : i32
      %and3A_794 = vector.broadcast %and3A : i32 to vector<16xi32>
      %and3A_795 = arith.andi %get3A_786, %and3A_794 : vector<16xi32>
      %and3A_796 = arith.constant 127 : i32
      %and3A_797 = vector.broadcast %and3A_796 : i32 to vector<16xi32>
      %and3A_798 = arith.andi %and3A_795, %and3A_797 : vector<16xi32>
      %mul3A_799 = arith.constant 24 : i32
      %mul3A_800 = vector.broadcast %mul3A_799 : i32 to vector<16xi32>
      %mul3A_801 = arith.muli %and3A_798, %mul3A_800 : vector<16xi32>
      %add3A_802 = arith.addi %get3A_791, %mul3A_801 : vector<16xi32>
      %swap3A = arith.constant 0 : i32
      %swap3A_803 = arith.constant 0 : i32
      %swap3A_804 = arith.index_cast %swap3A : i32 to index
      %swap3A_805 = arith.index_cast %swap3A_803 : i32 to index
      %swap3A_806 = arith.index_cast %mul3A_782 : i32 to index
      %swap3A_807 = tpu.vector_load %arg15[%swap3A_804, %swap3A_805, %swap3A_806] {strides = array<i32>} : memref<6x4x128xi32, #tpu.memory_space<vmem>>, vector<1x1x16xi32>,
      %swap3A_808 = vector.shape_cast %swap3A_807 : vector<1x1x16xi32> to vector<16xi32>
      %swap3A_809 = vector.shape_cast %add3A_802 : vector<16xi32> to vector<1x1x16xi32>
      tpu.vector_store %arg15[%swap3A_804, %swap3A_805, %swap3A_806], %swap3A_809 {strides = array<i32>} : memref<6x4x128xi32, #tpu.memory_space<vmem>>, vector<1x1x16xi32>,
      %shift_right_logical3A_810 = arith.constant 6 : i32
      %shift_right_logical3A_811 = vector.broadcast %shift_right_logical3A_810 : i32 to vector<16xi32>
      %shift_right_logical3A_812 = arith.shrui %shift_right_logical3A_793, %shift_right_logical3A_811 : vector<16xi32>
      %shift_left3A = arith.constant 1 : i32
      %shift_left3A_813 = vector.broadcast %shift_left3A : i32 to vector<16xi32>
      %shift_left3A_814 = arith.shli %shift_right_logical3A_812, %shift_left3A_813 : vector<16xi32>
      %shift_right_logical3A_815 = arith.constant 6 : i32
      %shift_right_logical3A_816 = vector.broadcast %shift_right_logical3A_815 : i32 to vector<16xi32>
      %shift_right_logical3A_817 = arith.shrui %and3A_795, %shift_right_logical3A_816 : vector<16xi32>
      %or3A = arith.ori %shift_left3A_814, %shift_right_logical3A_817 : vector<16xi32>
      %mul3A_818 = arith.constant 24 : i32
      %mul3A_819 = vector.broadcast %mul3A_818 : i32 to vector<16xi32>
      %mul3A_820 = arith.muli %or3A, %mul3A_819 : vector<16xi32>
      %add3A_821 = arith.addi %mul3A_820, %get3A_791 : vector<16xi32>
      %and3A_822 = arith.constant 63 : i32
      %and3A_823 = vector.broadcast %and3A_822 : i32 to vector<16xi32>
      %and3A_824 = arith.andi %and3A_795, %and3A_823 : vector<16xi32>
      %mul3A_825 = arith.constant 96 : i32
      %mul3A_826 = vector.broadcast %mul3A_825 : i32 to vector<16xi32>
      %mul3A_827 = arith.muli %and3A_824, %mul3A_826 : vector<16xi32>
      %add3A_828 = arith.addi %add3A_821, %mul3A_827 : vector<16xi32>
      %swap3A_829 = arith.constant 1 : i32
      %swap3A_830 = arith.constant 0 : i32
      %swap3A_831 = arith.index_cast %swap3A_829 : i32 to index
      %swap3A_832 = arith.index_cast %swap3A_830 : i32 to index
      %swap3A_833 = arith.index_cast %mul3A_782 : i32 to index
      %swap3A_834 = tpu.vector_load %arg15[%swap3A_831, %swap3A_832, %swap3A_833] {strides = array<i32>} : memref<6x4x128xi32, #tpu.memory_space<vmem>>, vector<1x1x16xi32>,
      %swap3A_835 = vector.shape_cast %swap3A_834 : vector<1x1x16xi32> to vector<16xi32>
      %swap3A_836 = vector.shape_cast %add3A_828 : vector<16xi32> to vector<1x1x16xi32>
      tpu.vector_store %arg15[%swap3A_831, %swap3A_832, %swap3A_833], %swap3A_836 {strides = array<i32>} : memref<6x4x128xi32, #tpu.memory_space<vmem>>, vector<1x1x16xi32>,
      %shift_right_logical3A_837 = arith.constant 5 : i32
      %shift_right_logical3A_838 = vector.broadcast %shift_right_logical3A_837 : i32 to vector<16xi32>
      %shift_right_logical3A_839 = arith.shrui %shift_right_logical3A_793, %shift_right_logical3A_838 : vector<16xi32>
      %shift_left3A_840 = arith.constant 2 : i32
      %shift_left3A_841 = vector.broadcast %shift_left3A_840 : i32 to vector<16xi32>
      %shift_left3A_842 = arith.shli %shift_right_logical3A_839, %shift_left3A_841 : vector<16xi32>
      %shift_right_logical3A_843 = arith.constant 5 : i32
      %shift_right_logical3A_844 = vector.broadcast %shift_right_logical3A_843 : i32 to vector<16xi32>
      %shift_right_logical3A_845 = arith.shrui %and3A_795, %shift_right_logical3A_844 : vector<16xi32>
      %or3A_846 = arith.ori %shift_left3A_842, %shift_right_logical3A_845 : vector<16xi32>
      %mul3A_847 = arith.constant 24 : i32
      %mul3A_848 = vector.broadcast %mul3A_847 : i32 to vector<16xi32>
      %mul3A_849 = arith.muli %or3A_846, %mul3A_848 : vector<16xi32>
      %add3A_850 = arith.addi %mul3A_849, %get3A_791 : vector<16xi32>
      %and3A_851 = arith.constant 15 : i32
      %and3A_852 = vector.broadcast %and3A_851 : i32 to vector<16xi32>
      %and3A_853 = arith.andi %and3A_795, %and3A_852 : vector<16xi32>
      %mul3A_854 = arith.constant 384 : i32
      %mul3A_855 = vector.broadcast %mul3A_854 : i32 to vector<16xi32>
      %mul3A_856 = arith.muli %and3A_853, %mul3A_855 : vector<16xi32>
      %add3A_857 = arith.addi %add3A_850, %mul3A_856 : vector<16xi32>
      %swap3A_858 = arith.constant 2 : i32
      %swap3A_859 = arith.constant 0 : i32
      %swap3A_860 = arith.index_cast %swap3A_858 : i32 to index
      %swap3A_861 = arith.index_cast %swap3A_859 : i32 to index
      %swap3A_862 = arith.index_cast %mul3A_782 : i32 to index
      %swap3A_863 = tpu.vector_load %arg15[%swap3A_860, %swap3A_861, %swap3A_862] {strides = array<i32>} : memref<6x4x128xi32, #tpu.memory_space<vmem>>, vector<1x1x16xi32>,
      %swap3A_864 = vector.shape_cast %swap3A_863 : vector<1x1x16xi32> to vector<16xi32>
      %swap3A_865 = vector.shape_cast %add3A_857 : vector<16xi32> to vector<1x1x16xi32>
      tpu.vector_store %arg15[%swap3A_860, %swap3A_861, %swap3A_862], %swap3A_865 {strides = array<i32>} : memref<6x4x128xi32, #tpu.memory_space<vmem>>, vector<1x1x16xi32>,
      %shift_right_logical3A_866 = arith.constant 4 : i32
      %shift_right_logical3A_867 = vector.broadcast %shift_right_logical3A_866 : i32 to vector<16xi32>
      %shift_right_logical3A_868 = arith.shrui %shift_right_logical3A_793, %shift_right_logical3A_867 : vector<16xi32>
      %shift_left3A_869 = arith.constant 3 : i32
      %shift_left3A_870 = vector.broadcast %shift_left3A_869 : i32 to vector<16xi32>
      %shift_left3A_871 = arith.shli %shift_right_logical3A_868, %shift_left3A_870 : vector<16xi32>
      %shift_right_logical3A_872 = arith.constant 4 : i32
      %shift_right_logical3A_873 = vector.broadcast %shift_right_logical3A_872 : i32 to vector<16xi32>
      %shift_right_logical3A_874 = arith.shrui %and3A_795, %shift_right_logical3A_873 : vector<16xi32>
      %or3A_875 = arith.ori %shift_left3A_871, %shift_right_logical3A_874 : vector<16xi32>
      %mul3A_876 = arith.constant 24 : i32
      %mul3A_877 = vector.broadcast %mul3A_876 : i32 to vector<16xi32>
      %mul3A_878 = arith.muli %or3A_875, %mul3A_877 : vector<16xi32>
      %add3A_879 = arith.addi %mul3A_878, %get3A_791 : vector<16xi32>
      %and3A_880 = arith.constant 3 : i32
      %and3A_881 = vector.broadcast %and3A_880 : i32 to vector<16xi32>
      %and3A_882 = arith.andi %and3A_795, %and3A_881 : vector<16xi32>
      %mul3A_883 = arith.constant 1536 : i32
      %mul3A_884 = vector.broadcast %mul3A_883 : i32 to vector<16xi32>
      %mul3A_885 = arith.muli %and3A_882, %mul3A_884 : vector<16xi32>
      %add3A_886 = arith.addi %add3A_879, %mul3A_885 : vector<16xi32>
      %swap3A_887 = arith.constant 3 : i32
      %swap3A_888 = arith.constant 0 : i32
      %swap3A_889 = arith.index_cast %swap3A_887 : i32 to index
      %swap3A_890 = arith.index_cast %swap3A_888 : i32 to index
      %swap3A_891 = arith.index_cast %mul3A_782 : i32 to index
      %swap3A_892 = tpu.vector_load %arg15[%swap3A_889, %swap3A_890, %swap3A_891] {strides = array<i32>} : memref<6x4x128xi32, #tpu.memory_space<vmem>>, vector<1x1x16xi32>,
      %swap3A_893 = vector.shape_cast %swap3A_892 : vector<1x1x16xi32> to vector<16xi32>
      %swap3A_894 = vector.shape_cast %add3A_886 : vector<16xi32> to vector<1x1x16xi32>
      tpu.vector_store %arg15[%swap3A_889, %swap3A_890, %swap3A_891], %swap3A_894 {strides = array<i32>} : memref<6x4x128xi32, #tpu.memory_space<vmem>>, vector<1x1x16xi32>,
      %shift_right_logical3A_895 = arith.constant 3 : i32
      %shift_right_logical3A_896 = vector.broadcast %shift_right_logical3A_895 : i32 to vector<16xi32>
      %shift_right_logical3A_897 = arith.shrui %shift_right_logical3A_793, %shift_right_logical3A_896 : vector<16xi32>
      %shift_left3A_898 = arith.constant 4 : i32
      %shift_left3A_899 = vector.broadcast %shift_left3A_898 : i32 to vector<16xi32>
      %shift_left3A_900 = arith.shli %shift_right_logical3A_897, %shift_left3A_899 : vector<16xi32>
      %shift_right_logical3A_901 = arith.constant 3 : i32
      %shift_right_logical3A_902 = vector.broadcast %shift_right_logical3A_901 : i32 to vector<16xi32>
      %shift_right_logical3A_903 = arith.shrui %and3A_795, %shift_right_logical3A_902 : vector<16xi32>
      %or3A_904 = arith.ori %shift_left3A_900, %shift_right_logical3A_903 : vector<16xi32>
      %mul3A_905 = arith.constant 24 : i32
      %mul3A_906 = vector.broadcast %mul3A_905 : i32 to vector<16xi32>
      %mul3A_907 = arith.muli %or3A_904, %mul3A_906 : vector<16xi32>
      %add3A_908 = arith.addi %mul3A_907, %get3A_791 : vector<16xi32>
      %swap3A_909 = arith.constant 4 : i32
      %swap3A_910 = arith.constant 0 : i32
      %swap3A_911 = arith.index_cast %swap3A_909 : i32 to index
      %swap3A_912 = arith.index_cast %swap3A_910 : i32 to index
      %swap3A_913 = arith.index_cast %mul3A_782 : i32 to index
      %swap3A_914 = tpu.vector_load %arg15[%swap3A_911, %swap3A_912, %swap3A_913] {strides = array<i32>} : memref<6x4x128xi32, #tpu.memory_space<vmem>>, vector<1x1x16xi32>,
      %swap3A_915 = vector.shape_cast %swap3A_914 : vector<1x1x16xi32> to vector<16xi32>
      %swap3A_916 = vector.shape_cast %add3A_908 : vector<16xi32> to vector<1x1x16xi32>
      tpu.vector_store %arg15[%swap3A_911, %swap3A_912, %swap3A_913], %swap3A_916 {strides = array<i32>} : memref<6x4x128xi32, #tpu.memory_space<vmem>>, vector<1x1x16xi32>,
      %shift_right_logical3A_917 = arith.constant 2 : i32
      %shift_right_logical3A_918 = vector.broadcast %shift_right_logical3A_917 : i32 to vector<16xi32>
      %shift_right_logical3A_919 = arith.shrui %shift_right_logical3A_793, %shift_right_logical3A_918 : vector<16xi32>
      %shift_left3A_920 = arith.constant 5 : i32
      %shift_left3A_921 = vector.broadcast %shift_left3A_920 : i32 to vector<16xi32>
      %shift_left3A_922 = arith.shli %shift_right_logical3A_919, %shift_left3A_921 : vector<16xi32>
      %shift_right_logical3A_923 = arith.constant 2 : i32
      %shift_right_logical3A_924 = vector.broadcast %shift_right_logical3A_923 : i32 to vector<16xi32>
      %shift_right_logical3A_925 = arith.shrui %and3A_795, %shift_right_logical3A_924 : vector<16xi32>
      %or3A_926 = arith.ori %shift_left3A_922, %shift_right_logical3A_925 : vector<16xi32>
      %mul3A_927 = arith.constant 24 : i32
      %mul3A_928 = vector.broadcast %mul3A_927 : i32 to vector<16xi32>
      %mul3A_929 = arith.muli %or3A_926, %mul3A_928 : vector<16xi32>
      %add3A_930 = arith.addi %mul3A_929, %get3A_791 : vector<16xi32>
      %swap3A_931 = arith.constant 5 : i32
      %swap3A_932 = arith.constant 0 : i32
      %swap3A_933 = arith.index_cast %swap3A_931 : i32 to index
      %swap3A_934 = arith.index_cast %swap3A_932 : i32 to index
      %swap3A_935 = arith.index_cast %mul3A_782 : i32 to index
      %swap3A_936 = tpu.vector_load %arg15[%swap3A_933, %swap3A_934, %swap3A_935] {strides = array<i32>} : memref<6x4x128xi32, #tpu.memory_space<vmem>>, vector<1x1x16xi32>,
      %swap3A_937 = vector.shape_cast %swap3A_936 : vector<1x1x16xi32> to vector<16xi32>
      %swap3A_938 = vector.shape_cast %add3A_930 : vector<16xi32> to vector<1x1x16xi32>
      tpu.vector_store %arg15[%swap3A_933, %swap3A_934, %swap3A_935], %swap3A_938 {strides = array<i32>} : memref<6x4x128xi32, #tpu.memory_space<vmem>>, vector<1x1x16xi32>,
      %scan3A_939 = arith.constant 0 : i32
      scf.yield %scan3A_939 : i32
    }
    %scan3A_86 = arith.constant 8 : i32
    %scan3A_87 = arith.constant 0 : i32
    %scan3A_88 = arith.constant 0 : i32
    %scan3A_89 = arith.constant 8 : i32
    %scan3A_90 = arith.addi %scan3A_88, %scan3A_89 : i32
    %scan3A_91 = arith.constant 1 : i32
    %scan3A_92 = scf.for %scan3A_779 = %scan3A_88 to %scan3A_90 step %scan3A_91 iter_args(%scan3A_780 = %scan3A_87) -> (i32)  : i32 {
      %mul3A_781 = arith.constant 16 : i32
      %mul3A_782 = arith.muli %scan3A_779, %mul3A_781 : i32
      %get3A = arith.constant 1 : i32
      %get3A_783 = arith.index_cast %get3A : i32 to index
      %get3A_784 = arith.index_cast %mul3A_782 : i32 to index
      %get3A_785 = tpu.vector_load %arg14[%get3A_783, %get3A_784] {strides = array<i32>} : memref<4x128xi32, #tpu.memory_space<vmem>>, vector<1x16xi32>,
      %get3A_786 = vector.shape_cast %get3A_785 : vector<1x16xi32> to vector<16xi32>
      %get3A_787 = arith.constant 1 : i32
      %get3A_788 = arith.index_cast %get3A_787 : i32 to index
      %get3A_789 = arith.index_cast %mul3A_782 : i32 to index
      %get3A_790 = tpu.vector_load %arg13[%get3A_788, %get3A_789] {strides = array<i32>} : memref<4x128xi32, #tpu.memory_space<vmem>>, vector<1x16xi32>,
      %get3A_791 = vector.shape_cast %get3A_790 : vector<1x16xi32> to vector<16xi32>
      %shift_right_logical3A = arith.constant 7 : i32
      %shift_right_logical3A_792 = vector.broadcast %shift_right_logical3A : i32 to vector<16xi32>
      %shift_right_logical3A_793 = arith.shrui %get3A_786, %shift_right_logical3A_792 : vector<16xi32>
      %and3A = arith.constant 127 : i32
      %and3A_794 = vector.broadcast %and3A : i32 to vector<16xi32>
      %and3A_795 = arith.andi %get3A_786, %and3A_794 : vector<16xi32>
      %and3A_796 = arith.constant 127 : i32
      %and3A_797 = vector.broadcast %and3A_796 : i32 to vector<16xi32>
      %and3A_798 = arith.andi %and3A_795, %and3A_797 : vector<16xi32>
      %mul3A_799 = arith.constant 24 : i32
      %mul3A_800 = vector.broadcast %mul3A_799 : i32 to vector<16xi32>
      %mul3A_801 = arith.muli %and3A_798, %mul3A_800 : vector<16xi32>
      %add3A_802 = arith.addi %get3A_791, %mul3A_801 : vector<16xi32>
      %swap3A = arith.constant 0 : i32
      %swap3A_803 = arith.constant 1 : i32
      %swap3A_804 = arith.index_cast %swap3A : i32 to index
      %swap3A_805 = arith.index_cast %swap3A_803 : i32 to index
      %swap3A_806 = arith.index_cast %mul3A_782 : i32 to index
      %swap3A_807 = tpu.vector_load %arg15[%swap3A_804, %swap3A_805, %swap3A_806] {strides = array<i32>} : memref<6x4x128xi32, #tpu.memory_space<vmem>>, vector<1x1x16xi32>,
      %swap3A_808 = vector.shape_cast %swap3A_807 : vector<1x1x16xi32> to vector<16xi32>
      %swap3A_809 = vector.shape_cast %add3A_802 : vector<16xi32> to vector<1x1x16xi32>
      tpu.vector_store %arg15[%swap3A_804, %swap3A_805, %swap3A_806], %swap3A_809 {strides = array<i32>} : memref<6x4x128xi32, #tpu.memory_space<vmem>>, vector<1x1x16xi32>,
      %shift_right_logical3A_810 = arith.constant 6 : i32
      %shift_right_logical3A_811 = vector.broadcast %shift_right_logical3A_810 : i32 to vector<16xi32>
      %shift_right_logical3A_812 = arith.shrui %shift_right_logical3A_793, %shift_right_logical3A_811 : vector<16xi32>
      %shift_left3A = arith.constant 1 : i32
      %shift_left3A_813 = vector.broadcast %shift_left3A : i32 to vector<16xi32>
      %shift_left3A_814 = arith.shli %shift_right_logical3A_812, %shift_left3A_813 : vector<16xi32>
      %shift_right_logical3A_815 = arith.constant 6 : i32
      %shift_right_logical3A_816 = vector.broadcast %shift_right_logical3A_815 : i32 to vector<16xi32>
      %shift_right_logical3A_817 = arith.shrui %and3A_795, %shift_right_logical3A_816 : vector<16xi32>
      %or3A = arith.ori %shift_left3A_814, %shift_right_logical3A_817 : vector<16xi32>
      %mul3A_818 = arith.constant 24 : i32
      %mul3A_819 = vector.broadcast %mul3A_818 : i32 to vector<16xi32>
      %mul3A_820 = arith.muli %or3A, %mul3A_819 : vector<16xi32>
      %add3A_821 = arith.addi %mul3A_820, %get3A_791 : vector<16xi32>
      %and3A_822 = arith.constant 63 : i32
      %and3A_823 = vector.broadcast %and3A_822 : i32 to vector<16xi32>
      %and3A_824 = arith.andi %and3A_795, %and3A_823 : vector<16xi32>
      %mul3A_825 = arith.constant 96 : i32
      %mul3A_826 = vector.broadcast %mul3A_825 : i32 to vector<16xi32>
      %mul3A_827 = arith.muli %and3A_824, %mul3A_826 : vector<16xi32>
      %add3A_828 = arith.addi %add3A_821, %mul3A_827 : vector<16xi32>
      %swap3A_829 = arith.constant 1 : i32
      %swap3A_830 = arith.constant 1 : i32
      %swap3A_831 = arith.index_cast %swap3A_829 : i32 to index
      %swap3A_832 = arith.index_cast %swap3A_830 : i32 to index
      %swap3A_833 = arith.index_cast %mul3A_782 : i32 to index
      %swap3A_834 = tpu.vector_load %arg15[%swap3A_831, %swap3A_832, %swap3A_833] {strides = array<i32>} : memref<6x4x128xi32, #tpu.memory_space<vmem>>, vector<1x1x16xi32>,
      %swap3A_835 = vector.shape_cast %swap3A_834 : vector<1x1x16xi32> to vector<16xi32>
      %swap3A_836 = vector.shape_cast %add3A_828 : vector<16xi32> to vector<1x1x16xi32>
      tpu.vector_store %arg15[%swap3A_831, %swap3A_832, %swap3A_833], %swap3A_836 {strides = array<i32>} : memref<6x4x128xi32, #tpu.memory_space<vmem>>, vector<1x1x16xi32>,
      %shift_right_logical3A_837 = arith.constant 5 : i32
      %shift_right_logical3A_838 = vector.broadcast %shift_right_logical3A_837 : i32 to vector<16xi32>
      %shift_right_logical3A_839 = arith.shrui %shift_right_logical3A_793, %shift_right_logical3A_838 : vector<16xi32>
      %shift_left3A_840 = arith.constant 2 : i32
      %shift_left3A_841 = vector.broadcast %shift_left3A_840 : i32 to vector<16xi32>
      %shift_left3A_842 = arith.shli %shift_right_logical3A_839, %shift_left3A_841 : vector<16xi32>
      %shift_right_logical3A_843 = arith.constant 5 : i32
      %shift_right_logical3A_844 = vector.broadcast %shift_right_logical3A_843 : i32 to vector<16xi32>
      %shift_right_logical3A_845 = arith.shrui %and3A_795, %shift_right_logical3A_844 : vector<16xi32>
      %or3A_846 = arith.ori %shift_left3A_842, %shift_right_logical3A_845 : vector<16xi32>
      %mul3A_847 = arith.constant 24 : i32
      %mul3A_848 = vector.broadcast %mul3A_847 : i32 to vector<16xi32>
      %mul3A_849 = arith.muli %or3A_846, %mul3A_848 : vector<16xi32>
      %add3A_850 = arith.addi %mul3A_849, %get3A_791 : vector<16xi32>
      %and3A_851 = arith.constant 15 : i32
      %and3A_852 = vector.broadcast %and3A_851 : i32 to vector<16xi32>
      %and3A_853 = arith.andi %and3A_795, %and3A_852 : vector<16xi32>
      %mul3A_854 = arith.constant 384 : i32
      %mul3A_855 = vector.broadcast %mul3A_854 : i32 to vector<16xi32>
      %mul3A_856 = arith.muli %and3A_853, %mul3A_855 : vector<16xi32>
      %add3A_857 = arith.addi %add3A_850, %mul3A_856 : vector<16xi32>
      %swap3A_858 = arith.constant 2 : i32
      %swap3A_859 = arith.constant 1 : i32
      %swap3A_860 = arith.index_cast %swap3A_858 : i32 to index
      %swap3A_861 = arith.index_cast %swap3A_859 : i32 to index
      %swap3A_862 = arith.index_cast %mul3A_782 : i32 to index
      %swap3A_863 = tpu.vector_load %arg15[%swap3A_860, %swap3A_861, %swap3A_862] {strides = array<i32>} : memref<6x4x128xi32, #tpu.memory_space<vmem>>, vector<1x1x16xi32>,
      %swap3A_864 = vector.shape_cast %swap3A_863 : vector<1x1x16xi32> to vector<16xi32>
      %swap3A_865 = vector.shape_cast %add3A_857 : vector<16xi32> to vector<1x1x16xi32>
      tpu.vector_store %arg15[%swap3A_860, %swap3A_861, %swap3A_862], %swap3A_865 {strides = array<i32>} : memref<6x4x128xi32, #tpu.memory_space<vmem>>, vector<1x1x16xi32>,
      %shift_right_logical3A_866 = arith.constant 4 : i32
      %shift_right_logical3A_867 = vector.broadcast %shift_right_logical3A_866 : i32 to vector<16xi32>
      %shift_right_logical3A_868 = arith.shrui %shift_right_logical3A_793, %shift_right_logical3A_867 : vector<16xi32>
      %shift_left3A_869 = arith.constant 3 : i32
      %shift_left3A_870 = vector.broadcast %shift_left3A_869 : i32 to vector<16xi32>
      %shift_left3A_871 = arith.shli %shift_right_logical3A_868, %shift_left3A_870 : vector<16xi32>
      %shift_right_logical3A_872 = arith.constant 4 : i32
      %shift_right_logical3A_873 = vector.broadcast %shift_right_logical3A_872 : i32 to vector<16xi32>
      %shift_right_logical3A_874 = arith.shrui %and3A_795, %shift_right_logical3A_873 : vector<16xi32>
      %or3A_875 = arith.ori %shift_left3A_871, %shift_right_logical3A_874 : vector<16xi32>
      %mul3A_876 = arith.constant 24 : i32
      %mul3A_877 = vector.broadcast %mul3A_876 : i32 to vector<16xi32>
      %mul3A_878 = arith.muli %or3A_875, %mul3A_877 : vector<16xi32>
      %add3A_879 = arith.addi %mul3A_878, %get3A_791 : vector<16xi32>
      %and3A_880 = arith.constant 3 : i32
      %and3A_881 = vector.broadcast %and3A_880 : i32 to vector<16xi32>
      %and3A_882 = arith.andi %and3A_795, %and3A_881 : vector<16xi32>
      %mul3A_883 = arith.constant 1536 : i32
      %mul3A_884 = vector.broadcast %mul3A_883 : i32 to vector<16xi32>
      %mul3A_885 = arith.muli %and3A_882, %mul3A_884 : vector<16xi32>
      %add3A_886 = arith.addi %add3A_879, %mul3A_885 : vector<16xi32>
      %swap3A_887 = arith.constant 3 : i32
      %swap3A_888 = arith.constant 1 : i32
      %swap3A_889 = arith.index_cast %swap3A_887 : i32 to index
      %swap3A_890 = arith.index_cast %swap3A_888 : i32 to index
      %swap3A_891 = arith.index_cast %mul3A_782 : i32 to index
      %swap3A_892 = tpu.vector_load %arg15[%swap3A_889, %swap3A_890, %swap3A_891] {strides = array<i32>} : memref<6x4x128xi32, #tpu.memory_space<vmem>>, vector<1x1x16xi32>,
      %swap3A_893 = vector.shape_cast %swap3A_892 : vector<1x1x16xi32> to vector<16xi32>
      %swap3A_894 = vector.shape_cast %add3A_886 : vector<16xi32> to vector<1x1x16xi32>
      tpu.vector_store %arg15[%swap3A_889, %swap3A_890, %swap3A_891], %swap3A_894 {strides = array<i32>} : memref<6x4x128xi32, #tpu.memory_space<vmem>>, vector<1x1x16xi32>,
      %shift_right_logical3A_895 = arith.constant 3 : i32
      %shift_right_logical3A_896 = vector.broadcast %shift_right_logical3A_895 : i32 to vector<16xi32>
      %shift_right_logical3A_897 = arith.shrui %shift_right_logical3A_793, %shift_right_logical3A_896 : vector<16xi32>
      %shift_left3A_898 = arith.constant 4 : i32
      %shift_left3A_899 = vector.broadcast %shift_left3A_898 : i32 to vector<16xi32>
      %shift_left3A_900 = arith.shli %shift_right_logical3A_897, %shift_left3A_899 : vector<16xi32>
      %shift_right_logical3A_901 = arith.constant 3 : i32
      %shift_right_logical3A_902 = vector.broadcast %shift_right_logical3A_901 : i32 to vector<16xi32>
      %shift_right_logical3A_903 = arith.shrui %and3A_795, %shift_right_logical3A_902 : vector<16xi32>
      %or3A_904 = arith.ori %shift_left3A_900, %shift_right_logical3A_903 : vector<16xi32>
      %mul3A_905 = arith.constant 24 : i32
      %mul3A_906 = vector.broadcast %mul3A_905 : i32 to vector<16xi32>
      %mul3A_907 = arith.muli %or3A_904, %mul3A_906 : vector<16xi32>
      %add3A_908 = arith.addi %mul3A_907, %get3A_791 : vector<16xi32>
      %swap3A_909 = arith.constant 4 : i32
      %swap3A_910 = arith.constant 1 : i32
      %swap3A_911 = arith.index_cast %swap3A_909 : i32 to index
      %swap3A_912 = arith.index_cast %swap3A_910 : i32 to index
      %swap3A_913 = arith.index_cast %mul3A_782 : i32 to index
      %swap3A_914 = tpu.vector_load %arg15[%swap3A_911, %swap3A_912, %swap3A_913] {strides = array<i32>} : memref<6x4x128xi32, #tpu.memory_space<vmem>>, vector<1x1x16xi32>,
      %swap3A_915 = vector.shape_cast %swap3A_914 : vector<1x1x16xi32> to vector<16xi32>
      %swap3A_916 = vector.shape_cast %add3A_908 : vector<16xi32> to vector<1x1x16xi32>
      tpu.vector_store %arg15[%swap3A_911, %swap3A_912, %swap3A_913], %swap3A_916 {strides = array<i32>} : memref<6x4x128xi32, #tpu.memory_space<vmem>>, vector<1x1x16xi32>,
      %shift_right_logical3A_917 = arith.constant 2 : i32
      %shift_right_logical3A_918 = vector.broadcast %shift_right_logical3A_917 : i32 to vector<16xi32>
      %shift_right_logical3A_919 = arith.shrui %shift_right_logical3A_793, %shift_right_logical3A_918 : vector<16xi32>
      %shift_left3A_920 = arith.constant 5 : i32
      %shift_left3A_921 = vector.broadcast %shift_left3A_920 : i32 to vector<16xi32>
      %shift_left3A_922 = arith.shli %shift_right_logical3A_919, %shift_left3A_921 : vector<16xi32>
      %shift_right_logical3A_923 = arith.constant 2 : i32
      %shift_right_logical3A_924 = vector.broadcast %shift_right_logical3A_923 : i32 to vector<16xi32>
      %shift_right_logical3A_925 = arith.shrui %and3A_795, %shift_right_logical3A_924 : vector<16xi32>
      %or3A_926 = arith.ori %shift_left3A_922, %shift_right_logical3A_925 : vector<16xi32>
      %mul3A_927 = arith.constant 24 : i32
      %mul3A_928 = vector.broadcast %mul3A_927 : i32 to vector<16xi32>
      %mul3A_929 = arith.muli %or3A_926, %mul3A_928 : vector<16xi32>
      %add3A_930 = arith.addi %mul3A_929, %get3A_791 : vector<16xi32>
      %swap3A_931 = arith.constant 5 : i32
      %swap3A_932 = arith.constant 1 : i32
      %swap3A_933 = arith.index_cast %swap3A_931 : i32 to index
      %swap3A_934 = arith.index_cast %swap3A_932 : i32 to index
      %swap3A_935 = arith.index_cast %mul3A_782 : i32 to index
      %swap3A_936 = tpu.vector_load %arg15[%swap3A_933, %swap3A_934, %swap3A_935] {strides = array<i32>} : memref<6x4x128xi32, #tpu.memory_space<vmem>>, vector<1x1x16xi32>,
      %swap3A_937 = vector.shape_cast %swap3A_936 : vector<1x1x16xi32> to vector<16xi32>
      %swap3A_938 = vector.shape_cast %add3A_930 : vector<16xi32> to vector<1x1x16xi32>
      tpu.vector_store %arg15[%swap3A_933, %swap3A_934, %swap3A_935], %swap3A_938 {strides = array<i32>} : memref<6x4x128xi32, #tpu.memory_space<vmem>>, vector<1x1x16xi32>,
      %scan3A_939 = arith.constant 0 : i32
      scf.yield %scan3A_939 : i32
    }
    %scan3A_93 = arith.constant 8 : i32
    %scan3A_94 = arith.constant 0 : i32
    %scan3A_95 = arith.constant 0 : i32
    %scan3A_96 = arith.constant 8 : i32
    %scan3A_97 = arith.addi %scan3A_95, %scan3A_96 : i32
    %scan3A_98 = arith.constant 1 : i32
    %scan3A_99 = scf.for %scan3A_779 = %scan3A_95 to %scan3A_97 step %scan3A_98 iter_args(%scan3A_780 = %scan3A_94) -> (i32)  : i32 {
      %mul3A_781 = arith.constant 16 : i32
      %mul3A_782 = arith.muli %scan3A_779, %mul3A_781 : i32
      %get3A = arith.constant 2 : i32
      %get3A_783 = arith.index_cast %get3A : i32 to index
      %get3A_784 = arith.index_cast %mul3A_782 : i32 to index
      %get3A_785 = tpu.vector_load %arg14[%get3A_783, %get3A_784] {strides = array<i32>} : memref<4x128xi32, #tpu.memory_space<vmem>>, vector<1x16xi32>,
      %get3A_786 = vector.shape_cast %get3A_785 : vector<1x16xi32> to vector<16xi32>
      %get3A_787 = arith.constant 2 : i32
      %get3A_788 = arith.index_cast %get3A_787 : i32 to index
      %get3A_789 = arith.index_cast %mul3A_782 : i32 to index
      %get3A_790 = tpu.vector_load %arg13[%get3A_788, %get3A_789] {strides = array<i32>} : memref<4x128xi32, #tpu.memory_space<vmem>>, vector<1x16xi32>,
      %get3A_791 = vector.shape_cast %get3A_790 : vector<1x16xi32> to vector<16xi32>
      %shift_right_logical3A = arith.constant 7 : i32
      %shift_right_logical3A_792 = vector.broadcast %shift_right_logical3A : i32 to vector<16xi32>
      %shift_right_logical3A_793 = arith.shrui %get3A_786, %shift_right_logical3A_792 : vector<16xi32>
      %and3A = arith.constant 127 : i32
      %and3A_794 = vector.broadcast %and3A : i32 to vector<16xi32>
      %and3A_795 = arith.andi %get3A_786, %and3A_794 : vector<16xi32>
      %and3A_796 = arith.constant 127 : i32
      %and3A_797 = vector.broadcast %and3A_796 : i32 to vector<16xi32>
      %and3A_798 = arith.andi %and3A_795, %and3A_797 : vector<16xi32>
      %mul3A_799 = arith.constant 24 : i32
      %mul3A_800 = vector.broadcast %mul3A_799 : i32 to vector<16xi32>
      %mul3A_801 = arith.muli %and3A_798, %mul3A_800 : vector<16xi32>
      %add3A_802 = arith.addi %get3A_791, %mul3A_801 : vector<16xi32>
      %swap3A = arith.constant 0 : i32
      %swap3A_803 = arith.constant 2 : i32
      %swap3A_804 = arith.index_cast %swap3A : i32 to index
      %swap3A_805 = arith.index_cast %swap3A_803 : i32 to index
      %swap3A_806 = arith.index_cast %mul3A_782 : i32 to index
      %swap3A_807 = tpu.vector_load %arg15[%swap3A_804, %swap3A_805, %swap3A_806] {strides = array<i32>} : memref<6x4x128xi32, #tpu.memory_space<vmem>>, vector<1x1x16xi32>,
      %swap3A_808 = vector.shape_cast %swap3A_807 : vector<1x1x16xi32> to vector<16xi32>
      %swap3A_809 = vector.shape_cast %add3A_802 : vector<16xi32> to vector<1x1x16xi32>
      tpu.vector_store %arg15[%swap3A_804, %swap3A_805, %swap3A_806], %swap3A_809 {strides = array<i32>} : memref<6x4x128xi32, #tpu.memory_space<vmem>>, vector<1x1x16xi32>,
      %shift_right_logical3A_810 = arith.constant 6 : i32
      %shift_right_logical3A_811 = vector.broadcast %shift_right_logical3A_810 : i32 to vector<16xi32>
      %shift_right_logical3A_812 = arith.shrui %shift_right_logical3A_793, %shift_right_logical3A_811 : vector<16xi32>
      %shift_left3A = arith.constant 1 : i32
      %shift_left3A_813 = vector.broadcast %shift_left3A : i32 to vector<16xi32>
      %shift_left3A_814 = arith.shli %shift_right_logical3A_812, %shift_left3A_813 : vector<16xi32>
      %shift_right_logical3A_815 = arith.constant 6 : i32
      %shift_right_logical3A_816 = vector.broadcast %shift_right_logical3A_815 : i32 to vector<16xi32>
      %shift_right_logical3A_817 = arith.shrui %and3A_795, %shift_right_logical3A_816 : vector<16xi32>
      %or3A = arith.ori %shift_left3A_814, %shift_right_logical3A_817 : vector<16xi32>
      %mul3A_818 = arith.constant 24 : i32
      %mul3A_819 = vector.broadcast %mul3A_818 : i32 to vector<16xi32>
      %mul3A_820 = arith.muli %or3A, %mul3A_819 : vector<16xi32>
      %add3A_821 = arith.addi %mul3A_820, %get3A_791 : vector<16xi32>
      %and3A_822 = arith.constant 63 : i32
      %and3A_823 = vector.broadcast %and3A_822 : i32 to vector<16xi32>
      %and3A_824 = arith.andi %and3A_795, %and3A_823 : vector<16xi32>
      %mul3A_825 = arith.constant 96 : i32
      %mul3A_826 = vector.broadcast %mul3A_825 : i32 to vector<16xi32>
      %mul3A_827 = arith.muli %and3A_824, %mul3A_826 : vector<16xi32>
      %add3A_828 = arith.addi %add3A_821, %mul3A_827 : vector<16xi32>
      %swap3A_829 = arith.constant 1 : i32
      %swap3A_830 = arith.constant 2 : i32
      %swap3A_831 = arith.index_cast %swap3A_829 : i32 to index
      %swap3A_832 = arith.index_cast %swap3A_830 : i32 to index
      %swap3A_833 = arith.index_cast %mul3A_782 : i32 to index
      %swap3A_834 = tpu.vector_load %arg15[%swap3A_831, %swap3A_832, %swap3A_833] {strides = array<i32>} : memref<6x4x128xi32, #tpu.memory_space<vmem>>, vector<1x1x16xi32>,
      %swap3A_835 = vector.shape_cast %swap3A_834 : vector<1x1x16xi32> to vector<16xi32>
      %swap3A_836 = vector.shape_cast %add3A_828 : vector<16xi32> to vector<1x1x16xi32>
      tpu.vector_store %arg15[%swap3A_831, %swap3A_832, %swap3A_833], %swap3A_836 {strides = array<i32>} : memref<6x4x128xi32, #tpu.memory_space<vmem>>, vector<1x1x16xi32>,
      %shift_right_logical3A_837 = arith.constant 5 : i32
      %shift_right_logical3A_838 = vector.broadcast %shift_right_logical3A_837 : i32 to vector<16xi32>
      %shift_right_logical3A_839 = arith.shrui %shift_right_logical3A_793, %shift_right_logical3A_838 : vector<16xi32>
      %shift_left3A_840 = arith.constant 2 : i32
      %shift_left3A_841 = vector.broadcast %shift_left3A_840 : i32 to vector<16xi32>
      %shift_left3A_842 = arith.shli %shift_right_logical3A_839, %shift_left3A_841 : vector<16xi32>
      %shift_right_logical3A_843 = arith.constant 5 : i32
      %shift_right_logical3A_844 = vector.broadcast %shift_right_logical3A_843 : i32 to vector<16xi32>
      %shift_right_logical3A_845 = arith.shrui %and3A_795, %shift_right_logical3A_844 : vector<16xi32>
      %or3A_846 = arith.ori %shift_left3A_842, %shift_right_logical3A_845 : vector<16xi32>
      %mul3A_847 = arith.constant 24 : i32
      %mul3A_848 = vector.broadcast %mul3A_847 : i32 to vector<16xi32>
      %mul3A_849 = arith.muli %or3A_846, %mul3A_848 : vector<16xi32>
      %add3A_850 = arith.addi %mul3A_849, %get3A_791 : vector<16xi32>
      %and3A_851 = arith.constant 15 : i32
      %and3A_852 = vector.broadcast %and3A_851 : i32 to vector<16xi32>
      %and3A_853 = arith.andi %and3A_795, %and3A_852 : vector<16xi32>
      %mul3A_854 = arith.constant 384 : i32
      %mul3A_855 = vector.broadcast %mul3A_854 : i32 to vector<16xi32>
      %mul3A_856 = arith.muli %and3A_853, %mul3A_855 : vector<16xi32>
      %add3A_857 = arith.addi %add3A_850, %mul3A_856 : vector<16xi32>
      %swap3A_858 = arith.constant 2 : i32
      %swap3A_859 = arith.constant 2 : i32
      %swap3A_860 = arith.index_cast %swap3A_858 : i32 to index
      %swap3A_861 = arith.index_cast %swap3A_859 : i32 to index
      %swap3A_862 = arith.index_cast %mul3A_782 : i32 to index
      %swap3A_863 = tpu.vector_load %arg15[%swap3A_860, %swap3A_861, %swap3A_862] {strides = array<i32>} : memref<6x4x128xi32, #tpu.memory_space<vmem>>, vector<1x1x16xi32>,
      %swap3A_864 = vector.shape_cast %swap3A_863 : vector<1x1x16xi32> to vector<16xi32>
      %swap3A_865 = vector.shape_cast %add3A_857 : vector<16xi32> to vector<1x1x16xi32>
      tpu.vector_store %arg15[%swap3A_860, %swap3A_861, %swap3A_862], %swap3A_865 {strides = array<i32>} : memref<6x4x128xi32, #tpu.memory_space<vmem>>, vector<1x1x16xi32>,
      %shift_right_logical3A_866 = arith.constant 4 : i32
      %shift_right_logical3A_867 = vector.broadcast %shift_right_logical3A_866 : i32 to vector<16xi32>
      %shift_right_logical3A_868 = arith.shrui %shift_right_logical3A_793, %shift_right_logical3A_867 : vector<16xi32>
      %shift_left3A_869 = arith.constant 3 : i32
      %shift_left3A_870 = vector.broadcast %shift_left3A_869 : i32 to vector<16xi32>
      %shift_left3A_871 = arith.shli %shift_right_logical3A_868, %shift_left3A_870 : vector<16xi32>
      %shift_right_logical3A_872 = arith.constant 4 : i32
      %shift_right_logical3A_873 = vector.broadcast %shift_right_logical3A_872 : i32 to vector<16xi32>
      %shift_right_logical3A_874 = arith.shrui %and3A_795, %shift_right_logical3A_873 : vector<16xi32>
      %or3A_875 = arith.ori %shift_left3A_871, %shift_right_logical3A_874 : vector<16xi32>
      %mul3A_876 = arith.constant 24 : i32
      %mul3A_877 = vector.broadcast %mul3A_876 : i32 to vector<16xi32>
      %mul3A_878 = arith.muli %or3A_875, %mul3A_877 : vector<16xi32>
      %add3A_879 = arith.addi %mul3A_878, %get3A_791 : vector<16xi32>
      %and3A_880 = arith.constant 3 : i32
      %and3A_881 = vector.broadcast %and3A_880 : i32 to vector<16xi32>
      %and3A_882 = arith.andi %and3A_795, %and3A_881 : vector<16xi32>
      %mul3A_883 = arith.constant 1536 : i32
      %mul3A_884 = vector.broadcast %mul3A_883 : i32 to vector<16xi32>
      %mul3A_885 = arith.muli %and3A_882, %mul3A_884 : vector<16xi32>
      %add3A_886 = arith.addi %add3A_879, %mul3A_885 : vector<16xi32>
      %swap3A_887 = arith.constant 3 : i32
      %swap3A_888 = arith.constant 2 : i32
      %swap3A_889 = arith.index_cast %swap3A_887 : i32 to index
      %swap3A_890 = arith.index_cast %swap3A_888 : i32 to index
      %swap3A_891 = arith.index_cast %mul3A_782 : i32 to index
      %swap3A_892 = tpu.vector_load %arg15[%swap3A_889, %swap3A_890, %swap3A_891] {strides = array<i32>} : memref<6x4x128xi32, #tpu.memory_space<vmem>>, vector<1x1x16xi32>,
      %swap3A_893 = vector.shape_cast %swap3A_892 : vector<1x1x16xi32> to vector<16xi32>
      %swap3A_894 = vector.shape_cast %add3A_886 : vector<16xi32> to vector<1x1x16xi32>
      tpu.vector_store %arg15[%swap3A_889, %swap3A_890, %swap3A_891], %swap3A_894 {strides = array<i32>} : memref<6x4x128xi32, #tpu.memory_space<vmem>>, vector<1x1x16xi32>,
      %shift_right_logical3A_895 = arith.constant 3 : i32
      %shift_right_logical3A_896 = vector.broadcast %shift_right_logical3A_895 : i32 to vector<16xi32>
      %shift_right_logical3A_897 = arith.shrui %shift_right_logical3A_793, %shift_right_logical3A_896 : vector<16xi32>
      %shift_left3A_898 = arith.constant 4 : i32
      %shift_left3A_899 = vector.broadcast %shift_left3A_898 : i32 to vector<16xi32>
      %shift_left3A_900 = arith.shli %shift_right_logical3A_897, %shift_left3A_899 : vector<16xi32>
      %shift_right_logical3A_901 = arith.constant 3 : i32
      %shift_right_logical3A_902 = vector.broadcast %shift_right_logical3A_901 : i32 to vector<16xi32>
      %shift_right_logical3A_903 = arith.shrui %and3A_795, %shift_right_logical3A_902 : vector<16xi32>
      %or3A_904 = arith.ori %shift_left3A_900, %shift_right_logical3A_903 : vector<16xi32>
      %mul3A_905 = arith.constant 24 : i32
      %mul3A_906 = vector.broadcast %mul3A_905 : i32 to vector<16xi32>
      %mul3A_907 = arith.muli %or3A_904, %mul3A_906 : vector<16xi32>
      %add3A_908 = arith.addi %mul3A_907, %get3A_791 : vector<16xi32>
      %swap3A_909 = arith.constant 4 : i32
      %swap3A_910 = arith.constant 2 : i32
      %swap3A_911 = arith.index_cast %swap3A_909 : i32 to index
      %swap3A_912 = arith.index_cast %swap3A_910 : i32 to index
      %swap3A_913 = arith.index_cast %mul3A_782 : i32 to index
      %swap3A_914 = tpu.vector_load %arg15[%swap3A_911, %swap3A_912, %swap3A_913] {strides = array<i32>} : memref<6x4x128xi32, #tpu.memory_space<vmem>>, vector<1x1x16xi32>,
      %swap3A_915 = vector.shape_cast %swap3A_914 : vector<1x1x16xi32> to vector<16xi32>
      %swap3A_916 = vector.shape_cast %add3A_908 : vector<16xi32> to vector<1x1x16xi32>
      tpu.vector_store %arg15[%swap3A_911, %swap3A_912, %swap3A_913], %swap3A_916 {strides = array<i32>} : memref<6x4x128xi32, #tpu.memory_space<vmem>>, vector<1x1x16xi32>,
      %shift_right_logical3A_917 = arith.constant 2 : i32
      %shift_right_logical3A_918 = vector.broadcast %shift_right_logical3A_917 : i32 to vector<16xi32>
      %shift_right_logical3A_919 = arith.shrui %shift_right_logical3A_793, %shift_right_logical3A_918 : vector<16xi32>
      %shift_left3A_920 = arith.constant 5 : i32
      %shift_left3A_921 = vector.broadcast %shift_left3A_920 : i32 to vector<16xi32>
      %shift_left3A_922 = arith.shli %shift_right_logical3A_919, %shift_left3A_921 : vector<16xi32>
      %shift_right_logical3A_923 = arith.constant 2 : i32
      %shift_right_logical3A_924 = vector.broadcast %shift_right_logical3A_923 : i32 to vector<16xi32>
      %shift_right_logical3A_925 = arith.shrui %and3A_795, %shift_right_logical3A_924 : vector<16xi32>
      %or3A_926 = arith.ori %shift_left3A_922, %shift_right_logical3A_925 : vector<16xi32>
      %mul3A_927 = arith.constant 24 : i32
      %mul3A_928 = vector.broadcast %mul3A_927 : i32 to vector<16xi32>
      %mul3A_929 = arith.muli %or3A_926, %mul3A_928 : vector<16xi32>
      %add3A_930 = arith.addi %mul3A_929, %get3A_791 : vector<16xi32>
      %swap3A_931 = arith.constant 5 : i32
      %swap3A_932 = arith.constant 2 : i32
      %swap3A_933 = arith.index_cast %swap3A_931 : i32 to index
      %swap3A_934 = arith.index_cast %swap3A_932 : i32 to index
      %swap3A_935 = arith.index_cast %mul3A_782 : i32 to index
      %swap3A_936 = tpu.vector_load %arg15[%swap3A_933, %swap3A_934, %swap3A_935] {strides = array<i32>} : memref<6x4x128xi32, #tpu.memory_space<vmem>>, vector<1x1x16xi32>,
      %swap3A_937 = vector.shape_cast %swap3A_936 : vector<1x1x16xi32> to vector<16xi32>
      %swap3A_938 = vector.shape_cast %add3A_930 : vector<16xi32> to vector<1x1x16xi32>
      tpu.vector_store %arg15[%swap3A_933, %swap3A_934, %swap3A_935], %swap3A_938 {strides = array<i32>} : memref<6x4x128xi32, #tpu.memory_space<vmem>>, vector<1x1x16xi32>,
      %scan3A_939 = arith.constant 0 : i32
      scf.yield %scan3A_939 : i32
    }
    %scan3A_100 = arith.constant 8 : i32
    %scan3A_101 = arith.constant 0 : i32
    %scan3A_102 = arith.constant 0 : i32
    %scan3A_103 = arith.constant 8 : i32
    %scan3A_104 = arith.addi %scan3A_102, %scan3A_103 : i32
    %scan3A_105 = arith.constant 1 : i32
    %scan3A_106 = scf.for %scan3A_779 = %scan3A_102 to %scan3A_104 step %scan3A_105 iter_args(%scan3A_780 = %scan3A_101) -> (i32)  : i32 {
      %mul3A_781 = arith.constant 16 : i32
      %mul3A_782 = arith.muli %scan3A_779, %mul3A_781 : i32
      %get3A = arith.constant 3 : i32
      %get3A_783 = arith.index_cast %get3A : i32 to index
      %get3A_784 = arith.index_cast %mul3A_782 : i32 to index
      %get3A_785 = tpu.vector_load %arg14[%get3A_783, %get3A_784] {strides = array<i32>} : memref<4x128xi32, #tpu.memory_space<vmem>>, vector<1x16xi32>,
      %get3A_786 = vector.shape_cast %get3A_785 : vector<1x16xi32> to vector<16xi32>
      %get3A_787 = arith.constant 3 : i32
      %get3A_788 = arith.index_cast %get3A_787 : i32 to index
      %get3A_789 = arith.index_cast %mul3A_782 : i32 to index
      %get3A_790 = tpu.vector_load %arg13[%get3A_788, %get3A_789] {strides = array<i32>} : memref<4x128xi32, #tpu.memory_space<vmem>>, vector<1x16xi32>,
      %get3A_791 = vector.shape_cast %get3A_790 : vector<1x16xi32> to vector<16xi32>
      %shift_right_logical3A = arith.constant 7 : i32
      %shift_right_logical3A_792 = vector.broadcast %shift_right_logical3A : i32 to vector<16xi32>
      %shift_right_logical3A_793 = arith.shrui %get3A_786, %shift_right_logical3A_792 : vector<16xi32>
      %and3A = arith.constant 127 : i32
      %and3A_794 = vector.broadcast %and3A : i32 to vector<16xi32>
      %and3A_795 = arith.andi %get3A_786, %and3A_794 : vector<16xi32>
      %and3A_796 = arith.constant 127 : i32
      %and3A_797 = vector.broadcast %and3A_796 : i32 to vector<16xi32>
      %and3A_798 = arith.andi %and3A_795, %and3A_797 : vector<16xi32>
      %mul3A_799 = arith.constant 24 : i32
      %mul3A_800 = vector.broadcast %mul3A_799 : i32 to vector<16xi32>
      %mul3A_801 = arith.muli %and3A_798, %mul3A_800 : vector<16xi32>
      %add3A_802 = arith.addi %get3A_791, %mul3A_801 : vector<16xi32>
      %swap3A = arith.constant 0 : i32
      %swap3A_803 = arith.constant 3 : i32
      %swap3A_804 = arith.index_cast %swap3A : i32 to index
      %swap3A_805 = arith.index_cast %swap3A_803 : i32 to index
      %swap3A_806 = arith.index_cast %mul3A_782 : i32 to index
      %swap3A_807 = tpu.vector_load %arg15[%swap3A_804, %swap3A_805, %swap3A_806] {strides = array<i32>} : memref<6x4x128xi32, #tpu.memory_space<vmem>>, vector<1x1x16xi32>,
      %swap3A_808 = vector.shape_cast %swap3A_807 : vector<1x1x16xi32> to vector<16xi32>
      %swap3A_809 = vector.shape_cast %add3A_802 : vector<16xi32> to vector<1x1x16xi32>
      tpu.vector_store %arg15[%swap3A_804, %swap3A_805, %swap3A_806], %swap3A_809 {strides = array<i32>} : memref<6x4x128xi32, #tpu.memory_space<vmem>>, vector<1x1x16xi32>,
      %shift_right_logical3A_810 = arith.constant 6 : i32
      %shift_right_logical3A_811 = vector.broadcast %shift_right_logical3A_810 : i32 to vector<16xi32>
      %shift_right_logical3A_812 = arith.shrui %shift_right_logical3A_793, %shift_right_logical3A_811 : vector<16xi32>
      %shift_left3A = arith.constant 1 : i32
      %shift_left3A_813 = vector.broadcast %shift_left3A : i32 to vector<16xi32>
      %shift_left3A_814 = arith.shli %shift_right_logical3A_812, %shift_left3A_813 : vector<16xi32>
      %shift_right_logical3A_815 = arith.constant 6 : i32
      %shift_right_logical3A_816 = vector.broadcast %shift_right_logical3A_815 : i32 to vector<16xi32>
      %shift_right_logical3A_817 = arith.shrui %and3A_795, %shift_right_logical3A_816 : vector<16xi32>
      %or3A = arith.ori %shift_left3A_814, %shift_right_logical3A_817 : vector<16xi32>
      %mul3A_818 = arith.constant 24 : i32
      %mul3A_819 = vector.broadcast %mul3A_818 : i32 to vector<16xi32>
      %mul3A_820 = arith.muli %or3A, %mul3A_819 : vector<16xi32>
      %add3A_821 = arith.addi %mul3A_820, %get3A_791 : vector<16xi32>
      %and3A_822 = arith.constant 63 : i32
      %and3A_823 = vector.broadcast %and3A_822 : i32 to vector<16xi32>
      %and3A_824 = arith.andi %and3A_795, %and3A_823 : vector<16xi32>
      %mul3A_825 = arith.constant 96 : i32
      %mul3A_826 = vector.broadcast %mul3A_825 : i32 to vector<16xi32>
      %mul3A_827 = arith.muli %and3A_824, %mul3A_826 : vector<16xi32>
      %add3A_828 = arith.addi %add3A_821, %mul3A_827 : vector<16xi32>
      %swap3A_829 = arith.constant 1 : i32
      %swap3A_830 = arith.constant 3 : i32
      %swap3A_831 = arith.index_cast %swap3A_829 : i32 to index
      %swap3A_832 = arith.index_cast %swap3A_830 : i32 to index
      %swap3A_833 = arith.index_cast %mul3A_782 : i32 to index
      %swap3A_834 = tpu.vector_load %arg15[%swap3A_831, %swap3A_832, %swap3A_833] {strides = array<i32>} : memref<6x4x128xi32, #tpu.memory_space<vmem>>, vector<1x1x16xi32>,
      %swap3A_835 = vector.shape_cast %swap3A_834 : vector<1x1x16xi32> to vector<16xi32>
      %swap3A_836 = vector.shape_cast %add3A_828 : vector<16xi32> to vector<1x1x16xi32>
      tpu.vector_store %arg15[%swap3A_831, %swap3A_832, %swap3A_833], %swap3A_836 {strides = array<i32>} : memref<6x4x128xi32, #tpu.memory_space<vmem>>, vector<1x1x16xi32>,
      %shift_right_logical3A_837 = arith.constant 5 : i32
      %shift_right_logical3A_838 = vector.broadcast %shift_right_logical3A_837 : i32 to vector<16xi32>
      %shift_right_logical3A_839 = arith.shrui %shift_right_logical3A_793, %shift_right_logical3A_838 : vector<16xi32>
      %shift_left3A_840 = arith.constant 2 : i32
      %shift_left3A_841 = vector.broadcast %shift_left3A_840 : i32 to vector<16xi32>
      %shift_left3A_842 = arith.shli %shift_right_logical3A_839, %shift_left3A_841 : vector<16xi32>
      %shift_right_logical3A_843 = arith.constant 5 : i32
      %shift_right_logical3A_844 = vector.broadcast %shift_right_logical3A_843 : i32 to vector<16xi32>
      %shift_right_logical3A_845 = arith.shrui %and3A_795, %shift_right_logical3A_844 : vector<16xi32>
      %or3A_846 = arith.ori %shift_left3A_842, %shift_right_logical3A_845 : vector<16xi32>
      %mul3A_847 = arith.constant 24 : i32
      %mul3A_848 = vector.broadcast %mul3A_847 : i32 to vector<16xi32>
      %mul3A_849 = arith.muli %or3A_846, %mul3A_848 : vector<16xi32>
      %add3A_850 = arith.addi %mul3A_849, %get3A_791 : vector<16xi32>
      %and3A_851 = arith.constant 15 : i32
      %and3A_852 = vector.broadcast %and3A_851 : i32 to vector<16xi32>
      %and3A_853 = arith.andi %and3A_795, %and3A_852 : vector<16xi32>
      %mul3A_854 = arith.constant 384 : i32
      %mul3A_855 = vector.broadcast %mul3A_854 : i32 to vector<16xi32>
      %mul3A_856 = arith.muli %and3A_853, %mul3A_855 : vector<16xi32>
      %add3A_857 = arith.addi %add3A_850, %mul3A_856 : vector<16xi32>
      %swap3A_858 = arith.constant 2 : i32
      %swap3A_859 = arith.constant 3 : i32
      %swap3A_860 = arith.index_cast %swap3A_858 : i32 to index
      %swap3A_861 = arith.index_cast %swap3A_859 : i32 to index
      %swap3A_862 = arith.index_cast %mul3A_782 : i32 to index
      %swap3A_863 = tpu.vector_load %arg15[%swap3A_860, %swap3A_861, %swap3A_862] {strides = array<i32>} : memref<6x4x128xi32, #tpu.memory_space<vmem>>, vector<1x1x16xi32>,
      %swap3A_864 = vector.shape_cast %swap3A_863 : vector<1x1x16xi32> to vector<16xi32>
      %swap3A_865 = vector.shape_cast %add3A_857 : vector<16xi32> to vector<1x1x16xi32>
      tpu.vector_store %arg15[%swap3A_860, %swap3A_861, %swap3A_862], %swap3A_865 {strides = array<i32>} : memref<6x4x128xi32, #tpu.memory_space<vmem>>, vector<1x1x16xi32>,
      %shift_right_logical3A_866 = arith.constant 4 : i32
      %shift_right_logical3A_867 = vector.broadcast %shift_right_logical3A_866 : i32 to vector<16xi32>
      %shift_right_logical3A_868 = arith.shrui %shift_right_logical3A_793, %shift_right_logical3A_867 : vector<16xi32>
      %shift_left3A_869 = arith.constant 3 : i32
      %shift_left3A_870 = vector.broadcast %shift_left3A_869 : i32 to vector<16xi32>
      %shift_left3A_871 = arith.shli %shift_right_logical3A_868, %shift_left3A_870 : vector<16xi32>
      %shift_right_logical3A_872 = arith.constant 4 : i32
      %shift_right_logical3A_873 = vector.broadcast %shift_right_logical3A_872 : i32 to vector<16xi32>
      %shift_right_logical3A_874 = arith.shrui %and3A_795, %shift_right_logical3A_873 : vector<16xi32>
      %or3A_875 = arith.ori %shift_left3A_871, %shift_right_logical3A_874 : vector<16xi32>
      %mul3A_876 = arith.constant 24 : i32
      %mul3A_877 = vector.broadcast %mul3A_876 : i32 to vector<16xi32>
      %mul3A_878 = arith.muli %or3A_875, %mul3A_877 : vector<16xi32>
      %add3A_879 = arith.addi %mul3A_878, %get3A_791 : vector<16xi32>
      %and3A_880 = arith.constant 3 : i32
      %and3A_881 = vector.broadcast %and3A_880 : i32 to vector<16xi32>
      %and3A_882 = arith.andi %and3A_795, %and3A_881 : vector<16xi32>
      %mul3A_883 = arith.constant 1536 : i32
      %mul3A_884 = vector.broadcast %mul3A_883 : i32 to vector<16xi32>
      %mul3A_885 = arith.muli %and3A_882, %mul3A_884 : vector<16xi32>
      %add3A_886 = arith.addi %add3A_879, %mul3A_885 : vector<16xi32>
      %swap3A_887 = arith.constant 3 : i32
      %swap3A_888 = arith.constant 3 : i32
      %swap3A_889 = arith.index_cast %swap3A_887 : i32 to index
      %swap3A_890 = arith.index_cast %swap3A_888 : i32 to index
      %swap3A_891 = arith.index_cast %mul3A_782 : i32 to index
      %swap3A_892 = tpu.vector_load %arg15[%swap3A_889, %swap3A_890, %swap3A_891] {strides = array<i32>} : memref<6x4x128xi32, #tpu.memory_space<vmem>>, vector<1x1x16xi32>,
      %swap3A_893 = vector.shape_cast %swap3A_892 : vector<1x1x16xi32> to vector<16xi32>
      %swap3A_894 = vector.shape_cast %add3A_886 : vector<16xi32> to vector<1x1x16xi32>
      tpu.vector_store %arg15[%swap3A_889, %swap3A_890, %swap3A_891], %swap3A_894 {strides = array<i32>} : memref<6x4x128xi32, #tpu.memory_space<vmem>>, vector<1x1x16xi32>,
      %shift_right_logical3A_895 = arith.constant 3 : i32
      %shift_right_logical3A_896 = vector.broadcast %shift_right_logical3A_895 : i32 to vector<16xi32>
      %shift_right_logical3A_897 = arith.shrui %shift_right_logical3A_793, %shift_right_logical3A_896 : vector<16xi32>
      %shift_left3A_898 = arith.constant 4 : i32
      %shift_left3A_899 = vector.broadcast %shift_left3A_898 : i32 to vector<16xi32>
      %shift_left3A_900 = arith.shli %shift_right_logical3A_897, %shift_left3A_899 : vector<16xi32>
      %shift_right_logical3A_901 = arith.constant 3 : i32
      %shift_right_logical3A_902 = vector.broadcast %shift_right_logical3A_901 : i32 to vector<16xi32>
      %shift_right_logical3A_903 = arith.shrui %and3A_795, %shift_right_logical3A_902 : vector<16xi32>
      %or3A_904 = arith.ori %shift_left3A_900, %shift_right_logical3A_903 : vector<16xi32>
      %mul3A_905 = arith.constant 24 : i32
      %mul3A_906 = vector.broadcast %mul3A_905 : i32 to vector<16xi32>
      %mul3A_907 = arith.muli %or3A_904, %mul3A_906 : vector<16xi32>
      %add3A_908 = arith.addi %mul3A_907, %get3A_791 : vector<16xi32>
      %swap3A_909 = arith.constant 4 : i32
      %swap3A_910 = arith.constant 3 : i32
      %swap3A_911 = arith.index_cast %swap3A_909 : i32 to index
      %swap3A_912 = arith.index_cast %swap3A_910 : i32 to index
      %swap3A_913 = arith.index_cast %mul3A_782 : i32 to index
      %swap3A_914 = tpu.vector_load %arg15[%swap3A_911, %swap3A_912, %swap3A_913] {strides = array<i32>} : memref<6x4x128xi32, #tpu.memory_space<vmem>>, vector<1x1x16xi32>,
      %swap3A_915 = vector.shape_cast %swap3A_914 : vector<1x1x16xi32> to vector<16xi32>
      %swap3A_916 = vector.shape_cast %add3A_908 : vector<16xi32> to vector<1x1x16xi32>
      tpu.vector_store %arg15[%swap3A_911, %swap3A_912, %swap3A_913], %swap3A_916 {strides = array<i32>} : memref<6x4x128xi32, #tpu.memory_space<vmem>>, vector<1x1x16xi32>,
      %shift_right_logical3A_917 = arith.constant 2 : i32
      %shift_right_logical3A_918 = vector.broadcast %shift_right_logical3A_917 : i32 to vector<16xi32>
      %shift_right_logical3A_919 = arith.shrui %shift_right_logical3A_793, %shift_right_logical3A_918 : vector<16xi32>
      %shift_left3A_920 = arith.constant 5 : i32
      %shift_left3A_921 = vector.broadcast %shift_left3A_920 : i32 to vector<16xi32>
      %shift_left3A_922 = arith.shli %shift_right_logical3A_919, %shift_left3A_921 : vector<16xi32>
      %shift_right_logical3A_923 = arith.constant 2 : i32
      %shift_right_logical3A_924 = vector.broadcast %shift_right_logical3A_923 : i32 to vector<16xi32>
      %shift_right_logical3A_925 = arith.shrui %and3A_795, %shift_right_logical3A_924 : vector<16xi32>
      %or3A_926 = arith.ori %shift_left3A_922, %shift_right_logical3A_925 : vector<16xi32>
      %mul3A_927 = arith.constant 24 : i32
      %mul3A_928 = vector.broadcast %mul3A_927 : i32 to vector<16xi32>
      %mul3A_929 = arith.muli %or3A_926, %mul3A_928 : vector<16xi32>
      %add3A_930 = arith.addi %mul3A_929, %get3A_791 : vector<16xi32>
      %swap3A_931 = arith.constant 5 : i32
      %swap3A_932 = arith.constant 3 : i32
      %swap3A_933 = arith.index_cast %swap3A_931 : i32 to index
      %swap3A_934 = arith.index_cast %swap3A_932 : i32 to index
      %swap3A_935 = arith.index_cast %mul3A_782 : i32 to index
      %swap3A_936 = tpu.vector_load %arg15[%swap3A_933, %swap3A_934, %swap3A_935] {strides = array<i32>} : memref<6x4x128xi32, #tpu.memory_space<vmem>>, vector<1x1x16xi32>,
      %swap3A_937 = vector.shape_cast %swap3A_936 : vector<1x1x16xi32> to vector<16xi32>
      %swap3A_938 = vector.shape_cast %add3A_930 : vector<16xi32> to vector<1x1x16xi32>
      tpu.vector_store %arg15[%swap3A_933, %swap3A_934, %swap3A_935], %swap3A_938 {strides = array<i32>} : memref<6x4x128xi32, #tpu.memory_space<vmem>>, vector<1x1x16xi32>,
      %scan3A_939 = arith.constant 0 : i32
      scf.yield %scan3A_939 : i32
    }
    %scan3A_107 = arith.constant 8 : i32
    %dma_start3A_108 = arith.constant 0 : i32
    %dma_start3A_109 = arith.constant 0 : i32
    %dma_start3A_110 = arith.constant 0 : i32
    %dma_start3A_111 = arith.constant 0 : i32
    %dma_start3A_112 = arith.constant 0 : i32
    %dma_start3A_113 = tpu.memref_slice %arg16[%dma_start3A_110, %dma_start3A_111, %dma_start3A_112] : memref<6x128x64xf32, #tpu.memory_space<vmem>> -> memref<1x128x64xf32, #tpu.memory_space<vmem>>
    %dma_start3A_114 = tpu.memref_squeeze %dma_start3A_113 : memref<1x128x64xf32, #tpu.memory_space<vmem>> -> memref<128x64xf32, #tpu.memory_space<vmem>>
    %dma_start3A_115 = arith.constant 0 : i32
    %dma_start3A_116 = tpu.memref_slice %arg15[%dma_start3A_108, %dma_start3A_109, %dma_start3A_115] : memref<6x4x128xi32, #tpu.memory_space<vmem>> -> memref<1x1x128xi32, #tpu.memory_space<vmem>>
    %dma_start3A_117 = tpu.memref_squeeze %dma_start3A_116 : memref<1x1x128xi32, #tpu.memory_space<vmem>> -> memref<128xi32, #tpu.memory_space<vmem>>
    %dma_start3A_118 = arith.constant 0 : i32
    %dma_start3A_119 = arith.constant 0 : i32
    %dma_start3A_120 = tpu.memref_slice %arg5[%dma_start3A_118, %dma_start3A_119] : memref<3072x64xf32, #tpu.memory_space<hbm>> -> memref<3072x64xf32, #tpu.memory_space<hbm>>
    tpu.enqueue_indirect_dma source(%dma_start3A_120 : memref<3072x64xf32, #tpu.memory_space<hbm>>) target(%dma_start3A_114 : memref<128x64xf32, #tpu.memory_space<vmem>>) offsets(%dma_start3A_117 : memref<128xi32, #tpu.memory_space<vmem>>) semaphore(%arg17 : memref<!tpu.dma_semaphore, #tpu.memory_space<semaphore_mem>>)
    %dma_start3A_121 = arith.constant 1 : i32
    %dma_start3A_122 = arith.constant 0 : i32
    %dma_start3A_123 = arith.constant 1 : i32
    %dma_start3A_124 = arith.constant 0 : i32
    %dma_start3A_125 = arith.constant 0 : i32
    %dma_start3A_126 = tpu.memref_slice %arg16[%dma_start3A_123, %dma_start3A_124, %dma_start3A_125] : memref<6x128x64xf32, #tpu.memory_space<vmem>> -> memref<1x128x64xf32, #tpu.memory_space<vmem>>
    %dma_start3A_127 = tpu.memref_squeeze %dma_start3A_126 : memref<1x128x64xf32, #tpu.memory_space<vmem>> -> memref<128x64xf32, #tpu.memory_space<vmem>>
    %dma_start3A_128 = arith.constant 0 : i32
    %dma_start3A_129 = tpu.memref_slice %arg15[%dma_start3A_121, %dma_start3A_122, %dma_start3A_128] : memref<6x4x128xi32, #tpu.memory_space<vmem>> -> memref<1x1x128xi32, #tpu.memory_space<vmem>>
    %dma_start3A_130 = tpu.memref_squeeze %dma_start3A_129 : memref<1x1x128xi32, #tpu.memory_space<vmem>> -> memref<128xi32, #tpu.memory_space<vmem>>
    %dma_start3A_131 = arith.constant 0 : i32
    %dma_start3A_132 = arith.constant 0 : i32
    %dma_start3A_133 = tpu.memref_slice %arg6[%dma_start3A_131, %dma_start3A_132] : memref<6144x64xf32, #tpu.memory_space<hbm>> -> memref<6144x64xf32, #tpu.memory_space<hbm>>
    tpu.enqueue_indirect_dma source(%dma_start3A_133 : memref<6144x64xf32, #tpu.memory_space<hbm>>) target(%dma_start3A_127 : memref<128x64xf32, #tpu.memory_space<vmem>>) offsets(%dma_start3A_130 : memref<128xi32, #tpu.memory_space<vmem>>) semaphore(%arg17 : memref<!tpu.dma_semaphore, #tpu.memory_space<semaphore_mem>>)
    %dma_start3A_134 = arith.constant 2 : i32
    %dma_start3A_135 = arith.constant 0 : i32
    %dma_start3A_136 = arith.constant 2 : i32
    %dma_start3A_137 = arith.constant 0 : i32
    %dma_start3A_138 = arith.constant 0 : i32
    %dma_start3A_139 = tpu.memref_slice %arg16[%dma_start3A_136, %dma_start3A_137, %dma_start3A_138] : memref<6x128x64xf32, #tpu.memory_space<vmem>> -> memref<1x128x64xf32, #tpu.memory_space<vmem>>
    %dma_start3A_140 = tpu.memref_squeeze %dma_start3A_139 : memref<1x128x64xf32, #tpu.memory_space<vmem>> -> memref<128x64xf32, #tpu.memory_space<vmem>>
    %dma_start3A_141 = arith.constant 0 : i32
    %dma_start3A_142 = tpu.memref_slice %arg15[%dma_start3A_134, %dma_start3A_135, %dma_start3A_141] : memref<6x4x128xi32, #tpu.memory_space<vmem>> -> memref<1x1x128xi32, #tpu.memory_space<vmem>>
    %dma_start3A_143 = tpu.memref_squeeze %dma_start3A_142 : memref<1x1x128xi32, #tpu.memory_space<vmem>> -> memref<128xi32, #tpu.memory_space<vmem>>
    %dma_start3A_144 = arith.constant 0 : i32
    %dma_start3A_145 = arith.constant 0 : i32
    %dma_start3A_146 = tpu.memref_slice %arg7[%dma_start3A_144, %dma_start3A_145] : memref<6144x64xf32, #tpu.memory_space<hbm>> -> memref<6144x64xf32, #tpu.memory_space<hbm>>
    tpu.enqueue_indirect_dma source(%dma_start3A_146 : memref<6144x64xf32, #tpu.memory_space<hbm>>) target(%dma_start3A_140 : memref<128x64xf32, #tpu.memory_space<vmem>>) offsets(%dma_start3A_143 : memref<128xi32, #tpu.memory_space<vmem>>) semaphore(%arg17 : memref<!tpu.dma_semaphore, #tpu.memory_space<semaphore_mem>>)
    %dma_start3A_147 = arith.constant 3 : i32
    %dma_start3A_148 = arith.constant 0 : i32
    %dma_start3A_149 = arith.constant 3 : i32
    %dma_start3A_150 = arith.constant 0 : i32
    %dma_start3A_151 = arith.constant 0 : i32
    %dma_start3A_152 = tpu.memref_slice %arg16[%dma_start3A_149, %dma_start3A_150, %dma_start3A_151] : memref<6x128x64xf32, #tpu.memory_space<vmem>> -> memref<1x128x64xf32, #tpu.memory_space<vmem>>
    %dma_start3A_153 = tpu.memref_squeeze %dma_start3A_152 : memref<1x128x64xf32, #tpu.memory_space<vmem>> -> memref<128x64xf32, #tpu.memory_space<vmem>>
    %dma_start3A_154 = arith.constant 0 : i32
    %dma_start3A_155 = tpu.memref_slice %arg15[%dma_start3A_147, %dma_start3A_148, %dma_start3A_154] : memref<6x4x128xi32, #tpu.memory_space<vmem>> -> memref<1x1x128xi32, #tpu.memory_space<vmem>>
    %dma_start3A_156 = tpu.memref_squeeze %dma_start3A_155 : memref<1x1x128xi32, #tpu.memory_space<vmem>> -> memref<128xi32, #tpu.memory_space<vmem>>
    %dma_start3A_157 = arith.constant 0 : i32
    %dma_start3A_158 = arith.constant 0 : i32
    %dma_start3A_159 = tpu.memref_slice %arg8[%dma_start3A_157, %dma_start3A_158] : memref<6144x64xf32, #tpu.memory_space<hbm>> -> memref<6144x64xf32, #tpu.memory_space<hbm>>
    tpu.enqueue_indirect_dma source(%dma_start3A_159 : memref<6144x64xf32, #tpu.memory_space<hbm>>) target(%dma_start3A_153 : memref<128x64xf32, #tpu.memory_space<vmem>>) offsets(%dma_start3A_156 : memref<128xi32, #tpu.memory_space<vmem>>) semaphore(%arg17 : memref<!tpu.dma_semaphore, #tpu.memory_space<semaphore_mem>>)
    %dma_start3A_160 = arith.constant 4 : i32
    %dma_start3A_161 = arith.constant 0 : i32
    %dma_start3A_162 = arith.constant 4 : i32
    %dma_start3A_163 = arith.constant 0 : i32
    %dma_start3A_164 = arith.constant 0 : i32
    %dma_start3A_165 = tpu.memref_slice %arg16[%dma_start3A_162, %dma_start3A_163, %dma_start3A_164] : memref<6x128x64xf32, #tpu.memory_space<vmem>> -> memref<1x128x64xf32, #tpu.memory_space<vmem>>
    %dma_start3A_166 = tpu.memref_squeeze %dma_start3A_165 : memref<1x128x64xf32, #tpu.memory_space<vmem>> -> memref<128x64xf32, #tpu.memory_space<vmem>>
    %dma_start3A_167 = arith.constant 0 : i32
    %dma_start3A_168 = tpu.memref_slice %arg15[%dma_start3A_160, %dma_start3A_161, %dma_start3A_167] : memref<6x4x128xi32, #tpu.memory_space<vmem>> -> memref<1x1x128xi32, #tpu.memory_space<vmem>>
    %dma_start3A_169 = tpu.memref_squeeze %dma_start3A_168 : memref<1x1x128xi32, #tpu.memory_space<vmem>> -> memref<128xi32, #tpu.memory_space<vmem>>
    %dma_start3A_170 = arith.constant 0 : i32
    %dma_start3A_171 = arith.constant 0 : i32
    %dma_start3A_172 = tpu.memref_slice %arg9[%dma_start3A_170, %dma_start3A_171] : memref<6144x64xf32, #tpu.memory_space<hbm>> -> memref<6144x64xf32, #tpu.memory_space<hbm>>
    tpu.enqueue_indirect_dma source(%dma_start3A_172 : memref<6144x64xf32, #tpu.memory_space<hbm>>) target(%dma_start3A_166 : memref<128x64xf32, #tpu.memory_space<vmem>>) offsets(%dma_start3A_169 : memref<128xi32, #tpu.memory_space<vmem>>) semaphore(%arg17 : memref<!tpu.dma_semaphore, #tpu.memory_space<semaphore_mem>>)
    %dma_start3A_173 = arith.constant 5 : i32
    %dma_start3A_174 = arith.constant 0 : i32
    %dma_start3A_175 = arith.constant 5 : i32
    %dma_start3A_176 = arith.constant 0 : i32
    %dma_start3A_177 = arith.constant 0 : i32
    %dma_start3A_178 = tpu.memref_slice %arg16[%dma_start3A_175, %dma_start3A_176, %dma_start3A_177] : memref<6x128x64xf32, #tpu.memory_space<vmem>> -> memref<1x128x64xf32, #tpu.memory_space<vmem>>
    %dma_start3A_179 = tpu.memref_squeeze %dma_start3A_178 : memref<1x128x64xf32, #tpu.memory_space<vmem>> -> memref<128x64xf32, #tpu.memory_space<vmem>>
    %dma_start3A_180 = arith.constant 0 : i32
    %dma_start3A_181 = tpu.memref_slice %arg15[%dma_start3A_173, %dma_start3A_174, %dma_start3A_180] : memref<6x4x128xi32, #tpu.memory_space<vmem>> -> memref<1x1x128xi32, #tpu.memory_space<vmem>>
    %dma_start3A_182 = tpu.memref_squeeze %dma_start3A_181 : memref<1x1x128xi32, #tpu.memory_space<vmem>> -> memref<128xi32, #tpu.memory_space<vmem>>
    %dma_start3A_183 = arith.constant 0 : i32
    %dma_start3A_184 = arith.constant 0 : i32
    %dma_start3A_185 = tpu.memref_slice %arg10[%dma_start3A_183, %dma_start3A_184] : memref<24576x64xf32, #tpu.memory_space<hbm>> -> memref<24576x64xf32, #tpu.memory_space<hbm>>
    tpu.enqueue_indirect_dma source(%dma_start3A_185 : memref<24576x64xf32, #tpu.memory_space<hbm>>) target(%dma_start3A_179 : memref<128x64xf32, #tpu.memory_space<vmem>>) offsets(%dma_start3A_182 : memref<128xi32, #tpu.memory_space<vmem>>) semaphore(%arg17 : memref<!tpu.dma_semaphore, #tpu.memory_space<semaphore_mem>>)
    %dma_wait3A_186 = arith.constant 0 : i32
    %dma_wait3A_187 = arith.constant 0 : i32
    %dma_wait3A_188 = arith.constant 0 : i32
    %dma_wait3A_189 = arith.constant 0 : i32
    %dma_wait3A_190 = arith.constant 0 : i32
    %dma_wait3A_191 = tpu.memref_slice %arg16[%dma_wait3A_188, %dma_wait3A_189, %dma_wait3A_190] : memref<6x128x64xf32, #tpu.memory_space<vmem>> -> memref<1x128x64xf32, #tpu.memory_space<vmem>>
    %dma_wait3A_192 = tpu.memref_squeeze %dma_wait3A_191 : memref<1x128x64xf32, #tpu.memory_space<vmem>> -> memref<128x64xf32, #tpu.memory_space<vmem>>
    %dma_wait3A_193 = arith.constant 0 : i32
    %dma_wait3A_194 = tpu.memref_slice %arg15[%dma_wait3A_186, %dma_wait3A_187, %dma_wait3A_193] : memref<6x4x128xi32, #tpu.memory_space<vmem>> -> memref<1x1x128xi32, #tpu.memory_space<vmem>>
    %dma_wait3A_195 = tpu.memref_squeeze %dma_wait3A_194 : memref<1x1x128xi32, #tpu.memory_space<vmem>> -> memref<128xi32, #tpu.memory_space<vmem>>
    %dma_wait3A_196 = arith.constant 0 : i32
    %dma_wait3A_197 = arith.constant 0 : i32
    %dma_wait3A_198 = tpu.memref_slice %arg5[%dma_wait3A_196, %dma_wait3A_197] : memref<3072x64xf32, #tpu.memory_space<hbm>> -> memref<3072x64xf32, #tpu.memory_space<hbm>>
    tpu.wait_indirect_dma semaphore(%arg17 : memref<!tpu.dma_semaphore, #tpu.memory_space<semaphore_mem>>) src(%dma_wait3A_198 : memref<3072x64xf32, #tpu.memory_space<hbm>>) dst(%dma_wait3A_192 : memref<128x64xf32, #tpu.memory_space<vmem>>)
    %dma_wait3A_199 = arith.constant 1 : i32
    %dma_wait3A_200 = arith.constant 0 : i32
    %dma_wait3A_201 = arith.constant 1 : i32
    %dma_wait3A_202 = arith.constant 0 : i32
    %dma_wait3A_203 = arith.constant 0 : i32
    %dma_wait3A_204 = tpu.memref_slice %arg16[%dma_wait3A_201, %dma_wait3A_202, %dma_wait3A_203] : memref<6x128x64xf32, #tpu.memory_space<vmem>> -> memref<1x128x64xf32, #tpu.memory_space<vmem>>
    %dma_wait3A_205 = tpu.memref_squeeze %dma_wait3A_204 : memref<1x128x64xf32, #tpu.memory_space<vmem>> -> memref<128x64xf32, #tpu.memory_space<vmem>>
    %dma_wait3A_206 = arith.constant 0 : i32
    %dma_wait3A_207 = tpu.memref_slice %arg15[%dma_wait3A_199, %dma_wait3A_200, %dma_wait3A_206] : memref<6x4x128xi32, #tpu.memory_space<vmem>> -> memref<1x1x128xi32, #tpu.memory_space<vmem>>
    %dma_wait3A_208 = tpu.memref_squeeze %dma_wait3A_207 : memref<1x1x128xi32, #tpu.memory_space<vmem>> -> memref<128xi32, #tpu.memory_space<vmem>>
    %dma_wait3A_209 = arith.constant 0 : i32
    %dma_wait3A_210 = arith.constant 0 : i32
    %dma_wait3A_211 = tpu.memref_slice %arg6[%dma_wait3A_209, %dma_wait3A_210] : memref<6144x64xf32, #tpu.memory_space<hbm>> -> memref<6144x64xf32, #tpu.memory_space<hbm>>
    tpu.wait_indirect_dma semaphore(%arg17 : memref<!tpu.dma_semaphore, #tpu.memory_space<semaphore_mem>>) src(%dma_wait3A_211 : memref<6144x64xf32, #tpu.memory_space<hbm>>) dst(%dma_wait3A_205 : memref<128x64xf32, #tpu.memory_space<vmem>>)
    %dma_wait3A_212 = arith.constant 2 : i32
    %dma_wait3A_213 = arith.constant 0 : i32
    %dma_wait3A_214 = arith.constant 2 : i32
    %dma_wait3A_215 = arith.constant 0 : i32
    %dma_wait3A_216 = arith.constant 0 : i32
    %dma_wait3A_217 = tpu.memref_slice %arg16[%dma_wait3A_214, %dma_wait3A_215, %dma_wait3A_216] : memref<6x128x64xf32, #tpu.memory_space<vmem>> -> memref<1x128x64xf32, #tpu.memory_space<vmem>>
    %dma_wait3A_218 = tpu.memref_squeeze %dma_wait3A_217 : memref<1x128x64xf32, #tpu.memory_space<vmem>> -> memref<128x64xf32, #tpu.memory_space<vmem>>
    %dma_wait3A_219 = arith.constant 0 : i32
    %dma_wait3A_220 = tpu.memref_slice %arg15[%dma_wait3A_212, %dma_wait3A_213, %dma_wait3A_219] : memref<6x4x128xi32, #tpu.memory_space<vmem>> -> memref<1x1x128xi32, #tpu.memory_space<vmem>>
    %dma_wait3A_221 = tpu.memref_squeeze %dma_wait3A_220 : memref<1x1x128xi32, #tpu.memory_space<vmem>> -> memref<128xi32, #tpu.memory_space<vmem>>
    %dma_wait3A_222 = arith.constant 0 : i32
    %dma_wait3A_223 = arith.constant 0 : i32
    %dma_wait3A_224 = tpu.memref_slice %arg7[%dma_wait3A_222, %dma_wait3A_223] : memref<6144x64xf32, #tpu.memory_space<hbm>> -> memref<6144x64xf32, #tpu.memory_space<hbm>>
    tpu.wait_indirect_dma semaphore(%arg17 : memref<!tpu.dma_semaphore, #tpu.memory_space<semaphore_mem>>) src(%dma_wait3A_224 : memref<6144x64xf32, #tpu.memory_space<hbm>>) dst(%dma_wait3A_218 : memref<128x64xf32, #tpu.memory_space<vmem>>)
    %dma_wait3A_225 = arith.constant 3 : i32
    %dma_wait3A_226 = arith.constant 0 : i32
    %dma_wait3A_227 = arith.constant 3 : i32
    %dma_wait3A_228 = arith.constant 0 : i32
    %dma_wait3A_229 = arith.constant 0 : i32
    %dma_wait3A_230 = tpu.memref_slice %arg16[%dma_wait3A_227, %dma_wait3A_228, %dma_wait3A_229] : memref<6x128x64xf32, #tpu.memory_space<vmem>> -> memref<1x128x64xf32, #tpu.memory_space<vmem>>
    %dma_wait3A_231 = tpu.memref_squeeze %dma_wait3A_230 : memref<1x128x64xf32, #tpu.memory_space<vmem>> -> memref<128x64xf32, #tpu.memory_space<vmem>>
    %dma_wait3A_232 = arith.constant 0 : i32
    %dma_wait3A_233 = tpu.memref_slice %arg15[%dma_wait3A_225, %dma_wait3A_226, %dma_wait3A_232] : memref<6x4x128xi32, #tpu.memory_space<vmem>> -> memref<1x1x128xi32, #tpu.memory_space<vmem>>
    %dma_wait3A_234 = tpu.memref_squeeze %dma_wait3A_233 : memref<1x1x128xi32, #tpu.memory_space<vmem>> -> memref<128xi32, #tpu.memory_space<vmem>>
    %dma_wait3A_235 = arith.constant 0 : i32
    %dma_wait3A_236 = arith.constant 0 : i32
    %dma_wait3A_237 = tpu.memref_slice %arg8[%dma_wait3A_235, %dma_wait3A_236] : memref<6144x64xf32, #tpu.memory_space<hbm>> -> memref<6144x64xf32, #tpu.memory_space<hbm>>
    tpu.wait_indirect_dma semaphore(%arg17 : memref<!tpu.dma_semaphore, #tpu.memory_space<semaphore_mem>>) src(%dma_wait3A_237 : memref<6144x64xf32, #tpu.memory_space<hbm>>) dst(%dma_wait3A_231 : memref<128x64xf32, #tpu.memory_space<vmem>>)
    %dma_wait3A_238 = arith.constant 4 : i32
    %dma_wait3A_239 = arith.constant 0 : i32
    %dma_wait3A_240 = arith.constant 4 : i32
    %dma_wait3A_241 = arith.constant 0 : i32
    %dma_wait3A_242 = arith.constant 0 : i32
    %dma_wait3A_243 = tpu.memref_slice %arg16[%dma_wait3A_240, %dma_wait3A_241, %dma_wait3A_242] : memref<6x128x64xf32, #tpu.memory_space<vmem>> -> memref<1x128x64xf32, #tpu.memory_space<vmem>>
    %dma_wait3A_244 = tpu.memref_squeeze %dma_wait3A_243 : memref<1x128x64xf32, #tpu.memory_space<vmem>> -> memref<128x64xf32, #tpu.memory_space<vmem>>
    %dma_wait3A_245 = arith.constant 0 : i32
    %dma_wait3A_246 = tpu.memref_slice %arg15[%dma_wait3A_238, %dma_wait3A_239, %dma_wait3A_245] : memref<6x4x128xi32, #tpu.memory_space<vmem>> -> memref<1x1x128xi32, #tpu.memory_space<vmem>>
    %dma_wait3A_247 = tpu.memref_squeeze %dma_wait3A_246 : memref<1x1x128xi32, #tpu.memory_space<vmem>> -> memref<128xi32, #tpu.memory_space<vmem>>
    %dma_wait3A_248 = arith.constant 0 : i32
    %dma_wait3A_249 = arith.constant 0 : i32
    %dma_wait3A_250 = tpu.memref_slice %arg9[%dma_wait3A_248, %dma_wait3A_249] : memref<6144x64xf32, #tpu.memory_space<hbm>> -> memref<6144x64xf32, #tpu.memory_space<hbm>>
    tpu.wait_indirect_dma semaphore(%arg17 : memref<!tpu.dma_semaphore, #tpu.memory_space<semaphore_mem>>) src(%dma_wait3A_250 : memref<6144x64xf32, #tpu.memory_space<hbm>>) dst(%dma_wait3A_244 : memref<128x64xf32, #tpu.memory_space<vmem>>)
    %dma_wait3A_251 = arith.constant 5 : i32
    %dma_wait3A_252 = arith.constant 0 : i32
    %dma_wait3A_253 = arith.constant 5 : i32
    %dma_wait3A_254 = arith.constant 0 : i32
    %dma_wait3A_255 = arith.constant 0 : i32
    %dma_wait3A_256 = tpu.memref_slice %arg16[%dma_wait3A_253, %dma_wait3A_254, %dma_wait3A_255] : memref<6x128x64xf32, #tpu.memory_space<vmem>> -> memref<1x128x64xf32, #tpu.memory_space<vmem>>
    %dma_wait3A_257 = tpu.memref_squeeze %dma_wait3A_256 : memref<1x128x64xf32, #tpu.memory_space<vmem>> -> memref<128x64xf32, #tpu.memory_space<vmem>>
    %dma_wait3A_258 = arith.constant 0 : i32
    %dma_wait3A_259 = tpu.memref_slice %arg15[%dma_wait3A_251, %dma_wait3A_252, %dma_wait3A_258] : memref<6x4x128xi32, #tpu.memory_space<vmem>> -> memref<1x1x128xi32, #tpu.memory_space<vmem>>
    %dma_wait3A_260 = tpu.memref_squeeze %dma_wait3A_259 : memref<1x1x128xi32, #tpu.memory_space<vmem>> -> memref<128xi32, #tpu.memory_space<vmem>>
    %dma_wait3A_261 = arith.constant 0 : i32
    %dma_wait3A_262 = arith.constant 0 : i32
    %dma_wait3A_263 = tpu.memref_slice %arg10[%dma_wait3A_261, %dma_wait3A_262] : memref<24576x64xf32, #tpu.memory_space<hbm>> -> memref<24576x64xf32, #tpu.memory_space<hbm>>
    tpu.wait_indirect_dma semaphore(%arg17 : memref<!tpu.dma_semaphore, #tpu.memory_space<semaphore_mem>>) src(%dma_wait3A_263 : memref<24576x64xf32, #tpu.memory_space<hbm>>) dst(%dma_wait3A_257 : memref<128x64xf32, #tpu.memory_space<vmem>>)
    %scan3A_264 = arith.constant 0 : i32
    %scan3A_265 = arith.constant 0 : i32
    %scan3A_266 = arith.constant 128 : i32
    %scan3A_267 = arith.addi %scan3A_265, %scan3A_266 : i32
    %scan3A_268 = arith.constant 1 : i32
    %scan3A_269 = scf.for %scan3A_779 = %scan3A_265 to %scan3A_267 step %scan3A_268 iter_args(%scan3A_780 = %scan3A_264) -> (i32)  : i32 {
      %get3A = arith.constant 0 : i32
      %get3A_781 = arith.index_cast %get3A : i32 to index
      %get3A_782 = arith.index_cast %scan3A_779 : i32 to index
      %get3A_783 = arith.constant 0 : index
      %get3A_784 = tpu.vector_load %arg16[%get3A_781, %get3A_782, %get3A_783] {strides = array<i32>} : memref<6x128x64xf32, #tpu.memory_space<vmem>>, vector<1x1x16xf32>,
      %get3A_785 = vector.shape_cast %get3A_784 : vector<1x1x16xf32> to vector<16xf32>
      %get3A_786 = arith.constant 1 : i32
      %get3A_787 = arith.index_cast %get3A_786 : i32 to index
      %get3A_788 = arith.index_cast %scan3A_779 : i32 to index
      %get3A_789 = arith.constant 0 : index
      %get3A_790 = tpu.vector_load %arg16[%get3A_787, %get3A_788, %get3A_789] {strides = array<i32>} : memref<6x128x64xf32, #tpu.memory_space<vmem>>, vector<1x1x16xf32>,
      %get3A_791 = vector.shape_cast %get3A_790 : vector<1x1x16xf32> to vector<16xf32>
      %add3A_792 = arith.addf %get3A_785, %get3A_791 : vector<16xf32>
      %get3A_793 = arith.constant 2 : i32
      %get3A_794 = arith.index_cast %get3A_793 : i32 to index
      %get3A_795 = arith.index_cast %scan3A_779 : i32 to index
      %get3A_796 = arith.constant 0 : index
      %get3A_797 = tpu.vector_load %arg16[%get3A_794, %get3A_795, %get3A_796] {strides = array<i32>} : memref<6x128x64xf32, #tpu.memory_space<vmem>>, vector<1x1x16xf32>,
      %get3A_798 = vector.shape_cast %get3A_797 : vector<1x1x16xf32> to vector<16xf32>
      %add3A_799 = arith.addf %add3A_792, %get3A_798 : vector<16xf32>
      %get3A_800 = arith.constant 3 : i32
      %get3A_801 = arith.index_cast %get3A_800 : i32 to index
      %get3A_802 = arith.index_cast %scan3A_779 : i32 to index
      %get3A_803 = arith.constant 0 : index
      %get3A_804 = tpu.vector_load %arg16[%get3A_801, %get3A_802, %get3A_803] {strides = array<i32>} : memref<6x128x64xf32, #tpu.memory_space<vmem>>, vector<1x1x16xf32>,
      %get3A_805 = vector.shape_cast %get3A_804 : vector<1x1x16xf32> to vector<16xf32>
      %add3A_806 = arith.addf %add3A_799, %get3A_805 : vector<16xf32>
      %get3A_807 = arith.constant 4 : i32
      %get3A_808 = arith.index_cast %get3A_807 : i32 to index
      %get3A_809 = arith.index_cast %scan3A_779 : i32 to index
      %get3A_810 = arith.constant 0 : index
      %get3A_811 = tpu.vector_load %arg16[%get3A_808, %get3A_809, %get3A_810] {strides = array<i32>} : memref<6x128x64xf32, #tpu.memory_space<vmem>>, vector<1x1x16xf32>,
      %get3A_812 = vector.shape_cast %get3A_811 : vector<1x1x16xf32> to vector<16xf32>
      %add3A_813 = arith.addf %add3A_806, %get3A_812 : vector<16xf32>
      %get3A_814 = arith.constant 5 : i32
      %get3A_815 = arith.index_cast %get3A_814 : i32 to index
      %get3A_816 = arith.index_cast %scan3A_779 : i32 to index
      %get3A_817 = arith.constant 0 : index
      %get3A_818 = tpu.vector_load %arg16[%get3A_815, %get3A_816, %get3A_817] {strides = array<i32>} : memref<6x128x64xf32, #tpu.memory_space<vmem>>, vector<1x1x16xf32>,
      %get3A_819 = vector.shape_cast %get3A_818 : vector<1x1x16xf32> to vector<16xf32>
      %add3A_820 = arith.addf %add3A_813, %get3A_819 : vector<16xf32>
      %swap3A = arith.constant 0 : i32
      %swap3A_821 = arith.index_cast %swap3A : i32 to index
      %swap3A_822 = arith.index_cast %scan3A_779 : i32 to index
      %swap3A_823 = arith.constant 0 : index
      %swap3A_824 = tpu.vector_load %arg16[%swap3A_821, %swap3A_822, %swap3A_823] {strides = array<i32>} : memref<6x128x64xf32, #tpu.memory_space<vmem>>, vector<1x1x16xf32>,
      %swap3A_825 = vector.shape_cast %swap3A_824 : vector<1x1x16xf32> to vector<16xf32>
      %swap3A_826 = vector.shape_cast %add3A_820 : vector<16xf32> to vector<1x1x16xf32>
      tpu.vector_store %arg16[%swap3A_821, %swap3A_822, %swap3A_823], %swap3A_826 {strides = array<i32>} : memref<6x128x64xf32, #tpu.memory_space<vmem>>, vector<1x1x16xf32>,
      %get3A_827 = arith.constant 0 : i32
      %get3A_828 = arith.index_cast %get3A_827 : i32 to index
      %get3A_829 = arith.index_cast %scan3A_779 : i32 to index
      %get3A_830 = arith.constant 16 : index
      %get3A_831 = tpu.vector_load %arg16[%get3A_828, %get3A_829, %get3A_830] {strides = array<i32>} : memref<6x128x64xf32, #tpu.memory_space<vmem>>, vector<1x1x16xf32>,
      %get3A_832 = vector.shape_cast %get3A_831 : vector<1x1x16xf32> to vector<16xf32>
      %get3A_833 = arith.constant 1 : i32
      %get3A_834 = arith.index_cast %get3A_833 : i32 to index
      %get3A_835 = arith.index_cast %scan3A_779 : i32 to index
      %get3A_836 = arith.constant 16 : index
      %get3A_837 = tpu.vector_load %arg16[%get3A_834, %get3A_835, %get3A_836] {strides = array<i32>} : memref<6x128x64xf32, #tpu.memory_space<vmem>>, vector<1x1x16xf32>,
      %get3A_838 = vector.shape_cast %get3A_837 : vector<1x1x16xf32> to vector<16xf32>
      %add3A_839 = arith.addf %get3A_832, %get3A_838 : vector<16xf32>
      %get3A_840 = arith.constant 2 : i32
      %get3A_841 = arith.index_cast %get3A_840 : i32 to index
      %get3A_842 = arith.index_cast %scan3A_779 : i32 to index
      %get3A_843 = arith.constant 16 : index
      %get3A_844 = tpu.vector_load %arg16[%get3A_841, %get3A_842, %get3A_843] {strides = array<i32>} : memref<6x128x64xf32, #tpu.memory_space<vmem>>, vector<1x1x16xf32>,
      %get3A_845 = vector.shape_cast %get3A_844 : vector<1x1x16xf32> to vector<16xf32>
      %add3A_846 = arith.addf %add3A_839, %get3A_845 : vector<16xf32>
      %get3A_847 = arith.constant 3 : i32
      %get3A_848 = arith.index_cast %get3A_847 : i32 to index
      %get3A_849 = arith.index_cast %scan3A_779 : i32 to index
      %get3A_850 = arith.constant 16 : index
      %get3A_851 = tpu.vector_load %arg16[%get3A_848, %get3A_849, %get3A_850] {strides = array<i32>} : memref<6x128x64xf32, #tpu.memory_space<vmem>>, vector<1x1x16xf32>,
      %get3A_852 = vector.shape_cast %get3A_851 : vector<1x1x16xf32> to vector<16xf32>
      %add3A_853 = arith.addf %add3A_846, %get3A_852 : vector<16xf32>
      %get3A_854 = arith.constant 4 : i32
      %get3A_855 = arith.index_cast %get3A_854 : i32 to index
      %get3A_856 = arith.index_cast %scan3A_779 : i32 to index
      %get3A_857 = arith.constant 16 : index
      %get3A_858 = tpu.vector_load %arg16[%get3A_855, %get3A_856, %get3A_857] {strides = array<i32>} : memref<6x128x64xf32, #tpu.memory_space<vmem>>, vector<1x1x16xf32>,
      %get3A_859 = vector.shape_cast %get3A_858 : vector<1x1x16xf32> to vector<16xf32>
      %add3A_860 = arith.addf %add3A_853, %get3A_859 : vector<16xf32>
      %get3A_861 = arith.constant 5 : i32
      %get3A_862 = arith.index_cast %get3A_861 : i32 to index
      %get3A_863 = arith.index_cast %scan3A_779 : i32 to index
      %get3A_864 = arith.constant 16 : index
      %get3A_865 = tpu.vector_load %arg16[%get3A_862, %get3A_863, %get3A_864] {strides = array<i32>} : memref<6x128x64xf32, #tpu.memory_space<vmem>>, vector<1x1x16xf32>,
      %get3A_866 = vector.shape_cast %get3A_865 : vector<1x1x16xf32> to vector<16xf32>
      %add3A_867 = arith.addf %add3A_860, %get3A_866 : vector<16xf32>
      %swap3A_868 = arith.constant 0 : i32
      %swap3A_869 = arith.index_cast %swap3A_868 : i32 to index
      %swap3A_870 = arith.index_cast %scan3A_779 : i32 to index
      %swap3A_871 = arith.constant 16 : index
      %swap3A_872 = tpu.vector_load %arg16[%swap3A_869, %swap3A_870, %swap3A_871] {strides = array<i32>} : memref<6x128x64xf32, #tpu.memory_space<vmem>>, vector<1x1x16xf32>,
      %swap3A_873 = vector.shape_cast %swap3A_872 : vector<1x1x16xf32> to vector<16xf32>
      %swap3A_874 = vector.shape_cast %add3A_867 : vector<16xf32> to vector<1x1x16xf32>
      tpu.vector_store %arg16[%swap3A_869, %swap3A_870, %swap3A_871], %swap3A_874 {strides = array<i32>} : memref<6x128x64xf32, #tpu.memory_space<vmem>>, vector<1x1x16xf32>,
      %get3A_875 = arith.constant 0 : i32
      %get3A_876 = arith.index_cast %get3A_875 : i32 to index
      %get3A_877 = arith.index_cast %scan3A_779 : i32 to index
      %get3A_878 = arith.constant 32 : index
      %get3A_879 = tpu.vector_load %arg16[%get3A_876, %get3A_877, %get3A_878] {strides = array<i32>} : memref<6x128x64xf32, #tpu.memory_space<vmem>>, vector<1x1x16xf32>,
      %get3A_880 = vector.shape_cast %get3A_879 : vector<1x1x16xf32> to vector<16xf32>
      %get3A_881 = arith.constant 1 : i32
      %get3A_882 = arith.index_cast %get3A_881 : i32 to index
      %get3A_883 = arith.index_cast %scan3A_779 : i32 to index
      %get3A_884 = arith.constant 32 : index
      %get3A_885 = tpu.vector_load %arg16[%get3A_882, %get3A_883, %get3A_884] {strides = array<i32>} : memref<6x128x64xf32, #tpu.memory_space<vmem>>, vector<1x1x16xf32>,
      %get3A_886 = vector.shape_cast %get3A_885 : vector<1x1x16xf32> to vector<16xf32>
      %add3A_887 = arith.addf %get3A_880, %get3A_886 : vector<16xf32>
      %get3A_888 = arith.constant 2 : i32
      %get3A_889 = arith.index_cast %get3A_888 : i32 to index
      %get3A_890 = arith.index_cast %scan3A_779 : i32 to index
      %get3A_891 = arith.constant 32 : index
      %get3A_892 = tpu.vector_load %arg16[%get3A_889, %get3A_890, %get3A_891] {strides = array<i32>} : memref<6x128x64xf32, #tpu.memory_space<vmem>>, vector<1x1x16xf32>,
      %get3A_893 = vector.shape_cast %get3A_892 : vector<1x1x16xf32> to vector<16xf32>
      %add3A_894 = arith.addf %add3A_887, %get3A_893 : vector<16xf32>
      %get3A_895 = arith.constant 3 : i32
      %get3A_896 = arith.index_cast %get3A_895 : i32 to index
      %get3A_897 = arith.index_cast %scan3A_779 : i32 to index
      %get3A_898 = arith.constant 32 : index
      %get3A_899 = tpu.vector_load %arg16[%get3A_896, %get3A_897, %get3A_898] {strides = array<i32>} : memref<6x128x64xf32, #tpu.memory_space<vmem>>, vector<1x1x16xf32>,
      %get3A_900 = vector.shape_cast %get3A_899 : vector<1x1x16xf32> to vector<16xf32>
      %add3A_901 = arith.addf %add3A_894, %get3A_900 : vector<16xf32>
      %get3A_902 = arith.constant 4 : i32
      %get3A_903 = arith.index_cast %get3A_902 : i32 to index
      %get3A_904 = arith.index_cast %scan3A_779 : i32 to index
      %get3A_905 = arith.constant 32 : index
      %get3A_906 = tpu.vector_load %arg16[%get3A_903, %get3A_904, %get3A_905] {strides = array<i32>} : memref<6x128x64xf32, #tpu.memory_space<vmem>>, vector<1x1x16xf32>,
      %get3A_907 = vector.shape_cast %get3A_906 : vector<1x1x16xf32> to vector<16xf32>
      %add3A_908 = arith.addf %add3A_901, %get3A_907 : vector<16xf32>
      %get3A_909 = arith.constant 5 : i32
      %get3A_910 = arith.index_cast %get3A_909 : i32 to index
      %get3A_911 = arith.index_cast %scan3A_779 : i32 to index
      %get3A_912 = arith.constant 32 : index
      %get3A_913 = tpu.vector_load %arg16[%get3A_910, %get3A_911, %get3A_912] {strides = array<i32>} : memref<6x128x64xf32, #tpu.memory_space<vmem>>, vector<1x1x16xf32>,
      %get3A_914 = vector.shape_cast %get3A_913 : vector<1x1x16xf32> to vector<16xf32>
      %add3A_915 = arith.addf %add3A_908, %get3A_914 : vector<16xf32>
      %swap3A_916 = arith.constant 0 : i32
      %swap3A_917 = arith.index_cast %swap3A_916 : i32 to index
      %swap3A_918 = arith.index_cast %scan3A_779 : i32 to index
      %swap3A_919 = arith.constant 32 : index
      %swap3A_920 = tpu.vector_load %arg16[%swap3A_917, %swap3A_918, %swap3A_919] {strides = array<i32>} : memref<6x128x64xf32, #tpu.memory_space<vmem>>, vector<1x1x16xf32>,
      %swap3A_921 = vector.shape_cast %swap3A_920 : vector<1x1x16xf32> to vector<16xf32>
      %swap3A_922 = vector.shape_cast %add3A_915 : vector<16xf32> to vector<1x1x16xf32>
      tpu.vector_store %arg16[%swap3A_917, %swap3A_918, %swap3A_919], %swap3A_922 {strides = array<i32>} : memref<6x128x64xf32, #tpu.memory_space<vmem>>, vector<1x1x16xf32>,
      %get3A_923 = arith.constant 0 : i32
      %get3A_924 = arith.index_cast %get3A_923 : i32 to index
      %get3A_925 = arith.index_cast %scan3A_779 : i32 to index
      %get3A_926 = arith.constant 48 : index
      %get3A_927 = tpu.vector_load %arg16[%get3A_924, %get3A_925, %get3A_926] {strides = array<i32>} : memref<6x128x64xf32, #tpu.memory_space<vmem>>, vector<1x1x16xf32>,
      %get3A_928 = vector.shape_cast %get3A_927 : vector<1x1x16xf32> to vector<16xf32>
      %get3A_929 = arith.constant 1 : i32
      %get3A_930 = arith.index_cast %get3A_929 : i32 to index
      %get3A_931 = arith.index_cast %scan3A_779 : i32 to index
      %get3A_932 = arith.constant 48 : index
      %get3A_933 = tpu.vector_load %arg16[%get3A_930, %get3A_931, %get3A_932] {strides = array<i32>} : memref<6x128x64xf32, #tpu.memory_space<vmem>>, vector<1x1x16xf32>,
      %get3A_934 = vector.shape_cast %get3A_933 : vector<1x1x16xf32> to vector<16xf32>
      %add3A_935 = arith.addf %get3A_928, %get3A_934 : vector<16xf32>
      %get3A_936 = arith.constant 2 : i32
      %get3A_937 = arith.index_cast %get3A_936 : i32 to index
      %get3A_938 = arith.index_cast %scan3A_779 : i32 to index
      %get3A_939 = arith.constant 48 : index
      %get3A_940 = tpu.vector_load %arg16[%get3A_937, %get3A_938, %get3A_939] {strides = array<i32>} : memref<6x128x64xf32, #tpu.memory_space<vmem>>, vector<1x1x16xf32>,
      %get3A_941 = vector.shape_cast %get3A_940 : vector<1x1x16xf32> to vector<16xf32>
      %add3A_942 = arith.addf %add3A_935, %get3A_941 : vector<16xf32>
      %get3A_943 = arith.constant 3 : i32
      %get3A_944 = arith.index_cast %get3A_943 : i32 to index
      %get3A_945 = arith.index_cast %scan3A_779 : i32 to index
      %get3A_946 = arith.constant 48 : index
      %get3A_947 = tpu.vector_load %arg16[%get3A_944, %get3A_945, %get3A_946] {strides = array<i32>} : memref<6x128x64xf32, #tpu.memory_space<vmem>>, vector<1x1x16xf32>,
      %get3A_948 = vector.shape_cast %get3A_947 : vector<1x1x16xf32> to vector<16xf32>
      %add3A_949 = arith.addf %add3A_942, %get3A_948 : vector<16xf32>
      %get3A_950 = arith.constant 4 : i32
      %get3A_951 = arith.index_cast %get3A_950 : i32 to index
      %get3A_952 = arith.index_cast %scan3A_779 : i32 to index
      %get3A_953 = arith.constant 48 : index
      %get3A_954 = tpu.vector_load %arg16[%get3A_951, %get3A_952, %get3A_953] {strides = array<i32>} : memref<6x128x64xf32, #tpu.memory_space<vmem>>, vector<1x1x16xf32>,
      %get3A_955 = vector.shape_cast %get3A_954 : vector<1x1x16xf32> to vector<16xf32>
      %add3A_956 = arith.addf %add3A_949, %get3A_955 : vector<16xf32>
      %get3A_957 = arith.constant 5 : i32
      %get3A_958 = arith.index_cast %get3A_957 : i32 to index
      %get3A_959 = arith.index_cast %scan3A_779 : i32 to index
      %get3A_960 = arith.constant 48 : index
      %get3A_961 = tpu.vector_load %arg16[%get3A_958, %get3A_959, %get3A_960] {strides = array<i32>} : memref<6x128x64xf32, #tpu.memory_space<vmem>>, vector<1x1x16xf32>,
      %get3A_962 = vector.shape_cast %get3A_961 : vector<1x1x16xf32> to vector<16xf32>
      %add3A_963 = arith.addf %add3A_956, %get3A_962 : vector<16xf32>
      %swap3A_964 = arith.constant 0 : i32
      %swap3A_965 = arith.index_cast %swap3A_964 : i32 to index
      %swap3A_966 = arith.index_cast %scan3A_779 : i32 to index
      %swap3A_967 = arith.constant 48 : index
      %swap3A_968 = tpu.vector_load %arg16[%swap3A_965, %swap3A_966, %swap3A_967] {strides = array<i32>} : memref<6x128x64xf32, #tpu.memory_space<vmem>>, vector<1x1x16xf32>,
      %swap3A_969 = vector.shape_cast %swap3A_968 : vector<1x1x16xf32> to vector<16xf32>
      %swap3A_970 = vector.shape_cast %add3A_963 : vector<16xf32> to vector<1x1x16xf32>
      tpu.vector_store %arg16[%swap3A_965, %swap3A_966, %swap3A_967], %swap3A_970 {strides = array<i32>} : memref<6x128x64xf32, #tpu.memory_space<vmem>>, vector<1x1x16xf32>,
      %scan3A_971 = arith.constant 0 : i32
      scf.yield %scan3A_971 : i32
    }
    %scan3A_270 = arith.constant 128 : i32
    %mul3A_271 = arith.constant 512 : i32
    %mul3A_272 = arith.muli %add3A, %mul3A_271 : i32
    %add3A_273 = arith.constant 0 : i32
    %add3A_274 = arith.addi %mul3A_272, %add3A_273 : i32
    %run_scoped3A = arith.constant 0 : i32
    "tpu.region"() ({
      %run_scoped3A_779 = tpu.sem_alloc : memref<!tpu.dma_semaphore, #tpu.memory_space<semaphore_mem>>
      %dma_start3A_780 = arith.constant 0 : i32
      %dma_start3A_781 = arith.constant 0 : i32
      %dma_start3A_782 = tpu.memref_slice %arg16[%run_scoped3A, %dma_start3A_780, %dma_start3A_781] : memref<6x128x64xf32, #tpu.memory_space<vmem>> -> memref<1x128x64xf32, #tpu.memory_space<vmem>>
      %dma_start3A_783 = tpu.memref_squeeze %dma_start3A_782 : memref<1x128x64xf32, #tpu.memory_space<vmem>> -> memref<128x64xf32, #tpu.memory_space<vmem>>
      %dma_start3A_784 = arith.constant 0 : i32
      %dma_start3A_785 = tpu.memref_slice %arg11[%add3A_274, %dma_start3A_784] : memref<16384x64xf32, #tpu.memory_space<hbm>> -> memref<128x64xf32, #tpu.memory_space<hbm>>
      %dma_start3A_786 = arith.constant 0 : i32
      %dma_start3A_787 = tpu.memref_slice %arg11[%add3A_274, %dma_start3A_786] : memref<16384x64xf32, #tpu.memory_space<hbm>> -> memref<128x64xf32, #tpu.memory_space<hbm>>
      %dma_start3A_788 = arith.constant 0 : i32
      %dma_start3A_789 = arith.constant 0 : i32
      %dma_start3A_790 = tpu.memref_slice %arg16[%run_scoped3A, %dma_start3A_788, %dma_start3A_789] : memref<6x128x64xf32, #tpu.memory_space<vmem>> -> memref<1x128x64xf32, #tpu.memory_space<vmem>>
      %dma_start3A_791 = tpu.memref_squeeze %dma_start3A_790 : memref<1x128x64xf32, #tpu.memory_space<vmem>> -> memref<128x64xf32, #tpu.memory_space<vmem>>
      tpu.enqueue_dma source(%dma_start3A_791 : memref<128x64xf32, #tpu.memory_space<vmem>>) target(%dma_start3A_787 : memref<128x64xf32, #tpu.memory_space<hbm>>) target_semaphore(%run_scoped3A_779 : memref<!tpu.dma_semaphore, #tpu.memory_space<semaphore_mem>>)
      %dma_wait3A_792 = arith.constant 0 : i32
      %dma_wait3A_793 = arith.constant 0 : i32
      %dma_wait3A_794 = tpu.memref_slice %arg16[%run_scoped3A, %dma_wait3A_792, %dma_wait3A_793] : memref<6x128x64xf32, #tpu.memory_space<vmem>> -> memref<1x128x64xf32, #tpu.memory_space<vmem>>
      %dma_wait3A_795 = tpu.memref_squeeze %dma_wait3A_794 : memref<1x128x64xf32, #tpu.memory_space<vmem>> -> memref<128x64xf32, #tpu.memory_space<vmem>>
      %dma_wait3A_796 = arith.constant 0 : i32
      %dma_wait3A_797 = tpu.memref_slice %arg11[%add3A_274, %dma_wait3A_796] : memref<16384x64xf32, #tpu.memory_space<hbm>> -> memref<128x64xf32, #tpu.memory_space<hbm>>
      %dma_wait3A_798 = arith.constant 0 : i32
      %dma_wait3A_799 = tpu.memref_slice %arg11[%add3A_274, %dma_wait3A_798] : memref<16384x64xf32, #tpu.memory_space<hbm>> -> memref<128x64xf32, #tpu.memory_space<hbm>>
      %dma_wait3A_800 = arith.constant 0 : i32
      %dma_wait3A_801 = arith.constant 0 : i32
      %dma_wait3A_802 = tpu.memref_slice %arg16[%run_scoped3A, %dma_wait3A_800, %dma_wait3A_801] : memref<6x128x64xf32, #tpu.memory_space<vmem>> -> memref<1x128x64xf32, #tpu.memory_space<vmem>>
      %dma_wait3A_803 = tpu.memref_squeeze %dma_wait3A_802 : memref<1x128x64xf32, #tpu.memory_space<vmem>> -> memref<128x64xf32, #tpu.memory_space<vmem>>
      tpu.wait_dma2 semaphore(%run_scoped3A_779 : memref<!tpu.dma_semaphore, #tpu.memory_space<semaphore_mem>>) src(%dma_wait3A_803 : memref<128x64xf32, #tpu.memory_space<vmem>>) dst(%dma_wait3A_799 : memref<128x64xf32, #tpu.memory_space<hbm>>)
      tpu.yield
    }) : () -> ()
    %dma_start3A_275 = arith.constant 0 : i32
    %dma_start3A_276 = arith.constant 1 : i32
    %dma_start3A_277 = arith.constant 0 : i32
    %dma_start3A_278 = arith.constant 0 : i32
    %dma_start3A_279 = arith.constant 0 : i32
    %dma_start3A_280 = tpu.memref_slice %arg16[%dma_start3A_277, %dma_start3A_278, %dma_start3A_279] : memref<6x128x64xf32, #tpu.memory_space<vmem>> -> memref<1x128x64xf32, #tpu.memory_space<vmem>>
    %dma_start3A_281 = tpu.memref_squeeze %dma_start3A_280 : memref<1x128x64xf32, #tpu.memory_space<vmem>> -> memref<128x64xf32, #tpu.memory_space<vmem>>
    %dma_start3A_282 = arith.constant 0 : i32
    %dma_start3A_283 = tpu.memref_slice %arg15[%dma_start3A_275, %dma_start3A_276, %dma_start3A_282] : memref<6x4x128xi32, #tpu.memory_space<vmem>> -> memref<1x1x128xi32, #tpu.memory_space<vmem>>
    %dma_start3A_284 = tpu.memref_squeeze %dma_start3A_283 : memref<1x1x128xi32, #tpu.memory_space<vmem>> -> memref<128xi32, #tpu.memory_space<vmem>>
    %dma_start3A_285 = arith.constant 0 : i32
    %dma_start3A_286 = arith.constant 0 : i32
    %dma_start3A_287 = tpu.memref_slice %arg5[%dma_start3A_285, %dma_start3A_286] : memref<3072x64xf32, #tpu.memory_space<hbm>> -> memref<3072x64xf32, #tpu.memory_space<hbm>>
    tpu.enqueue_indirect_dma source(%dma_start3A_287 : memref<3072x64xf32, #tpu.memory_space<hbm>>) target(%dma_start3A_281 : memref<128x64xf32, #tpu.memory_space<vmem>>) offsets(%dma_start3A_284 : memref<128xi32, #tpu.memory_space<vmem>>) semaphore(%arg17 : memref<!tpu.dma_semaphore, #tpu.memory_space<semaphore_mem>>)
    %dma_start3A_288 = arith.constant 1 : i32
    %dma_start3A_289 = arith.constant 1 : i32
    %dma_start3A_290 = arith.constant 1 : i32
    %dma_start3A_291 = arith.constant 0 : i32
    %dma_start3A_292 = arith.constant 0 : i32
    %dma_start3A_293 = tpu.memref_slice %arg16[%dma_start3A_290, %dma_start3A_291, %dma_start3A_292] : memref<6x128x64xf32, #tpu.memory_space<vmem>> -> memref<1x128x64xf32, #tpu.memory_space<vmem>>
    %dma_start3A_294 = tpu.memref_squeeze %dma_start3A_293 : memref<1x128x64xf32, #tpu.memory_space<vmem>> -> memref<128x64xf32, #tpu.memory_space<vmem>>
    %dma_start3A_295 = arith.constant 0 : i32
    %dma_start3A_296 = tpu.memref_slice %arg15[%dma_start3A_288, %dma_start3A_289, %dma_start3A_295] : memref<6x4x128xi32, #tpu.memory_space<vmem>> -> memref<1x1x128xi32, #tpu.memory_space<vmem>>
    %dma_start3A_297 = tpu.memref_squeeze %dma_start3A_296 : memref<1x1x128xi32, #tpu.memory_space<vmem>> -> memref<128xi32, #tpu.memory_space<vmem>>
    %dma_start3A_298 = arith.constant 0 : i32
    %dma_start3A_299 = arith.constant 0 : i32
    %dma_start3A_300 = tpu.memref_slice %arg6[%dma_start3A_298, %dma_start3A_299] : memref<6144x64xf32, #tpu.memory_space<hbm>> -> memref<6144x64xf32, #tpu.memory_space<hbm>>
    tpu.enqueue_indirect_dma source(%dma_start3A_300 : memref<6144x64xf32, #tpu.memory_space<hbm>>) target(%dma_start3A_294 : memref<128x64xf32, #tpu.memory_space<vmem>>) offsets(%dma_start3A_297 : memref<128xi32, #tpu.memory_space<vmem>>) semaphore(%arg17 : memref<!tpu.dma_semaphore, #tpu.memory_space<semaphore_mem>>)
    %dma_start3A_301 = arith.constant 2 : i32
    %dma_start3A_302 = arith.constant 1 : i32
    %dma_start3A_303 = arith.constant 2 : i32
    %dma_start3A_304 = arith.constant 0 : i32
    %dma_start3A_305 = arith.constant 0 : i32
    %dma_start3A_306 = tpu.memref_slice %arg16[%dma_start3A_303, %dma_start3A_304, %dma_start3A_305] : memref<6x128x64xf32, #tpu.memory_space<vmem>> -> memref<1x128x64xf32, #tpu.memory_space<vmem>>
    %dma_start3A_307 = tpu.memref_squeeze %dma_start3A_306 : memref<1x128x64xf32, #tpu.memory_space<vmem>> -> memref<128x64xf32, #tpu.memory_space<vmem>>
    %dma_start3A_308 = arith.constant 0 : i32
    %dma_start3A_309 = tpu.memref_slice %arg15[%dma_start3A_301, %dma_start3A_302, %dma_start3A_308] : memref<6x4x128xi32, #tpu.memory_space<vmem>> -> memref<1x1x128xi32, #tpu.memory_space<vmem>>
    %dma_start3A_310 = tpu.memref_squeeze %dma_start3A_309 : memref<1x1x128xi32, #tpu.memory_space<vmem>> -> memref<128xi32, #tpu.memory_space<vmem>>
    %dma_start3A_311 = arith.constant 0 : i32
    %dma_start3A_312 = arith.constant 0 : i32
    %dma_start3A_313 = tpu.memref_slice %arg7[%dma_start3A_311, %dma_start3A_312] : memref<6144x64xf32, #tpu.memory_space<hbm>> -> memref<6144x64xf32, #tpu.memory_space<hbm>>
    tpu.enqueue_indirect_dma source(%dma_start3A_313 : memref<6144x64xf32, #tpu.memory_space<hbm>>) target(%dma_start3A_307 : memref<128x64xf32, #tpu.memory_space<vmem>>) offsets(%dma_start3A_310 : memref<128xi32, #tpu.memory_space<vmem>>) semaphore(%arg17 : memref<!tpu.dma_semaphore, #tpu.memory_space<semaphore_mem>>)
    %dma_start3A_314 = arith.constant 3 : i32
    %dma_start3A_315 = arith.constant 1 : i32
    %dma_start3A_316 = arith.constant 3 : i32
    %dma_start3A_317 = arith.constant 0 : i32
    %dma_start3A_318 = arith.constant 0 : i32
    %dma_start3A_319 = tpu.memref_slice %arg16[%dma_start3A_316, %dma_start3A_317, %dma_start3A_318] : memref<6x128x64xf32, #tpu.memory_space<vmem>> -> memref<1x128x64xf32, #tpu.memory_space<vmem>>
    %dma_start3A_320 = tpu.memref_squeeze %dma_start3A_319 : memref<1x128x64xf32, #tpu.memory_space<vmem>> -> memref<128x64xf32, #tpu.memory_space<vmem>>
    %dma_start3A_321 = arith.constant 0 : i32
    %dma_start3A_322 = tpu.memref_slice %arg15[%dma_start3A_314, %dma_start3A_315, %dma_start3A_321] : memref<6x4x128xi32, #tpu.memory_space<vmem>> -> memref<1x1x128xi32, #tpu.memory_space<vmem>>
    %dma_start3A_323 = tpu.memref_squeeze %dma_start3A_322 : memref<1x1x128xi32, #tpu.memory_space<vmem>> -> memref<128xi32, #tpu.memory_space<vmem>>
    %dma_start3A_324 = arith.constant 0 : i32
    %dma_start3A_325 = arith.constant 0 : i32
    %dma_start3A_326 = tpu.memref_slice %arg8[%dma_start3A_324, %dma_start3A_325] : memref<6144x64xf32, #tpu.memory_space<hbm>> -> memref<6144x64xf32, #tpu.memory_space<hbm>>
    tpu.enqueue_indirect_dma source(%dma_start3A_326 : memref<6144x64xf32, #tpu.memory_space<hbm>>) target(%dma_start3A_320 : memref<128x64xf32, #tpu.memory_space<vmem>>) offsets(%dma_start3A_323 : memref<128xi32, #tpu.memory_space<vmem>>) semaphore(%arg17 : memref<!tpu.dma_semaphore, #tpu.memory_space<semaphore_mem>>)
    %dma_start3A_327 = arith.constant 4 : i32
    %dma_start3A_328 = arith.constant 1 : i32
    %dma_start3A_329 = arith.constant 4 : i32
    %dma_start3A_330 = arith.constant 0 : i32
    %dma_start3A_331 = arith.constant 0 : i32
    %dma_start3A_332 = tpu.memref_slice %arg16[%dma_start3A_329, %dma_start3A_330, %dma_start3A_331] : memref<6x128x64xf32, #tpu.memory_space<vmem>> -> memref<1x128x64xf32, #tpu.memory_space<vmem>>
    %dma_start3A_333 = tpu.memref_squeeze %dma_start3A_332 : memref<1x128x64xf32, #tpu.memory_space<vmem>> -> memref<128x64xf32, #tpu.memory_space<vmem>>
    %dma_start3A_334 = arith.constant 0 : i32
    %dma_start3A_335 = tpu.memref_slice %arg15[%dma_start3A_327, %dma_start3A_328, %dma_start3A_334] : memref<6x4x128xi32, #tpu.memory_space<vmem>> -> memref<1x1x128xi32, #tpu.memory_space<vmem>>
    %dma_start3A_336 = tpu.memref_squeeze %dma_start3A_335 : memref<1x1x128xi32, #tpu.memory_space<vmem>> -> memref<128xi32, #tpu.memory_space<vmem>>
    %dma_start3A_337 = arith.constant 0 : i32
    %dma_start3A_338 = arith.constant 0 : i32
    %dma_start3A_339 = tpu.memref_slice %arg9[%dma_start3A_337, %dma_start3A_338] : memref<6144x64xf32, #tpu.memory_space<hbm>> -> memref<6144x64xf32, #tpu.memory_space<hbm>>
    tpu.enqueue_indirect_dma source(%dma_start3A_339 : memref<6144x64xf32, #tpu.memory_space<hbm>>) target(%dma_start3A_333 : memref<128x64xf32, #tpu.memory_space<vmem>>) offsets(%dma_start3A_336 : memref<128xi32, #tpu.memory_space<vmem>>) semaphore(%arg17 : memref<!tpu.dma_semaphore, #tpu.memory_space<semaphore_mem>>)
    %dma_start3A_340 = arith.constant 5 : i32
    %dma_start3A_341 = arith.constant 1 : i32
    %dma_start3A_342 = arith.constant 5 : i32
    %dma_start3A_343 = arith.constant 0 : i32
    %dma_start3A_344 = arith.constant 0 : i32
    %dma_start3A_345 = tpu.memref_slice %arg16[%dma_start3A_342, %dma_start3A_343, %dma_start3A_344] : memref<6x128x64xf32, #tpu.memory_space<vmem>> -> memref<1x128x64xf32, #tpu.memory_space<vmem>>
    %dma_start3A_346 = tpu.memref_squeeze %dma_start3A_345 : memref<1x128x64xf32, #tpu.memory_space<vmem>> -> memref<128x64xf32, #tpu.memory_space<vmem>>
    %dma_start3A_347 = arith.constant 0 : i32
    %dma_start3A_348 = tpu.memref_slice %arg15[%dma_start3A_340, %dma_start3A_341, %dma_start3A_347] : memref<6x4x128xi32, #tpu.memory_space<vmem>> -> memref<1x1x128xi32, #tpu.memory_space<vmem>>
    %dma_start3A_349 = tpu.memref_squeeze %dma_start3A_348 : memref<1x1x128xi32, #tpu.memory_space<vmem>> -> memref<128xi32, #tpu.memory_space<vmem>>
    %dma_start3A_350 = arith.constant 0 : i32
    %dma_start3A_351 = arith.constant 0 : i32
    %dma_start3A_352 = tpu.memref_slice %arg10[%dma_start3A_350, %dma_start3A_351] : memref<24576x64xf32, #tpu.memory_space<hbm>> -> memref<24576x64xf32, #tpu.memory_space<hbm>>
    tpu.enqueue_indirect_dma source(%dma_start3A_352 : memref<24576x64xf32, #tpu.memory_space<hbm>>) target(%dma_start3A_346 : memref<128x64xf32, #tpu.memory_space<vmem>>) offsets(%dma_start3A_349 : memref<128xi32, #tpu.memory_space<vmem>>) semaphore(%arg17 : memref<!tpu.dma_semaphore, #tpu.memory_space<semaphore_mem>>)
    %dma_wait3A_353 = arith.constant 0 : i32
    %dma_wait3A_354 = arith.constant 1 : i32
    %dma_wait3A_355 = arith.constant 0 : i32
    %dma_wait3A_356 = arith.constant 0 : i32
    %dma_wait3A_357 = arith.constant 0 : i32
    %dma_wait3A_358 = tpu.memref_slice %arg16[%dma_wait3A_355, %dma_wait3A_356, %dma_wait3A_357] : memref<6x128x64xf32, #tpu.memory_space<vmem>> -> memref<1x128x64xf32, #tpu.memory_space<vmem>>
    %dma_wait3A_359 = tpu.memref_squeeze %dma_wait3A_358 : memref<1x128x64xf32, #tpu.memory_space<vmem>> -> memref<128x64xf32, #tpu.memory_space<vmem>>
    %dma_wait3A_360 = arith.constant 0 : i32
    %dma_wait3A_361 = tpu.memref_slice %arg15[%dma_wait3A_353, %dma_wait3A_354, %dma_wait3A_360] : memref<6x4x128xi32, #tpu.memory_space<vmem>> -> memref<1x1x128xi32, #tpu.memory_space<vmem>>
    %dma_wait3A_362 = tpu.memref_squeeze %dma_wait3A_361 : memref<1x1x128xi32, #tpu.memory_space<vmem>> -> memref<128xi32, #tpu.memory_space<vmem>>
    %dma_wait3A_363 = arith.constant 0 : i32
    %dma_wait3A_364 = arith.constant 0 : i32
    %dma_wait3A_365 = tpu.memref_slice %arg5[%dma_wait3A_363, %dma_wait3A_364] : memref<3072x64xf32, #tpu.memory_space<hbm>> -> memref<3072x64xf32, #tpu.memory_space<hbm>>
    tpu.wait_indirect_dma semaphore(%arg17 : memref<!tpu.dma_semaphore, #tpu.memory_space<semaphore_mem>>) src(%dma_wait3A_365 : memref<3072x64xf32, #tpu.memory_space<hbm>>) dst(%dma_wait3A_359 : memref<128x64xf32, #tpu.memory_space<vmem>>)
    %dma_wait3A_366 = arith.constant 1 : i32
    %dma_wait3A_367 = arith.constant 1 : i32
    %dma_wait3A_368 = arith.constant 1 : i32
    %dma_wait3A_369 = arith.constant 0 : i32
    %dma_wait3A_370 = arith.constant 0 : i32
    %dma_wait3A_371 = tpu.memref_slice %arg16[%dma_wait3A_368, %dma_wait3A_369, %dma_wait3A_370] : memref<6x128x64xf32, #tpu.memory_space<vmem>> -> memref<1x128x64xf32, #tpu.memory_space<vmem>>
    %dma_wait3A_372 = tpu.memref_squeeze %dma_wait3A_371 : memref<1x128x64xf32, #tpu.memory_space<vmem>> -> memref<128x64xf32, #tpu.memory_space<vmem>>
    %dma_wait3A_373 = arith.constant 0 : i32
    %dma_wait3A_374 = tpu.memref_slice %arg15[%dma_wait3A_366, %dma_wait3A_367, %dma_wait3A_373] : memref<6x4x128xi32, #tpu.memory_space<vmem>> -> memref<1x1x128xi32, #tpu.memory_space<vmem>>
    %dma_wait3A_375 = tpu.memref_squeeze %dma_wait3A_374 : memref<1x1x128xi32, #tpu.memory_space<vmem>> -> memref<128xi32, #tpu.memory_space<vmem>>
    %dma_wait3A_376 = arith.constant 0 : i32
    %dma_wait3A_377 = arith.constant 0 : i32
    %dma_wait3A_378 = tpu.memref_slice %arg6[%dma_wait3A_376, %dma_wait3A_377] : memref<6144x64xf32, #tpu.memory_space<hbm>> -> memref<6144x64xf32, #tpu.memory_space<hbm>>
    tpu.wait_indirect_dma semaphore(%arg17 : memref<!tpu.dma_semaphore, #tpu.memory_space<semaphore_mem>>) src(%dma_wait3A_378 : memref<6144x64xf32, #tpu.memory_space<hbm>>) dst(%dma_wait3A_372 : memref<128x64xf32, #tpu.memory_space<vmem>>)
    %dma_wait3A_379 = arith.constant 2 : i32
    %dma_wait3A_380 = arith.constant 1 : i32
    %dma_wait3A_381 = arith.constant 2 : i32
    %dma_wait3A_382 = arith.constant 0 : i32
    %dma_wait3A_383 = arith.constant 0 : i32
    %dma_wait3A_384 = tpu.memref_slice %arg16[%dma_wait3A_381, %dma_wait3A_382, %dma_wait3A_383] : memref<6x128x64xf32, #tpu.memory_space<vmem>> -> memref<1x128x64xf32, #tpu.memory_space<vmem>>
    %dma_wait3A_385 = tpu.memref_squeeze %dma_wait3A_384 : memref<1x128x64xf32, #tpu.memory_space<vmem>> -> memref<128x64xf32, #tpu.memory_space<vmem>>
    %dma_wait3A_386 = arith.constant 0 : i32
    %dma_wait3A_387 = tpu.memref_slice %arg15[%dma_wait3A_379, %dma_wait3A_380, %dma_wait3A_386] : memref<6x4x128xi32, #tpu.memory_space<vmem>> -> memref<1x1x128xi32, #tpu.memory_space<vmem>>
    %dma_wait3A_388 = tpu.memref_squeeze %dma_wait3A_387 : memref<1x1x128xi32, #tpu.memory_space<vmem>> -> memref<128xi32, #tpu.memory_space<vmem>>
    %dma_wait3A_389 = arith.constant 0 : i32
    %dma_wait3A_390 = arith.constant 0 : i32
    %dma_wait3A_391 = tpu.memref_slice %arg7[%dma_wait3A_389, %dma_wait3A_390] : memref<6144x64xf32, #tpu.memory_space<hbm>> -> memref<6144x64xf32, #tpu.memory_space<hbm>>
    tpu.wait_indirect_dma semaphore(%arg17 : memref<!tpu.dma_semaphore, #tpu.memory_space<semaphore_mem>>) src(%dma_wait3A_391 : memref<6144x64xf32, #tpu.memory_space<hbm>>) dst(%dma_wait3A_385 : memref<128x64xf32, #tpu.memory_space<vmem>>)
    %dma_wait3A_392 = arith.constant 3 : i32
    %dma_wait3A_393 = arith.constant 1 : i32
    %dma_wait3A_394 = arith.constant 3 : i32
    %dma_wait3A_395 = arith.constant 0 : i32
    %dma_wait3A_396 = arith.constant 0 : i32
    %dma_wait3A_397 = tpu.memref_slice %arg16[%dma_wait3A_394, %dma_wait3A_395, %dma_wait3A_396] : memref<6x128x64xf32, #tpu.memory_space<vmem>> -> memref<1x128x64xf32, #tpu.memory_space<vmem>>
    %dma_wait3A_398 = tpu.memref_squeeze %dma_wait3A_397 : memref<1x128x64xf32, #tpu.memory_space<vmem>> -> memref<128x64xf32, #tpu.memory_space<vmem>>
    %dma_wait3A_399 = arith.constant 0 : i32
    %dma_wait3A_400 = tpu.memref_slice %arg15[%dma_wait3A_392, %dma_wait3A_393, %dma_wait3A_399] : memref<6x4x128xi32, #tpu.memory_space<vmem>> -> memref<1x1x128xi32, #tpu.memory_space<vmem>>
    %dma_wait3A_401 = tpu.memref_squeeze %dma_wait3A_400 : memref<1x1x128xi32, #tpu.memory_space<vmem>> -> memref<128xi32, #tpu.memory_space<vmem>>
    %dma_wait3A_402 = arith.constant 0 : i32
    %dma_wait3A_403 = arith.constant 0 : i32
    %dma_wait3A_404 = tpu.memref_slice %arg8[%dma_wait3A_402, %dma_wait3A_403] : memref<6144x64xf32, #tpu.memory_space<hbm>> -> memref<6144x64xf32, #tpu.memory_space<hbm>>
    tpu.wait_indirect_dma semaphore(%arg17 : memref<!tpu.dma_semaphore, #tpu.memory_space<semaphore_mem>>) src(%dma_wait3A_404 : memref<6144x64xf32, #tpu.memory_space<hbm>>) dst(%dma_wait3A_398 : memref<128x64xf32, #tpu.memory_space<vmem>>)
    %dma_wait3A_405 = arith.constant 4 : i32
    %dma_wait3A_406 = arith.constant 1 : i32
    %dma_wait3A_407 = arith.constant 4 : i32
    %dma_wait3A_408 = arith.constant 0 : i32
    %dma_wait3A_409 = arith.constant 0 : i32
    %dma_wait3A_410 = tpu.memref_slice %arg16[%dma_wait3A_407, %dma_wait3A_408, %dma_wait3A_409] : memref<6x128x64xf32, #tpu.memory_space<vmem>> -> memref<1x128x64xf32, #tpu.memory_space<vmem>>
    %dma_wait3A_411 = tpu.memref_squeeze %dma_wait3A_410 : memref<1x128x64xf32, #tpu.memory_space<vmem>> -> memref<128x64xf32, #tpu.memory_space<vmem>>
    %dma_wait3A_412 = arith.constant 0 : i32
    %dma_wait3A_413 = tpu.memref_slice %arg15[%dma_wait3A_405, %dma_wait3A_406, %dma_wait3A_412] : memref<6x4x128xi32, #tpu.memory_space<vmem>> -> memref<1x1x128xi32, #tpu.memory_space<vmem>>
    %dma_wait3A_414 = tpu.memref_squeeze %dma_wait3A_413 : memref<1x1x128xi32, #tpu.memory_space<vmem>> -> memref<128xi32, #tpu.memory_space<vmem>>
    %dma_wait3A_415 = arith.constant 0 : i32
    %dma_wait3A_416 = arith.constant 0 : i32
    %dma_wait3A_417 = tpu.memref_slice %arg9[%dma_wait3A_415, %dma_wait3A_416] : memref<6144x64xf32, #tpu.memory_space<hbm>> -> memref<6144x64xf32, #tpu.memory_space<hbm>>
    tpu.wait_indirect_dma semaphore(%arg17 : memref<!tpu.dma_semaphore, #tpu.memory_space<semaphore_mem>>) src(%dma_wait3A_417 : memref<6144x64xf32, #tpu.memory_space<hbm>>) dst(%dma_wait3A_411 : memref<128x64xf32, #tpu.memory_space<vmem>>)
    %dma_wait3A_418 = arith.constant 5 : i32
    %dma_wait3A_419 = arith.constant 1 : i32
    %dma_wait3A_420 = arith.constant 5 : i32
    %dma_wait3A_421 = arith.constant 0 : i32
    %dma_wait3A_422 = arith.constant 0 : i32
    %dma_wait3A_423 = tpu.memref_slice %arg16[%dma_wait3A_420, %dma_wait3A_421, %dma_wait3A_422] : memref<6x128x64xf32, #tpu.memory_space<vmem>> -> memref<1x128x64xf32, #tpu.memory_space<vmem>>
    %dma_wait3A_424 = tpu.memref_squeeze %dma_wait3A_423 : memref<1x128x64xf32, #tpu.memory_space<vmem>> -> memref<128x64xf32, #tpu.memory_space<vmem>>
    %dma_wait3A_425 = arith.constant 0 : i32
    %dma_wait3A_426 = tpu.memref_slice %arg15[%dma_wait3A_418, %dma_wait3A_419, %dma_wait3A_425] : memref<6x4x128xi32, #tpu.memory_space<vmem>> -> memref<1x1x128xi32, #tpu.memory_space<vmem>>
    %dma_wait3A_427 = tpu.memref_squeeze %dma_wait3A_426 : memref<1x1x128xi32, #tpu.memory_space<vmem>> -> memref<128xi32, #tpu.memory_space<vmem>>
    %dma_wait3A_428 = arith.constant 0 : i32
    %dma_wait3A_429 = arith.constant 0 : i32
    %dma_wait3A_430 = tpu.memref_slice %arg10[%dma_wait3A_428, %dma_wait3A_429] : memref<24576x64xf32, #tpu.memory_space<hbm>> -> memref<24576x64xf32, #tpu.memory_space<hbm>>
    tpu.wait_indirect_dma semaphore(%arg17 : memref<!tpu.dma_semaphore, #tpu.memory_space<semaphore_mem>>) src(%dma_wait3A_430 : memref<24576x64xf32, #tpu.memory_space<hbm>>) dst(%dma_wait3A_424 : memref<128x64xf32, #tpu.memory_space<vmem>>)
    %scan3A_431 = arith.constant 0 : i32
    %scan3A_432 = arith.constant 0 : i32
    %scan3A_433 = arith.constant 128 : i32
    %scan3A_434 = arith.addi %scan3A_432, %scan3A_433 : i32
    %scan3A_435 = arith.constant 1 : i32
    %scan3A_436 = scf.for %scan3A_779 = %scan3A_432 to %scan3A_434 step %scan3A_435 iter_args(%scan3A_780 = %scan3A_431) -> (i32)  : i32 {
      %get3A = arith.constant 0 : i32
      %get3A_781 = arith.index_cast %get3A : i32 to index
      %get3A_782 = arith.index_cast %scan3A_779 : i32 to index
      %get3A_783 = arith.constant 0 : index
      %get3A_784 = tpu.vector_load %arg16[%get3A_781, %get3A_782, %get3A_783] {strides = array<i32>} : memref<6x128x64xf32, #tpu.memory_space<vmem>>, vector<1x1x16xf32>,
      %get3A_785 = vector.shape_cast %get3A_784 : vector<1x1x16xf32> to vector<16xf32>
      %get3A_786 = arith.constant 1 : i32
      %get3A_787 = arith.index_cast %get3A_786 : i32 to index
      %get3A_788 = arith.index_cast %scan3A_779 : i32 to index
      %get3A_789 = arith.constant 0 : index
      %get3A_790 = tpu.vector_load %arg16[%get3A_787, %get3A_788, %get3A_789] {strides = array<i32>} : memref<6x128x64xf32, #tpu.memory_space<vmem>>, vector<1x1x16xf32>,
      %get3A_791 = vector.shape_cast %get3A_790 : vector<1x1x16xf32> to vector<16xf32>
      %add3A_792 = arith.addf %get3A_785, %get3A_791 : vector<16xf32>
      %get3A_793 = arith.constant 2 : i32
      %get3A_794 = arith.index_cast %get3A_793 : i32 to index
      %get3A_795 = arith.index_cast %scan3A_779 : i32 to index
      %get3A_796 = arith.constant 0 : index
      %get3A_797 = tpu.vector_load %arg16[%get3A_794, %get3A_795, %get3A_796] {strides = array<i32>} : memref<6x128x64xf32, #tpu.memory_space<vmem>>, vector<1x1x16xf32>,
      %get3A_798 = vector.shape_cast %get3A_797 : vector<1x1x16xf32> to vector<16xf32>
      %add3A_799 = arith.addf %add3A_792, %get3A_798 : vector<16xf32>
      %get3A_800 = arith.constant 3 : i32
      %get3A_801 = arith.index_cast %get3A_800 : i32 to index
      %get3A_802 = arith.index_cast %scan3A_779 : i32 to index
      %get3A_803 = arith.constant 0 : index
      %get3A_804 = tpu.vector_load %arg16[%get3A_801, %get3A_802, %get3A_803] {strides = array<i32>} : memref<6x128x64xf32, #tpu.memory_space<vmem>>, vector<1x1x16xf32>,
      %get3A_805 = vector.shape_cast %get3A_804 : vector<1x1x16xf32> to vector<16xf32>
      %add3A_806 = arith.addf %add3A_799, %get3A_805 : vector<16xf32>
      %get3A_807 = arith.constant 4 : i32
      %get3A_808 = arith.index_cast %get3A_807 : i32 to index
      %get3A_809 = arith.index_cast %scan3A_779 : i32 to index
      %get3A_810 = arith.constant 0 : index
      %get3A_811 = tpu.vector_load %arg16[%get3A_808, %get3A_809, %get3A_810] {strides = array<i32>} : memref<6x128x64xf32, #tpu.memory_space<vmem>>, vector<1x1x16xf32>,
      %get3A_812 = vector.shape_cast %get3A_811 : vector<1x1x16xf32> to vector<16xf32>
      %add3A_813 = arith.addf %add3A_806, %get3A_812 : vector<16xf32>
      %get3A_814 = arith.constant 5 : i32
      %get3A_815 = arith.index_cast %get3A_814 : i32 to index
      %get3A_816 = arith.index_cast %scan3A_779 : i32 to index
      %get3A_817 = arith.constant 0 : index
      %get3A_818 = tpu.vector_load %arg16[%get3A_815, %get3A_816, %get3A_817] {strides = array<i32>} : memref<6x128x64xf32, #tpu.memory_space<vmem>>, vector<1x1x16xf32>,
      %get3A_819 = vector.shape_cast %get3A_818 : vector<1x1x16xf32> to vector<16xf32>
      %add3A_820 = arith.addf %add3A_813, %get3A_819 : vector<16xf32>
      %swap3A = arith.constant 0 : i32
      %swap3A_821 = arith.index_cast %swap3A : i32 to index
      %swap3A_822 = arith.index_cast %scan3A_779 : i32 to index
      %swap3A_823 = arith.constant 0 : index
      %swap3A_824 = tpu.vector_load %arg16[%swap3A_821, %swap3A_822, %swap3A_823] {strides = array<i32>} : memref<6x128x64xf32, #tpu.memory_space<vmem>>, vector<1x1x16xf32>,
      %swap3A_825 = vector.shape_cast %swap3A_824 : vector<1x1x16xf32> to vector<16xf32>
      %swap3A_826 = vector.shape_cast %add3A_820 : vector<16xf32> to vector<1x1x16xf32>
      tpu.vector_store %arg16[%swap3A_821, %swap3A_822, %swap3A_823], %swap3A_826 {strides = array<i32>} : memref<6x128x64xf32, #tpu.memory_space<vmem>>, vector<1x1x16xf32>,
      %get3A_827 = arith.constant 0 : i32
      %get3A_828 = arith.index_cast %get3A_827 : i32 to index
      %get3A_829 = arith.index_cast %scan3A_779 : i32 to index
      %get3A_830 = arith.constant 16 : index
      %get3A_831 = tpu.vector_load %arg16[%get3A_828, %get3A_829, %get3A_830] {strides = array<i32>} : memref<6x128x64xf32, #tpu.memory_space<vmem>>, vector<1x1x16xf32>,
      %get3A_832 = vector.shape_cast %get3A_831 : vector<1x1x16xf32> to vector<16xf32>
      %get3A_833 = arith.constant 1 : i32
      %get3A_834 = arith.index_cast %get3A_833 : i32 to index
      %get3A_835 = arith.index_cast %scan3A_779 : i32 to index
      %get3A_836 = arith.constant 16 : index
      %get3A_837 = tpu.vector_load %arg16[%get3A_834, %get3A_835, %get3A_836] {strides = array<i32>} : memref<6x128x64xf32, #tpu.memory_space<vmem>>, vector<1x1x16xf32>,
      %get3A_838 = vector.shape_cast %get3A_837 : vector<1x1x16xf32> to vector<16xf32>
      %add3A_839 = arith.addf %get3A_832, %get3A_838 : vector<16xf32>
      %get3A_840 = arith.constant 2 : i32
      %get3A_841 = arith.index_cast %get3A_840 : i32 to index
      %get3A_842 = arith.index_cast %scan3A_779 : i32 to index
      %get3A_843 = arith.constant 16 : index
      %get3A_844 = tpu.vector_load %arg16[%get3A_841, %get3A_842, %get3A_843] {strides = array<i32>} : memref<6x128x64xf32, #tpu.memory_space<vmem>>, vector<1x1x16xf32>,
      %get3A_845 = vector.shape_cast %get3A_844 : vector<1x1x16xf32> to vector<16xf32>
      %add3A_846 = arith.addf %add3A_839, %get3A_845 : vector<16xf32>
      %get3A_847 = arith.constant 3 : i32
      %get3A_848 = arith.index_cast %get3A_847 : i32 to index
      %get3A_849 = arith.index_cast %scan3A_779 : i32 to index
      %get3A_850 = arith.constant 16 : index
      %get3A_851 = tpu.vector_load %arg16[%get3A_848, %get3A_849, %get3A_850] {strides = array<i32>} : memref<6x128x64xf32, #tpu.memory_space<vmem>>, vector<1x1x16xf32>,
      %get3A_852 = vector.shape_cast %get3A_851 : vector<1x1x16xf32> to vector<16xf32>
      %add3A_853 = arith.addf %add3A_846, %get3A_852 : vector<16xf32>
      %get3A_854 = arith.constant 4 : i32
      %get3A_855 = arith.index_cast %get3A_854 : i32 to index
      %get3A_856 = arith.index_cast %scan3A_779 : i32 to index
      %get3A_857 = arith.constant 16 : index
      %get3A_858 = tpu.vector_load %arg16[%get3A_855, %get3A_856, %get3A_857] {strides = array<i32>} : memref<6x128x64xf32, #tpu.memory_space<vmem>>, vector<1x1x16xf32>,
      %get3A_859 = vector.shape_cast %get3A_858 : vector<1x1x16xf32> to vector<16xf32>
      %add3A_860 = arith.addf %add3A_853, %get3A_859 : vector<16xf32>
      %get3A_861 = arith.constant 5 : i32
      %get3A_862 = arith.index_cast %get3A_861 : i32 to index
      %get3A_863 = arith.index_cast %scan3A_779 : i32 to index
      %get3A_864 = arith.constant 16 : index
      %get3A_865 = tpu.vector_load %arg16[%get3A_862, %get3A_863, %get3A_864] {strides = array<i32>} : memref<6x128x64xf32, #tpu.memory_space<vmem>>, vector<1x1x16xf32>,
      %get3A_866 = vector.shape_cast %get3A_865 : vector<1x1x16xf32> to vector<16xf32>
      %add3A_867 = arith.addf %add3A_860, %get3A_866 : vector<16xf32>
      %swap3A_868 = arith.constant 0 : i32
      %swap3A_869 = arith.index_cast %swap3A_868 : i32 to index
      %swap3A_870 = arith.index_cast %scan3A_779 : i32 to index
      %swap3A_871 = arith.constant 16 : index
      %swap3A_872 = tpu.vector_load %arg16[%swap3A_869, %swap3A_870, %swap3A_871] {strides = array<i32>} : memref<6x128x64xf32, #tpu.memory_space<vmem>>, vector<1x1x16xf32>,
      %swap3A_873 = vector.shape_cast %swap3A_872 : vector<1x1x16xf32> to vector<16xf32>
      %swap3A_874 = vector.shape_cast %add3A_867 : vector<16xf32> to vector<1x1x16xf32>
      tpu.vector_store %arg16[%swap3A_869, %swap3A_870, %swap3A_871], %swap3A_874 {strides = array<i32>} : memref<6x128x64xf32, #tpu.memory_space<vmem>>, vector<1x1x16xf32>,
      %get3A_875 = arith.constant 0 : i32
      %get3A_876 = arith.index_cast %get3A_875 : i32 to index
      %get3A_877 = arith.index_cast %scan3A_779 : i32 to index
      %get3A_878 = arith.constant 32 : index
      %get3A_879 = tpu.vector_load %arg16[%get3A_876, %get3A_877, %get3A_878] {strides = array<i32>} : memref<6x128x64xf32, #tpu.memory_space<vmem>>, vector<1x1x16xf32>,
      %get3A_880 = vector.shape_cast %get3A_879 : vector<1x1x16xf32> to vector<16xf32>
      %get3A_881 = arith.constant 1 : i32
      %get3A_882 = arith.index_cast %get3A_881 : i32 to index
      %get3A_883 = arith.index_cast %scan3A_779 : i32 to index
      %get3A_884 = arith.constant 32 : index
      %get3A_885 = tpu.vector_load %arg16[%get3A_882, %get3A_883, %get3A_884] {strides = array<i32>} : memref<6x128x64xf32, #tpu.memory_space<vmem>>, vector<1x1x16xf32>,
      %get3A_886 = vector.shape_cast %get3A_885 : vector<1x1x16xf32> to vector<16xf32>
      %add3A_887 = arith.addf %get3A_880, %get3A_886 : vector<16xf32>
      %get3A_888 = arith.constant 2 : i32
      %get3A_889 = arith.index_cast %get3A_888 : i32 to index
      %get3A_890 = arith.index_cast %scan3A_779 : i32 to index
      %get3A_891 = arith.constant 32 : index
      %get3A_892 = tpu.vector_load %arg16[%get3A_889, %get3A_890, %get3A_891] {strides = array<i32>} : memref<6x128x64xf32, #tpu.memory_space<vmem>>, vector<1x1x16xf32>,
      %get3A_893 = vector.shape_cast %get3A_892 : vector<1x1x16xf32> to vector<16xf32>
      %add3A_894 = arith.addf %add3A_887, %get3A_893 : vector<16xf32>
      %get3A_895 = arith.constant 3 : i32
      %get3A_896 = arith.index_cast %get3A_895 : i32 to index
      %get3A_897 = arith.index_cast %scan3A_779 : i32 to index
      %get3A_898 = arith.constant 32 : index
      %get3A_899 = tpu.vector_load %arg16[%get3A_896, %get3A_897, %get3A_898] {strides = array<i32>} : memref<6x128x64xf32, #tpu.memory_space<vmem>>, vector<1x1x16xf32>,
      %get3A_900 = vector.shape_cast %get3A_899 : vector<1x1x16xf32> to vector<16xf32>
      %add3A_901 = arith.addf %add3A_894, %get3A_900 : vector<16xf32>
      %get3A_902 = arith.constant 4 : i32
      %get3A_903 = arith.index_cast %get3A_902 : i32 to index
      %get3A_904 = arith.index_cast %scan3A_779 : i32 to index
      %get3A_905 = arith.constant 32 : index
      %get3A_906 = tpu.vector_load %arg16[%get3A_903, %get3A_904, %get3A_905] {strides = array<i32>} : memref<6x128x64xf32, #tpu.memory_space<vmem>>, vector<1x1x16xf32>,
      %get3A_907 = vector.shape_cast %get3A_906 : vector<1x1x16xf32> to vector<16xf32>
      %add3A_908 = arith.addf %add3A_901, %get3A_907 : vector<16xf32>
      %get3A_909 = arith.constant 5 : i32
      %get3A_910 = arith.index_cast %get3A_909 : i32 to index
      %get3A_911 = arith.index_cast %scan3A_779 : i32 to index
      %get3A_912 = arith.constant 32 : index
      %get3A_913 = tpu.vector_load %arg16[%get3A_910, %get3A_911, %get3A_912] {strides = array<i32>} : memref<6x128x64xf32, #tpu.memory_space<vmem>>, vector<1x1x16xf32>,
      %get3A_914 = vector.shape_cast %get3A_913 : vector<1x1x16xf32> to vector<16xf32>
      %add3A_915 = arith.addf %add3A_908, %get3A_914 : vector<16xf32>
      %swap3A_916 = arith.constant 0 : i32
      %swap3A_917 = arith.index_cast %swap3A_916 : i32 to index
      %swap3A_918 = arith.index_cast %scan3A_779 : i32 to index
      %swap3A_919 = arith.constant 32 : index
      %swap3A_920 = tpu.vector_load %arg16[%swap3A_917, %swap3A_918, %swap3A_919] {strides = array<i32>} : memref<6x128x64xf32, #tpu.memory_space<vmem>>, vector<1x1x16xf32>,
      %swap3A_921 = vector.shape_cast %swap3A_920 : vector<1x1x16xf32> to vector<16xf32>
      %swap3A_922 = vector.shape_cast %add3A_915 : vector<16xf32> to vector<1x1x16xf32>
      tpu.vector_store %arg16[%swap3A_917, %swap3A_918, %swap3A_919], %swap3A_922 {strides = array<i32>} : memref<6x128x64xf32, #tpu.memory_space<vmem>>, vector<1x1x16xf32>,
      %get3A_923 = arith.constant 0 : i32
      %get3A_924 = arith.index_cast %get3A_923 : i32 to index
      %get3A_925 = arith.index_cast %scan3A_779 : i32 to index
      %get3A_926 = arith.constant 48 : index
      %get3A_927 = tpu.vector_load %arg16[%get3A_924, %get3A_925, %get3A_926] {strides = array<i32>} : memref<6x128x64xf32, #tpu.memory_space<vmem>>, vector<1x1x16xf32>,
      %get3A_928 = vector.shape_cast %get3A_927 : vector<1x1x16xf32> to vector<16xf32>
      %get3A_929 = arith.constant 1 : i32
      %get3A_930 = arith.index_cast %get3A_929 : i32 to index
      %get3A_931 = arith.index_cast %scan3A_779 : i32 to index
      %get3A_932 = arith.constant 48 : index
      %get3A_933 = tpu.vector_load %arg16[%get3A_930, %get3A_931, %get3A_932] {strides = array<i32>} : memref<6x128x64xf32, #tpu.memory_space<vmem>>, vector<1x1x16xf32>,
      %get3A_934 = vector.shape_cast %get3A_933 : vector<1x1x16xf32> to vector<16xf32>
      %add3A_935 = arith.addf %get3A_928, %get3A_934 : vector<16xf32>
      %get3A_936 = arith.constant 2 : i32
      %get3A_937 = arith.index_cast %get3A_936 : i32 to index
      %get3A_938 = arith.index_cast %scan3A_779 : i32 to index
      %get3A_939 = arith.constant 48 : index
      %get3A_940 = tpu.vector_load %arg16[%get3A_937, %get3A_938, %get3A_939] {strides = array<i32>} : memref<6x128x64xf32, #tpu.memory_space<vmem>>, vector<1x1x16xf32>,
      %get3A_941 = vector.shape_cast %get3A_940 : vector<1x1x16xf32> to vector<16xf32>
      %add3A_942 = arith.addf %add3A_935, %get3A_941 : vector<16xf32>
      %get3A_943 = arith.constant 3 : i32
      %get3A_944 = arith.index_cast %get3A_943 : i32 to index
      %get3A_945 = arith.index_cast %scan3A_779 : i32 to index
      %get3A_946 = arith.constant 48 : index
      %get3A_947 = tpu.vector_load %arg16[%get3A_944, %get3A_945, %get3A_946] {strides = array<i32>} : memref<6x128x64xf32, #tpu.memory_space<vmem>>, vector<1x1x16xf32>,
      %get3A_948 = vector.shape_cast %get3A_947 : vector<1x1x16xf32> to vector<16xf32>
      %add3A_949 = arith.addf %add3A_942, %get3A_948 : vector<16xf32>
      %get3A_950 = arith.constant 4 : i32
      %get3A_951 = arith.index_cast %get3A_950 : i32 to index
      %get3A_952 = arith.index_cast %scan3A_779 : i32 to index
      %get3A_953 = arith.constant 48 : index
      %get3A_954 = tpu.vector_load %arg16[%get3A_951, %get3A_952, %get3A_953] {strides = array<i32>} : memref<6x128x64xf32, #tpu.memory_space<vmem>>, vector<1x1x16xf32>,
      %get3A_955 = vector.shape_cast %get3A_954 : vector<1x1x16xf32> to vector<16xf32>
      %add3A_956 = arith.addf %add3A_949, %get3A_955 : vector<16xf32>
      %get3A_957 = arith.constant 5 : i32
      %get3A_958 = arith.index_cast %get3A_957 : i32 to index
      %get3A_959 = arith.index_cast %scan3A_779 : i32 to index
      %get3A_960 = arith.constant 48 : index
      %get3A_961 = tpu.vector_load %arg16[%get3A_958, %get3A_959, %get3A_960] {strides = array<i32>} : memref<6x128x64xf32, #tpu.memory_space<vmem>>, vector<1x1x16xf32>,
      %get3A_962 = vector.shape_cast %get3A_961 : vector<1x1x16xf32> to vector<16xf32>
      %add3A_963 = arith.addf %add3A_956, %get3A_962 : vector<16xf32>
      %swap3A_964 = arith.constant 0 : i32
      %swap3A_965 = arith.index_cast %swap3A_964 : i32 to index
      %swap3A_966 = arith.index_cast %scan3A_779 : i32 to index
      %swap3A_967 = arith.constant 48 : index
      %swap3A_968 = tpu.vector_load %arg16[%swap3A_965, %swap3A_966, %swap3A_967] {strides = array<i32>} : memref<6x128x64xf32, #tpu.memory_space<vmem>>, vector<1x1x16xf32>,
      %swap3A_969 = vector.shape_cast %swap3A_968 : vector<1x1x16xf32> to vector<16xf32>
      %swap3A_970 = vector.shape_cast %add3A_963 : vector<16xf32> to vector<1x1x16xf32>
      tpu.vector_store %arg16[%swap3A_965, %swap3A_966, %swap3A_967], %swap3A_970 {strides = array<i32>} : memref<6x128x64xf32, #tpu.memory_space<vmem>>, vector<1x1x16xf32>,
      %scan3A_971 = arith.constant 0 : i32
      scf.yield %scan3A_971 : i32
    }
    %scan3A_437 = arith.constant 128 : i32
    %mul3A_438 = arith.constant 512 : i32
    %mul3A_439 = arith.muli %add3A, %mul3A_438 : i32
    %add3A_440 = arith.constant 128 : i32
    %add3A_441 = arith.addi %mul3A_439, %add3A_440 : i32
    %run_scoped3A_442 = arith.constant 0 : i32
    "tpu.region"() ({
      %run_scoped3A_779 = tpu.sem_alloc : memref<!tpu.dma_semaphore, #tpu.memory_space<semaphore_mem>>
      %dma_start3A_780 = arith.constant 0 : i32
      %dma_start3A_781 = arith.constant 0 : i32
      %dma_start3A_782 = tpu.memref_slice %arg16[%run_scoped3A_442, %dma_start3A_780, %dma_start3A_781] : memref<6x128x64xf32, #tpu.memory_space<vmem>> -> memref<1x128x64xf32, #tpu.memory_space<vmem>>
      %dma_start3A_783 = tpu.memref_squeeze %dma_start3A_782 : memref<1x128x64xf32, #tpu.memory_space<vmem>> -> memref<128x64xf32, #tpu.memory_space<vmem>>
      %dma_start3A_784 = arith.constant 0 : i32
      %dma_start3A_785 = tpu.memref_slice %arg11[%add3A_441, %dma_start3A_784] : memref<16384x64xf32, #tpu.memory_space<hbm>> -> memref<128x64xf32, #tpu.memory_space<hbm>>
      %dma_start3A_786 = arith.constant 0 : i32
      %dma_start3A_787 = tpu.memref_slice %arg11[%add3A_441, %dma_start3A_786] : memref<16384x64xf32, #tpu.memory_space<hbm>> -> memref<128x64xf32, #tpu.memory_space<hbm>>
      %dma_start3A_788 = arith.constant 0 : i32
      %dma_start3A_789 = arith.constant 0 : i32
      %dma_start3A_790 = tpu.memref_slice %arg16[%run_scoped3A_442, %dma_start3A_788, %dma_start3A_789] : memref<6x128x64xf32, #tpu.memory_space<vmem>> -> memref<1x128x64xf32, #tpu.memory_space<vmem>>
      %dma_start3A_791 = tpu.memref_squeeze %dma_start3A_790 : memref<1x128x64xf32, #tpu.memory_space<vmem>> -> memref<128x64xf32, #tpu.memory_space<vmem>>
      tpu.enqueue_dma source(%dma_start3A_791 : memref<128x64xf32, #tpu.memory_space<vmem>>) target(%dma_start3A_787 : memref<128x64xf32, #tpu.memory_space<hbm>>) target_semaphore(%run_scoped3A_779 : memref<!tpu.dma_semaphore, #tpu.memory_space<semaphore_mem>>)
      %dma_wait3A_792 = arith.constant 0 : i32
      %dma_wait3A_793 = arith.constant 0 : i32
      %dma_wait3A_794 = tpu.memref_slice %arg16[%run_scoped3A_442, %dma_wait3A_792, %dma_wait3A_793] : memref<6x128x64xf32, #tpu.memory_space<vmem>> -> memref<1x128x64xf32, #tpu.memory_space<vmem>>
      %dma_wait3A_795 = tpu.memref_squeeze %dma_wait3A_794 : memref<1x128x64xf32, #tpu.memory_space<vmem>> -> memref<128x64xf32, #tpu.memory_space<vmem>>
      %dma_wait3A_796 = arith.constant 0 : i32
      %dma_wait3A_797 = tpu.memref_slice %arg11[%add3A_441, %dma_wait3A_796] : memref<16384x64xf32, #tpu.memory_space<hbm>> -> memref<128x64xf32, #tpu.memory_space<hbm>>
      %dma_wait3A_798 = arith.constant 0 : i32
      %dma_wait3A_799 = tpu.memref_slice %arg11[%add3A_441, %dma_wait3A_798] : memref<16384x64xf32, #tpu.memory_space<hbm>> -> memref<128x64xf32, #tpu.memory_space<hbm>>
      %dma_wait3A_800 = arith.constant 0 : i32
      %dma_wait3A_801 = arith.constant 0 : i32
      %dma_wait3A_802 = tpu.memref_slice %arg16[%run_scoped3A_442, %dma_wait3A_800, %dma_wait3A_801] : memref<6x128x64xf32, #tpu.memory_space<vmem>> -> memref<1x128x64xf32, #tpu.memory_space<vmem>>
      %dma_wait3A_803 = tpu.memref_squeeze %dma_wait3A_802 : memref<1x128x64xf32, #tpu.memory_space<vmem>> -> memref<128x64xf32, #tpu.memory_space<vmem>>
      tpu.wait_dma2 semaphore(%run_scoped3A_779 : memref<!tpu.dma_semaphore, #tpu.memory_space<semaphore_mem>>) src(%dma_wait3A_803 : memref<128x64xf32, #tpu.memory_space<vmem>>) dst(%dma_wait3A_799 : memref<128x64xf32, #tpu.memory_space<hbm>>)
      tpu.yield
    }) : () -> ()
    %dma_start3A_443 = arith.constant 0 : i32
    %dma_start3A_444 = arith.constant 2 : i32
    %dma_start3A_445 = arith.constant 0 : i32
    %dma_start3A_446 = arith.constant 0 : i32
    %dma_start3A_447 = arith.constant 0 : i32
    %dma_start3A_448 = tpu.memref_slice %arg16[%dma_start3A_445, %dma_start3A_446, %dma_start3A_447] : memref<6x128x64xf32, #tpu.memory_space<vmem>> -> memref<1x128x64xf32, #tpu.memory_space<vmem>>
    %dma_start3A_449 = tpu.memref_squeeze %dma_start3A_448 : memref<1x128x64xf32, #tpu.memory_space<vmem>> -> memref<128x64xf32, #tpu.memory_space<vmem>>
    %dma_start3A_450 = arith.constant 0 : i32
    %dma_start3A_451 = tpu.memref_slice %arg15[%dma_start3A_443, %dma_start3A_444, %dma_start3A_450] : memref<6x4x128xi32, #tpu.memory_space<vmem>> -> memref<1x1x128xi32, #tpu.memory_space<vmem>>
    %dma_start3A_452 = tpu.memref_squeeze %dma_start3A_451 : memref<1x1x128xi32, #tpu.memory_space<vmem>> -> memref<128xi32, #tpu.memory_space<vmem>>
    %dma_start3A_453 = arith.constant 0 : i32
    %dma_start3A_454 = arith.constant 0 : i32
    %dma_start3A_455 = tpu.memref_slice %arg5[%dma_start3A_453, %dma_start3A_454] : memref<3072x64xf32, #tpu.memory_space<hbm>> -> memref<3072x64xf32, #tpu.memory_space<hbm>>
    tpu.enqueue_indirect_dma source(%dma_start3A_455 : memref<3072x64xf32, #tpu.memory_space<hbm>>) target(%dma_start3A_449 : memref<128x64xf32, #tpu.memory_space<vmem>>) offsets(%dma_start3A_452 : memref<128xi32, #tpu.memory_space<vmem>>) semaphore(%arg17 : memref<!tpu.dma_semaphore, #tpu.memory_space<semaphore_mem>>)
    %dma_start3A_456 = arith.constant 1 : i32
    %dma_start3A_457 = arith.constant 2 : i32
    %dma_start3A_458 = arith.constant 1 : i32
    %dma_start3A_459 = arith.constant 0 : i32
    %dma_start3A_460 = arith.constant 0 : i32
    %dma_start3A_461 = tpu.memref_slice %arg16[%dma_start3A_458, %dma_start3A_459, %dma_start3A_460] : memref<6x128x64xf32, #tpu.memory_space<vmem>> -> memref<1x128x64xf32, #tpu.memory_space<vmem>>
    %dma_start3A_462 = tpu.memref_squeeze %dma_start3A_461 : memref<1x128x64xf32, #tpu.memory_space<vmem>> -> memref<128x64xf32, #tpu.memory_space<vmem>>
    %dma_start3A_463 = arith.constant 0 : i32
    %dma_start3A_464 = tpu.memref_slice %arg15[%dma_start3A_456, %dma_start3A_457, %dma_start3A_463] : memref<6x4x128xi32, #tpu.memory_space<vmem>> -> memref<1x1x128xi32, #tpu.memory_space<vmem>>
    %dma_start3A_465 = tpu.memref_squeeze %dma_start3A_464 : memref<1x1x128xi32, #tpu.memory_space<vmem>> -> memref<128xi32, #tpu.memory_space<vmem>>
    %dma_start3A_466 = arith.constant 0 : i32
    %dma_start3A_467 = arith.constant 0 : i32
    %dma_start3A_468 = tpu.memref_slice %arg6[%dma_start3A_466, %dma_start3A_467] : memref<6144x64xf32, #tpu.memory_space<hbm>> -> memref<6144x64xf32, #tpu.memory_space<hbm>>
    tpu.enqueue_indirect_dma source(%dma_start3A_468 : memref<6144x64xf32, #tpu.memory_space<hbm>>) target(%dma_start3A_462 : memref<128x64xf32, #tpu.memory_space<vmem>>) offsets(%dma_start3A_465 : memref<128xi32, #tpu.memory_space<vmem>>) semaphore(%arg17 : memref<!tpu.dma_semaphore, #tpu.memory_space<semaphore_mem>>)
    %dma_start3A_469 = arith.constant 2 : i32
    %dma_start3A_470 = arith.constant 2 : i32
    %dma_start3A_471 = arith.constant 2 : i32
    %dma_start3A_472 = arith.constant 0 : i32
    %dma_start3A_473 = arith.constant 0 : i32
    %dma_start3A_474 = tpu.memref_slice %arg16[%dma_start3A_471, %dma_start3A_472, %dma_start3A_473] : memref<6x128x64xf32, #tpu.memory_space<vmem>> -> memref<1x128x64xf32, #tpu.memory_space<vmem>>
    %dma_start3A_475 = tpu.memref_squeeze %dma_start3A_474 : memref<1x128x64xf32, #tpu.memory_space<vmem>> -> memref<128x64xf32, #tpu.memory_space<vmem>>
    %dma_start3A_476 = arith.constant 0 : i32
    %dma_start3A_477 = tpu.memref_slice %arg15[%dma_start3A_469, %dma_start3A_470, %dma_start3A_476] : memref<6x4x128xi32, #tpu.memory_space<vmem>> -> memref<1x1x128xi32, #tpu.memory_space<vmem>>
    %dma_start3A_478 = tpu.memref_squeeze %dma_start3A_477 : memref<1x1x128xi32, #tpu.memory_space<vmem>> -> memref<128xi32, #tpu.memory_space<vmem>>
    %dma_start3A_479 = arith.constant 0 : i32
    %dma_start3A_480 = arith.constant 0 : i32
    %dma_start3A_481 = tpu.memref_slice %arg7[%dma_start3A_479, %dma_start3A_480] : memref<6144x64xf32, #tpu.memory_space<hbm>> -> memref<6144x64xf32, #tpu.memory_space<hbm>>
    tpu.enqueue_indirect_dma source(%dma_start3A_481 : memref<6144x64xf32, #tpu.memory_space<hbm>>) target(%dma_start3A_475 : memref<128x64xf32, #tpu.memory_space<vmem>>) offsets(%dma_start3A_478 : memref<128xi32, #tpu.memory_space<vmem>>) semaphore(%arg17 : memref<!tpu.dma_semaphore, #tpu.memory_space<semaphore_mem>>)
    %dma_start3A_482 = arith.constant 3 : i32
    %dma_start3A_483 = arith.constant 2 : i32
    %dma_start3A_484 = arith.constant 3 : i32
    %dma_start3A_485 = arith.constant 0 : i32
    %dma_start3A_486 = arith.constant 0 : i32
    %dma_start3A_487 = tpu.memref_slice %arg16[%dma_start3A_484, %dma_start3A_485, %dma_start3A_486] : memref<6x128x64xf32, #tpu.memory_space<vmem>> -> memref<1x128x64xf32, #tpu.memory_space<vmem>>
    %dma_start3A_488 = tpu.memref_squeeze %dma_start3A_487 : memref<1x128x64xf32, #tpu.memory_space<vmem>> -> memref<128x64xf32, #tpu.memory_space<vmem>>
    %dma_start3A_489 = arith.constant 0 : i32
    %dma_start3A_490 = tpu.memref_slice %arg15[%dma_start3A_482, %dma_start3A_483, %dma_start3A_489] : memref<6x4x128xi32, #tpu.memory_space<vmem>> -> memref<1x1x128xi32, #tpu.memory_space<vmem>>
    %dma_start3A_491 = tpu.memref_squeeze %dma_start3A_490 : memref<1x1x128xi32, #tpu.memory_space<vmem>> -> memref<128xi32, #tpu.memory_space<vmem>>
    %dma_start3A_492 = arith.constant 0 : i32
    %dma_start3A_493 = arith.constant 0 : i32
    %dma_start3A_494 = tpu.memref_slice %arg8[%dma_start3A_492, %dma_start3A_493] : memref<6144x64xf32, #tpu.memory_space<hbm>> -> memref<6144x64xf32, #tpu.memory_space<hbm>>
    tpu.enqueue_indirect_dma source(%dma_start3A_494 : memref<6144x64xf32, #tpu.memory_space<hbm>>) target(%dma_start3A_488 : memref<128x64xf32, #tpu.memory_space<vmem>>) offsets(%dma_start3A_491 : memref<128xi32, #tpu.memory_space<vmem>>) semaphore(%arg17 : memref<!tpu.dma_semaphore, #tpu.memory_space<semaphore_mem>>)
    %dma_start3A_495 = arith.constant 4 : i32
    %dma_start3A_496 = arith.constant 2 : i32
    %dma_start3A_497 = arith.constant 4 : i32
    %dma_start3A_498 = arith.constant 0 : i32
    %dma_start3A_499 = arith.constant 0 : i32
    %dma_start3A_500 = tpu.memref_slice %arg16[%dma_start3A_497, %dma_start3A_498, %dma_start3A_499] : memref<6x128x64xf32, #tpu.memory_space<vmem>> -> memref<1x128x64xf32, #tpu.memory_space<vmem>>
    %dma_start3A_501 = tpu.memref_squeeze %dma_start3A_500 : memref<1x128x64xf32, #tpu.memory_space<vmem>> -> memref<128x64xf32, #tpu.memory_space<vmem>>
    %dma_start3A_502 = arith.constant 0 : i32
    %dma_start3A_503 = tpu.memref_slice %arg15[%dma_start3A_495, %dma_start3A_496, %dma_start3A_502] : memref<6x4x128xi32, #tpu.memory_space<vmem>> -> memref<1x1x128xi32, #tpu.memory_space<vmem>>
    %dma_start3A_504 = tpu.memref_squeeze %dma_start3A_503 : memref<1x1x128xi32, #tpu.memory_space<vmem>> -> memref<128xi32, #tpu.memory_space<vmem>>
    %dma_start3A_505 = arith.constant 0 : i32
    %dma_start3A_506 = arith.constant 0 : i32
    %dma_start3A_507 = tpu.memref_slice %arg9[%dma_start3A_505, %dma_start3A_506] : memref<6144x64xf32, #tpu.memory_space<hbm>> -> memref<6144x64xf32, #tpu.memory_space<hbm>>
    tpu.enqueue_indirect_dma source(%dma_start3A_507 : memref<6144x64xf32, #tpu.memory_space<hbm>>) target(%dma_start3A_501 : memref<128x64xf32, #tpu.memory_space<vmem>>) offsets(%dma_start3A_504 : memref<128xi32, #tpu.memory_space<vmem>>) semaphore(%arg17 : memref<!tpu.dma_semaphore, #tpu.memory_space<semaphore_mem>>)
    %dma_start3A_508 = arith.constant 5 : i32
    %dma_start3A_509 = arith.constant 2 : i32
    %dma_start3A_510 = arith.constant 5 : i32
    %dma_start3A_511 = arith.constant 0 : i32
    %dma_start3A_512 = arith.constant 0 : i32
    %dma_start3A_513 = tpu.memref_slice %arg16[%dma_start3A_510, %dma_start3A_511, %dma_start3A_512] : memref<6x128x64xf32, #tpu.memory_space<vmem>> -> memref<1x128x64xf32, #tpu.memory_space<vmem>>
    %dma_start3A_514 = tpu.memref_squeeze %dma_start3A_513 : memref<1x128x64xf32, #tpu.memory_space<vmem>> -> memref<128x64xf32, #tpu.memory_space<vmem>>
    %dma_start3A_515 = arith.constant 0 : i32
    %dma_start3A_516 = tpu.memref_slice %arg15[%dma_start3A_508, %dma_start3A_509, %dma_start3A_515] : memref<6x4x128xi32, #tpu.memory_space<vmem>> -> memref<1x1x128xi32, #tpu.memory_space<vmem>>
    %dma_start3A_517 = tpu.memref_squeeze %dma_start3A_516 : memref<1x1x128xi32, #tpu.memory_space<vmem>> -> memref<128xi32, #tpu.memory_space<vmem>>
    %dma_start3A_518 = arith.constant 0 : i32
    %dma_start3A_519 = arith.constant 0 : i32
    %dma_start3A_520 = tpu.memref_slice %arg10[%dma_start3A_518, %dma_start3A_519] : memref<24576x64xf32, #tpu.memory_space<hbm>> -> memref<24576x64xf32, #tpu.memory_space<hbm>>
    tpu.enqueue_indirect_dma source(%dma_start3A_520 : memref<24576x64xf32, #tpu.memory_space<hbm>>) target(%dma_start3A_514 : memref<128x64xf32, #tpu.memory_space<vmem>>) offsets(%dma_start3A_517 : memref<128xi32, #tpu.memory_space<vmem>>) semaphore(%arg17 : memref<!tpu.dma_semaphore, #tpu.memory_space<semaphore_mem>>)
    %dma_wait3A_521 = arith.constant 0 : i32
    %dma_wait3A_522 = arith.constant 2 : i32
    %dma_wait3A_523 = arith.constant 0 : i32
    %dma_wait3A_524 = arith.constant 0 : i32
    %dma_wait3A_525 = arith.constant 0 : i32
    %dma_wait3A_526 = tpu.memref_slice %arg16[%dma_wait3A_523, %dma_wait3A_524, %dma_wait3A_525] : memref<6x128x64xf32, #tpu.memory_space<vmem>> -> memref<1x128x64xf32, #tpu.memory_space<vmem>>
    %dma_wait3A_527 = tpu.memref_squeeze %dma_wait3A_526 : memref<1x128x64xf32, #tpu.memory_space<vmem>> -> memref<128x64xf32, #tpu.memory_space<vmem>>
    %dma_wait3A_528 = arith.constant 0 : i32
    %dma_wait3A_529 = tpu.memref_slice %arg15[%dma_wait3A_521, %dma_wait3A_522, %dma_wait3A_528] : memref<6x4x128xi32, #tpu.memory_space<vmem>> -> memref<1x1x128xi32, #tpu.memory_space<vmem>>
    %dma_wait3A_530 = tpu.memref_squeeze %dma_wait3A_529 : memref<1x1x128xi32, #tpu.memory_space<vmem>> -> memref<128xi32, #tpu.memory_space<vmem>>
    %dma_wait3A_531 = arith.constant 0 : i32
    %dma_wait3A_532 = arith.constant 0 : i32
    %dma_wait3A_533 = tpu.memref_slice %arg5[%dma_wait3A_531, %dma_wait3A_532] : memref<3072x64xf32, #tpu.memory_space<hbm>> -> memref<3072x64xf32, #tpu.memory_space<hbm>>
    tpu.wait_indirect_dma semaphore(%arg17 : memref<!tpu.dma_semaphore, #tpu.memory_space<semaphore_mem>>) src(%dma_wait3A_533 : memref<3072x64xf32, #tpu.memory_space<hbm>>) dst(%dma_wait3A_527 : memref<128x64xf32, #tpu.memory_space<vmem>>)
    %dma_wait3A_534 = arith.constant 1 : i32
    %dma_wait3A_535 = arith.constant 2 : i32
    %dma_wait3A_536 = arith.constant 1 : i32
    %dma_wait3A_537 = arith.constant 0 : i32
    %dma_wait3A_538 = arith.constant 0 : i32
    %dma_wait3A_539 = tpu.memref_slice %arg16[%dma_wait3A_536, %dma_wait3A_537, %dma_wait3A_538] : memref<6x128x64xf32, #tpu.memory_space<vmem>> -> memref<1x128x64xf32, #tpu.memory_space<vmem>>
    %dma_wait3A_540 = tpu.memref_squeeze %dma_wait3A_539 : memref<1x128x64xf32, #tpu.memory_space<vmem>> -> memref<128x64xf32, #tpu.memory_space<vmem>>
    %dma_wait3A_541 = arith.constant 0 : i32
    %dma_wait3A_542 = tpu.memref_slice %arg15[%dma_wait3A_534, %dma_wait3A_535, %dma_wait3A_541] : memref<6x4x128xi32, #tpu.memory_space<vmem>> -> memref<1x1x128xi32, #tpu.memory_space<vmem>>
    %dma_wait3A_543 = tpu.memref_squeeze %dma_wait3A_542 : memref<1x1x128xi32, #tpu.memory_space<vmem>> -> memref<128xi32, #tpu.memory_space<vmem>>
    %dma_wait3A_544 = arith.constant 0 : i32
    %dma_wait3A_545 = arith.constant 0 : i32
    %dma_wait3A_546 = tpu.memref_slice %arg6[%dma_wait3A_544, %dma_wait3A_545] : memref<6144x64xf32, #tpu.memory_space<hbm>> -> memref<6144x64xf32, #tpu.memory_space<hbm>>
    tpu.wait_indirect_dma semaphore(%arg17 : memref<!tpu.dma_semaphore, #tpu.memory_space<semaphore_mem>>) src(%dma_wait3A_546 : memref<6144x64xf32, #tpu.memory_space<hbm>>) dst(%dma_wait3A_540 : memref<128x64xf32, #tpu.memory_space<vmem>>)
    %dma_wait3A_547 = arith.constant 2 : i32
    %dma_wait3A_548 = arith.constant 2 : i32
    %dma_wait3A_549 = arith.constant 2 : i32
    %dma_wait3A_550 = arith.constant 0 : i32
    %dma_wait3A_551 = arith.constant 0 : i32
    %dma_wait3A_552 = tpu.memref_slice %arg16[%dma_wait3A_549, %dma_wait3A_550, %dma_wait3A_551] : memref<6x128x64xf32, #tpu.memory_space<vmem>> -> memref<1x128x64xf32, #tpu.memory_space<vmem>>
    %dma_wait3A_553 = tpu.memref_squeeze %dma_wait3A_552 : memref<1x128x64xf32, #tpu.memory_space<vmem>> -> memref<128x64xf32, #tpu.memory_space<vmem>>
    %dma_wait3A_554 = arith.constant 0 : i32
    %dma_wait3A_555 = tpu.memref_slice %arg15[%dma_wait3A_547, %dma_wait3A_548, %dma_wait3A_554] : memref<6x4x128xi32, #tpu.memory_space<vmem>> -> memref<1x1x128xi32, #tpu.memory_space<vmem>>
    %dma_wait3A_556 = tpu.memref_squeeze %dma_wait3A_555 : memref<1x1x128xi32, #tpu.memory_space<vmem>> -> memref<128xi32, #tpu.memory_space<vmem>>
    %dma_wait3A_557 = arith.constant 0 : i32
    %dma_wait3A_558 = arith.constant 0 : i32
    %dma_wait3A_559 = tpu.memref_slice %arg7[%dma_wait3A_557, %dma_wait3A_558] : memref<6144x64xf32, #tpu.memory_space<hbm>> -> memref<6144x64xf32, #tpu.memory_space<hbm>>
    tpu.wait_indirect_dma semaphore(%arg17 : memref<!tpu.dma_semaphore, #tpu.memory_space<semaphore_mem>>) src(%dma_wait3A_559 : memref<6144x64xf32, #tpu.memory_space<hbm>>) dst(%dma_wait3A_553 : memref<128x64xf32, #tpu.memory_space<vmem>>)
    %dma_wait3A_560 = arith.constant 3 : i32
    %dma_wait3A_561 = arith.constant 2 : i32
    %dma_wait3A_562 = arith.constant 3 : i32
    %dma_wait3A_563 = arith.constant 0 : i32
    %dma_wait3A_564 = arith.constant 0 : i32
    %dma_wait3A_565 = tpu.memref_slice %arg16[%dma_wait3A_562, %dma_wait3A_563, %dma_wait3A_564] : memref<6x128x64xf32, #tpu.memory_space<vmem>> -> memref<1x128x64xf32, #tpu.memory_space<vmem>>
    %dma_wait3A_566 = tpu.memref_squeeze %dma_wait3A_565 : memref<1x128x64xf32, #tpu.memory_space<vmem>> -> memref<128x64xf32, #tpu.memory_space<vmem>>
    %dma_wait3A_567 = arith.constant 0 : i32
    %dma_wait3A_568 = tpu.memref_slice %arg15[%dma_wait3A_560, %dma_wait3A_561, %dma_wait3A_567] : memref<6x4x128xi32, #tpu.memory_space<vmem>> -> memref<1x1x128xi32, #tpu.memory_space<vmem>>
    %dma_wait3A_569 = tpu.memref_squeeze %dma_wait3A_568 : memref<1x1x128xi32, #tpu.memory_space<vmem>> -> memref<128xi32, #tpu.memory_space<vmem>>
    %dma_wait3A_570 = arith.constant 0 : i32
    %dma_wait3A_571 = arith.constant 0 : i32
    %dma_wait3A_572 = tpu.memref_slice %arg8[%dma_wait3A_570, %dma_wait3A_571] : memref<6144x64xf32, #tpu.memory_space<hbm>> -> memref<6144x64xf32, #tpu.memory_space<hbm>>
    tpu.wait_indirect_dma semaphore(%arg17 : memref<!tpu.dma_semaphore, #tpu.memory_space<semaphore_mem>>) src(%dma_wait3A_572 : memref<6144x64xf32, #tpu.memory_space<hbm>>) dst(%dma_wait3A_566 : memref<128x64xf32, #tpu.memory_space<vmem>>)
    %dma_wait3A_573 = arith.constant 4 : i32
    %dma_wait3A_574 = arith.constant 2 : i32
    %dma_wait3A_575 = arith.constant 4 : i32
    %dma_wait3A_576 = arith.constant 0 : i32
    %dma_wait3A_577 = arith.constant 0 : i32
    %dma_wait3A_578 = tpu.memref_slice %arg16[%dma_wait3A_575, %dma_wait3A_576, %dma_wait3A_577] : memref<6x128x64xf32, #tpu.memory_space<vmem>> -> memref<1x128x64xf32, #tpu.memory_space<vmem>>
    %dma_wait3A_579 = tpu.memref_squeeze %dma_wait3A_578 : memref<1x128x64xf32, #tpu.memory_space<vmem>> -> memref<128x64xf32, #tpu.memory_space<vmem>>
    %dma_wait3A_580 = arith.constant 0 : i32
    %dma_wait3A_581 = tpu.memref_slice %arg15[%dma_wait3A_573, %dma_wait3A_574, %dma_wait3A_580] : memref<6x4x128xi32, #tpu.memory_space<vmem>> -> memref<1x1x128xi32, #tpu.memory_space<vmem>>
    %dma_wait3A_582 = tpu.memref_squeeze %dma_wait3A_581 : memref<1x1x128xi32, #tpu.memory_space<vmem>> -> memref<128xi32, #tpu.memory_space<vmem>>
    %dma_wait3A_583 = arith.constant 0 : i32
    %dma_wait3A_584 = arith.constant 0 : i32
    %dma_wait3A_585 = tpu.memref_slice %arg9[%dma_wait3A_583, %dma_wait3A_584] : memref<6144x64xf32, #tpu.memory_space<hbm>> -> memref<6144x64xf32, #tpu.memory_space<hbm>>
    tpu.wait_indirect_dma semaphore(%arg17 : memref<!tpu.dma_semaphore, #tpu.memory_space<semaphore_mem>>) src(%dma_wait3A_585 : memref<6144x64xf32, #tpu.memory_space<hbm>>) dst(%dma_wait3A_579 : memref<128x64xf32, #tpu.memory_space<vmem>>)
    %dma_wait3A_586 = arith.constant 5 : i32
    %dma_wait3A_587 = arith.constant 2 : i32
    %dma_wait3A_588 = arith.constant 5 : i32
    %dma_wait3A_589 = arith.constant 0 : i32
    %dma_wait3A_590 = arith.constant 0 : i32
    %dma_wait3A_591 = tpu.memref_slice %arg16[%dma_wait3A_588, %dma_wait3A_589, %dma_wait3A_590] : memref<6x128x64xf32, #tpu.memory_space<vmem>> -> memref<1x128x64xf32, #tpu.memory_space<vmem>>
    %dma_wait3A_592 = tpu.memref_squeeze %dma_wait3A_591 : memref<1x128x64xf32, #tpu.memory_space<vmem>> -> memref<128x64xf32, #tpu.memory_space<vmem>>
    %dma_wait3A_593 = arith.constant 0 : i32
    %dma_wait3A_594 = tpu.memref_slice %arg15[%dma_wait3A_586, %dma_wait3A_587, %dma_wait3A_593] : memref<6x4x128xi32, #tpu.memory_space<vmem>> -> memref<1x1x128xi32, #tpu.memory_space<vmem>>
    %dma_wait3A_595 = tpu.memref_squeeze %dma_wait3A_594 : memref<1x1x128xi32, #tpu.memory_space<vmem>> -> memref<128xi32, #tpu.memory_space<vmem>>
    %dma_wait3A_596 = arith.constant 0 : i32
    %dma_wait3A_597 = arith.constant 0 : i32
    %dma_wait3A_598 = tpu.memref_slice %arg10[%dma_wait3A_596, %dma_wait3A_597] : memref<24576x64xf32, #tpu.memory_space<hbm>> -> memref<24576x64xf32, #tpu.memory_space<hbm>>
    tpu.wait_indirect_dma semaphore(%arg17 : memref<!tpu.dma_semaphore, #tpu.memory_space<semaphore_mem>>) src(%dma_wait3A_598 : memref<24576x64xf32, #tpu.memory_space<hbm>>) dst(%dma_wait3A_592 : memref<128x64xf32, #tpu.memory_space<vmem>>)
    %scan3A_599 = arith.constant 0 : i32
    %scan3A_600 = arith.constant 0 : i32
    %scan3A_601 = arith.constant 128 : i32
    %scan3A_602 = arith.addi %scan3A_600, %scan3A_601 : i32
    %scan3A_603 = arith.constant 1 : i32
    %scan3A_604 = scf.for %scan3A_779 = %scan3A_600 to %scan3A_602 step %scan3A_603 iter_args(%scan3A_780 = %scan3A_599) -> (i32)  : i32 {
      %get3A = arith.constant 0 : i32
      %get3A_781 = arith.index_cast %get3A : i32 to index
      %get3A_782 = arith.index_cast %scan3A_779 : i32 to index
      %get3A_783 = arith.constant 0 : index
      %get3A_784 = tpu.vector_load %arg16[%get3A_781, %get3A_782, %get3A_783] {strides = array<i32>} : memref<6x128x64xf32, #tpu.memory_space<vmem>>, vector<1x1x16xf32>,
      %get3A_785 = vector.shape_cast %get3A_784 : vector<1x1x16xf32> to vector<16xf32>
      %get3A_786 = arith.constant 1 : i32
      %get3A_787 = arith.index_cast %get3A_786 : i32 to index
      %get3A_788 = arith.index_cast %scan3A_779 : i32 to index
      %get3A_789 = arith.constant 0 : index
      %get3A_790 = tpu.vector_load %arg16[%get3A_787, %get3A_788, %get3A_789] {strides = array<i32>} : memref<6x128x64xf32, #tpu.memory_space<vmem>>, vector<1x1x16xf32>,
      %get3A_791 = vector.shape_cast %get3A_790 : vector<1x1x16xf32> to vector<16xf32>
      %add3A_792 = arith.addf %get3A_785, %get3A_791 : vector<16xf32>
      %get3A_793 = arith.constant 2 : i32
      %get3A_794 = arith.index_cast %get3A_793 : i32 to index
      %get3A_795 = arith.index_cast %scan3A_779 : i32 to index
      %get3A_796 = arith.constant 0 : index
      %get3A_797 = tpu.vector_load %arg16[%get3A_794, %get3A_795, %get3A_796] {strides = array<i32>} : memref<6x128x64xf32, #tpu.memory_space<vmem>>, vector<1x1x16xf32>,
      %get3A_798 = vector.shape_cast %get3A_797 : vector<1x1x16xf32> to vector<16xf32>
      %add3A_799 = arith.addf %add3A_792, %get3A_798 : vector<16xf32>
      %get3A_800 = arith.constant 3 : i32
      %get3A_801 = arith.index_cast %get3A_800 : i32 to index
      %get3A_802 = arith.index_cast %scan3A_779 : i32 to index
      %get3A_803 = arith.constant 0 : index
      %get3A_804 = tpu.vector_load %arg16[%get3A_801, %get3A_802, %get3A_803] {strides = array<i32>} : memref<6x128x64xf32, #tpu.memory_space<vmem>>, vector<1x1x16xf32>,
      %get3A_805 = vector.shape_cast %get3A_804 : vector<1x1x16xf32> to vector<16xf32>
      %add3A_806 = arith.addf %add3A_799, %get3A_805 : vector<16xf32>
      %get3A_807 = arith.constant 4 : i32
      %get3A_808 = arith.index_cast %get3A_807 : i32 to index
      %get3A_809 = arith.index_cast %scan3A_779 : i32 to index
      %get3A_810 = arith.constant 0 : index
      %get3A_811 = tpu.vector_load %arg16[%get3A_808, %get3A_809, %get3A_810] {strides = array<i32>} : memref<6x128x64xf32, #tpu.memory_space<vmem>>, vector<1x1x16xf32>,
      %get3A_812 = vector.shape_cast %get3A_811 : vector<1x1x16xf32> to vector<16xf32>
      %add3A_813 = arith.addf %add3A_806, %get3A_812 : vector<16xf32>
      %get3A_814 = arith.constant 5 : i32
      %get3A_815 = arith.index_cast %get3A_814 : i32 to index
      %get3A_816 = arith.index_cast %scan3A_779 : i32 to index
      %get3A_817 = arith.constant 0 : index
      %get3A_818 = tpu.vector_load %arg16[%get3A_815, %get3A_816, %get3A_817] {strides = array<i32>} : memref<6x128x64xf32, #tpu.memory_space<vmem>>, vector<1x1x16xf32>,
      %get3A_819 = vector.shape_cast %get3A_818 : vector<1x1x16xf32> to vector<16xf32>
      %add3A_820 = arith.addf %add3A_813, %get3A_819 : vector<16xf32>
      %swap3A = arith.constant 0 : i32
      %swap3A_821 = arith.index_cast %swap3A : i32 to index
      %swap3A_822 = arith.index_cast %scan3A_779 : i32 to index
      %swap3A_823 = arith.constant 0 : index
      %swap3A_824 = tpu.vector_load %arg16[%swap3A_821, %swap3A_822, %swap3A_823] {strides = array<i32>} : memref<6x128x64xf32, #tpu.memory_space<vmem>>, vector<1x1x16xf32>,
      %swap3A_825 = vector.shape_cast %swap3A_824 : vector<1x1x16xf32> to vector<16xf32>
      %swap3A_826 = vector.shape_cast %add3A_820 : vector<16xf32> to vector<1x1x16xf32>
      tpu.vector_store %arg16[%swap3A_821, %swap3A_822, %swap3A_823], %swap3A_826 {strides = array<i32>} : memref<6x128x64xf32, #tpu.memory_space<vmem>>, vector<1x1x16xf32>,
      %get3A_827 = arith.constant 0 : i32
      %get3A_828 = arith.index_cast %get3A_827 : i32 to index
      %get3A_829 = arith.index_cast %scan3A_779 : i32 to index
      %get3A_830 = arith.constant 16 : index
      %get3A_831 = tpu.vector_load %arg16[%get3A_828, %get3A_829, %get3A_830] {strides = array<i32>} : memref<6x128x64xf32, #tpu.memory_space<vmem>>, vector<1x1x16xf32>,
      %get3A_832 = vector.shape_cast %get3A_831 : vector<1x1x16xf32> to vector<16xf32>
      %get3A_833 = arith.constant 1 : i32
      %get3A_834 = arith.index_cast %get3A_833 : i32 to index
      %get3A_835 = arith.index_cast %scan3A_779 : i32 to index
      %get3A_836 = arith.constant 16 : index
      %get3A_837 = tpu.vector_load %arg16[%get3A_834, %get3A_835, %get3A_836] {strides = array<i32>} : memref<6x128x64xf32, #tpu.memory_space<vmem>>, vector<1x1x16xf32>,
      %get3A_838 = vector.shape_cast %get3A_837 : vector<1x1x16xf32> to vector<16xf32>
      %add3A_839 = arith.addf %get3A_832, %get3A_838 : vector<16xf32>
      %get3A_840 = arith.constant 2 : i32
      %get3A_841 = arith.index_cast %get3A_840 : i32 to index
      %get3A_842 = arith.index_cast %scan3A_779 : i32 to index
      %get3A_843 = arith.constant 16 : index
      %get3A_844 = tpu.vector_load %arg16[%get3A_841, %get3A_842, %get3A_843] {strides = array<i32>} : memref<6x128x64xf32, #tpu.memory_space<vmem>>, vector<1x1x16xf32>,
      %get3A_845 = vector.shape_cast %get3A_844 : vector<1x1x16xf32> to vector<16xf32>
      %add3A_846 = arith.addf %add3A_839, %get3A_845 : vector<16xf32>
      %get3A_847 = arith.constant 3 : i32
      %get3A_848 = arith.index_cast %get3A_847 : i32 to index
      %get3A_849 = arith.index_cast %scan3A_779 : i32 to index
      %get3A_850 = arith.constant 16 : index
      %get3A_851 = tpu.vector_load %arg16[%get3A_848, %get3A_849, %get3A_850] {strides = array<i32>} : memref<6x128x64xf32, #tpu.memory_space<vmem>>, vector<1x1x16xf32>,
      %get3A_852 = vector.shape_cast %get3A_851 : vector<1x1x16xf32> to vector<16xf32>
      %add3A_853 = arith.addf %add3A_846, %get3A_852 : vector<16xf32>
      %get3A_854 = arith.constant 4 : i32
      %get3A_855 = arith.index_cast %get3A_854 : i32 to index
      %get3A_856 = arith.index_cast %scan3A_779 : i32 to index
      %get3A_857 = arith.constant 16 : index
      %get3A_858 = tpu.vector_load %arg16[%get3A_855, %get3A_856, %get3A_857] {strides = array<i32>} : memref<6x128x64xf32, #tpu.memory_space<vmem>>, vector<1x1x16xf32>,
      %get3A_859 = vector.shape_cast %get3A_858 : vector<1x1x16xf32> to vector<16xf32>
      %add3A_860 = arith.addf %add3A_853, %get3A_859 : vector<16xf32>
      %get3A_861 = arith.constant 5 : i32
      %get3A_862 = arith.index_cast %get3A_861 : i32 to index
      %get3A_863 = arith.index_cast %scan3A_779 : i32 to index
      %get3A_864 = arith.constant 16 : index
      %get3A_865 = tpu.vector_load %arg16[%get3A_862, %get3A_863, %get3A_864] {strides = array<i32>} : memref<6x128x64xf32, #tpu.memory_space<vmem>>, vector<1x1x16xf32>,
      %get3A_866 = vector.shape_cast %get3A_865 : vector<1x1x16xf32> to vector<16xf32>
      %add3A_867 = arith.addf %add3A_860, %get3A_866 : vector<16xf32>
      %swap3A_868 = arith.constant 0 : i32
      %swap3A_869 = arith.index_cast %swap3A_868 : i32 to index
      %swap3A_870 = arith.index_cast %scan3A_779 : i32 to index
      %swap3A_871 = arith.constant 16 : index
      %swap3A_872 = tpu.vector_load %arg16[%swap3A_869, %swap3A_870, %swap3A_871] {strides = array<i32>} : memref<6x128x64xf32, #tpu.memory_space<vmem>>, vector<1x1x16xf32>,
      %swap3A_873 = vector.shape_cast %swap3A_872 : vector<1x1x16xf32> to vector<16xf32>
      %swap3A_874 = vector.shape_cast %add3A_867 : vector<16xf32> to vector<1x1x16xf32>
      tpu.vector_store %arg16[%swap3A_869, %swap3A_870, %swap3A_871], %swap3A_874 {strides = array<i32>} : memref<6x128x64xf32, #tpu.memory_space<vmem>>, vector<1x1x16xf32>,
      %get3A_875 = arith.constant 0 : i32
      %get3A_876 = arith.index_cast %get3A_875 : i32 to index
      %get3A_877 = arith.index_cast %scan3A_779 : i32 to index
      %get3A_878 = arith.constant 32 : index
      %get3A_879 = tpu.vector_load %arg16[%get3A_876, %get3A_877, %get3A_878] {strides = array<i32>} : memref<6x128x64xf32, #tpu.memory_space<vmem>>, vector<1x1x16xf32>,
      %get3A_880 = vector.shape_cast %get3A_879 : vector<1x1x16xf32> to vector<16xf32>
      %get3A_881 = arith.constant 1 : i32
      %get3A_882 = arith.index_cast %get3A_881 : i32 to index
      %get3A_883 = arith.index_cast %scan3A_779 : i32 to index
      %get3A_884 = arith.constant 32 : index
      %get3A_885 = tpu.vector_load %arg16[%get3A_882, %get3A_883, %get3A_884] {strides = array<i32>} : memref<6x128x64xf32, #tpu.memory_space<vmem>>, vector<1x1x16xf32>,
      %get3A_886 = vector.shape_cast %get3A_885 : vector<1x1x16xf32> to vector<16xf32>
      %add3A_887 = arith.addf %get3A_880, %get3A_886 : vector<16xf32>
      %get3A_888 = arith.constant 2 : i32
      %get3A_889 = arith.index_cast %get3A_888 : i32 to index
      %get3A_890 = arith.index_cast %scan3A_779 : i32 to index
      %get3A_891 = arith.constant 32 : index
      %get3A_892 = tpu.vector_load %arg16[%get3A_889, %get3A_890, %get3A_891] {strides = array<i32>} : memref<6x128x64xf32, #tpu.memory_space<vmem>>, vector<1x1x16xf32>,
      %get3A_893 = vector.shape_cast %get3A_892 : vector<1x1x16xf32> to vector<16xf32>
      %add3A_894 = arith.addf %add3A_887, %get3A_893 : vector<16xf32>
      %get3A_895 = arith.constant 3 : i32
      %get3A_896 = arith.index_cast %get3A_895 : i32 to index
      %get3A_897 = arith.index_cast %scan3A_779 : i32 to index
      %get3A_898 = arith.constant 32 : index
      %get3A_899 = tpu.vector_load %arg16[%get3A_896, %get3A_897, %get3A_898] {strides = array<i32>} : memref<6x128x64xf32, #tpu.memory_space<vmem>>, vector<1x1x16xf32>,
      %get3A_900 = vector.shape_cast %get3A_899 : vector<1x1x16xf32> to vector<16xf32>
      %add3A_901 = arith.addf %add3A_894, %get3A_900 : vector<16xf32>
      %get3A_902 = arith.constant 4 : i32
      %get3A_903 = arith.index_cast %get3A_902 : i32 to index
      %get3A_904 = arith.index_cast %scan3A_779 : i32 to index
      %get3A_905 = arith.constant 32 : index
      %get3A_906 = tpu.vector_load %arg16[%get3A_903, %get3A_904, %get3A_905] {strides = array<i32>} : memref<6x128x64xf32, #tpu.memory_space<vmem>>, vector<1x1x16xf32>,
      %get3A_907 = vector.shape_cast %get3A_906 : vector<1x1x16xf32> to vector<16xf32>
      %add3A_908 = arith.addf %add3A_901, %get3A_907 : vector<16xf32>
      %get3A_909 = arith.constant 5 : i32
      %get3A_910 = arith.index_cast %get3A_909 : i32 to index
      %get3A_911 = arith.index_cast %scan3A_779 : i32 to index
      %get3A_912 = arith.constant 32 : index
      %get3A_913 = tpu.vector_load %arg16[%get3A_910, %get3A_911, %get3A_912] {strides = array<i32>} : memref<6x128x64xf32, #tpu.memory_space<vmem>>, vector<1x1x16xf32>,
      %get3A_914 = vector.shape_cast %get3A_913 : vector<1x1x16xf32> to vector<16xf32>
      %add3A_915 = arith.addf %add3A_908, %get3A_914 : vector<16xf32>
      %swap3A_916 = arith.constant 0 : i32
      %swap3A_917 = arith.index_cast %swap3A_916 : i32 to index
      %swap3A_918 = arith.index_cast %scan3A_779 : i32 to index
      %swap3A_919 = arith.constant 32 : index
      %swap3A_920 = tpu.vector_load %arg16[%swap3A_917, %swap3A_918, %swap3A_919] {strides = array<i32>} : memref<6x128x64xf32, #tpu.memory_space<vmem>>, vector<1x1x16xf32>,
      %swap3A_921 = vector.shape_cast %swap3A_920 : vector<1x1x16xf32> to vector<16xf32>
      %swap3A_922 = vector.shape_cast %add3A_915 : vector<16xf32> to vector<1x1x16xf32>
      tpu.vector_store %arg16[%swap3A_917, %swap3A_918, %swap3A_919], %swap3A_922 {strides = array<i32>} : memref<6x128x64xf32, #tpu.memory_space<vmem>>, vector<1x1x16xf32>,
      %get3A_923 = arith.constant 0 : i32
      %get3A_924 = arith.index_cast %get3A_923 : i32 to index
      %get3A_925 = arith.index_cast %scan3A_779 : i32 to index
      %get3A_926 = arith.constant 48 : index
      %get3A_927 = tpu.vector_load %arg16[%get3A_924, %get3A_925, %get3A_926] {strides = array<i32>} : memref<6x128x64xf32, #tpu.memory_space<vmem>>, vector<1x1x16xf32>,
      %get3A_928 = vector.shape_cast %get3A_927 : vector<1x1x16xf32> to vector<16xf32>
      %get3A_929 = arith.constant 1 : i32
      %get3A_930 = arith.index_cast %get3A_929 : i32 to index
      %get3A_931 = arith.index_cast %scan3A_779 : i32 to index
      %get3A_932 = arith.constant 48 : index
      %get3A_933 = tpu.vector_load %arg16[%get3A_930, %get3A_931, %get3A_932] {strides = array<i32>} : memref<6x128x64xf32, #tpu.memory_space<vmem>>, vector<1x1x16xf32>,
      %get3A_934 = vector.shape_cast %get3A_933 : vector<1x1x16xf32> to vector<16xf32>
      %add3A_935 = arith.addf %get3A_928, %get3A_934 : vector<16xf32>
      %get3A_936 = arith.constant 2 : i32
      %get3A_937 = arith.index_cast %get3A_936 : i32 to index
      %get3A_938 = arith.index_cast %scan3A_779 : i32 to index
      %get3A_939 = arith.constant 48 : index
      %get3A_940 = tpu.vector_load %arg16[%get3A_937, %get3A_938, %get3A_939] {strides = array<i32>} : memref<6x128x64xf32, #tpu.memory_space<vmem>>, vector<1x1x16xf32>,
      %get3A_941 = vector.shape_cast %get3A_940 : vector<1x1x16xf32> to vector<16xf32>
      %add3A_942 = arith.addf %add3A_935, %get3A_941 : vector<16xf32>
      %get3A_943 = arith.constant 3 : i32
      %get3A_944 = arith.index_cast %get3A_943 : i32 to index
      %get3A_945 = arith.index_cast %scan3A_779 : i32 to index
      %get3A_946 = arith.constant 48 : index
      %get3A_947 = tpu.vector_load %arg16[%get3A_944, %get3A_945, %get3A_946] {strides = array<i32>} : memref<6x128x64xf32, #tpu.memory_space<vmem>>, vector<1x1x16xf32>,
      %get3A_948 = vector.shape_cast %get3A_947 : vector<1x1x16xf32> to vector<16xf32>
      %add3A_949 = arith.addf %add3A_942, %get3A_948 : vector<16xf32>
      %get3A_950 = arith.constant 4 : i32
      %get3A_951 = arith.index_cast %get3A_950 : i32 to index
      %get3A_952 = arith.index_cast %scan3A_779 : i32 to index
      %get3A_953 = arith.constant 48 : index
      %get3A_954 = tpu.vector_load %arg16[%get3A_951, %get3A_952, %get3A_953] {strides = array<i32>} : memref<6x128x64xf32, #tpu.memory_space<vmem>>, vector<1x1x16xf32>,
      %get3A_955 = vector.shape_cast %get3A_954 : vector<1x1x16xf32> to vector<16xf32>
      %add3A_956 = arith.addf %add3A_949, %get3A_955 : vector<16xf32>
      %get3A_957 = arith.constant 5 : i32
      %get3A_958 = arith.index_cast %get3A_957 : i32 to index
      %get3A_959 = arith.index_cast %scan3A_779 : i32 to index
      %get3A_960 = arith.constant 48 : index
      %get3A_961 = tpu.vector_load %arg16[%get3A_958, %get3A_959, %get3A_960] {strides = array<i32>} : memref<6x128x64xf32, #tpu.memory_space<vmem>>, vector<1x1x16xf32>,
      %get3A_962 = vector.shape_cast %get3A_961 : vector<1x1x16xf32> to vector<16xf32>
      %add3A_963 = arith.addf %add3A_956, %get3A_962 : vector<16xf32>
      %swap3A_964 = arith.constant 0 : i32
      %swap3A_965 = arith.index_cast %swap3A_964 : i32 to index
      %swap3A_966 = arith.index_cast %scan3A_779 : i32 to index
      %swap3A_967 = arith.constant 48 : index
      %swap3A_968 = tpu.vector_load %arg16[%swap3A_965, %swap3A_966, %swap3A_967] {strides = array<i32>} : memref<6x128x64xf32, #tpu.memory_space<vmem>>, vector<1x1x16xf32>,
      %swap3A_969 = vector.shape_cast %swap3A_968 : vector<1x1x16xf32> to vector<16xf32>
      %swap3A_970 = vector.shape_cast %add3A_963 : vector<16xf32> to vector<1x1x16xf32>
      tpu.vector_store %arg16[%swap3A_965, %swap3A_966, %swap3A_967], %swap3A_970 {strides = array<i32>} : memref<6x128x64xf32, #tpu.memory_space<vmem>>, vector<1x1x16xf32>,
      %scan3A_971 = arith.constant 0 : i32
      scf.yield %scan3A_971 : i32
    }
    %scan3A_605 = arith.constant 128 : i32
    %mul3A_606 = arith.constant 512 : i32
    %mul3A_607 = arith.muli %add3A, %mul3A_606 : i32
    %add3A_608 = arith.constant 256 : i32
    %add3A_609 = arith.addi %mul3A_607, %add3A_608 : i32
    %run_scoped3A_610 = arith.constant 0 : i32
    "tpu.region"() ({
      %run_scoped3A_779 = tpu.sem_alloc : memref<!tpu.dma_semaphore, #tpu.memory_space<semaphore_mem>>
      %dma_start3A_780 = arith.constant 0 : i32
      %dma_start3A_781 = arith.constant 0 : i32
      %dma_start3A_782 = tpu.memref_slice %arg16[%run_scoped3A_610, %dma_start3A_780, %dma_start3A_781] : memref<6x128x64xf32, #tpu.memory_space<vmem>> -> memref<1x128x64xf32, #tpu.memory_space<vmem>>
      %dma_start3A_783 = tpu.memref_squeeze %dma_start3A_782 : memref<1x128x64xf32, #tpu.memory_space<vmem>> -> memref<128x64xf32, #tpu.memory_space<vmem>>
      %dma_start3A_784 = arith.constant 0 : i32
      %dma_start3A_785 = tpu.memref_slice %arg11[%add3A_609, %dma_start3A_784] : memref<16384x64xf32, #tpu.memory_space<hbm>> -> memref<128x64xf32, #tpu.memory_space<hbm>>
      %dma_start3A_786 = arith.constant 0 : i32
      %dma_start3A_787 = tpu.memref_slice %arg11[%add3A_609, %dma_start3A_786] : memref<16384x64xf32, #tpu.memory_space<hbm>> -> memref<128x64xf32, #tpu.memory_space<hbm>>
      %dma_start3A_788 = arith.constant 0 : i32
      %dma_start3A_789 = arith.constant 0 : i32
      %dma_start3A_790 = tpu.memref_slice %arg16[%run_scoped3A_610, %dma_start3A_788, %dma_start3A_789] : memref<6x128x64xf32, #tpu.memory_space<vmem>> -> memref<1x128x64xf32, #tpu.memory_space<vmem>>
      %dma_start3A_791 = tpu.memref_squeeze %dma_start3A_790 : memref<1x128x64xf32, #tpu.memory_space<vmem>> -> memref<128x64xf32, #tpu.memory_space<vmem>>
      tpu.enqueue_dma source(%dma_start3A_791 : memref<128x64xf32, #tpu.memory_space<vmem>>) target(%dma_start3A_787 : memref<128x64xf32, #tpu.memory_space<hbm>>) target_semaphore(%run_scoped3A_779 : memref<!tpu.dma_semaphore, #tpu.memory_space<semaphore_mem>>)
      %dma_wait3A_792 = arith.constant 0 : i32
      %dma_wait3A_793 = arith.constant 0 : i32
      %dma_wait3A_794 = tpu.memref_slice %arg16[%run_scoped3A_610, %dma_wait3A_792, %dma_wait3A_793] : memref<6x128x64xf32, #tpu.memory_space<vmem>> -> memref<1x128x64xf32, #tpu.memory_space<vmem>>
      %dma_wait3A_795 = tpu.memref_squeeze %dma_wait3A_794 : memref<1x128x64xf32, #tpu.memory_space<vmem>> -> memref<128x64xf32, #tpu.memory_space<vmem>>
      %dma_wait3A_796 = arith.constant 0 : i32
      %dma_wait3A_797 = tpu.memref_slice %arg11[%add3A_609, %dma_wait3A_796] : memref<16384x64xf32, #tpu.memory_space<hbm>> -> memref<128x64xf32, #tpu.memory_space<hbm>>
      %dma_wait3A_798 = arith.constant 0 : i32
      %dma_wait3A_799 = tpu.memref_slice %arg11[%add3A_609, %dma_wait3A_798] : memref<16384x64xf32, #tpu.memory_space<hbm>> -> memref<128x64xf32, #tpu.memory_space<hbm>>
      %dma_wait3A_800 = arith.constant 0 : i32
      %dma_wait3A_801 = arith.constant 0 : i32
      %dma_wait3A_802 = tpu.memref_slice %arg16[%run_scoped3A_610, %dma_wait3A_800, %dma_wait3A_801] : memref<6x128x64xf32, #tpu.memory_space<vmem>> -> memref<1x128x64xf32, #tpu.memory_space<vmem>>
      %dma_wait3A_803 = tpu.memref_squeeze %dma_wait3A_802 : memref<1x128x64xf32, #tpu.memory_space<vmem>> -> memref<128x64xf32, #tpu.memory_space<vmem>>
      tpu.wait_dma2 semaphore(%run_scoped3A_779 : memref<!tpu.dma_semaphore, #tpu.memory_space<semaphore_mem>>) src(%dma_wait3A_803 : memref<128x64xf32, #tpu.memory_space<vmem>>) dst(%dma_wait3A_799 : memref<128x64xf32, #tpu.memory_space<hbm>>)
      tpu.yield
    }) : () -> ()
    %dma_start3A_611 = arith.constant 0 : i32
    %dma_start3A_612 = arith.constant 3 : i32
    %dma_start3A_613 = arith.constant 0 : i32
    %dma_start3A_614 = arith.constant 0 : i32
    %dma_start3A_615 = arith.constant 0 : i32
    %dma_start3A_616 = tpu.memref_slice %arg16[%dma_start3A_613, %dma_start3A_614, %dma_start3A_615] : memref<6x128x64xf32, #tpu.memory_space<vmem>> -> memref<1x128x64xf32, #tpu.memory_space<vmem>>
    %dma_start3A_617 = tpu.memref_squeeze %dma_start3A_616 : memref<1x128x64xf32, #tpu.memory_space<vmem>> -> memref<128x64xf32, #tpu.memory_space<vmem>>
    %dma_start3A_618 = arith.constant 0 : i32
    %dma_start3A_619 = tpu.memref_slice %arg15[%dma_start3A_611, %dma_start3A_612, %dma_start3A_618] : memref<6x4x128xi32, #tpu.memory_space<vmem>> -> memref<1x1x128xi32, #tpu.memory_space<vmem>>
    %dma_start3A_620 = tpu.memref_squeeze %dma_start3A_619 : memref<1x1x128xi32, #tpu.memory_space<vmem>> -> memref<128xi32, #tpu.memory_space<vmem>>
    %dma_start3A_621 = arith.constant 0 : i32
    %dma_start3A_622 = arith.constant 0 : i32
    %dma_start3A_623 = tpu.memref_slice %arg5[%dma_start3A_621, %dma_start3A_622] : memref<3072x64xf32, #tpu.memory_space<hbm>> -> memref<3072x64xf32, #tpu.memory_space<hbm>>
    tpu.enqueue_indirect_dma source(%dma_start3A_623 : memref<3072x64xf32, #tpu.memory_space<hbm>>) target(%dma_start3A_617 : memref<128x64xf32, #tpu.memory_space<vmem>>) offsets(%dma_start3A_620 : memref<128xi32, #tpu.memory_space<vmem>>) semaphore(%arg17 : memref<!tpu.dma_semaphore, #tpu.memory_space<semaphore_mem>>)
    %dma_start3A_624 = arith.constant 1 : i32
    %dma_start3A_625 = arith.constant 3 : i32
    %dma_start3A_626 = arith.constant 1 : i32
    %dma_start3A_627 = arith.constant 0 : i32
    %dma_start3A_628 = arith.constant 0 : i32
    %dma_start3A_629 = tpu.memref_slice %arg16[%dma_start3A_626, %dma_start3A_627, %dma_start3A_628] : memref<6x128x64xf32, #tpu.memory_space<vmem>> -> memref<1x128x64xf32, #tpu.memory_space<vmem>>
    %dma_start3A_630 = tpu.memref_squeeze %dma_start3A_629 : memref<1x128x64xf32, #tpu.memory_space<vmem>> -> memref<128x64xf32, #tpu.memory_space<vmem>>
    %dma_start3A_631 = arith.constant 0 : i32
    %dma_start3A_632 = tpu.memref_slice %arg15[%dma_start3A_624, %dma_start3A_625, %dma_start3A_631] : memref<6x4x128xi32, #tpu.memory_space<vmem>> -> memref<1x1x128xi32, #tpu.memory_space<vmem>>
    %dma_start3A_633 = tpu.memref_squeeze %dma_start3A_632 : memref<1x1x128xi32, #tpu.memory_space<vmem>> -> memref<128xi32, #tpu.memory_space<vmem>>
    %dma_start3A_634 = arith.constant 0 : i32
    %dma_start3A_635 = arith.constant 0 : i32
    %dma_start3A_636 = tpu.memref_slice %arg6[%dma_start3A_634, %dma_start3A_635] : memref<6144x64xf32, #tpu.memory_space<hbm>> -> memref<6144x64xf32, #tpu.memory_space<hbm>>
    tpu.enqueue_indirect_dma source(%dma_start3A_636 : memref<6144x64xf32, #tpu.memory_space<hbm>>) target(%dma_start3A_630 : memref<128x64xf32, #tpu.memory_space<vmem>>) offsets(%dma_start3A_633 : memref<128xi32, #tpu.memory_space<vmem>>) semaphore(%arg17 : memref<!tpu.dma_semaphore, #tpu.memory_space<semaphore_mem>>)
    %dma_start3A_637 = arith.constant 2 : i32
    %dma_start3A_638 = arith.constant 3 : i32
    %dma_start3A_639 = arith.constant 2 : i32
    %dma_start3A_640 = arith.constant 0 : i32
    %dma_start3A_641 = arith.constant 0 : i32
    %dma_start3A_642 = tpu.memref_slice %arg16[%dma_start3A_639, %dma_start3A_640, %dma_start3A_641] : memref<6x128x64xf32, #tpu.memory_space<vmem>> -> memref<1x128x64xf32, #tpu.memory_space<vmem>>
    %dma_start3A_643 = tpu.memref_squeeze %dma_start3A_642 : memref<1x128x64xf32, #tpu.memory_space<vmem>> -> memref<128x64xf32, #tpu.memory_space<vmem>>
    %dma_start3A_644 = arith.constant 0 : i32
    %dma_start3A_645 = tpu.memref_slice %arg15[%dma_start3A_637, %dma_start3A_638, %dma_start3A_644] : memref<6x4x128xi32, #tpu.memory_space<vmem>> -> memref<1x1x128xi32, #tpu.memory_space<vmem>>
    %dma_start3A_646 = tpu.memref_squeeze %dma_start3A_645 : memref<1x1x128xi32, #tpu.memory_space<vmem>> -> memref<128xi32, #tpu.memory_space<vmem>>
    %dma_start3A_647 = arith.constant 0 : i32
    %dma_start3A_648 = arith.constant 0 : i32
    %dma_start3A_649 = tpu.memref_slice %arg7[%dma_start3A_647, %dma_start3A_648] : memref<6144x64xf32, #tpu.memory_space<hbm>> -> memref<6144x64xf32, #tpu.memory_space<hbm>>
    tpu.enqueue_indirect_dma source(%dma_start3A_649 : memref<6144x64xf32, #tpu.memory_space<hbm>>) target(%dma_start3A_643 : memref<128x64xf32, #tpu.memory_space<vmem>>) offsets(%dma_start3A_646 : memref<128xi32, #tpu.memory_space<vmem>>) semaphore(%arg17 : memref<!tpu.dma_semaphore, #tpu.memory_space<semaphore_mem>>)
    %dma_start3A_650 = arith.constant 3 : i32
    %dma_start3A_651 = arith.constant 3 : i32
    %dma_start3A_652 = arith.constant 3 : i32
    %dma_start3A_653 = arith.constant 0 : i32
    %dma_start3A_654 = arith.constant 0 : i32
    %dma_start3A_655 = tpu.memref_slice %arg16[%dma_start3A_652, %dma_start3A_653, %dma_start3A_654] : memref<6x128x64xf32, #tpu.memory_space<vmem>> -> memref<1x128x64xf32, #tpu.memory_space<vmem>>
    %dma_start3A_656 = tpu.memref_squeeze %dma_start3A_655 : memref<1x128x64xf32, #tpu.memory_space<vmem>> -> memref<128x64xf32, #tpu.memory_space<vmem>>
    %dma_start3A_657 = arith.constant 0 : i32
    %dma_start3A_658 = tpu.memref_slice %arg15[%dma_start3A_650, %dma_start3A_651, %dma_start3A_657] : memref<6x4x128xi32, #tpu.memory_space<vmem>> -> memref<1x1x128xi32, #tpu.memory_space<vmem>>
    %dma_start3A_659 = tpu.memref_squeeze %dma_start3A_658 : memref<1x1x128xi32, #tpu.memory_space<vmem>> -> memref<128xi32, #tpu.memory_space<vmem>>
    %dma_start3A_660 = arith.constant 0 : i32
    %dma_start3A_661 = arith.constant 0 : i32
    %dma_start3A_662 = tpu.memref_slice %arg8[%dma_start3A_660, %dma_start3A_661] : memref<6144x64xf32, #tpu.memory_space<hbm>> -> memref<6144x64xf32, #tpu.memory_space<hbm>>
    tpu.enqueue_indirect_dma source(%dma_start3A_662 : memref<6144x64xf32, #tpu.memory_space<hbm>>) target(%dma_start3A_656 : memref<128x64xf32, #tpu.memory_space<vmem>>) offsets(%dma_start3A_659 : memref<128xi32, #tpu.memory_space<vmem>>) semaphore(%arg17 : memref<!tpu.dma_semaphore, #tpu.memory_space<semaphore_mem>>)
    %dma_start3A_663 = arith.constant 4 : i32
    %dma_start3A_664 = arith.constant 3 : i32
    %dma_start3A_665 = arith.constant 4 : i32
    %dma_start3A_666 = arith.constant 0 : i32
    %dma_start3A_667 = arith.constant 0 : i32
    %dma_start3A_668 = tpu.memref_slice %arg16[%dma_start3A_665, %dma_start3A_666, %dma_start3A_667] : memref<6x128x64xf32, #tpu.memory_space<vmem>> -> memref<1x128x64xf32, #tpu.memory_space<vmem>>
    %dma_start3A_669 = tpu.memref_squeeze %dma_start3A_668 : memref<1x128x64xf32, #tpu.memory_space<vmem>> -> memref<128x64xf32, #tpu.memory_space<vmem>>
    %dma_start3A_670 = arith.constant 0 : i32
    %dma_start3A_671 = tpu.memref_slice %arg15[%dma_start3A_663, %dma_start3A_664, %dma_start3A_670] : memref<6x4x128xi32, #tpu.memory_space<vmem>> -> memref<1x1x128xi32, #tpu.memory_space<vmem>>
    %dma_start3A_672 = tpu.memref_squeeze %dma_start3A_671 : memref<1x1x128xi32, #tpu.memory_space<vmem>> -> memref<128xi32, #tpu.memory_space<vmem>>
    %dma_start3A_673 = arith.constant 0 : i32
    %dma_start3A_674 = arith.constant 0 : i32
    %dma_start3A_675 = tpu.memref_slice %arg9[%dma_start3A_673, %dma_start3A_674] : memref<6144x64xf32, #tpu.memory_space<hbm>> -> memref<6144x64xf32, #tpu.memory_space<hbm>>
    tpu.enqueue_indirect_dma source(%dma_start3A_675 : memref<6144x64xf32, #tpu.memory_space<hbm>>) target(%dma_start3A_669 : memref<128x64xf32, #tpu.memory_space<vmem>>) offsets(%dma_start3A_672 : memref<128xi32, #tpu.memory_space<vmem>>) semaphore(%arg17 : memref<!tpu.dma_semaphore, #tpu.memory_space<semaphore_mem>>)
    %dma_start3A_676 = arith.constant 5 : i32
    %dma_start3A_677 = arith.constant 3 : i32
    %dma_start3A_678 = arith.constant 5 : i32
    %dma_start3A_679 = arith.constant 0 : i32
    %dma_start3A_680 = arith.constant 0 : i32
    %dma_start3A_681 = tpu.memref_slice %arg16[%dma_start3A_678, %dma_start3A_679, %dma_start3A_680] : memref<6x128x64xf32, #tpu.memory_space<vmem>> -> memref<1x128x64xf32, #tpu.memory_space<vmem>>
    %dma_start3A_682 = tpu.memref_squeeze %dma_start3A_681 : memref<1x128x64xf32, #tpu.memory_space<vmem>> -> memref<128x64xf32, #tpu.memory_space<vmem>>
    %dma_start3A_683 = arith.constant 0 : i32
    %dma_start3A_684 = tpu.memref_slice %arg15[%dma_start3A_676, %dma_start3A_677, %dma_start3A_683] : memref<6x4x128xi32, #tpu.memory_space<vmem>> -> memref<1x1x128xi32, #tpu.memory_space<vmem>>
    %dma_start3A_685 = tpu.memref_squeeze %dma_start3A_684 : memref<1x1x128xi32, #tpu.memory_space<vmem>> -> memref<128xi32, #tpu.memory_space<vmem>>
    %dma_start3A_686 = arith.constant 0 : i32
    %dma_start3A_687 = arith.constant 0 : i32
    %dma_start3A_688 = tpu.memref_slice %arg10[%dma_start3A_686, %dma_start3A_687] : memref<24576x64xf32, #tpu.memory_space<hbm>> -> memref<24576x64xf32, #tpu.memory_space<hbm>>
    tpu.enqueue_indirect_dma source(%dma_start3A_688 : memref<24576x64xf32, #tpu.memory_space<hbm>>) target(%dma_start3A_682 : memref<128x64xf32, #tpu.memory_space<vmem>>) offsets(%dma_start3A_685 : memref<128xi32, #tpu.memory_space<vmem>>) semaphore(%arg17 : memref<!tpu.dma_semaphore, #tpu.memory_space<semaphore_mem>>)
    %dma_wait3A_689 = arith.constant 0 : i32
    %dma_wait3A_690 = arith.constant 3 : i32
    %dma_wait3A_691 = arith.constant 0 : i32
    %dma_wait3A_692 = arith.constant 0 : i32
    %dma_wait3A_693 = arith.constant 0 : i32
    %dma_wait3A_694 = tpu.memref_slice %arg16[%dma_wait3A_691, %dma_wait3A_692, %dma_wait3A_693] : memref<6x128x64xf32, #tpu.memory_space<vmem>> -> memref<1x128x64xf32, #tpu.memory_space<vmem>>
    %dma_wait3A_695 = tpu.memref_squeeze %dma_wait3A_694 : memref<1x128x64xf32, #tpu.memory_space<vmem>> -> memref<128x64xf32, #tpu.memory_space<vmem>>
    %dma_wait3A_696 = arith.constant 0 : i32
    %dma_wait3A_697 = tpu.memref_slice %arg15[%dma_wait3A_689, %dma_wait3A_690, %dma_wait3A_696] : memref<6x4x128xi32, #tpu.memory_space<vmem>> -> memref<1x1x128xi32, #tpu.memory_space<vmem>>
    %dma_wait3A_698 = tpu.memref_squeeze %dma_wait3A_697 : memref<1x1x128xi32, #tpu.memory_space<vmem>> -> memref<128xi32, #tpu.memory_space<vmem>>
    %dma_wait3A_699 = arith.constant 0 : i32
    %dma_wait3A_700 = arith.constant 0 : i32
    %dma_wait3A_701 = tpu.memref_slice %arg5[%dma_wait3A_699, %dma_wait3A_700] : memref<3072x64xf32, #tpu.memory_space<hbm>> -> memref<3072x64xf32, #tpu.memory_space<hbm>>
    tpu.wait_indirect_dma semaphore(%arg17 : memref<!tpu.dma_semaphore, #tpu.memory_space<semaphore_mem>>) src(%dma_wait3A_701 : memref<3072x64xf32, #tpu.memory_space<hbm>>) dst(%dma_wait3A_695 : memref<128x64xf32, #tpu.memory_space<vmem>>)
    %dma_wait3A_702 = arith.constant 1 : i32
    %dma_wait3A_703 = arith.constant 3 : i32
    %dma_wait3A_704 = arith.constant 1 : i32
    %dma_wait3A_705 = arith.constant 0 : i32
    %dma_wait3A_706 = arith.constant 0 : i32
    %dma_wait3A_707 = tpu.memref_slice %arg16[%dma_wait3A_704, %dma_wait3A_705, %dma_wait3A_706] : memref<6x128x64xf32, #tpu.memory_space<vmem>> -> memref<1x128x64xf32, #tpu.memory_space<vmem>>
    %dma_wait3A_708 = tpu.memref_squeeze %dma_wait3A_707 : memref<1x128x64xf32, #tpu.memory_space<vmem>> -> memref<128x64xf32, #tpu.memory_space<vmem>>
    %dma_wait3A_709 = arith.constant 0 : i32
    %dma_wait3A_710 = tpu.memref_slice %arg15[%dma_wait3A_702, %dma_wait3A_703, %dma_wait3A_709] : memref<6x4x128xi32, #tpu.memory_space<vmem>> -> memref<1x1x128xi32, #tpu.memory_space<vmem>>
    %dma_wait3A_711 = tpu.memref_squeeze %dma_wait3A_710 : memref<1x1x128xi32, #tpu.memory_space<vmem>> -> memref<128xi32, #tpu.memory_space<vmem>>
    %dma_wait3A_712 = arith.constant 0 : i32
    %dma_wait3A_713 = arith.constant 0 : i32
    %dma_wait3A_714 = tpu.memref_slice %arg6[%dma_wait3A_712, %dma_wait3A_713] : memref<6144x64xf32, #tpu.memory_space<hbm>> -> memref<6144x64xf32, #tpu.memory_space<hbm>>
    tpu.wait_indirect_dma semaphore(%arg17 : memref<!tpu.dma_semaphore, #tpu.memory_space<semaphore_mem>>) src(%dma_wait3A_714 : memref<6144x64xf32, #tpu.memory_space<hbm>>) dst(%dma_wait3A_708 : memref<128x64xf32, #tpu.memory_space<vmem>>)
    %dma_wait3A_715 = arith.constant 2 : i32
    %dma_wait3A_716 = arith.constant 3 : i32
    %dma_wait3A_717 = arith.constant 2 : i32
    %dma_wait3A_718 = arith.constant 0 : i32
    %dma_wait3A_719 = arith.constant 0 : i32
    %dma_wait3A_720 = tpu.memref_slice %arg16[%dma_wait3A_717, %dma_wait3A_718, %dma_wait3A_719] : memref<6x128x64xf32, #tpu.memory_space<vmem>> -> memref<1x128x64xf32, #tpu.memory_space<vmem>>
    %dma_wait3A_721 = tpu.memref_squeeze %dma_wait3A_720 : memref<1x128x64xf32, #tpu.memory_space<vmem>> -> memref<128x64xf32, #tpu.memory_space<vmem>>
    %dma_wait3A_722 = arith.constant 0 : i32
    %dma_wait3A_723 = tpu.memref_slice %arg15[%dma_wait3A_715, %dma_wait3A_716, %dma_wait3A_722] : memref<6x4x128xi32, #tpu.memory_space<vmem>> -> memref<1x1x128xi32, #tpu.memory_space<vmem>>
    %dma_wait3A_724 = tpu.memref_squeeze %dma_wait3A_723 : memref<1x1x128xi32, #tpu.memory_space<vmem>> -> memref<128xi32, #tpu.memory_space<vmem>>
    %dma_wait3A_725 = arith.constant 0 : i32
    %dma_wait3A_726 = arith.constant 0 : i32
    %dma_wait3A_727 = tpu.memref_slice %arg7[%dma_wait3A_725, %dma_wait3A_726] : memref<6144x64xf32, #tpu.memory_space<hbm>> -> memref<6144x64xf32, #tpu.memory_space<hbm>>
    tpu.wait_indirect_dma semaphore(%arg17 : memref<!tpu.dma_semaphore, #tpu.memory_space<semaphore_mem>>) src(%dma_wait3A_727 : memref<6144x64xf32, #tpu.memory_space<hbm>>) dst(%dma_wait3A_721 : memref<128x64xf32, #tpu.memory_space<vmem>>)
    %dma_wait3A_728 = arith.constant 3 : i32
    %dma_wait3A_729 = arith.constant 3 : i32
    %dma_wait3A_730 = arith.constant 3 : i32
    %dma_wait3A_731 = arith.constant 0 : i32
    %dma_wait3A_732 = arith.constant 0 : i32
    %dma_wait3A_733 = tpu.memref_slice %arg16[%dma_wait3A_730, %dma_wait3A_731, %dma_wait3A_732] : memref<6x128x64xf32, #tpu.memory_space<vmem>> -> memref<1x128x64xf32, #tpu.memory_space<vmem>>
    %dma_wait3A_734 = tpu.memref_squeeze %dma_wait3A_733 : memref<1x128x64xf32, #tpu.memory_space<vmem>> -> memref<128x64xf32, #tpu.memory_space<vmem>>
    %dma_wait3A_735 = arith.constant 0 : i32
    %dma_wait3A_736 = tpu.memref_slice %arg15[%dma_wait3A_728, %dma_wait3A_729, %dma_wait3A_735] : memref<6x4x128xi32, #tpu.memory_space<vmem>> -> memref<1x1x128xi32, #tpu.memory_space<vmem>>
    %dma_wait3A_737 = tpu.memref_squeeze %dma_wait3A_736 : memref<1x1x128xi32, #tpu.memory_space<vmem>> -> memref<128xi32, #tpu.memory_space<vmem>>
    %dma_wait3A_738 = arith.constant 0 : i32
    %dma_wait3A_739 = arith.constant 0 : i32
    %dma_wait3A_740 = tpu.memref_slice %arg8[%dma_wait3A_738, %dma_wait3A_739] : memref<6144x64xf32, #tpu.memory_space<hbm>> -> memref<6144x64xf32, #tpu.memory_space<hbm>>
    tpu.wait_indirect_dma semaphore(%arg17 : memref<!tpu.dma_semaphore, #tpu.memory_space<semaphore_mem>>) src(%dma_wait3A_740 : memref<6144x64xf32, #tpu.memory_space<hbm>>) dst(%dma_wait3A_734 : memref<128x64xf32, #tpu.memory_space<vmem>>)
    %dma_wait3A_741 = arith.constant 4 : i32
    %dma_wait3A_742 = arith.constant 3 : i32
    %dma_wait3A_743 = arith.constant 4 : i32
    %dma_wait3A_744 = arith.constant 0 : i32
    %dma_wait3A_745 = arith.constant 0 : i32
    %dma_wait3A_746 = tpu.memref_slice %arg16[%dma_wait3A_743, %dma_wait3A_744, %dma_wait3A_745] : memref<6x128x64xf32, #tpu.memory_space<vmem>> -> memref<1x128x64xf32, #tpu.memory_space<vmem>>
    %dma_wait3A_747 = tpu.memref_squeeze %dma_wait3A_746 : memref<1x128x64xf32, #tpu.memory_space<vmem>> -> memref<128x64xf32, #tpu.memory_space<vmem>>
    %dma_wait3A_748 = arith.constant 0 : i32
    %dma_wait3A_749 = tpu.memref_slice %arg15[%dma_wait3A_741, %dma_wait3A_742, %dma_wait3A_748] : memref<6x4x128xi32, #tpu.memory_space<vmem>> -> memref<1x1x128xi32, #tpu.memory_space<vmem>>
    %dma_wait3A_750 = tpu.memref_squeeze %dma_wait3A_749 : memref<1x1x128xi32, #tpu.memory_space<vmem>> -> memref<128xi32, #tpu.memory_space<vmem>>
    %dma_wait3A_751 = arith.constant 0 : i32
    %dma_wait3A_752 = arith.constant 0 : i32
    %dma_wait3A_753 = tpu.memref_slice %arg9[%dma_wait3A_751, %dma_wait3A_752] : memref<6144x64xf32, #tpu.memory_space<hbm>> -> memref<6144x64xf32, #tpu.memory_space<hbm>>
    tpu.wait_indirect_dma semaphore(%arg17 : memref<!tpu.dma_semaphore, #tpu.memory_space<semaphore_mem>>) src(%dma_wait3A_753 : memref<6144x64xf32, #tpu.memory_space<hbm>>) dst(%dma_wait3A_747 : memref<128x64xf32, #tpu.memory_space<vmem>>)
    %dma_wait3A_754 = arith.constant 5 : i32
    %dma_wait3A_755 = arith.constant 3 : i32
    %dma_wait3A_756 = arith.constant 5 : i32
    %dma_wait3A_757 = arith.constant 0 : i32
    %dma_wait3A_758 = arith.constant 0 : i32
    %dma_wait3A_759 = tpu.memref_slice %arg16[%dma_wait3A_756, %dma_wait3A_757, %dma_wait3A_758] : memref<6x128x64xf32, #tpu.memory_space<vmem>> -> memref<1x128x64xf32, #tpu.memory_space<vmem>>
    %dma_wait3A_760 = tpu.memref_squeeze %dma_wait3A_759 : memref<1x128x64xf32, #tpu.memory_space<vmem>> -> memref<128x64xf32, #tpu.memory_space<vmem>>
    %dma_wait3A_761 = arith.constant 0 : i32
    %dma_wait3A_762 = tpu.memref_slice %arg15[%dma_wait3A_754, %dma_wait3A_755, %dma_wait3A_761] : memref<6x4x128xi32, #tpu.memory_space<vmem>> -> memref<1x1x128xi32, #tpu.memory_space<vmem>>
    %dma_wait3A_763 = tpu.memref_squeeze %dma_wait3A_762 : memref<1x1x128xi32, #tpu.memory_space<vmem>> -> memref<128xi32, #tpu.memory_space<vmem>>
    %dma_wait3A_764 = arith.constant 0 : i32
    %dma_wait3A_765 = arith.constant 0 : i32
    %dma_wait3A_766 = tpu.memref_slice %arg10[%dma_wait3A_764, %dma_wait3A_765] : memref<24576x64xf32, #tpu.memory_space<hbm>> -> memref<24576x64xf32, #tpu.memory_space<hbm>>
    tpu.wait_indirect_dma semaphore(%arg17 : memref<!tpu.dma_semaphore, #tpu.memory_space<semaphore_mem>>) src(%dma_wait3A_766 : memref<24576x64xf32, #tpu.memory_space<hbm>>) dst(%dma_wait3A_760 : memref<128x64xf32, #tpu.memory_space<vmem>>)
    %scan3A_767 = arith.constant 0 : i32
    %scan3A_768 = arith.constant 0 : i32
    %scan3A_769 = arith.constant 128 : i32
    %scan3A_770 = arith.addi %scan3A_768, %scan3A_769 : i32
    %scan3A_771 = arith.constant 1 : i32
    %scan3A_772 = scf.for %scan3A_779 = %scan3A_768 to %scan3A_770 step %scan3A_771 iter_args(%scan3A_780 = %scan3A_767) -> (i32)  : i32 {
      %get3A = arith.constant 0 : i32
      %get3A_781 = arith.index_cast %get3A : i32 to index
      %get3A_782 = arith.index_cast %scan3A_779 : i32 to index
      %get3A_783 = arith.constant 0 : index
      %get3A_784 = tpu.vector_load %arg16[%get3A_781, %get3A_782, %get3A_783] {strides = array<i32>} : memref<6x128x64xf32, #tpu.memory_space<vmem>>, vector<1x1x16xf32>,
      %get3A_785 = vector.shape_cast %get3A_784 : vector<1x1x16xf32> to vector<16xf32>
      %get3A_786 = arith.constant 1 : i32
      %get3A_787 = arith.index_cast %get3A_786 : i32 to index
      %get3A_788 = arith.index_cast %scan3A_779 : i32 to index
      %get3A_789 = arith.constant 0 : index
      %get3A_790 = tpu.vector_load %arg16[%get3A_787, %get3A_788, %get3A_789] {strides = array<i32>} : memref<6x128x64xf32, #tpu.memory_space<vmem>>, vector<1x1x16xf32>,
      %get3A_791 = vector.shape_cast %get3A_790 : vector<1x1x16xf32> to vector<16xf32>
      %add3A_792 = arith.addf %get3A_785, %get3A_791 : vector<16xf32>
      %get3A_793 = arith.constant 2 : i32
      %get3A_794 = arith.index_cast %get3A_793 : i32 to index
      %get3A_795 = arith.index_cast %scan3A_779 : i32 to index
      %get3A_796 = arith.constant 0 : index
      %get3A_797 = tpu.vector_load %arg16[%get3A_794, %get3A_795, %get3A_796] {strides = array<i32>} : memref<6x128x64xf32, #tpu.memory_space<vmem>>, vector<1x1x16xf32>,
      %get3A_798 = vector.shape_cast %get3A_797 : vector<1x1x16xf32> to vector<16xf32>
      %add3A_799 = arith.addf %add3A_792, %get3A_798 : vector<16xf32>
      %get3A_800 = arith.constant 3 : i32
      %get3A_801 = arith.index_cast %get3A_800 : i32 to index
      %get3A_802 = arith.index_cast %scan3A_779 : i32 to index
      %get3A_803 = arith.constant 0 : index
      %get3A_804 = tpu.vector_load %arg16[%get3A_801, %get3A_802, %get3A_803] {strides = array<i32>} : memref<6x128x64xf32, #tpu.memory_space<vmem>>, vector<1x1x16xf32>,
      %get3A_805 = vector.shape_cast %get3A_804 : vector<1x1x16xf32> to vector<16xf32>
      %add3A_806 = arith.addf %add3A_799, %get3A_805 : vector<16xf32>
      %get3A_807 = arith.constant 4 : i32
      %get3A_808 = arith.index_cast %get3A_807 : i32 to index
      %get3A_809 = arith.index_cast %scan3A_779 : i32 to index
      %get3A_810 = arith.constant 0 : index
      %get3A_811 = tpu.vector_load %arg16[%get3A_808, %get3A_809, %get3A_810] {strides = array<i32>} : memref<6x128x64xf32, #tpu.memory_space<vmem>>, vector<1x1x16xf32>,
      %get3A_812 = vector.shape_cast %get3A_811 : vector<1x1x16xf32> to vector<16xf32>
      %add3A_813 = arith.addf %add3A_806, %get3A_812 : vector<16xf32>
      %get3A_814 = arith.constant 5 : i32
      %get3A_815 = arith.index_cast %get3A_814 : i32 to index
      %get3A_816 = arith.index_cast %scan3A_779 : i32 to index
      %get3A_817 = arith.constant 0 : index
      %get3A_818 = tpu.vector_load %arg16[%get3A_815, %get3A_816, %get3A_817] {strides = array<i32>} : memref<6x128x64xf32, #tpu.memory_space<vmem>>, vector<1x1x16xf32>,
      %get3A_819 = vector.shape_cast %get3A_818 : vector<1x1x16xf32> to vector<16xf32>
      %add3A_820 = arith.addf %add3A_813, %get3A_819 : vector<16xf32>
      %swap3A = arith.constant 0 : i32
      %swap3A_821 = arith.index_cast %swap3A : i32 to index
      %swap3A_822 = arith.index_cast %scan3A_779 : i32 to index
      %swap3A_823 = arith.constant 0 : index
      %swap3A_824 = tpu.vector_load %arg16[%swap3A_821, %swap3A_822, %swap3A_823] {strides = array<i32>} : memref<6x128x64xf32, #tpu.memory_space<vmem>>, vector<1x1x16xf32>,
      %swap3A_825 = vector.shape_cast %swap3A_824 : vector<1x1x16xf32> to vector<16xf32>
      %swap3A_826 = vector.shape_cast %add3A_820 : vector<16xf32> to vector<1x1x16xf32>
      tpu.vector_store %arg16[%swap3A_821, %swap3A_822, %swap3A_823], %swap3A_826 {strides = array<i32>} : memref<6x128x64xf32, #tpu.memory_space<vmem>>, vector<1x1x16xf32>,
      %get3A_827 = arith.constant 0 : i32
      %get3A_828 = arith.index_cast %get3A_827 : i32 to index
      %get3A_829 = arith.index_cast %scan3A_779 : i32 to index
      %get3A_830 = arith.constant 16 : index
      %get3A_831 = tpu.vector_load %arg16[%get3A_828, %get3A_829, %get3A_830] {strides = array<i32>} : memref<6x128x64xf32, #tpu.memory_space<vmem>>, vector<1x1x16xf32>,
      %get3A_832 = vector.shape_cast %get3A_831 : vector<1x1x16xf32> to vector<16xf32>
      %get3A_833 = arith.constant 1 : i32
      %get3A_834 = arith.index_cast %get3A_833 : i32 to index
      %get3A_835 = arith.index_cast %scan3A_779 : i32 to index
      %get3A_836 = arith.constant 16 : index
      %get3A_837 = tpu.vector_load %arg16[%get3A_834, %get3A_835, %get3A_836] {strides = array<i32>} : memref<6x128x64xf32, #tpu.memory_space<vmem>>, vector<1x1x16xf32>,
      %get3A_838 = vector.shape_cast %get3A_837 : vector<1x1x16xf32> to vector<16xf32>
      %add3A_839 = arith.addf %get3A_832, %get3A_838 : vector<16xf32>
      %get3A_840 = arith.constant 2 : i32
      %get3A_841 = arith.index_cast %get3A_840 : i32 to index
      %get3A_842 = arith.index_cast %scan3A_779 : i32 to index
      %get3A_843 = arith.constant 16 : index
      %get3A_844 = tpu.vector_load %arg16[%get3A_841, %get3A_842, %get3A_843] {strides = array<i32>} : memref<6x128x64xf32, #tpu.memory_space<vmem>>, vector<1x1x16xf32>,
      %get3A_845 = vector.shape_cast %get3A_844 : vector<1x1x16xf32> to vector<16xf32>
      %add3A_846 = arith.addf %add3A_839, %get3A_845 : vector<16xf32>
      %get3A_847 = arith.constant 3 : i32
      %get3A_848 = arith.index_cast %get3A_847 : i32 to index
      %get3A_849 = arith.index_cast %scan3A_779 : i32 to index
      %get3A_850 = arith.constant 16 : index
      %get3A_851 = tpu.vector_load %arg16[%get3A_848, %get3A_849, %get3A_850] {strides = array<i32>} : memref<6x128x64xf32, #tpu.memory_space<vmem>>, vector<1x1x16xf32>,
      %get3A_852 = vector.shape_cast %get3A_851 : vector<1x1x16xf32> to vector<16xf32>
      %add3A_853 = arith.addf %add3A_846, %get3A_852 : vector<16xf32>
      %get3A_854 = arith.constant 4 : i32
      %get3A_855 = arith.index_cast %get3A_854 : i32 to index
      %get3A_856 = arith.index_cast %scan3A_779 : i32 to index
      %get3A_857 = arith.constant 16 : index
      %get3A_858 = tpu.vector_load %arg16[%get3A_855, %get3A_856, %get3A_857] {strides = array<i32>} : memref<6x128x64xf32, #tpu.memory_space<vmem>>, vector<1x1x16xf32>,
      %get3A_859 = vector.shape_cast %get3A_858 : vector<1x1x16xf32> to vector<16xf32>
      %add3A_860 = arith.addf %add3A_853, %get3A_859 : vector<16xf32>
      %get3A_861 = arith.constant 5 : i32
      %get3A_862 = arith.index_cast %get3A_861 : i32 to index
      %get3A_863 = arith.index_cast %scan3A_779 : i32 to index
      %get3A_864 = arith.constant 16 : index
      %get3A_865 = tpu.vector_load %arg16[%get3A_862, %get3A_863, %get3A_864] {strides = array<i32>} : memref<6x128x64xf32, #tpu.memory_space<vmem>>, vector<1x1x16xf32>,
      %get3A_866 = vector.shape_cast %get3A_865 : vector<1x1x16xf32> to vector<16xf32>
      %add3A_867 = arith.addf %add3A_860, %get3A_866 : vector<16xf32>
      %swap3A_868 = arith.constant 0 : i32
      %swap3A_869 = arith.index_cast %swap3A_868 : i32 to index
      %swap3A_870 = arith.index_cast %scan3A_779 : i32 to index
      %swap3A_871 = arith.constant 16 : index
      %swap3A_872 = tpu.vector_load %arg16[%swap3A_869, %swap3A_870, %swap3A_871] {strides = array<i32>} : memref<6x128x64xf32, #tpu.memory_space<vmem>>, vector<1x1x16xf32>,
      %swap3A_873 = vector.shape_cast %swap3A_872 : vector<1x1x16xf32> to vector<16xf32>
      %swap3A_874 = vector.shape_cast %add3A_867 : vector<16xf32> to vector<1x1x16xf32>
      tpu.vector_store %arg16[%swap3A_869, %swap3A_870, %swap3A_871], %swap3A_874 {strides = array<i32>} : memref<6x128x64xf32, #tpu.memory_space<vmem>>, vector<1x1x16xf32>,
      %get3A_875 = arith.constant 0 : i32
      %get3A_876 = arith.index_cast %get3A_875 : i32 to index
      %get3A_877 = arith.index_cast %scan3A_779 : i32 to index
      %get3A_878 = arith.constant 32 : index
      %get3A_879 = tpu.vector_load %arg16[%get3A_876, %get3A_877, %get3A_878] {strides = array<i32>} : memref<6x128x64xf32, #tpu.memory_space<vmem>>, vector<1x1x16xf32>,
      %get3A_880 = vector.shape_cast %get3A_879 : vector<1x1x16xf32> to vector<16xf32>
      %get3A_881 = arith.constant 1 : i32
      %get3A_882 = arith.index_cast %get3A_881 : i32 to index
      %get3A_883 = arith.index_cast %scan3A_779 : i32 to index
      %get3A_884 = arith.constant 32 : index
      %get3A_885 = tpu.vector_load %arg16[%get3A_882, %get3A_883, %get3A_884] {strides = array<i32>} : memref<6x128x64xf32, #tpu.memory_space<vmem>>, vector<1x1x16xf32>,
      %get3A_886 = vector.shape_cast %get3A_885 : vector<1x1x16xf32> to vector<16xf32>
      %add3A_887 = arith.addf %get3A_880, %get3A_886 : vector<16xf32>
      %get3A_888 = arith.constant 2 : i32
      %get3A_889 = arith.index_cast %get3A_888 : i32 to index
      %get3A_890 = arith.index_cast %scan3A_779 : i32 to index
      %get3A_891 = arith.constant 32 : index
      %get3A_892 = tpu.vector_load %arg16[%get3A_889, %get3A_890, %get3A_891] {strides = array<i32>} : memref<6x128x64xf32, #tpu.memory_space<vmem>>, vector<1x1x16xf32>,
      %get3A_893 = vector.shape_cast %get3A_892 : vector<1x1x16xf32> to vector<16xf32>
      %add3A_894 = arith.addf %add3A_887, %get3A_893 : vector<16xf32>
      %get3A_895 = arith.constant 3 : i32
      %get3A_896 = arith.index_cast %get3A_895 : i32 to index
      %get3A_897 = arith.index_cast %scan3A_779 : i32 to index
      %get3A_898 = arith.constant 32 : index
      %get3A_899 = tpu.vector_load %arg16[%get3A_896, %get3A_897, %get3A_898] {strides = array<i32>} : memref<6x128x64xf32, #tpu.memory_space<vmem>>, vector<1x1x16xf32>,
      %get3A_900 = vector.shape_cast %get3A_899 : vector<1x1x16xf32> to vector<16xf32>
      %add3A_901 = arith.addf %add3A_894, %get3A_900 : vector<16xf32>
      %get3A_902 = arith.constant 4 : i32
      %get3A_903 = arith.index_cast %get3A_902 : i32 to index
      %get3A_904 = arith.index_cast %scan3A_779 : i32 to index
      %get3A_905 = arith.constant 32 : index
      %get3A_906 = tpu.vector_load %arg16[%get3A_903, %get3A_904, %get3A_905] {strides = array<i32>} : memref<6x128x64xf32, #tpu.memory_space<vmem>>, vector<1x1x16xf32>,
      %get3A_907 = vector.shape_cast %get3A_906 : vector<1x1x16xf32> to vector<16xf32>
      %add3A_908 = arith.addf %add3A_901, %get3A_907 : vector<16xf32>
      %get3A_909 = arith.constant 5 : i32
      %get3A_910 = arith.index_cast %get3A_909 : i32 to index
      %get3A_911 = arith.index_cast %scan3A_779 : i32 to index
      %get3A_912 = arith.constant 32 : index
      %get3A_913 = tpu.vector_load %arg16[%get3A_910, %get3A_911, %get3A_912] {strides = array<i32>} : memref<6x128x64xf32, #tpu.memory_space<vmem>>, vector<1x1x16xf32>,
      %get3A_914 = vector.shape_cast %get3A_913 : vector<1x1x16xf32> to vector<16xf32>
      %add3A_915 = arith.addf %add3A_908, %get3A_914 : vector<16xf32>
      %swap3A_916 = arith.constant 0 : i32
      %swap3A_917 = arith.index_cast %swap3A_916 : i32 to index
      %swap3A_918 = arith.index_cast %scan3A_779 : i32 to index
      %swap3A_919 = arith.constant 32 : index
      %swap3A_920 = tpu.vector_load %arg16[%swap3A_917, %swap3A_918, %swap3A_919] {strides = array<i32>} : memref<6x128x64xf32, #tpu.memory_space<vmem>>, vector<1x1x16xf32>,
      %swap3A_921 = vector.shape_cast %swap3A_920 : vector<1x1x16xf32> to vector<16xf32>
      %swap3A_922 = vector.shape_cast %add3A_915 : vector<16xf32> to vector<1x1x16xf32>
      tpu.vector_store %arg16[%swap3A_917, %swap3A_918, %swap3A_919], %swap3A_922 {strides = array<i32>} : memref<6x128x64xf32, #tpu.memory_space<vmem>>, vector<1x1x16xf32>,
      %get3A_923 = arith.constant 0 : i32
      %get3A_924 = arith.index_cast %get3A_923 : i32 to index
      %get3A_925 = arith.index_cast %scan3A_779 : i32 to index
      %get3A_926 = arith.constant 48 : index
      %get3A_927 = tpu.vector_load %arg16[%get3A_924, %get3A_925, %get3A_926] {strides = array<i32>} : memref<6x128x64xf32, #tpu.memory_space<vmem>>, vector<1x1x16xf32>,
      %get3A_928 = vector.shape_cast %get3A_927 : vector<1x1x16xf32> to vector<16xf32>
      %get3A_929 = arith.constant 1 : i32
      %get3A_930 = arith.index_cast %get3A_929 : i32 to index
      %get3A_931 = arith.index_cast %scan3A_779 : i32 to index
      %get3A_932 = arith.constant 48 : index
      %get3A_933 = tpu.vector_load %arg16[%get3A_930, %get3A_931, %get3A_932] {strides = array<i32>} : memref<6x128x64xf32, #tpu.memory_space<vmem>>, vector<1x1x16xf32>,
      %get3A_934 = vector.shape_cast %get3A_933 : vector<1x1x16xf32> to vector<16xf32>
      %add3A_935 = arith.addf %get3A_928, %get3A_934 : vector<16xf32>
      %get3A_936 = arith.constant 2 : i32
      %get3A_937 = arith.index_cast %get3A_936 : i32 to index
      %get3A_938 = arith.index_cast %scan3A_779 : i32 to index
      %get3A_939 = arith.constant 48 : index
      %get3A_940 = tpu.vector_load %arg16[%get3A_937, %get3A_938, %get3A_939] {strides = array<i32>} : memref<6x128x64xf32, #tpu.memory_space<vmem>>, vector<1x1x16xf32>,
      %get3A_941 = vector.shape_cast %get3A_940 : vector<1x1x16xf32> to vector<16xf32>
      %add3A_942 = arith.addf %add3A_935, %get3A_941 : vector<16xf32>
      %get3A_943 = arith.constant 3 : i32
      %get3A_944 = arith.index_cast %get3A_943 : i32 to index
      %get3A_945 = arith.index_cast %scan3A_779 : i32 to index
      %get3A_946 = arith.constant 48 : index
      %get3A_947 = tpu.vector_load %arg16[%get3A_944, %get3A_945, %get3A_946] {strides = array<i32>} : memref<6x128x64xf32, #tpu.memory_space<vmem>>, vector<1x1x16xf32>,
      %get3A_948 = vector.shape_cast %get3A_947 : vector<1x1x16xf32> to vector<16xf32>
      %add3A_949 = arith.addf %add3A_942, %get3A_948 : vector<16xf32>
      %get3A_950 = arith.constant 4 : i32
      %get3A_951 = arith.index_cast %get3A_950 : i32 to index
      %get3A_952 = arith.index_cast %scan3A_779 : i32 to index
      %get3A_953 = arith.constant 48 : index
      %get3A_954 = tpu.vector_load %arg16[%get3A_951, %get3A_952, %get3A_953] {strides = array<i32>} : memref<6x128x64xf32, #tpu.memory_space<vmem>>, vector<1x1x16xf32>,
      %get3A_955 = vector.shape_cast %get3A_954 : vector<1x1x16xf32> to vector<16xf32>
      %add3A_956 = arith.addf %add3A_949, %get3A_955 : vector<16xf32>
      %get3A_957 = arith.constant 5 : i32
      %get3A_958 = arith.index_cast %get3A_957 : i32 to index
      %get3A_959 = arith.index_cast %scan3A_779 : i32 to index
      %get3A_960 = arith.constant 48 : index
      %get3A_961 = tpu.vector_load %arg16[%get3A_958, %get3A_959, %get3A_960] {strides = array<i32>} : memref<6x128x64xf32, #tpu.memory_space<vmem>>, vector<1x1x16xf32>,
      %get3A_962 = vector.shape_cast %get3A_961 : vector<1x1x16xf32> to vector<16xf32>
      %add3A_963 = arith.addf %add3A_956, %get3A_962 : vector<16xf32>
      %swap3A_964 = arith.constant 0 : i32
      %swap3A_965 = arith.index_cast %swap3A_964 : i32 to index
      %swap3A_966 = arith.index_cast %scan3A_779 : i32 to index
      %swap3A_967 = arith.constant 48 : index
      %swap3A_968 = tpu.vector_load %arg16[%swap3A_965, %swap3A_966, %swap3A_967] {strides = array<i32>} : memref<6x128x64xf32, #tpu.memory_space<vmem>>, vector<1x1x16xf32>,
      %swap3A_969 = vector.shape_cast %swap3A_968 : vector<1x1x16xf32> to vector<16xf32>
      %swap3A_970 = vector.shape_cast %add3A_963 : vector<16xf32> to vector<1x1x16xf32>
      tpu.vector_store %arg16[%swap3A_965, %swap3A_966, %swap3A_967], %swap3A_970 {strides = array<i32>} : memref<6x128x64xf32, #tpu.memory_space<vmem>>, vector<1x1x16xf32>,
      %scan3A_971 = arith.constant 0 : i32
      scf.yield %scan3A_971 : i32
    }
    %scan3A_773 = arith.constant 128 : i32
    %mul3A_774 = arith.constant 512 : i32
    %mul3A_775 = arith.muli %add3A, %mul3A_774 : i32
    %add3A_776 = arith.constant 384 : i32
    %add3A_777 = arith.addi %mul3A_775, %add3A_776 : i32
    %run_scoped3A_778 = arith.constant 0 : i32
    "tpu.region"() ({
      %run_scoped3A_779 = tpu.sem_alloc : memref<!tpu.dma_semaphore, #tpu.memory_space<semaphore_mem>>
      %dma_start3A_780 = arith.constant 0 : i32
      %dma_start3A_781 = arith.constant 0 : i32
      %dma_start3A_782 = tpu.memref_slice %arg16[%run_scoped3A_778, %dma_start3A_780, %dma_start3A_781] : memref<6x128x64xf32, #tpu.memory_space<vmem>> -> memref<1x128x64xf32, #tpu.memory_space<vmem>>
      %dma_start3A_783 = tpu.memref_squeeze %dma_start3A_782 : memref<1x128x64xf32, #tpu.memory_space<vmem>> -> memref<128x64xf32, #tpu.memory_space<vmem>>
      %dma_start3A_784 = arith.constant 0 : i32
      %dma_start3A_785 = tpu.memref_slice %arg11[%add3A_777, %dma_start3A_784] : memref<16384x64xf32, #tpu.memory_space<hbm>> -> memref<128x64xf32, #tpu.memory_space<hbm>>
      %dma_start3A_786 = arith.constant 0 : i32
      %dma_start3A_787 = tpu.memref_slice %arg11[%add3A_777, %dma_start3A_786] : memref<16384x64xf32, #tpu.memory_space<hbm>> -> memref<128x64xf32, #tpu.memory_space<hbm>>
      %dma_start3A_788 = arith.constant 0 : i32
      %dma_start3A_789 = arith.constant 0 : i32
      %dma_start3A_790 = tpu.memref_slice %arg16[%run_scoped3A_778, %dma_start3A_788, %dma_start3A_789] : memref<6x128x64xf32, #tpu.memory_space<vmem>> -> memref<1x128x64xf32, #tpu.memory_space<vmem>>
      %dma_start3A_791 = tpu.memref_squeeze %dma_start3A_790 : memref<1x128x64xf32, #tpu.memory_space<vmem>> -> memref<128x64xf32, #tpu.memory_space<vmem>>
      tpu.enqueue_dma source(%dma_start3A_791 : memref<128x64xf32, #tpu.memory_space<vmem>>) target(%dma_start3A_787 : memref<128x64xf32, #tpu.memory_space<hbm>>) target_semaphore(%run_scoped3A_779 : memref<!tpu.dma_semaphore, #tpu.memory_space<semaphore_mem>>)
      %dma_wait3A_792 = arith.constant 0 : i32
      %dma_wait3A_793 = arith.constant 0 : i32
      %dma_wait3A_794 = tpu.memref_slice %arg16[%run_scoped3A_778, %dma_wait3A_792, %dma_wait3A_793] : memref<6x128x64xf32, #tpu.memory_space<vmem>> -> memref<1x128x64xf32, #tpu.memory_space<vmem>>
      %dma_wait3A_795 = tpu.memref_squeeze %dma_wait3A_794 : memref<1x128x64xf32, #tpu.memory_space<vmem>> -> memref<128x64xf32, #tpu.memory_space<vmem>>
      %dma_wait3A_796 = arith.constant 0 : i32
      %dma_wait3A_797 = tpu.memref_slice %arg11[%add3A_777, %dma_wait3A_796] : memref<16384x64xf32, #tpu.memory_space<hbm>> -> memref<128x64xf32, #tpu.memory_space<hbm>>
      %dma_wait3A_798 = arith.constant 0 : i32
      %dma_wait3A_799 = tpu.memref_slice %arg11[%add3A_777, %dma_wait3A_798] : memref<16384x64xf32, #tpu.memory_space<hbm>> -> memref<128x64xf32, #tpu.memory_space<hbm>>
      %dma_wait3A_800 = arith.constant 0 : i32
      %dma_wait3A_801 = arith.constant 0 : i32
      %dma_wait3A_802 = tpu.memref_slice %arg16[%run_scoped3A_778, %dma_wait3A_800, %dma_wait3A_801] : memref<6x128x64xf32, #tpu.memory_space<vmem>> -> memref<1x128x64xf32, #tpu.memory_space<vmem>>
      %dma_wait3A_803 = tpu.memref_squeeze %dma_wait3A_802 : memref<1x128x64xf32, #tpu.memory_space<vmem>> -> memref<128x64xf32, #tpu.memory_space<vmem>>
      tpu.wait_dma2 semaphore(%run_scoped3A_779 : memref<!tpu.dma_semaphore, #tpu.memory_space<semaphore_mem>>) src(%dma_wait3A_803 : memref<128x64xf32, #tpu.memory_space<vmem>>) dst(%dma_wait3A_799 : memref<128x64xf32, #tpu.memory_space<hbm>>)
      tpu.yield
    }) : () -> ()
    return
  }
}

</mosaic_0001>

<sc_bundles>
// kernel: kernel.4.cloned.1.call-start
scs
__scs_entry_jumppad:
0x0: {  	(pc) =	sbr.rel $0x88, $3  }
0x1: {  	(tag) =	ssettag $0x0;
	lr =	simm.s32 $0x1  }
0x2: {  	[smem:$0x3F96] =	sst lr;
	_ =	strace $0xD0000000  }
0x3: {  	_ = 	snop  }
0x4: {  	_ = 	snop  }
0x5: {  	_ = 	snop  }
0x6: {  	_ = 	snop  }
0x7: {  	_ = 	snop  }
__scs_overlays_trampoline_lowered:
0x8: {  	[smem:$0x3FA5] =	sst s0  }
0x9: {  	[smem:$0x3FA6] =	sst s1  }
0xa: {  	[smem:$0x3FA7] =	sst s2  }
0xb: {  	[smem:$0x3FA8] =	sst s3  }
0xc: {  	[smem:$0x3FA9] =	sst s4  }
0xd: {  	[smem:$0x3FAA] =	sst s5  }
0xe: {  	[smem:$0x3FAB] =	sst s6  }
0xf: {  	[smem:$0x3FAC] =	sst s7  }
0x10: {  	[smem:$0x3FAD] =	sst s8  }
0x11: {  	[smem:$0x3FAE] =	sst s9;
	s0 =	simm.s32 @!p0 $0x0  }
0x12: {  	s1 =	sld [smem:$0x3F94];
	s0 =	simm.s32 @p0 $0x1  }
0x13: {  	[smem:$0x3FAF] =	sst s0;
	s0 =	simm.s32 @!p1 $0x0  }
0x14: {  	s2 =	sld [smem:$0x3F93];
	s0 =	simm.s32 @p1 $0x1  }
0x15: {  	[smem:$0x3FB0] =	sst s0;
	s0 =	simm.s32 @!p2 $0x0  }
0x16: {  	s3 =	sld [smem:$0x3FDB];
	s0 =	simm.s32 @p2 $0x1  }
0x17: {  	s4 =	simm.s32 $0x1BF5;
	[smem:$0x3FB2] =	sst s0  }
0x18: {  	s0 =	sld [smem:$0x3F95];
	_ =	swait.ge [sflag:s4], $0x0  }
0x19: {  	s7 =	sld [smem:$0x3F96]  }
0x1a: {  	s8 =	sadd.s32 $0xFFFFE003, lr  }
0x1b: {  	s9 =	sadd.s32 $0xFFFFFEF7, lr;
	s5 =	simm.s32 $0xFFFFFFFF;
	p2 =	slt.u32 s8, $0xFFFFF086  }
0x1c: {  	p1 =	slt.u32 s9, $0xF7A;
	s5 =	simm.s32 @!p2 $0x0  }
0x1d: {  	s5 =	simm.s32 @p1 $0x1;
	p0 =	seq.s32 s7, s2  }
0x1e: {  	s7 =	smul.u32 @!p0 $0xF7A, s2;
	p2 =	seq.s32 @!p0 s5, $0x0  }
0x1f: {  	s9 =	smul.u32 $0xF7A, s1;
	s8 =	simm.s32 @!p0 $0x1BF5;
	p2 =	por !p2, p0  }
0x20: {  	[sflag:s8] =	ssyncset.s32 @!p0 $0xFFFFF086;
	s6 =	sadd.s32 @!p0 s3, s7;
	s7 =	simm.s32 @!p0 $0x108  }
0x21: {  	s3 =	sadd.s32 s3, s9;
	s6 =	sadd.s32 @!p0 $0x88, s6;
	s7 =	simm.s32 @p2 $0x1082  }
0x22: {  	[simem:s7], [sflag:s8] =	dma.local @!p0 [hbm:s6], $0xF7A  }
0x23: {  	s9 =	sor.u32 $0xD0000000, s2;
	s6 =	simm.s32 $0x108;
	_ =	swait.ge @!p0 [sflag:s8], $0x0  }
0x24: {  	s3 =	sadd.s32 $0x88, s3;
	s6 =	simm.s32 @!p1 $0x1082;
	[sflag:s4] =	ssyncset.s32 $0xFFFFF086  }
0x25: {  	[simem:s6], [sflag:s4] =	dma.local [hbm:s3], $0xF7A  }
0x26: {  	[smem:$0x3F96] =	sst s1;
	(tag) =	ssettag s2;
	_ =	strace s9  }
0x27: {  	s1 =	sld [smem:$0x3FA6]  }
0x28: {  	s2 =	sld [smem:$0x3FA7]  }
0x29: {  	s4 =	sld [smem:$0x3FA9]  }
0x2a: {  	p0 =	seq.s32 s5, $0x0;
	s5 =	sld [smem:$0x3FAA]  }
0x2b: {  	s6 =	sld [smem:$0x3FAB]  }
0x2c: {  	s7 =	sld [smem:$0x3FAC]  }
0x2d: {  	s3 =	simm.s32 $0x108;
	s8 =	sld [smem:$0x3FAD]  }
0x2e: {  	s3 =	simm.s32 @!p0 $0x1082;
	s9 =	sld [smem:$0x3FAE]  }
0x2f: {  	lr =	sadd.s32 s0, s3;
	s0 =	sld [smem:$0x3FA5]  }
0x30: {  	s3 =	sld [smem:$0x3FA8]  }
0x31: {  	[smem:$0x3FB1] =	sst s10  }
0x32: {  	s10 =	sld [smem:$0x3FAF];
	_ =	sdelay $0x3  }
0x33: {  	p0 =	seq.s32 s10, $0x1;
	s10 =	sld [smem:$0x3FB1];
	_ =	sdelay $0x3  }
0x34: {  	[smem:$0x3FB1] =	sst s10  }
0x35: {  	s10 =	sld [smem:$0x3FB0];
	_ =	sdelay $0x3  }
0x36: {  	p1 =	seq.s32 s10, $0x1;
	s10 =	sld [smem:$0x3FB1];
	_ =	sdelay $0x3  }
0x37: {  	[smem:$0x3FB1] =	sst s10  }
0x38: {  	s10 =	sld [smem:$0x3FB2]  }
0x39: {  	_ = 	snop;
	(pc) =	sbr.ind lr, $3  }
0x3a: {  	_ = 	snop  }
0x3b: {  	_ = 	snop  }
0x3c: {  	p2 =	seq.s32 s10, $0x1;
	s10 =	sld [smem:$0x3FB1]  }
0x3d: {  	_ =	shalt  }
0x3e: {  	_ =	shalt  }
0x3f: {  	_ =	shalt  }
0x40: {  	_ =	shalt  }
0x41: {  	_ =	shalt  }
0x42: {  	_ =	shalt  }
0x43: {  	_ =	shalt  }
0x44: {  	_ =	shalt  }
0x45: {  	_ =	shalt  }
0x46: {  	_ =	shalt  }
0x47: {  	_ =	shalt  }
0x48: {  	_ =	shalt  }
0x49: {  	_ =	shalt  }
0x4a: {  	_ =	shalt  }
0x4b: {  	_ =	shalt  }
0x4c: {  	_ =	shalt  }
0x4d: {  	_ =	shalt  }
0x4e: {  	_ =	shalt  }
0x4f: {  	_ =	shalt  }
0x50: {  	_ =	shalt  }
0x51: {  	_ =	shalt  }
0x52: {  	_ =	shalt  }
0x53: {  	_ =	shalt  }
0x54: {  	_ =	shalt  }
0x55: {  	_ =	shalt  }
0x56: {  	_ =	shalt  }
0x57: {  	_ =	shalt  }
0x58: {  	_ =	shalt  }
0x59: {  	_ =	shalt  }
0x5a: {  	_ =	shalt  }
0x5b: {  	_ =	shalt  }
0x5c: {  	_ =	shalt  }
0x5d: {  	_ =	shalt  }
0x5e: {  	_ =	shalt  }
0x5f: {  	_ =	shalt  }
0x60: {  	_ =	shalt  }
0x61: {  	_ =	shalt  }
0x62: {  	_ =	shalt  }
0x63: {  	_ =	shalt  }
0x64: {  	_ =	shalt  }
0x65: {  	_ =	shalt  }
0x66: {  	_ =	shalt  }
0x67: {  	_ =	shalt  }
0x68: {  	_ =	shalt  }
0x69: {  	_ =	shalt  }
0x6a: {  	_ =	shalt  }
0x6b: {  	_ =	shalt  }
0x6c: {  	_ =	shalt  }
0x6d: {  	_ =	shalt  }
0x6e: {  	_ =	shalt  }
0x6f: {  	_ =	shalt  }
0x70: {  	_ =	shalt  }
0x71: {  	_ =	shalt  }
0x72: {  	_ =	shalt  }
0x73: {  	_ =	shalt  }
0x74: {  	_ =	shalt  }
0x75: {  	_ =	shalt  }
0x76: {  	_ =	shalt  }
0x77: {  	_ =	shalt  }
0x78: {  	_ =	shalt  }
0x79: {  	_ =	shalt  }
0x7a: {  	_ =	shalt  }
0x7b: {  	_ =	shalt  }
0x7c: {  	_ =	shalt  }
0x7d: {  	_ =	shalt  }
0x7e: {  	_ =	shalt  }
0x7f: {  	_ =	shalt  }
0x80: {  	_ =	shalt  }
0x81: {  	_ =	shalt  }
0x82: {  	_ =	shalt  }
0x83: {  	_ =	shalt  }
0x84: {  	_ =	shalt  }
0x85: {  	_ =	shalt  }
0x86: {  	_ =	shalt  }
0x87: {  	_ =	shalt  }
.Lfunc_end0:
.L_simem_size_0:
called_computation_lowered:
.L_overlay_start_0:
0x88: {  	s2 =	sld [smem:$0x3FD9]  }
0x89: {  	s3 =	sld [smem:$0x3FFE];
	_ =	sdelay $0x1  }
0x8a: {  	s1 =	srdreg.scid  }
0x8b: {  	s0 =	sand.u32 $0x1, s1  }
0x8c: {  	s17 =	sshll.u32 s0, $0xA;
	s2 =	sadd.s32 s3, s2  }
0x8d: {  	s2 =	sadd.s32 s2, s17  }
0x8e: {  	[smem:$0x3FBD] =	sst s2  }
0x8f: {  	_ = 	snop  }
0x90: {  	s2 =	sld [smem:$0x3FC9]  }
0x91: {  	s18 =	sld [smem:$0x3FC8]  }
0x92: {  	s4 =	sld [smem:$0x3FD0];
	(tm) =	ssettm $0x1  }
0x93: {  	s5 =	sld [smem:$0x3FFB];
	_ =	sdelay $0x3  }
0x94: {  	_ =	strace s5  }
0x95: {  	s5 =	sld [smem:$0x3FFC];
	_ =	sdelay $0x3  }
0x96: {  	_ =	strace s5  }
0x97: {  	s5 =	sld [smem:$0x3FFD];
	_ =	sdelay $0x3  }
0x98: {  	_ =	strace s5  }
0x99: {  	_ =	strace $0x8FFFFFFF  }
0x9a: {  	s19 =	sld [smem:$0x3FDB];
	_ =	sdelay $0x1  }
0x9b: {  	s6 =	simm.s32 $_scs_section_size  }
0x9c: {  	s7 =	simm.s32 $_size__tile_overlayer_lowered;
	s8 =	simm.s32 $_tile_overlayer_lowered  }
0x9d: {  	s22 =	simm.s32 $0x1BFF;
	s21 =	sshll.u32 s8, $0x1;
	s5 =	sadd.s32 s6, s19  }
0x9e: {  	s9 =	simm.s32 $0x0;
	s20 =	sshll.u32 s7, $0x1;
	s7 =	sadd.s32 s21, s5  }
0x9f: {  	[timem:s9], [sflag:s22] =	dma.local [hbm:s7], s20  }
0xa0: {  	_ =	swait.ge [sflag:s22], s20  }
0xa1: {  	s6 =	ssub.s32 $0x0, s20;
	[sflag:s22] =	ssyncset.done $0x0  }
0xa2: {  	[sflag:s22] =	ssyncadd.s32 s6;
	_ =	sdelay $0x1  }
0xa3: {  	s23 =	simm.s32 $0x1B8B  }
0xa4: {  	_ =	swait.ge [sflag:s23], $0x1  }
0xa5: {  	[sflag:s23] =	ssyncset.done $0x0  }
0xa6: {  	s25 =	simm.s32 $0x1B8E;
	s24 =	sld [smem:$0x3FFE];
	[sflag:s23] =	ssyncadd.s32 $0xFFFFFFFF  }
0xa7: {  	s26 =	simm.s32 $execute0_lowered;
	[smem:$0x3FD2] =	sst s25  }
0xa8: {  	s7 =	sshll.u32 s26, $0x1;
	_ =	strace $0x80000046;
	[dreg:$0x1] =	wrdreg $0xFFFFFFFF  }
0xa9: {  	s28 =	simm.s32 $_size_execute0_lowered;
	s5 =	sadd.s32 s5, s7;
	[dreg:$0x0] =	wrdreg $0x0  }
0xaa: {  	s7 =	sshll.u32 s28, $0x1;
	[dreg:$0x2] =	wrdreg s5  }
0xab: {  	[dreg:$0x3] =	wrdreg s7  }
0xac: {  	[dreg:$0x4] =	wrdreg $0xC0  }
0xad: {  	_ =	task [dreg:s9], $0x5FFFF  }
0xae: {  	[dreg:$0x1] =	wrdreg $0xFFFFFFFF  }
0xaf: {  	[dreg:$0x0] =	wrdreg $0x60  }
0xb0: {  	[dreg:$0x2] =	wrdreg s2  }
0xb1: {  	[dreg:$0x3] =	wrdreg s18  }
0xb2: {  	[dreg:$0x4] =	wrdreg s24  }
0xb3: {  	[dreg:$0x5] =	wrdreg s4  }
0xb4: {  	[dreg:$0x6] =	wrdreg $0x9  }
0xb5: {  	_ =	task.clear_ibuf [dreg:s9], $0x7FFFF;
	_ =	strace $0x90000046  }
0xb6: {  	s29 =	simm.s32 $0x9;
	_ =	strace $0x80000048  }
0xb7: {  	_ =	swait.ge [sflag:s29], $0x1  }
0xb8: {  	[sflag:s29] =	ssyncadd.s32 $0xFFFFFFFF  }
0xb9: {  	_ =	strace $0x90000048  }
0xba: {  	_ =	sfence  }
0xbb: {  	s30 =	sld [smem:$0x0];
	_ =	sdelay $0x2  }
0xbc: {  	s31 =	sshll.u32 s1, $0xD;
	s1 =	sshrl.u32 s1, $0x2  }
0xbd: {  	s3 =	sand.u32 $0x4000, s31;
	s1 =	sadd.s32 s1, s30  }
0xbe: {  	s0 =	sor.u32 s3, s0;
	s1 =	sshll.u32 s1, $0x11  }
0xbf: {  	s0 =	sor.u32 s1, s0  }
0xc0: {  	s0 =	sadd.s32 $0x8F2B, s0  }
0xc1: {  	[sflag:s0] =	ssyncadd.remote.s32 $0x1  }
0xc2: {  	_ =	sfence.sel $0xFFFF  }
0xc3: {  	[dreg:$0x0] =	wrdreg $0xFFFFFFFF;
	(pc) =	sbr.abs _section_cstart, $3  }
0xc4: {  	[dreg:$0x1] =	wrdreg $0xFFFFFFFF  }
0xc5: {  	_ =	task.clear_ibuf [dreg:s9], $0x2FFFF;
	_ =	strace $0x9FFFFFFF  }
0xc6: {  	(tm) =	ssettm $0x7FFFFFFF  }
0xc7: {  	_ =	shalt  }
tec
execute0_lowered:
.L_overlay_start_1:
0x0: {  	(tag) =	ssettag $0x1  }
0x1: {  	s0 =	rddreg [dreg:$0x0]  }
0x2: {  	s3 =	rddreg [dreg:$0x1]  }
0x3: {  	s10 =	rddreg [dreg:$0x2]  }
0x4: {  	s1 =	rddreg [dreg:$0x3]  }
0x5: {  	s2 =	simm.s32 $0x0;
	s8 =	srdreg.scid;
	s11 =	stileid.u32  }
0x6: {  	s17 =	simm.s32 $0x2;
	s19 =	simm.s32 $0x80;
	s26 =	simm.s32 $0x1  }
0x7: {  	s29 =	simm.s32 $0x1200;
	s31 =	simm.s32 $0x3200;
	s20 =	simm.s32 $0x7200  }
0x8: {  	s22 =	simm.s32 $0x9200;
	s24 =	simm.s32 $0xB200;
	s30 =	simm.s32 $0xF80  }
0x9: {  	s18 =	simm.s32 $0x0;
	[smem:$0x7FF] =	sst s2;
	s4 =	sadd.s32 $0x1000, s10  }
0xa: {  	s5 =	sadd.s32 $0x58200, s10;
	s6 =	sadd.s32 $0x4C200, s10;
	s7 =	sadd.s32 $0x40200, s10  }
0xb: {  	s9 =	sand.u32 $0x1, s8;
	s11 =	sshll.u32 s11, $0x1;
	s8 =	sadd.s32 $0x34200, s10  }
0xc: {  	_ =	strace $0x80000047;
	s11 =	sor.u32 s9, s11;
	s12 =	ssub.s32 $0x2, s9  }
0xd: {  	s9 =	sadd.s32 $0x4200, s10;
	s13 =	sshll.u32 s11, $0xC;
	s14 =	sshrl.u32 s12, $0x1  }
0xe: {  	s11 =	sshll.u32 s11, $0x6;
	s15 =	sadd.s32 s13, s10;
	s16 =	ssub.s32 s12, s14  }
0xf: {  	s10 =	sadd.s32 s0, s11;
	s11 =	sadd.s32 s3, s11;
	s3 =	simm.s32 $0x5200  }
0x10: {  	s0 =	simm.s32 $0x1180;
	s12 =	sadd.s32 $0x5E200, s15;
	s13 =	sadd.s32 $0x5E600, s15  }
0x11: {  	s14 =	sadd.s32 $0x5EA00, s15;
	s15 =	sadd.s32 $0x5EE00, s15;
	s16 =	smax.u32 s16, $0x1  }
.LBB2_1:
0x12: {  	[tilespmem:s2], [sflag:$0x2] =	stream.linear.gather [hbm4b:s10+s2], $0x200, $0x38;
	[tilespmem:$0xD200] =	vst v63  }
0x13: {  	_ =	swait.ge [sflag:s17], $0x200  }
0x14: {  	[sflag:s17] =	ssyncset.done $0x0  }
0x15: {  	s21 =	simm.s32 $0x200;
	[sflag:s17] =	ssyncadd.s32 $0xFFFFFE00  }
0x16: {  	[tilespmem:s21], [sflag:$0x2] =	stream.linear.gather [hbm4b:s11+s2], $0x200, $0x38;
	[tilespmem:$0xD200] =	vst v63  }
0x17: {  	_ =	swait.ge [sflag:s17], $0x200  }
0x18: {  	[sflag:s17] =	ssyncset.done $0x0  }
0x19: {  	s23 =	simm.s32 $0x400;
	[sflag:s17] =	ssyncadd.s32 $0xFFFFFE00  }
0x1a: {  	[tilespmem:s23], [sflag:$0x1] =	stream.indirect.gather [hbm4b:s4+s19], $0x1, s2, s19, $0xb8;
	[tilespmem:$0xD200] =	vst v63  }
0x1b: {  	s25 =	simm.s32 $0x480  }
0x1c: {  	[tilespmem:s25], [sflag:$0x1] =	stream.indirect.gather [hbm4b:s4+s19], $0x1, s19, s19, $0xb8;
	[tilespmem:$0xD200] =	vst v63  }
0x1d: {  	s28 =	simm.s32 $0x100;
	s23 =	simm.s32 $0x500  }
0x1e: {  	[tilespmem:s23], [sflag:$0x1] =	stream.indirect.gather [hbm4b:s4+s19], $0x1, s28, s19, $0xb8;
	[tilespmem:$0xD200] =	vst v63  }
0x1f: {  	s25 =	simm.s32 $0x180;
	s28 =	simm.s32 $0x580  }
0x20: {  	[tilespmem:s28], [sflag:$0x1] =	stream.indirect.gather [hbm4b:s4+s19], $0x1, s25, s19, $0xb8;
	[tilespmem:$0xD200] =	vst v63  }
0x21: {  	_ =	swait.ge [sflag:s26], $0x80  }
0x22: {  	[sflag:s26] =	ssyncset.done $0x0  }
0x23: {  	[sflag:s26] =	ssyncadd.s32 $0xFFFFFF80  }
0x24: {  	_ =	swait.ge [sflag:s26], $0x80  }
0x25: {  	[sflag:s26] =	ssyncset.done $0x0  }
0x26: {  	[sflag:s26] =	ssyncadd.s32 $0xFFFFFF80  }
0x27: {  	_ =	swait.ge [sflag:s26], $0x80  }
0x28: {  	[sflag:s26] =	ssyncset.done $0x0  }
0x29: {  	[sflag:s26] =	ssyncadd.s32 $0xFFFFFF80  }
0x2a: {  	_ =	swait.ge [sflag:s26], $0x80  }
0x2b: {  	[sflag:s26] =	ssyncset.done $0x0  }
0x2c: {  	s21 =	simm.s32 $0x0;
	[sflag:s26] =	ssyncadd.s32 $0xFFFFFF80  }
0x2d: {  	v4 =	vld [tilespmem:s21+$0x400];
	_ =	sdelay $0x4  }
0x2e: {  	v1 =	vand.u32 $0x7F, v4;
	v2 =	vshrl.u32 v4, $0xC;
	v3 =	vshrl.u32 v4, $0x4  }
0x2f: {  	v5 =	vshrl.u32 v4, $0xA;
	v7 =	vshrl.u32 v4, $0x8;
	v8 =	vshrl.u32 v4, $0x6  }
0x30: {  	v0 =	vld [tilespmem:s21+$0x200];
	v13 =	vand.u32 $0x3F, v4;
	v3 =	vand.u32 $0xFFFFFE0, v3;
	v6 =	vshrl.u32 v1, $0x2  }
0x31: {  	v9 =	vshrl.u32 v1, $0x6;
	v10 =	vshrl.u32 v1, $0x5;
	v7 =	vand.u32 $0xFFFFF8, v7  }
0x32: {  	v11 =	vshrl.u32 v1, $0x4;
	v8 =	vand.u32 $0x3FFFFF0, v8;
	v3 =	vor.u32 v6, v3  }
0x33: {  	v14 =	vshrl.u32 v1, $0x3;
	v6 =	vand.u32 $0xFFFFE, v2;
	v2 =	vmul.u32 $0x18, v3  }
0x34: {  	v7 =	vor.u32 v11, v7;
	v8 =	vor.u32 v14, v8;
	v3 =	vand.u32 $0x3FFFFC, v5  }
0x35: {  	v5 =	vor.u32 v9, v6;
	v6 =	vand.u32 $0x3, v4;
	v12 =	vadd.s32 v0, v2  }
0x36: {  	s23 =	simm.s32 $0x10;
	s25 =	simm.s32 $0x80;
	v3 =	vor.u32 v10, v3;
	v2 =	vand.u32 $0xF, v4;
	v4 =	vmul.u32 $0x60, v13;
	[tilespmem:s21+$0x1000] =	vst v12  }
.LBB2_2:
0x37: {  	p0 =	sne.s32 s25, $0x1C0;
	v9 =	vld [tilespmem:s23+$0x400];
	v5 =	vmul.u32 $0x18, v5;
	v2 =	vmul.u32 $0x180, v2;
	v6 =	vmul.u32 $0x600, v6  }
0x38: {  	v3 =	vmul.u32 $0x18, v3;
	v7 =	vmul.u32 $0x18, v7;
	v8 =	vmul.u32 $0x18, v8  }
0x39: {  	v1 =	vmul.u32 $0x18, v1;
	v4 =	vadd.s32 v0, v4;
	v2 =	vadd.s32 v0, v2  }
0x3a: {  	v4 =	vadd.s32 v5, v4;
	v2 =	vadd.s32 v3, v2;
	v3 =	vadd.s32 v0, v6  }
0x3b: {  	v5 =	vadd.s32 v0, v1;
	[tilespmem:s21+$0x800] =	vst v4;
	v3 =	vadd.s32 v7, v3;
	v4 =	vadd.s32 v0, v8  }
0x3c: {  	v0 =	vld [tilespmem:s23+$0x200];
	v1 =	vand.u32 $0x7F, v9;
	v6 =	vshrl.u32 v9, $0xC;
	v7 =	vshrl.u32 v9, $0x4;
	[tilespmem:s21+$0xA00] =	vst v2  }
0x3d: {  	v2 =	vshrl.u32 v9, $0xA;
	v7 =	vand.u32 $0xFFFFFE0, v7;
	v8 =	vshrl.u32 v1, $0x2;
	[tilespmem:s21+$0xC00] =	vst v3  }
0x3e: {  	v10 =	vshrl.u32 v9, $0x6;
	v3 =	vshrl.u32 v9, $0x8;
	v7 =	vor.u32 v8, v7;
	[tilespmem:s21+$0xE00] =	vst v4  }
0x3f: {  	v4 =	vand.u32 $0xFFFFE, v6;
	v6 =	vshrl.u32 v1, $0x6;
	v7 =	vmul.u32 $0x18, v7;
	[tilespmem:s21+$0x600] =	vst v5;
	s21 =	smov.u32 s23  }
.Ltmp0:
0x40: {  	v11 =	vshrl.u32 v1, $0x5;
	v8 =	vand.u32 $0x3FFFFC, v2;
	v12 =	vand.u32 $0xFFFFF8, v3;
	(pc) =	sbr.rel @p0 .LBB2_2-.Ltmp0, $4  }
0x41: {  	v13 =	vshrl.u32 v1, $0x4;
	v10 =	vand.u32 $0x3FFFFF0, v10;
	v3 =	vadd.s32 v0, v7  }
0x42: {  	v14 =	vshrl.u32 v1, $0x3;
	v2 =	vand.u32 $0xF, v9;
	v7 =	vand.u32 $0x3F, v9;
	[tilespmem:s21+$0x1000] =	vst v3  }
0x43: {  	v5 =	vor.u32 v6, v4;
	v6 =	vand.u32 $0x3, v9;
	v3 =	vor.u32 v11, v8  }
0x44: {  	s23 =	sshra.s32 s25, $0x2;
	s25 =	sadd.s32 $0x40, s25;
	v4 =	vmul.u32 $0x60, v7;
	v7 =	vor.u32 v13, v12;
	v8 =	vor.u32 v14, v10  }
0x45: {  	v9 =	vld [tilespmem:s23+$0x400];
	v5 =	vmul.u32 $0x18, v5  }
0x46: {  	v2 =	vmul.u32 $0x180, v2;
	v6 =	vmul.u32 $0x600, v6;
	v3 =	vmul.u32 $0x18, v3  }
0x47: {  	v8 =	vmul.u32 $0x18, v8;
	v1 =	vmul.u32 $0x18, v1;
	v4 =	vadd.s32 v0, v4  }
0x48: {  	v7 =	vmul.u32 $0x18, v7;
	v2 =	vadd.s32 v0, v2;
	v4 =	vadd.s32 v5, v4  }
0x49: {  	v5 =	vadd.s32 v0, v6;
	v1 =	vadd.s32 v0, v1;
	v0 =	vadd.s32 v0, v8  }
0x4a: {  	v2 =	vadd.s32 v3, v2;
	v3 =	vadd.s32 v7, v5;
	[tilespmem:s21+$0x800] =	vst v4;
	v4 =	vand.u32 $0x7F, v9  }
0x4b: {  	v5 =	vshrl.u32 v9, $0x4;
	v7 =	vshrl.u32 v9, $0xC;
	v8 =	vshrl.u32 v9, $0xA  }
0x4c: {  	v6 =	vld [tilespmem:s23+$0x200];
	[tilespmem:s21+$0xA00] =	vst v2;
	v11 =	vshrl.u32 v9, $0x8;
	v12 =	vshrl.u32 v9, $0x6;
	v2 =	vand.u32 $0xF, v9  }
0x4d: {  	[tilespmem:s21+$0xC00] =	vst v3;
	v3 =	vand.u32 $0x3, v9;
	v5 =	vand.u32 $0xFFFFFE0, v5;
	v10 =	vshrl.u32 v4, $0x2  }
0x4e: {  	v7 =	vand.u32 $0xFFFFE, v7;
	v8 =	vand.u32 $0x3FFFFC, v8;
	v13 =	vshrl.u32 v4, $0x5  }
0x4f: {  	v11 =	vand.u32 $0xFFFFF8, v11;
	v14 =	vshrl.u32 v4, $0x4;
	v12 =	vand.u32 $0x3FFFFF0, v12  }
0x50: {  	[tilespmem:s21+$0x600] =	vst v1;
	v63 =	vshrl.u32 v4, $0x3;
	v2 =	vmul.u32 $0x180, v2;
	v1 =	vmul.u32 $0x600, v3  }
0x51: {  	v5 =	vor.u32 v10, v5;
	v10 =	vshrl.u32 v4, $0x6;
	v8 =	vor.u32 v13, v8  }
0x52: {  	[tilespmem:s21+$0xE00] =	vst v0;
	v0 =	vor.u32 v63, v12;
	v5 =	vmul.u32 $0x18, v5;
	v7 =	vor.u32 v10, v7  }
0x53: {  	v10 =	vand.u32 $0x3F, v9;
	v3 =	vmul.u32 $0x18, v8;
	v0 =	vmul.u32 $0x18, v0  }
0x54: {  	v9 =	vmul.u32 $0x60, v10;
	v2 =	vadd.s32 v6, v2;
	v5 =	vadd.s32 v6, v5  }
0x55: {  	p1 =	por $0x1, $0x1;
	v10 =	vor.u32 v14, v11;
	v7 =	vmul.u32 $0x18, v7;
	v2 =	vadd.s32 v3, v2;
	[tilespmem:s23+$0x1000] =	vst v5  }
.Ltmp1:
0x56: {  	v0 =	vadd.s32 v6, v0;
	v8 =	vadd.s32 v6, v9;
	v5 =	vmul.u32 $0x18, v10;
	[tilespmem:s23+$0xA00] =	vst v2;
	(pc) =	sbr.rel @!p1 .LBB2_7-.Ltmp1, $4  }
0x57: {  	v1 =	vadd.s32 v6, v1;
	v3 =	vmul.u32 $0x18, v4;
	[tilespmem:s23+$0xE00] =	vst v0;
	v7 =	vadd.s32 v7, v8  }
0x58: {  	[tilespmem:s23+$0x800] =	vst v7;
	v1 =	vadd.s32 v5, v1  }
0x59: {  	p0 =	por $0x0, $0x0;
	[tilespmem:s23+$0xC00] =	vst v1;
	v1 =	vadd.s32 v6, v3  }
0x5a: {  	p2 =	por $0x0, $0x0;
	s21 =	simm.s32 $0x0;
	[tilespmem:s23+$0x600] =	vst v1;
	s23 =	simm.s32 $0x0  }
0x5b: {  	v5 =	vld [tilespmem:s21+$0x480];
	_ =	sdelay $0x4  }
0x5c: {  	v1 =	vand.u32 $0x7F, v5;
	v2 =	vshrl.u32 v5, $0xC;
	v3 =	vshrl.u32 v5, $0x4  }
0x5d: {  	v4 =	vshrl.u32 v5, $0xA;
	v7 =	vshrl.u32 v5, $0x8;
	v8 =	vshrl.u32 v5, $0x6  }
0x5e: {  	v0 =	vld [tilespmem:s21+$0x280];
	v13 =	vand.u32 $0x3F, v5;
	v3 =	vand.u32 $0xFFFFFE0, v3;
	v6 =	vshrl.u32 v1, $0x2  }
0x5f: {  	p3 =	por $0x1, $0x1;
	v9 =	vshrl.u32 v1, $0x6;
	v10 =	vshrl.u32 v1, $0x5;
	v7 =	vand.u32 $0xFFFFF8, v7  }
.Ltmp2:
0x60: {  	v11 =	vshrl.u32 v1, $0x4;
	v8 =	vand.u32 $0x3FFFFF0, v8;
	v3 =	vor.u32 v6, v3;
	(pc) =	sbr.rel @!p3 .LBB2_5-.Ltmp2, $4  }
0x61: {  	v14 =	vshrl.u32 v1, $0x3;
	v6 =	vand.u32 $0xFFFFE, v2;
	v2 =	vmul.u32 $0x18, v3  }
0x62: {  	v7 =	vor.u32 v11, v7;
	v8 =	vor.u32 v14, v8;
	v3 =	vand.u32 $0x3FFFFC, v4  }
0x63: {  	s23 =	simm.s32 $0x10;
	v4 =	vor.u32 v9, v6;
	v6 =	vmul.u32 $0x60, v13;
	v12 =	vadd.s32 v0, v2  }
0x64: {  	s28 =	simm.s32 $0x80;
	p2 =	por $0x1, $0x1;
	s25 =	simm.s32 $0x0;
	v3 =	vor.u32 v10, v3;
	v2 =	vand.u32 $0xF, v5;
	v5 =	vand.u32 $0x3, v5;
	[tilespmem:s21+$0x1080] =	vst v12  }
.LBB2_6:
0x65: {  	p3 =	sne.s32 s28, $0x1C0;
	v9 =	vld [tilespmem:s23+$0x480];
	v4 =	vmul.u32 $0x18, v4;
	v2 =	vmul.u32 $0x180, v2;
	v5 =	vmul.u32 $0x600, v5  }
0x66: {  	v3 =	vmul.u32 $0x18, v3;
	v7 =	vmul.u32 $0x18, v7;
	v8 =	vmul.u32 $0x18, v8  }
0x67: {  	v1 =	vmul.u32 $0x18, v1;
	v6 =	vadd.s32 v0, v6;
	v2 =	vadd.s32 v0, v2  }
0x68: {  	v4 =	vadd.s32 v4, v6;
	v2 =	vadd.s32 v3, v2;
	v3 =	vadd.s32 v0, v5  }
0x69: {  	v5 =	vadd.s32 v0, v1;
	[tilespmem:s25+$0x880] =	vst v4;
	v3 =	vadd.s32 v7, v3;
	v4 =	vadd.s32 v0, v8  }
0x6a: {  	v0 =	vld [tilespmem:s23+$0x280];
	v1 =	vand.u32 $0x7F, v9;
	v6 =	vshrl.u32 v9, $0xC;
	v7 =	vshrl.u32 v9, $0x4;
	[tilespmem:s25+$0xA80] =	vst v2  }
0x6b: {  	v2 =	vshrl.u32 v9, $0xA;
	v7 =	vand.u32 $0xFFFFFE0, v7;
	v8 =	vshrl.u32 v1, $0x2;
	[tilespmem:s25+$0xC80] =	vst v3  }
0x6c: {  	v10 =	vshrl.u32 v9, $0x6;
	v3 =	vshrl.u32 v9, $0x8;
	v7 =	vor.u32 v8, v7;
	[tilespmem:s25+$0xE80] =	vst v4  }
0x6d: {  	v4 =	vand.u32 $0xFFFFE, v6;
	v6 =	vshrl.u32 v1, $0x6;
	v7 =	vmul.u32 $0x18, v7;
	[tilespmem:s25+$0x680] =	vst v5;
	s25 =	smov.u32 s23  }
.Ltmp3:
0x6e: {  	v8 =	vshrl.u32 v1, $0x5;
	v11 =	vand.u32 $0xFFFFF8, v3;
	v5 =	vand.u32 $0x3FFFFC, v2;
	(pc) =	sbr.rel @p3 .LBB2_6-.Ltmp3, $4  }
0x6f: {  	v12 =	vshrl.u32 v1, $0x4;
	v10 =	vand.u32 $0x3FFFFF0, v10;
	v3 =	vadd.s32 v0, v7  }
0x70: {  	v13 =	vshrl.u32 v1, $0x3;
	v2 =	vand.u32 $0xF, v9;
	v7 =	vand.u32 $0x3F, v9;
	[tilespmem:s25+$0x1080] =	vst v3  }
0x71: {  	v4 =	vor.u32 v6, v4;
	v3 =	vor.u32 v8, v5;
	v5 =	vand.u32 $0x3, v9  }
0x72: {  	s23 =	sshra.s32 s28, $0x2;
	s28 =	sadd.s32 $0x40, s28;
	v6 =	vmul.u32 $0x60, v7;
	v7 =	vor.u32 v12, v11;
	v8 =	vor.u32 v13, v10  }
.LBB2_7:
0x73: {  	v9 =	vld [tilespmem:s23+$0x480];
	v4 =	vmul.u32 @p2 $0x18, v4  }
0x74: {  	v2 =	vmul.u32 @p2 $0x180, v2;
	v5 =	vmul.u32 @p2 $0x600, v5;
	v3 =	vmul.u32 @p2 $0x18, v3  }
0x75: {  	v8 =	vmul.u32 @p2 $0x18, v8;
	v1 =	vmul.u32 @p2 $0x18, v1;
	v6 =	vadd.s32 @p2 v0, v6  }
0x76: {  	v7 =	vmul.u32 @p2 $0x18, v7;
	v2 =	vadd.s32 @p2 v0, v2;
	v4 =	vadd.s32 @p2 v4, v6  }
0x77: {  	v5 =	vadd.s32 @p2 v0, v5;
	v1 =	vadd.s32 @p2 v0, v1;
	v0 =	vadd.s32 @p2 v0, v8  }
0x78: {  	v2 =	vadd.s32 @p2 v3, v2;
	v3 =	vadd.s32 @p2 v7, v5;
	v45 =	vand.u32 $0x7F, v9  }
0x79: {  	v46 =	vshrl.u32 v9, $0x4;
	v48 =	vshrl.u32 v9, $0xC;
	v49 =	vshrl.u32 v9, $0xA  }
0x7a: {  	v11 =	vshrl.u32 v9, $0x8;
	v12 =	vshrl.u32 v9, $0x6;
	v51 =	vand.u32 $0x3F, v9  }
0x7b: {  	v52 =	vand.u32 $0xF, v9;
	v54 =	vand.u32 $0x3, v9;
	v5 =	vand.u32 $0xFFFFFE0, v46  }
0x7c: {  	[tilespmem:s25+$0x880] =	vst @p2 v4;
	v10 =	vshrl.u32 v45, $0x2;
	v7 =	vand.u32 $0xFFFFE, v48;
	v50 =	vshrl.u32 v45, $0x6  }
0x7d: {  	v47 =	vld [tilespmem:s23+$0x280];
	v8 =	vand.u32 $0x3FFFFC, v49;
	v13 =	vshrl.u32 v45, $0x5;
	v11 =	vand.u32 $0xFFFFF8, v11  }
0x7e: {  	v14 =	vshrl.u32 v45, $0x4;
	v12 =	vand.u32 $0x3FFFFF0, v12;
	v53 =	vshrl.u32 v45, $0x3  }
0x7f: {  	[tilespmem:s25+$0xA80] =	vst @p2 v2;
	v55 =	vmul.u32 $0x60, v51;
	v2 =	vmul.u32 $0x180, v52;
	v58 =	vmul.u32 $0x600, v54  }
0x80: {  	[tilespmem:s25+$0xC80] =	vst @p2 v3;
	v62 =	vmul.u32 $0x18, v45;
	v5 =	vor.u32 v10, v5;
	v7 =	vor.u32 v50, v7  }
0x81: {  	[tilespmem:s25+$0xE80] =	vst @p2 v0;
	v8 =	vor.u32 v13, v8;
	v56 =	vor.u32 v14, v11;
	v5 =	vmul.u32 $0x18, v5  }
0x82: {  	[tilespmem:s25+$0x680] =	vst @p2 v1;
	v57 =	vor.u32 v53, v12;
	v7 =	vmul.u32 $0x18, v7;
	v63 =	vadd.s32 v47, v62  }
0x83: {  	v59 =	vmul.u32 $0x18, v8;
	v60 =	vadd.s32 v47, v55;
	v5 =	vadd.s32 v47, v5;
	[tilespmem:s23+$0x680] =	vst v63  }
.Ltmp4:
0x84: {  	v61 =	vmul.u32 $0x18, v56;
	v2 =	vadd.s32 v47, v2;
	v7 =	vadd.s32 v7, v60;
	[tilespmem:s23+$0x1080] =	vst v5;
	(pc) =	sbr.rel @!p1 .LBB2_8-.Ltmp4, $4  }
0x85: {  	v0 =	vmul.u32 $0x18, v57;
	v1 =	vadd.s32 v47, v58;
	v2 =	vadd.s32 v59, v2;
	[tilespmem:s23+$0x880] =	vst v7  }
0x86: {  	v1 =	vadd.s32 v61, v1;
	[tilespmem:s23+$0xA80] =	vst v2  }
0x87: {  	v0 =	vadd.s32 v47, v0;
	[tilespmem:s23+$0xC80] =	vst v1  }
0x88: {  	[tilespmem:s23+$0xE80] =	vst v0  }
0x89: {  	v5 =	vld [tilespmem:s21+$0x500];
	_ =	sdelay $0x4  }
0x8a: {  	v1 =	vand.u32 $0x7F, v5;
	v2 =	vshrl.u32 v5, $0xC;
	v3 =	vshrl.u32 v5, $0x4  }
0x8b: {  	v4 =	vshrl.u32 v5, $0xA;
	v7 =	vshrl.u32 v5, $0x8;
	v8 =	vshrl.u32 v5, $0x6  }
0x8c: {  	v0 =	vld [tilespmem:s21+$0x300];
	v13 =	vand.u32 $0x3F, v5;
	v3 =	vand.u32 $0xFFFFFE0, v3;
	v6 =	vshrl.u32 v1, $0x2  }
0x8d: {  	p1 =	por $0x1, $0x1;
	v9 =	vshrl.u32 v1, $0x6;
	v10 =	vshrl.u32 v1, $0x5;
	v7 =	vand.u32 $0xFFFFF8, v7  }
.Ltmp5:
0x8e: {  	v11 =	vshrl.u32 v1, $0x4;
	v8 =	vand.u32 $0x3FFFFF0, v8;
	v3 =	vor.u32 v6, v3;
	(pc) =	sbr.rel @!p1 .LBB2_11-.Ltmp5, $4  }
0x8f: {  	v14 =	vshrl.u32 v1, $0x3;
	v6 =	vand.u32 $0xFFFFE, v2;
	v2 =	vmul.u32 $0x18, v3  }
0x90: {  	v7 =	vor.u32 v11, v7;
	v8 =	vor.u32 v14, v8;
	v3 =	vand.u32 $0x3FFFFC, v4  }
0x91: {  	v4 =	vor.u32 v9, v6;
	v6 =	vmul.u32 $0x60, v13;
	v12 =	vadd.s32 v0, v2  }
0x92: {  	s23 =	simm.s32 $0x10;
	s25 =	simm.s32 $0x80;
	p0 =	por $0x1, $0x1;
	v3 =	vor.u32 v10, v3;
	v2 =	vand.u32 $0xF, v5;
	v5 =	vand.u32 $0x3, v5;
	[tilespmem:s21+$0x1100] =	vst v12  }
.LBB2_10:
0x93: {  	p1 =	sne.s32 s25, $0x1C0;
	v9 =	vld [tilespmem:s23+$0x500];
	v4 =	vmul.u32 $0x18, v4;
	v2 =	vmul.u32 $0x180, v2;
	v5 =	vmul.u32 $0x600, v5  }
0x94: {  	v3 =	vmul.u32 $0x18, v3;
	v7 =	vmul.u32 $0x18, v7;
	v8 =	vmul.u32 $0x18, v8  }
0x95: {  	v1 =	vmul.u32 $0x18, v1;
	v6 =	vadd.s32 v0, v6;
	v2 =	vadd.s32 v0, v2  }
0x96: {  	v4 =	vadd.s32 v4, v6;
	v2 =	vadd.s32 v3, v2;
	v3 =	vadd.s32 v0, v5  }
0x97: {  	v5 =	vadd.s32 v0, v1;
	[tilespmem:s21+$0x900] =	vst v4;
	v3 =	vadd.s32 v7, v3;
	v4 =	vadd.s32 v0, v8  }
0x98: {  	v0 =	vld [tilespmem:s23+$0x300];
	v1 =	vand.u32 $0x7F, v9;
	v6 =	vshrl.u32 v9, $0xC;
	v7 =	vshrl.u32 v9, $0x4;
	[tilespmem:s21+$0xB00] =	vst v2  }
0x99: {  	v2 =	vshrl.u32 v9, $0xA;
	v7 =	vand.u32 $0xFFFFFE0, v7;
	v8 =	vshrl.u32 v1, $0x2;
	[tilespmem:s21+$0xD00] =	vst v3  }
0x9a: {  	v10 =	vshrl.u32 v9, $0x6;
	v3 =	vshrl.u32 v9, $0x8;
	v7 =	vor.u32 v8, v7;
	[tilespmem:s21+$0xF00] =	vst v4  }
0x9b: {  	v4 =	vand.u32 $0xFFFFE, v6;
	v6 =	vshrl.u32 v1, $0x6;
	v7 =	vmul.u32 $0x18, v7;
	[tilespmem:s21+$0x700] =	vst v5;
	s21 =	smov.u32 s23  }
.Ltmp6:
0x9c: {  	v8 =	vshrl.u32 v1, $0x5;
	v11 =	vand.u32 $0xFFFFF8, v3;
	v5 =	vand.u32 $0x3FFFFC, v2;
	(pc) =	sbr.rel @p1 .LBB2_10-.Ltmp6, $4  }
0x9d: {  	v12 =	vshrl.u32 v1, $0x4;
	v10 =	vand.u32 $0x3FFFFF0, v10;
	v3 =	vadd.s32 v0, v7  }
0x9e: {  	v13 =	vshrl.u32 v1, $0x3;
	v2 =	vand.u32 $0xF, v9;
	v7 =	vand.u32 $0x3F, v9;
	[tilespmem:s21+$0x1100] =	vst v3  }
0x9f: {  	v4 =	vor.u32 v6, v4;
	v3 =	vor.u32 v8, v5;
	v5 =	vand.u32 $0x3, v9  }
0xa0: {  	s23 =	sshra.s32 s25, $0x2;
	s25 =	sadd.s32 $0x40, s25;
	v6 =	vmul.u32 $0x60, v7;
	v7 =	vor.u32 v12, v11;
	v8 =	vor.u32 v13, v10  }
.LBB2_11:
0xa1: {  	v9 =	vld [tilespmem:s23+$0x500];
	v4 =	vmul.u32 @p0 $0x18, v4  }
0xa2: {  	v2 =	vmul.u32 @p0 $0x180, v2;
	v5 =	vmul.u32 @p0 $0x600, v5;
	v3 =	vmul.u32 @p0 $0x18, v3  }
0xa3: {  	v8 =	vmul.u32 @p0 $0x18, v8;
	v1 =	vmul.u32 @p0 $0x18, v1;
	v6 =	vadd.s32 @p0 v0, v6  }
0xa4: {  	v7 =	vmul.u32 @p0 $0x18, v7;
	v2 =	vadd.s32 @p0 v0, v2;
	v4 =	vadd.s32 @p0 v4, v6  }
0xa5: {  	v5 =	vadd.s32 @p0 v0, v5;
	v1 =	vadd.s32 @p0 v0, v1;
	v0 =	vadd.s32 @p0 v0, v8  }
0xa6: {  	v2 =	vadd.s32 @p0 v3, v2;
	v3 =	vadd.s32 @p0 v7, v5;
	[tilespmem:s21+$0x900] =	vst @p0 v4;
	v4 =	vand.u32 $0x7F, v9  }
0xa7: {  	v5 =	vshrl.u32 v9, $0x4;
	v7 =	vshrl.u32 v9, $0xC;
	v8 =	vshrl.u32 v9, $0xA  }
0xa8: {  	v6 =	vld [tilespmem:s23+$0x300];
	[tilespmem:s21+$0xB00] =	vst @p0 v2;
	v11 =	vshrl.u32 v9, $0x8;
	v12 =	vshrl.u32 v9, $0x6;
	v2 =	vand.u32 $0xF, v9  }
0xa9: {  	[tilespmem:s21+$0xD00] =	vst @p0 v3;
	v3 =	vand.u32 $0x3, v9;
	v5 =	vand.u32 $0xFFFFFE0, v5;
	v10 =	vshrl.u32 v4, $0x2  }
0xaa: {  	v7 =	vand.u32 $0xFFFFE, v7;
	v8 =	vand.u32 $0x3FFFFC, v8;
	v13 =	vshrl.u32 v4, $0x5  }
0xab: {  	v11 =	vand.u32 $0xFFFFF8, v11;
	v14 =	vshrl.u32 v4, $0x4;
	v12 =	vand.u32 $0x3FFFFF0, v12  }
0xac: {  	[tilespmem:s21+$0x700] =	vst @p0 v1;
	v60 =	vshrl.u32 v4, $0x3;
	v2 =	vmul.u32 $0x180, v2;
	v1 =	vmul.u32 $0x600, v3  }
0xad: {  	v5 =	vor.u32 v10, v5;
	v10 =	vshrl.u32 v4, $0x6;
	v8 =	vor.u32 v13, v8  }
0xae: {  	[tilespmem:s21+$0xF00] =	vst @p0 v0;
	v0 =	vor.u32 v60, v12;
	v5 =	vmul.u32 $0x18, v5;
	v7 =	vor.u32 v10, v7  }
0xaf: {  	v10 =	vand.u32 $0x3F, v9;
	v3 =	vmul.u32 $0x18, v8;
	v0 =	vmul.u32 $0x18, v0  }
0xb0: {  	v9 =	vmul.u32 $0x60, v10;
	v2 =	vadd.s32 v6, v2;
	v5 =	vadd.s32 v6, v5  }
0xb1: {  	v10 =	vor.u32 v14, v11;
	v7 =	vmul.u32 $0x18, v7;
	v2 =	vadd.s32 v3, v2;
	[tilespmem:s23+$0x1100] =	vst v5  }
0xb2: {  	v0 =	vadd.s32 v6, v0;
	v8 =	vadd.s32 v6, v9;
	v5 =	vmul.u32 $0x18, v10;
	[tilespmem:s23+$0xB00] =	vst v2  }
0xb3: {  	v1 =	vadd.s32 v6, v1;
	v3 =	vmul.u32 $0x18, v4;
	[tilespmem:s23+$0xF00] =	vst v0;
	v7 =	vadd.s32 v7, v8  }
0xb4: {  	[tilespmem:s23+$0x900] =	vst v7;
	v1 =	vadd.s32 v5, v1  }
0xb5: {  	[tilespmem:s23+$0xD00] =	vst v1;
	v1 =	vadd.s32 v6, v3  }
0xb6: {  	s21 =	simm.s32 $0x0;
	[tilespmem:s23+$0x700] =	vst v1  }
0xb7: {  	v4 =	vld [tilespmem:s21+$0x580];
	_ =	sdelay $0x4  }
0xb8: {  	v1 =	vand.u32 $0x7F, v4;
	v2 =	vshrl.u32 v4, $0xC;
	v3 =	vshrl.u32 v4, $0x4  }
0xb9: {  	v5 =	vshrl.u32 v4, $0xA;
	v7 =	vshrl.u32 v4, $0x8;
	v8 =	vshrl.u32 v4, $0x6  }
0xba: {  	v0 =	vld [tilespmem:s21+$0x380];
	v62 =	vand.u32 $0x3F, v4;
	v3 =	vand.u32 $0xFFFFFE0, v3;
	v6 =	vshrl.u32 v1, $0x2  }
0xbb: {  	v9 =	vshrl.u32 v1, $0x6;
	v10 =	vshrl.u32 v1, $0x5;
	v7 =	vand.u32 $0xFFFFF8, v7  }
0xbc: {  	v11 =	vshrl.u32 v1, $0x4;
	v8 =	vand.u32 $0x3FFFFF0, v8;
	v3 =	vor.u32 v6, v3  }
0xbd: {  	v63 =	vshrl.u32 v1, $0x3;
	v6 =	vand.u32 $0xFFFFE, v2;
	v2 =	vmul.u32 $0x18, v3  }
0xbe: {  	v7 =	vor.u32 v11, v7;
	v8 =	vor.u32 v63, v8;
	v3 =	vand.u32 $0x3FFFFC, v5  }
0xbf: {  	v5 =	vor.u32 v9, v6;
	v6 =	vand.u32 $0x3, v4;
	v61 =	vadd.s32 v0, v2  }
0xc0: {  	s25 =	simm.s32 $0x80;
	s23 =	simm.s32 $0x10;
	v3 =	vor.u32 v10, v3;
	v2 =	vand.u32 $0xF, v4;
	v4 =	vmul.u32 $0x60, v62;
	[tilespmem:s21+$0x1180] =	vst v61  }
.LBB2_12:
0xc1: {  	p0 =	sne.s32 s25, $0x1C0;
	v9 =	vld [tilespmem:s23+$0x580];
	v5 =	vmul.u32 $0x18, v5;
	v2 =	vmul.u32 $0x180, v2;
	v6 =	vmul.u32 $0x600, v6  }
0xc2: {  	v3 =	vmul.u32 $0x18, v3;
	v7 =	vmul.u32 $0x18, v7;
	v8 =	vmul.u32 $0x18, v8  }
0xc3: {  	v1 =	vmul.u32 $0x18, v1;
	v4 =	vadd.s32 v0, v4;
	v2 =	vadd.s32 v0, v2  }
0xc4: {  	v4 =	vadd.s32 v5, v4;
	v2 =	vadd.s32 v3, v2;
	v3 =	vadd.s32 v0, v6  }
0xc5: {  	v5 =	vadd.s32 v0, v1;
	[tilespmem:s21+$0x980] =	vst v4;
	v3 =	vadd.s32 v7, v3;
	v4 =	vadd.s32 v0, v8  }
0xc6: {  	v0 =	vld [tilespmem:s23+$0x380];
	v1 =	vand.u32 $0x7F, v9;
	v6 =	vshrl.u32 v9, $0xC;
	v7 =	vshrl.u32 v9, $0x4;
	[tilespmem:s21+$0xB80] =	vst v2  }
0xc7: {  	v2 =	vshrl.u32 v9, $0xA;
	v7 =	vand.u32 $0xFFFFFE0, v7;
	v8 =	vshrl.u32 v1, $0x2;
	[tilespmem:s21+$0xD80] =	vst v3  }
0xc8: {  	v10 =	vshrl.u32 v9, $0x6;
	v3 =	vshrl.u32 v9, $0x8;
	v7 =	vor.u32 v8, v7;
	[tilespmem:s21+$0xF80] =	vst v4  }
0xc9: {  	v4 =	vand.u32 $0xFFFFE, v6;
	v6 =	vshrl.u32 v1, $0x6;
	v7 =	vmul.u32 $0x18, v7;
	[tilespmem:s21+$0x780] =	vst v5;
	s21 =	smov.u32 s23  }
.Ltmp7:
0xca: {  	v11 =	vshrl.u32 v1, $0x5;
	v8 =	vand.u32 $0x3FFFFC, v2;
	v12 =	vand.u32 $0xFFFFF8, v3;
	(pc) =	sbr.rel @p0 .LBB2_12-.Ltmp7, $4  }
0xcb: {  	v13 =	vshrl.u32 v1, $0x4;
	v10 =	vand.u32 $0x3FFFFF0, v10;
	v3 =	vadd.s32 v0, v7  }
0xcc: {  	v14 =	vshrl.u32 v1, $0x3;
	v2 =	vand.u32 $0xF, v9;
	v7 =	vand.u32 $0x3F, v9;
	[tilespmem:s21+$0x1180] =	vst v3  }
0xcd: {  	v5 =	vor.u32 v6, v4;
	v6 =	vand.u32 $0x3, v9;
	v3 =	vor.u32 v11, v8  }
0xce: {  	s23 =	sshra.s32 s25, $0x2;
	s25 =	sadd.s32 $0x40, s25;
	v4 =	vmul.u32 $0x60, v7;
	v7 =	vor.u32 v13, v12;
	v8 =	vor.u32 v14, v10  }
0xcf: {  	v9 =	vld [tilespmem:s23+$0x580];
	v5 =	vmul.u32 $0x18, v5  }
0xd0: {  	v2 =	vmul.u32 $0x180, v2;
	v6 =	vmul.u32 $0x600, v6;
	v3 =	vmul.u32 $0x18, v3  }
0xd1: {  	v8 =	vmul.u32 $0x18, v8;
	v1 =	vmul.u32 $0x18, v1;
	v4 =	vadd.s32 v0, v4  }
0xd2: {  	v7 =	vmul.u32 $0x18, v7;
	v2 =	vadd.s32 v0, v2;
	v4 =	vadd.s32 v5, v4  }
0xd3: {  	v5 =	vadd.s32 v0, v6;
	v1 =	vadd.s32 v0, v1;
	v0 =	vadd.s32 v0, v8  }
0xd4: {  	v2 =	vadd.s32 v3, v2;
	v3 =	vadd.s32 v7, v5;
	[tilespmem:s21+$0x980] =	vst v4;
	v4 =	vand.u32 $0x7F, v9  }
0xd5: {  	v5 =	vshrl.u32 v9, $0x4;
	v7 =	vshrl.u32 v9, $0xC;
	v8 =	vshrl.u32 v9, $0xA  }
0xd6: {  	v6 =	vld [tilespmem:s23+$0x380];
	[tilespmem:s21+$0xB80] =	vst v2;
	v11 =	vshrl.u32 v9, $0x8;
	v12 =	vshrl.u32 v9, $0x6;
	v2 =	vand.u32 $0xF, v9  }
0xd7: {  	[tilespmem:s21+$0xD80] =	vst v3;
	v3 =	vand.u32 $0x3, v9;
	v5 =	vand.u32 $0xFFFFFE0, v5;
	v10 =	vshrl.u32 v4, $0x2  }
0xd8: {  	v7 =	vand.u32 $0xFFFFE, v7;
	v8 =	vand.u32 $0x3FFFFC, v8;
	v13 =	vshrl.u32 v4, $0x5  }
0xd9: {  	v11 =	vand.u32 $0xFFFFF8, v11;
	v14 =	vshrl.u32 v4, $0x4;
	v12 =	vand.u32 $0x3FFFFF0, v12  }
0xda: {  	[tilespmem:s21+$0x780] =	vst v1;
	v2 =	vmul.u32 $0x180, v2;
	v1 =	vmul.u32 $0x600, v3;
	v5 =	vor.u32 v10, v5  }
0xdb: {  	v10 =	vshrl.u32 v4, $0x6;
	v8 =	vor.u32 v13, v8;
	v13 =	vshrl.u32 v4, $0x3  }
0xdc: {  	v5 =	vmul.u32 $0x18, v5;
	v7 =	vor.u32 v10, v7;
	v10 =	vand.u32 $0x3F, v9  }
0xdd: {  	[tilespmem:s21+$0xF80] =	vst v0;
	v0 =	vor.u32 v13, v12;
	v3 =	vmul.u32 $0x18, v8;
	v9 =	vmul.u32 $0x60, v10  }
0xde: {  	v2 =	vadd.s32 v6, v2;
	v0 =	vmul.u32 $0x18, v0;
	v5 =	vadd.s32 v6, v5  }
0xdf: {  	v10 =	vor.u32 v14, v11;
	v7 =	vmul.u32 $0x18, v7;
	v2 =	vadd.s32 v3, v2;
	[tilespmem:s23+$0x1180] =	vst v5  }
0xe0: {  	v8 =	vadd.s32 v6, v9;
	v5 =	vmul.u32 $0x18, v10;
	[tilespmem:s23+$0xB80] =	vst v2;
	v0 =	vadd.s32 v6, v0  }
0xe1: {  	v1 =	vadd.s32 v6, v1;
	v3 =	vmul.u32 $0x18, v4;
	v7 =	vadd.s32 v7, v8;
	[tilespmem:s23+$0xF80] =	vst v0  }
0xe2: {  	[tilespmem:s23+$0x980] =	vst v7;
	v1 =	vadd.s32 v5, v1  }
0xe3: {  	[tilespmem:s23+$0xD80] =	vst v1;
	v1 =	vadd.s32 v6, v3  }
0xe4: {  	[tilespmem:s23+$0x780] =	vst v1;
	s23 =	simm.s32 $0x600  }
0xe5: {  	[tilespmem:s29], [sflag:$0x1] =	stream.indirect.gather [hbm4b:s5+s19], $0x40, s23, s19, $0xb8;
	[tilespmem:$0xD200] =	vst v63  }
0xe6: {  	s25 =	simm.s32 $0x800  }
0xe7: {  	[tilespmem:s31], [sflag:$0x1] =	stream.indirect.gather [hbm4b:s1+s19], $0x40, s25, s19, $0xb8;
	[tilespmem:$0xD200] =	vst v63  }
0xe8: {  	s28 =	simm.s32 $0xA00  }
0xe9: {  	[tilespmem:s3], [sflag:$0x1] =	stream.indirect.gather [hbm4b:s6+s19], $0x40, s28, s19, $0xb8;
	[tilespmem:$0xD200] =	vst v63  }
0xea: {  	s23 =	simm.s32 $0xC00  }
0xeb: {  	[tilespmem:s20], [sflag:$0x1] =	stream.indirect.gather [hbm4b:s7+s19], $0x40, s23, s19, $0xb8;
	[tilespmem:$0xD200] =	vst v63  }
0xec: {  	s25 =	simm.s32 $0xE00  }
0xed: {  	[tilespmem:s22], [sflag:$0x1] =	stream.indirect.gather [hbm4b:s8+s19], $0x40, s25, s19, $0xb8;
	[tilespmem:$0xD200] =	vst v63  }
0xee: {  	s28 =	simm.s32 $0x1000  }
0xef: {  	[tilespmem:s24], [sflag:$0x1] =	stream.indirect.gather [hbm4b:s9+s19], $0x40, s28, s19, $0xb8;
	[tilespmem:$0xD200] =	vst v63  }
0xf0: {  	_ =	swait.ge [sflag:s26], $0x2000  }
0xf1: {  	[sflag:s26] =	ssyncset.done $0x0  }
0xf2: {  	[sflag:s26] =	ssyncadd.s32 $0xFFFFE000  }
0xf3: {  	_ =	swait.ge [sflag:s26], $0x2000  }
0xf4: {  	[sflag:s26] =	ssyncset.done $0x0  }
0xf5: {  	[sflag:s26] =	ssyncadd.s32 $0xFFFFE000  }
0xf6: {  	_ =	swait.ge [sflag:s26], $0x2000  }
0xf7: {  	[sflag:s26] =	ssyncset.done $0x0  }
0xf8: {  	[sflag:s26] =	ssyncadd.s32 $0xFFFFE000  }
0xf9: {  	_ =	swait.ge [sflag:s26], $0x2000  }
0xfa: {  	[sflag:s26] =	ssyncset.done $0x0  }
0xfb: {  	[sflag:s26] =	ssyncadd.s32 $0xFFFFE000  }
0xfc: {  	_ =	swait.ge [sflag:s26], $0x2000  }
0xfd: {  	[sflag:s26] =	ssyncset.done $0x0  }
0xfe: {  	[sflag:s26] =	ssyncadd.s32 $0xFFFFE000  }
0xff: {  	_ =	swait.ge [sflag:s26], $0x2000  }
0x100: {  	[sflag:s26] =	ssyncset.done $0x0  }
0x101: {  	s21 =	simm.s32 $0x0;
	[sflag:s26] =	ssyncadd.s32 $0xFFFFE000  }
0x102: {  	v2 =	vld [tilespmem:s21+$0xB200]  }
0x103: {  	v0 =	vld [tilespmem:s21+$0xB210]  }
0x104: {  	v3 =	vld [tilespmem:s21+$0x9200]  }
0x105: {  	v1 =	vld [tilespmem:s21+$0x9210]  }
0x106: {  	v5 =	vld [tilespmem:s21+$0x7200]  }
0x107: {  	v4 =	vld [tilespmem:s21+$0x7210]  }
0x108: {  	v7 =	vld [tilespmem:s21+$0x5200]  }
0x109: {  	v6 =	vld [tilespmem:s21+$0x5210]  }
0x10a: {  	v11 =	vld [tilespmem:s21+$0x3200]  }
0x10b: {  	v10 =	vld [tilespmem:s21+$0x3210]  }
0x10c: {  	v9 =	vld [tilespmem:s21+$0x3220]  }
0x10d: {  	v8 =	vld [tilespmem:s21+$0x3230]  }
0x10e: {  	v14 =	vld [tilespmem:s21+$0x1200]  }
0x10f: {  	v13 =	vld [tilespmem:s21+$0x1210]  }
0x110: {  	s23 =	simm.s32 $0x100;
	v12 =	vld [tilespmem:s21+$0x1220]  }
.LBB2_14:
0x111: {  	p0 =	sne.s32 s23, $0x7F00;
	v15 =	vld [tilespmem:s21+$0x1230]  }
0x112: {  	v16 =	vld [tilespmem:s21+$0x5220]  }
0x113: {  	v11 =	vadd.f32 v11, v14;
	v14 =	vld [tilespmem:s21+$0x5230]  }
0x114: {  	v10 =	vadd.f32 v10, v13;
	v13 =	vld [tilespmem:s21+$0x7220]  }
0x115: {  	v7 =	vadd.f32 v7, v11;
	v9 =	vadd.f32 v9, v12;
	v11 =	vld [tilespmem:s21+$0x7230]  }
0x116: {  	v6 =	vadd.f32 v6, v10;
	v10 =	vld [tilespmem:s21+$0x9220];
	v8 =	vadd.f32 v8, v15  }
0x117: {  	v5 =	vadd.f32 v5, v7;
	v7 =	vadd.f32 v16, v9;
	v9 =	vld [tilespmem:s21+$0x9230]  }
0x118: {  	v4 =	vadd.f32 v4, v6;
	v6 =	vld [tilespmem:s21+$0xB220];
	v8 =	vadd.f32 v14, v8  }
0x119: {  	s25 =	sshra.s32 s23, $0x2;
	v3 =	vadd.f32 v3, v5;
	v5 =	vadd.f32 v13, v7;
	v7 =	vld [tilespmem:s21+$0xB230]  }
0x11a: {  	v12 =	vld [tilespmem:s25+$0xB200];
	v1 =	vadd.f32 v1, v4;
	v4 =	vadd.f32 v11, v8  }
0x11b: {  	v8 =	vld [tilespmem:s25+$0xB210];
	v2 =	vadd.f32 v2, v3;
	v5 =	vadd.f32 v10, v5  }
0x11c: {  	v3 =	vld [tilespmem:s25+$0x9200];
	v0 =	vadd.f32 v0, v1;
	v4 =	vadd.f32 v9, v4  }
0x11d: {  	v1 =	vld [tilespmem:s25+$0x9210];
	[tilespmem:s21+$0x1200] =	vst v2;
	v6 =	vadd.f32 v6, v5  }
0x11e: {  	v5 =	vld [tilespmem:s25+$0x7200];
	[tilespmem:s21+$0x1210] =	vst v0;
	v9 =	vadd.f32 v7, v4  }
0x11f: {  	v4 =	vld [tilespmem:s25+$0x7210];
	[tilespmem:s21+$0x1220] =	vst v6;
	v2 =	vmov v12  }
0x120: {  	v7 =	vld [tilespmem:s25+$0x5200];
	[tilespmem:s21+$0x1230] =	vst v9;
	v0 =	vmov v8;
	s21 =	smov.u32 s25  }
0x121: {  	v6 =	vld [tilespmem:s21+$0x5210]  }
0x122: {  	v11 =	vld [tilespmem:s21+$0x3200]  }
0x123: {  	v10 =	vld [tilespmem:s21+$0x3210]  }
.Ltmp8:
0x124: {  	v9 =	vld [tilespmem:s21+$0x3220];
	(pc) =	sbr.rel @p0 .LBB2_14-.Ltmp8, $4  }
0x125: {  	v8 =	vld [tilespmem:s21+$0x3230]  }
0x126: {  	v14 =	vld [tilespmem:s21+$0x1200]  }
0x127: {  	v13 =	vld [tilespmem:s21+$0x1210]  }
0x128: {  	s23 =	sadd.s32 $0x100, s23;
	v12 =	vld [tilespmem:s21+$0x1220]  }
0x129: {  	v15 =	vld [tilespmem:s21+$0x1230]  }
0x12a: {  	v16 =	vld [tilespmem:s21+$0x5220]  }
0x12b: {  	v11 =	vadd.f32 v11, v14;
	v14 =	vld [tilespmem:s21+$0x5230]  }
0x12c: {  	v10 =	vadd.f32 v10, v13;
	v13 =	vld [tilespmem:s21+$0x7220]  }
0x12d: {  	v7 =	vadd.f32 v7, v11;
	v9 =	vadd.f32 v9, v12;
	v11 =	vld [tilespmem:s21+$0x7230]  }
0x12e: {  	v6 =	vadd.f32 v6, v10;
	v10 =	vld [tilespmem:s21+$0x9220];
	v8 =	vadd.f32 v8, v15  }
0x12f: {  	v5 =	vadd.f32 v5, v7;
	v7 =	vadd.f32 v16, v9;
	v9 =	vld [tilespmem:s21+$0x9230]  }
0x130: {  	v4 =	vadd.f32 v4, v6;
	v6 =	vld [tilespmem:s21+$0xB220];
	v8 =	vadd.f32 v14, v8  }
0x131: {  	v3 =	vadd.f32 v3, v5;
	v5 =	vadd.f32 v13, v7;
	v7 =	vld [tilespmem:s21+$0xB230]  }
0x132: {  	v1 =	vadd.f32 v1, v4;
	v4 =	vadd.f32 v11, v8  }
0x133: {  	v2 =	vadd.f32 v2, v3;
	v3 =	vadd.f32 v10, v5  }
0x134: {  	v0 =	vadd.f32 v0, v1;
	v1 =	vadd.f32 v9, v4  }
0x135: {  	[tilespmem:s21+$0x1200] =	vst v2;
	v2 =	vadd.f32 v6, v3  }
0x136: {  	[tilespmem:s21+$0x1210] =	vst v0;
	v0 =	vadd.f32 v7, v1  }
0x137: {  	[tilespmem:s21+$0x1220] =	vst v2  }
0x138: {  	s28 =	simm.s32 $0x0;
	[tilespmem:s21+$0x1230] =	vst v0  }
0x139: {  	[hbm4b:s12+s28] =	stream.linear.scatter [tilespmem:s29], [sflag:$0x2], $0x2000, $0x38;
	[tilespmem:$0xD200] =	vst v63  }
0x13a: {  	_ =	swait.ge [sflag:s17], $0x2000  }
0x13b: {  	[sflag:s17] =	ssyncset.done $0x0  }
0x13c: {  	s23 =	simm.s32 $0x680;
	[sflag:s17] =	ssyncadd.s32 $0xFFFFE000  }
0x13d: {  	[tilespmem:s29], [sflag:$0x1] =	stream.indirect.gather [hbm4b:s5+s19], $0x40, s23, s19, $0xb8;
	[tilespmem:$0xD200] =	vst v63  }
0x13e: {  	s25 =	simm.s32 $0x880  }
0x13f: {  	[tilespmem:s31], [sflag:$0x1] =	stream.indirect.gather [hbm4b:s1+s19], $0x40, s25, s19, $0xb8;
	[tilespmem:$0xD200] =	vst v63  }
0x140: {  	s28 =	simm.s32 $0xA80  }
0x141: {  	[tilespmem:s3], [sflag:$0x1] =	stream.indirect.gather [hbm4b:s6+s19], $0x40, s28, s19, $0xb8;
	[tilespmem:$0xD200] =	vst v63  }
0x142: {  	s23 =	simm.s32 $0xC80  }
0x143: {  	[tilespmem:s20], [sflag:$0x1] =	stream.indirect.gather [hbm4b:s7+s19], $0x40, s23, s19, $0xb8;
	[tilespmem:$0xD200] =	vst v63  }
0x144: {  	s25 =	simm.s32 $0xE80  }
0x145: {  	[tilespmem:s22], [sflag:$0x1] =	stream.indirect.gather [hbm4b:s8+s19], $0x40, s25, s19, $0xb8;
	[tilespmem:$0xD200] =	vst v63  }
0x146: {  	s28 =	simm.s32 $0x1080  }
0x147: {  	[tilespmem:s24], [sflag:$0x1] =	stream.indirect.gather [hbm4b:s9+s19], $0x40, s28, s19, $0xb8;
	[tilespmem:$0xD200] =	vst v63  }
0x148: {  	_ =	swait.ge [sflag:s26], $0x2000  }
0x149: {  	[sflag:s26] =	ssyncset.done $0x0  }
0x14a: {  	[sflag:s26] =	ssyncadd.s32 $0xFFFFE000  }
0x14b: {  	_ =	swait.ge [sflag:s26], $0x2000  }
0x14c: {  	[sflag:s26] =	ssyncset.done $0x0  }
0x14d: {  	[sflag:s26] =	ssyncadd.s32 $0xFFFFE000  }
0x14e: {  	_ =	swait.ge [sflag:s26], $0x2000  }
0x14f: {  	[sflag:s26] =	ssyncset.done $0x0  }
0x150: {  	[sflag:s26] =	ssyncadd.s32 $0xFFFFE000  }
0x151: {  	_ =	swait.ge [sflag:s26], $0x2000  }
0x152: {  	[sflag:s26] =	ssyncset.done $0x0  }
0x153: {  	[sflag:s26] =	ssyncadd.s32 $0xFFFFE000  }
0x154: {  	_ =	swait.ge [sflag:s26], $0x2000  }
0x155: {  	[sflag:s26] =	ssyncset.done $0x0  }
0x156: {  	[sflag:s26] =	ssyncadd.s32 $0xFFFFE000  }
0x157: {  	_ =	swait.ge [sflag:s26], $0x2000  }
0x158: {  	[sflag:s26] =	ssyncset.done $0x0  }
0x159: {  	s21 =	simm.s32 $0x0;
	[sflag:s26] =	ssyncadd.s32 $0xFFFFE000  }
0x15a: {  	v2 =	vld [tilespmem:s21+$0xB200]  }
0x15b: {  	v0 =	vld [tilespmem:s21+$0xB210]  }
0x15c: {  	v3 =	vld [tilespmem:s21+$0x9200]  }
0x15d: {  	v1 =	vld [tilespmem:s21+$0x9210]  }
0x15e: {  	v5 =	vld [tilespmem:s21+$0x7200]  }
0x15f: {  	v4 =	vld [tilespmem:s21+$0x7210]  }
0x160: {  	v7 =	vld [tilespmem:s21+$0x5200]  }
0x161: {  	v6 =	vld [tilespmem:s21+$0x5210]  }
0x162: {  	v11 =	vld [tilespmem:s21+$0x3200]  }
0x163: {  	v10 =	vld [tilespmem:s21+$0x3210]  }
0x164: {  	v9 =	vld [tilespmem:s21+$0x3220]  }
0x165: {  	v8 =	vld [tilespmem:s21+$0x3230]  }
0x166: {  	v14 =	vld [tilespmem:s21+$0x1200]  }
0x167: {  	v13 =	vld [tilespmem:s21+$0x1210]  }
0x168: {  	s23 =	simm.s32 $0x100;
	v12 =	vld [tilespmem:s21+$0x1220]  }
.LBB2_16:
0x169: {  	p0 =	sne.s32 s23, $0x7F00;
	v15 =	vld [tilespmem:s21+$0x1230]  }
0x16a: {  	v16 =	vld [tilespmem:s21+$0x5220]  }
0x16b: {  	v11 =	vadd.f32 v11, v14;
	v14 =	vld [tilespmem:s21+$0x5230]  }
0x16c: {  	v10 =	vadd.f32 v10, v13;
	v13 =	vld [tilespmem:s21+$0x7220]  }
0x16d: {  	v7 =	vadd.f32 v7, v11;
	v9 =	vadd.f32 v9, v12;
	v11 =	vld [tilespmem:s21+$0x7230]  }
0x16e: {  	v6 =	vadd.f32 v6, v10;
	v10 =	vld [tilespmem:s21+$0x9220];
	v8 =	vadd.f32 v8, v15  }
0x16f: {  	v5 =	vadd.f32 v5, v7;
	v7 =	vadd.f32 v16, v9;
	v9 =	vld [tilespmem:s21+$0x9230]  }
0x170: {  	v4 =	vadd.f32 v4, v6;
	v6 =	vld [tilespmem:s21+$0xB220];
	v8 =	vadd.f32 v14, v8  }
0x171: {  	s25 =	sshra.s32 s23, $0x2;
	v3 =	vadd.f32 v3, v5;
	v5 =	vadd.f32 v13, v7;
	v7 =	vld [tilespmem:s21+$0xB230]  }
0x172: {  	v12 =	vld [tilespmem:s25+$0xB200];
	v1 =	vadd.f32 v1, v4;
	v4 =	vadd.f32 v11, v8  }
0x173: {  	v8 =	vld [tilespmem:s25+$0xB210];
	v2 =	vadd.f32 v2, v3;
	v5 =	vadd.f32 v10, v5  }
0x174: {  	v3 =	vld [tilespmem:s25+$0x9200];
	v0 =	vadd.f32 v0, v1;
	v4 =	vadd.f32 v9, v4  }
0x175: {  	v1 =	vld [tilespmem:s25+$0x9210];
	[tilespmem:s21+$0x1200] =	vst v2;
	v6 =	vadd.f32 v6, v5  }
0x176: {  	v5 =	vld [tilespmem:s25+$0x7200];
	[tilespmem:s21+$0x1210] =	vst v0;
	v9 =	vadd.f32 v7, v4  }
0x177: {  	v4 =	vld [tilespmem:s25+$0x7210];
	[tilespmem:s21+$0x1220] =	vst v6;
	v2 =	vmov v12  }
0x178: {  	v7 =	vld [tilespmem:s25+$0x5200];
	[tilespmem:s21+$0x1230] =	vst v9;
	v0 =	vmov v8;
	s21 =	smov.u32 s25  }
0x179: {  	v6 =	vld [tilespmem:s21+$0x5210]  }
0x17a: {  	v11 =	vld [tilespmem:s21+$0x3200]  }
0x17b: {  	v10 =	vld [tilespmem:s21+$0x3210]  }
.Ltmp9:
0x17c: {  	v9 =	vld [tilespmem:s21+$0x3220];
	(pc) =	sbr.rel @p0 .LBB2_16-.Ltmp9, $4  }
0x17d: {  	v8 =	vld [tilespmem:s21+$0x3230]  }
0x17e: {  	v14 =	vld [tilespmem:s21+$0x1200]  }
0x17f: {  	v13 =	vld [tilespmem:s21+$0x1210]  }
0x180: {  	s23 =	sadd.s32 $0x100, s23;
	v12 =	vld [tilespmem:s21+$0x1220]  }
0x181: {  	v15 =	vld [tilespmem:s21+$0x1230]  }
0x182: {  	v16 =	vld [tilespmem:s21+$0x5220]  }
0x183: {  	v11 =	vadd.f32 v11, v14;
	v14 =	vld [tilespmem:s21+$0x5230]  }
0x184: {  	v10 =	vadd.f32 v10, v13;
	v13 =	vld [tilespmem:s21+$0x7220]  }
0x185: {  	v7 =	vadd.f32 v7, v11;
	v9 =	vadd.f32 v9, v12;
	v11 =	vld [tilespmem:s21+$0x7230]  }
0x186: {  	v6 =	vadd.f32 v6, v10;
	v10 =	vld [tilespmem:s21+$0x9220];
	v8 =	vadd.f32 v8, v15  }
0x187: {  	v5 =	vadd.f32 v5, v7;
	v7 =	vadd.f32 v16, v9;
	v9 =	vld [tilespmem:s21+$0x9230]  }
0x188: {  	v4 =	vadd.f32 v4, v6;
	v6 =	vld [tilespmem:s21+$0xB220];
	v8 =	vadd.f32 v14, v8  }
0x189: {  	v3 =	vadd.f32 v3, v5;
	v5 =	vadd.f32 v13, v7;
	v7 =	vld [tilespmem:s21+$0xB230]  }
0x18a: {  	v1 =	vadd.f32 v1, v4;
	v4 =	vadd.f32 v11, v8  }
0x18b: {  	v2 =	vadd.f32 v2, v3;
	v3 =	vadd.f32 v10, v5  }
0x18c: {  	v0 =	vadd.f32 v0, v1;
	v1 =	vadd.f32 v9, v4  }
0x18d: {  	[tilespmem:s21+$0x1200] =	vst v2;
	v2 =	vadd.f32 v6, v3  }
0x18e: {  	[tilespmem:s21+$0x1210] =	vst v0;
	v0 =	vadd.f32 v7, v1  }
0x18f: {  	[tilespmem:s21+$0x1220] =	vst v2  }
0x190: {  	s28 =	simm.s32 $0x0;
	[tilespmem:s21+$0x1230] =	vst v0  }
0x191: {  	[hbm4b:s13+s28] =	stream.linear.scatter [tilespmem:s29], [sflag:$0x2], $0x2000, $0x38;
	[tilespmem:$0xD200] =	vst v63  }
0x192: {  	_ =	swait.ge [sflag:s17], $0x2000  }
0x193: {  	[sflag:s17] =	ssyncset.done $0x0  }
0x194: {  	s23 =	simm.s32 $0x700;
	[sflag:s17] =	ssyncadd.s32 $0xFFFFE000  }
0x195: {  	[tilespmem:s29], [sflag:$0x1] =	stream.indirect.gather [hbm4b:s5+s19], $0x40, s23, s19, $0xb8;
	[tilespmem:$0xD200] =	vst v63  }
0x196: {  	s25 =	simm.s32 $0x900  }
0x197: {  	[tilespmem:s31], [sflag:$0x1] =	stream.indirect.gather [hbm4b:s1+s19], $0x40, s25, s19, $0xb8;
	[tilespmem:$0xD200] =	vst v63  }
0x198: {  	s28 =	simm.s32 $0xB00  }
0x199: {  	[tilespmem:s3], [sflag:$0x1] =	stream.indirect.gather [hbm4b:s6+s19], $0x40, s28, s19, $0xb8;
	[tilespmem:$0xD200] =	vst v63  }
0x19a: {  	s23 =	simm.s32 $0xD00  }
0x19b: {  	[tilespmem:s20], [sflag:$0x1] =	stream.indirect.gather [hbm4b:s7+s19], $0x40, s23, s19, $0xb8;
	[tilespmem:$0xD200] =	vst v63  }
0x19c: {  	s25 =	simm.s32 $0xF00  }
0x19d: {  	[tilespmem:s22], [sflag:$0x1] =	stream.indirect.gather [hbm4b:s8+s19], $0x40, s25, s19, $0xb8;
	[tilespmem:$0xD200] =	vst v63  }
0x19e: {  	s28 =	simm.s32 $0x1100  }
0x19f: {  	[tilespmem:s24], [sflag:$0x1] =	stream.indirect.gather [hbm4b:s9+s19], $0x40, s28, s19, $0xb8;
	[tilespmem:$0xD200] =	vst v63  }
0x1a0: {  	_ =	swait.ge [sflag:s26], $0x2000  }
0x1a1: {  	[sflag:s26] =	ssyncset.done $0x0  }
0x1a2: {  	[sflag:s26] =	ssyncadd.s32 $0xFFFFE000  }
0x1a3: {  	_ =	swait.ge [sflag:s26], $0x2000  }
0x1a4: {  	[sflag:s26] =	ssyncset.done $0x0  }
0x1a5: {  	[sflag:s26] =	ssyncadd.s32 $0xFFFFE000  }
0x1a6: {  	_ =	swait.ge [sflag:s26], $0x2000  }
0x1a7: {  	[sflag:s26] =	ssyncset.done $0x0  }
0x1a8: {  	[sflag:s26] =	ssyncadd.s32 $0xFFFFE000  }
0x1a9: {  	_ =	swait.ge [sflag:s26], $0x2000  }
0x1aa: {  	[sflag:s26] =	ssyncset.done $0x0  }
0x1ab: {  	[sflag:s26] =	ssyncadd.s32 $0xFFFFE000  }
0x1ac: {  	_ =	swait.ge [sflag:s26], $0x2000  }
0x1ad: {  	[sflag:s26] =	ssyncset.done $0x0  }
0x1ae: {  	[sflag:s26] =	ssyncadd.s32 $0xFFFFE000  }
0x1af: {  	_ =	swait.ge [sflag:s26], $0x2000  }
0x1b0: {  	[sflag:s26] =	ssyncset.done $0x0  }
0x1b1: {  	s21 =	simm.s32 $0x0;
	[sflag:s26] =	ssyncadd.s32 $0xFFFFE000  }
0x1b2: {  	v2 =	vld [tilespmem:s21+$0xB200]  }
0x1b3: {  	v0 =	vld [tilespmem:s21+$0xB210]  }
0x1b4: {  	v3 =	vld [tilespmem:s21+$0x9200]  }
0x1b5: {  	v1 =	vld [tilespmem:s21+$0x9210]  }
0x1b6: {  	v5 =	vld [tilespmem:s21+$0x7200]  }
0x1b7: {  	v4 =	vld [tilespmem:s21+$0x7210]  }
0x1b8: {  	v7 =	vld [tilespmem:s21+$0x5200]  }
0x1b9: {  	v6 =	vld [tilespmem:s21+$0x5210]  }
0x1ba: {  	v11 =	vld [tilespmem:s21+$0x3200]  }
0x1bb: {  	v10 =	vld [tilespmem:s21+$0x3210]  }
0x1bc: {  	v9 =	vld [tilespmem:s21+$0x3220]  }
0x1bd: {  	v8 =	vld [tilespmem:s21+$0x3230]  }
0x1be: {  	v14 =	vld [tilespmem:s21+$0x1200]  }
0x1bf: {  	v13 =	vld [tilespmem:s21+$0x1210]  }
0x1c0: {  	s23 =	simm.s32 $0x100;
	v12 =	vld [tilespmem:s21+$0x1220]  }
.LBB2_18:
0x1c1: {  	p0 =	sne.s32 s23, $0x7F00;
	v15 =	vld [tilespmem:s21+$0x1230]  }
0x1c2: {  	v16 =	vld [tilespmem:s21+$0x5220]  }
0x1c3: {  	v11 =	vadd.f32 v11, v14;
	v14 =	vld [tilespmem:s21+$0x5230]  }
0x1c4: {  	v10 =	vadd.f32 v10, v13;
	v13 =	vld [tilespmem:s21+$0x7220]  }
0x1c5: {  	v7 =	vadd.f32 v7, v11;
	v9 =	vadd.f32 v9, v12;
	v11 =	vld [tilespmem:s21+$0x7230]  }
0x1c6: {  	v6 =	vadd.f32 v6, v10;
	v10 =	vld [tilespmem:s21+$0x9220];
	v8 =	vadd.f32 v8, v15  }
0x1c7: {  	v5 =	vadd.f32 v5, v7;
	v7 =	vadd.f32 v16, v9;
	v9 =	vld [tilespmem:s21+$0x9230]  }
0x1c8: {  	v4 =	vadd.f32 v4, v6;
	v6 =	vld [tilespmem:s21+$0xB220];
	v8 =	vadd.f32 v14, v8  }
0x1c9: {  	s25 =	sshra.s32 s23, $0x2;
	v3 =	vadd.f32 v3, v5;
	v5 =	vadd.f32 v13, v7;
	v7 =	vld [tilespmem:s21+$0xB230]  }
0x1ca: {  	v12 =	vld [tilespmem:s25+$0xB200];
	v1 =	vadd.f32 v1, v4;
	v4 =	vadd.f32 v11, v8  }
0x1cb: {  	v8 =	vld [tilespmem:s25+$0xB210];
	v2 =	vadd.f32 v2, v3;
	v5 =	vadd.f32 v10, v5  }
0x1cc: {  	v3 =	vld [tilespmem:s25+$0x9200];
	v0 =	vadd.f32 v0, v1;
	v4 =	vadd.f32 v9, v4  }
0x1cd: {  	v1 =	vld [tilespmem:s25+$0x9210];
	[tilespmem:s21+$0x1200] =	vst v2;
	v6 =	vadd.f32 v6, v5  }
0x1ce: {  	v5 =	vld [tilespmem:s25+$0x7200];
	[tilespmem:s21+$0x1210] =	vst v0;
	v9 =	vadd.f32 v7, v4  }
0x1cf: {  	v4 =	vld [tilespmem:s25+$0x7210];
	[tilespmem:s21+$0x1220] =	vst v6;
	v2 =	vmov v12  }
0x1d0: {  	v7 =	vld [tilespmem:s25+$0x5200];
	[tilespmem:s21+$0x1230] =	vst v9;
	v0 =	vmov v8;
	s21 =	smov.u32 s25  }
0x1d1: {  	v6 =	vld [tilespmem:s21+$0x5210]  }
0x1d2: {  	v11 =	vld [tilespmem:s21+$0x3200]  }
0x1d3: {  	v10 =	vld [tilespmem:s21+$0x3210]  }
.Ltmp10:
0x1d4: {  	v9 =	vld [tilespmem:s21+$0x3220];
	(pc) =	sbr.rel @p0 .LBB2_18-.Ltmp10, $4  }
0x1d5: {  	v8 =	vld [tilespmem:s21+$0x3230]  }
0x1d6: {  	v14 =	vld [tilespmem:s21+$0x1200]  }
0x1d7: {  	v13 =	vld [tilespmem:s21+$0x1210]  }
0x1d8: {  	s23 =	sadd.s32 $0x100, s23;
	v12 =	vld [tilespmem:s21+$0x1220]  }
0x1d9: {  	v15 =	vld [tilespmem:s21+$0x1230]  }
0x1da: {  	v16 =	vld [tilespmem:s21+$0x5220]  }
0x1db: {  	v11 =	vadd.f32 v11, v14;
	v14 =	vld [tilespmem:s21+$0x5230]  }
0x1dc: {  	v10 =	vadd.f32 v10, v13;
	v13 =	vld [tilespmem:s21+$0x7220]  }
0x1dd: {  	v7 =	vadd.f32 v7, v11;
	v9 =	vadd.f32 v9, v12;
	v11 =	vld [tilespmem:s21+$0x7230]  }
0x1de: {  	v6 =	vadd.f32 v6, v10;
	v10 =	vld [tilespmem:s21+$0x9220];
	v8 =	vadd.f32 v8, v15  }
0x1df: {  	v5 =	vadd.f32 v5, v7;
	v7 =	vadd.f32 v16, v9;
	v9 =	vld [tilespmem:s21+$0x9230]  }
0x1e0: {  	v4 =	vadd.f32 v4, v6;
	v6 =	vld [tilespmem:s21+$0xB220];
	v8 =	vadd.f32 v14, v8  }
0x1e1: {  	v3 =	vadd.f32 v3, v5;
	v5 =	vadd.f32 v13, v7;
	v7 =	vld [tilespmem:s21+$0xB230]  }
0x1e2: {  	v1 =	vadd.f32 v1, v4;
	v4 =	vadd.f32 v11, v8  }
0x1e3: {  	v2 =	vadd.f32 v2, v3;
	v3 =	vadd.f32 v10, v5  }
0x1e4: {  	v0 =	vadd.f32 v0, v1;
	v1 =	vadd.f32 v9, v4  }
0x1e5: {  	[tilespmem:s21+$0x1200] =	vst v2;
	v2 =	vadd.f32 v6, v3  }
0x1e6: {  	[tilespmem:s21+$0x1210] =	vst v0;
	v0 =	vadd.f32 v7, v1  }
0x1e7: {  	[tilespmem:s21+$0x1220] =	vst v2  }
0x1e8: {  	s25 =	simm.s32 $0x0;
	[tilespmem:s21+$0x1230] =	vst v0  }
0x1e9: {  	[hbm4b:s14+s25] =	stream.linear.scatter [tilespmem:s29], [sflag:$0x2], $0x2000, $0x38;
	[tilespmem:$0xD200] =	vst v63  }
0x1ea: {  	_ =	swait.ge [sflag:s17], $0x2000  }
0x1eb: {  	[sflag:s17] =	ssyncset.done $0x0  }
0x1ec: {  	s28 =	simm.s32 $0x780;
	[sflag:s17] =	ssyncadd.s32 $0xFFFFE000  }
0x1ed: {  	[tilespmem:s29], [sflag:$0x1] =	stream.indirect.gather [hbm4b:s5+s19], $0x40, s28, s19, $0xb8;
	[tilespmem:$0xD200] =	vst v63  }
0x1ee: {  	s23 =	simm.s32 $0x980  }
0x1ef: {  	[tilespmem:s31], [sflag:$0x1] =	stream.indirect.gather [hbm4b:s1+s19], $0x40, s23, s19, $0xb8;
	[tilespmem:$0xD200] =	vst v63  }
0x1f0: {  	s25 =	simm.s32 $0xB80  }
0x1f1: {  	[tilespmem:s3], [sflag:$0x1] =	stream.indirect.gather [hbm4b:s6+s19], $0x40, s25, s19, $0xb8;
	[tilespmem:$0xD200] =	vst v63  }
0x1f2: {  	s28 =	simm.s32 $0xD80  }
0x1f3: {  	[tilespmem:s20], [sflag:$0x1] =	stream.indirect.gather [hbm4b:s7+s19], $0x40, s28, s19, $0xb8;
	[tilespmem:$0xD200] =	vst v63  }
0x1f4: {  	_ = 	snop  }
0x1f5: {  	[tilespmem:s22], [sflag:$0x1] =	stream.indirect.gather [hbm4b:s8+s19], $0x40, s30, s19, $0xb8;
	[tilespmem:$0xD200] =	vst v63  }
0x1f6: {  	_ = 	snop  }
0x1f7: {  	[tilespmem:s24], [sflag:$0x1] =	stream.indirect.gather [hbm4b:s9+s19], $0x40, s0, s19, $0xb8;
	[tilespmem:$0xD200] =	vst v63  }
0x1f8: {  	_ =	swait.ge [sflag:s26], $0x2000  }
0x1f9: {  	[sflag:s26] =	ssyncset.done $0x0  }
0x1fa: {  	[sflag:s26] =	ssyncadd.s32 $0xFFFFE000  }
0x1fb: {  	_ =	swait.ge [sflag:s26], $0x2000  }
0x1fc: {  	[sflag:s26] =	ssyncset.done $0x0  }
0x1fd: {  	[sflag:s26] =	ssyncadd.s32 $0xFFFFE000  }
0x1fe: {  	_ =	swait.ge [sflag:s26], $0x2000  }
0x1ff: {  	[sflag:s26] =	ssyncset.done $0x0  }
0x200: {  	[sflag:s26] =	ssyncadd.s32 $0xFFFFE000  }
0x201: {  	_ =	swait.ge [sflag:s26], $0x2000  }
0x202: {  	[sflag:s26] =	ssyncset.done $0x0  }
0x203: {  	[sflag:s26] =	ssyncadd.s32 $0xFFFFE000  }
0x204: {  	_ =	swait.ge [sflag:s26], $0x2000  }
0x205: {  	[sflag:s26] =	ssyncset.done $0x0  }
0x206: {  	[sflag:s26] =	ssyncadd.s32 $0xFFFFE000  }
0x207: {  	_ =	swait.ge [sflag:s26], $0x2000  }
0x208: {  	[sflag:s26] =	ssyncset.done $0x0  }
0x209: {  	s21 =	simm.s32 $0x0;
	[sflag:s26] =	ssyncadd.s32 $0xFFFFE000  }
0x20a: {  	v2 =	vld [tilespmem:s21+$0xB200]  }
0x20b: {  	v0 =	vld [tilespmem:s21+$0xB210]  }
0x20c: {  	v3 =	vld [tilespmem:s21+$0x9200]  }
0x20d: {  	v1 =	vld [tilespmem:s21+$0x9210]  }
0x20e: {  	v5 =	vld [tilespmem:s21+$0x7200]  }
0x20f: {  	v4 =	vld [tilespmem:s21+$0x7210]  }
0x210: {  	v7 =	vld [tilespmem:s21+$0x5200]  }
0x211: {  	v6 =	vld [tilespmem:s21+$0x5210]  }
0x212: {  	v11 =	vld [tilespmem:s21+$0x3200]  }
0x213: {  	v10 =	vld [tilespmem:s21+$0x3210]  }
0x214: {  	v9 =	vld [tilespmem:s21+$0x3220]  }
0x215: {  	v8 =	vld [tilespmem:s21+$0x3230]  }
0x216: {  	v14 =	vld [tilespmem:s21+$0x1200]  }
0x217: {  	v13 =	vld [tilespmem:s21+$0x1210]  }
0x218: {  	s23 =	simm.s32 $0x100;
	v12 =	vld [tilespmem:s21+$0x1220]  }
.LBB2_20:
0x219: {  	p0 =	sne.s32 s23, $0x7F00;
	v15 =	vld [tilespmem:s21+$0x1230]  }
0x21a: {  	v16 =	vld [tilespmem:s21+$0x5220]  }
0x21b: {  	v11 =	vadd.f32 v11, v14;
	v14 =	vld [tilespmem:s21+$0x5230]  }
0x21c: {  	v10 =	vadd.f32 v10, v13;
	v13 =	vld [tilespmem:s21+$0x7220]  }
0x21d: {  	v7 =	vadd.f32 v7, v11;
	v9 =	vadd.f32 v9, v12;
	v11 =	vld [tilespmem:s21+$0x7230]  }
0x21e: {  	v6 =	vadd.f32 v6, v10;
	v10 =	vld [tilespmem:s21+$0x9220];
	v8 =	vadd.f32 v8, v15  }
0x21f: {  	v5 =	vadd.f32 v5, v7;
	v7 =	vadd.f32 v16, v9;
	v9 =	vld [tilespmem:s21+$0x9230]  }
0x220: {  	v4 =	vadd.f32 v4, v6;
	v6 =	vld [tilespmem:s21+$0xB220];
	v8 =	vadd.f32 v14, v8  }
0x221: {  	s25 =	sshra.s32 s23, $0x2;
	v3 =	vadd.f32 v3, v5;
	v5 =	vadd.f32 v13, v7;
	v7 =	vld [tilespmem:s21+$0xB230]  }
0x222: {  	v12 =	vld [tilespmem:s25+$0xB200];
	v1 =	vadd.f32 v1, v4;
	v4 =	vadd.f32 v11, v8  }
0x223: {  	v8 =	vld [tilespmem:s25+$0xB210];
	v2 =	vadd.f32 v2, v3;
	v5 =	vadd.f32 v10, v5  }
0x224: {  	v3 =	vld [tilespmem:s25+$0x9200];
	v0 =	vadd.f32 v0, v1;
	v4 =	vadd.f32 v9, v4  }
0x225: {  	v1 =	vld [tilespmem:s25+$0x9210];
	[tilespmem:s21+$0x1200] =	vst v2;
	v6 =	vadd.f32 v6, v5  }
0x226: {  	v5 =	vld [tilespmem:s25+$0x7200];
	[tilespmem:s21+$0x1210] =	vst v0;
	v9 =	vadd.f32 v7, v4  }
0x227: {  	v4 =	vld [tilespmem:s25+$0x7210];
	[tilespmem:s21+$0x1220] =	vst v6;
	v2 =	vmov v12  }
0x228: {  	v7 =	vld [tilespmem:s25+$0x5200];
	[tilespmem:s21+$0x1230] =	vst v9;
	v0 =	vmov v8;
	s21 =	smov.u32 s25  }
0x229: {  	v6 =	vld [tilespmem:s21+$0x5210]  }
0x22a: {  	v11 =	vld [tilespmem:s21+$0x3200]  }
0x22b: {  	v10 =	vld [tilespmem:s21+$0x3210]  }
.Ltmp11:
0x22c: {  	v9 =	vld [tilespmem:s21+$0x3220];
	(pc) =	sbr.rel @p0 .LBB2_20-.Ltmp11, $4  }
0x22d: {  	v8 =	vld [tilespmem:s21+$0x3230]  }
0x22e: {  	v14 =	vld [tilespmem:s21+$0x1200]  }
0x22f: {  	v13 =	vld [tilespmem:s21+$0x1210]  }
0x230: {  	s23 =	sadd.s32 $0x100, s23;
	v12 =	vld [tilespmem:s21+$0x1220]  }
0x231: {  	v15 =	vld [tilespmem:s21+$0x1230]  }
0x232: {  	v16 =	vld [tilespmem:s21+$0x5220]  }
0x233: {  	v50 =	vld [tilespmem:s21+$0x5230];
	v11 =	vadd.f32 v11, v14  }
0x234: {  	v51 =	vld [tilespmem:s21+$0x7220];
	v10 =	vadd.f32 v10, v13  }
0x235: {  	v52 =	vld [tilespmem:s21+$0x7230];
	v7 =	vadd.f32 v7, v11;
	v9 =	vadd.f32 v9, v12  }
0x236: {  	v53 =	vld [tilespmem:s21+$0x9220];
	v6 =	vadd.f32 v6, v10;
	v8 =	vadd.f32 v8, v15  }
0x237: {  	v55 =	vld [tilespmem:s21+$0x9230];
	v5 =	vadd.f32 v5, v7;
	v54 =	vadd.f32 v16, v9  }
0x238: {  	v56 =	vld [tilespmem:s21+$0xB220];
	v4 =	vadd.f32 v4, v6;
	v8 =	vadd.f32 v50, v8  }
0x239: {  	v58 =	vld [tilespmem:s21+$0xB230];
	v3 =	vadd.f32 v3, v5;
	v57 =	vadd.f32 v51, v54  }
0x23a: {  	v1 =	vadd.f32 v1, v4;
	v59 =	vadd.f32 v52, v8  }
0x23b: {  	v2 =	vadd.f32 v2, v3;
	v60 =	vadd.f32 v53, v57  }
0x23c: {  	v0 =	vadd.f32 v0, v1;
	v61 =	vadd.f32 v55, v59  }
0x23d: {  	[tilespmem:s21+$0x1200] =	vst v2;
	v62 =	vadd.f32 v56, v60  }
0x23e: {  	[tilespmem:s21+$0x1210] =	vst v0;
	v63 =	vadd.f32 v58, v61  }
0x23f: {  	s18 =	sadd.s32 $0x1, s18;
	[tilespmem:s21+$0x1220] =	vst v62  }
0x240: {  	p0 =	sne.s32 s18, s16;
	[tilespmem:s21+$0x1230] =	vst v63  }
0x241: {  	[hbm4b:s15+s2] =	stream.linear.scatter [tilespmem:s29], [sflag:$0x2], $0x2000, $0x38;
	[tilespmem:$0xD200] =	vst v63  }
.Ltmp12:
0x242: {  	_ = 	snop;
	(pc) =	sbr.rel @p0 .LBB2_1-.Ltmp12, $4  }
.Ltmp13:
0x243: {  	_ = 	snop;
	(pc) =	sbr.rel @!p0 .LBB2_22-.Ltmp13, $4  }
0x244: {  	_ =	swait.ge [sflag:s17], $0x2000  }
0x245: {  	[sflag:s17] =	ssyncset.done $0x0  }
0x246: {  	[sflag:s17] =	ssyncadd.s32 $0xFFFFE000  }
0x247: {  	_ = 	snop  }
.LBB2_8:
.Ltmp14:
0x248: {  	(pc) =	sbr.rel .LBB2_11-.Ltmp14, $2  }
0x249: {  	_ =	sdelay $0x2  }
0x24a: {  	s23 =	simm.s32 $0x0  }
.LBB2_5:
.Ltmp15:
0x24b: {  	(pc) =	sbr.rel .LBB2_7-.Ltmp15, $2  }
0x24c: {  	_ =	sdelay $0x2  }
0x24d: {  	s25 =	simm.s32 $0x0  }
.LBB2_22:
0x24e: {  	_ =	sfence.sel $0x180000  }
0x24f: {  	[bflag:$0x0] =	sbarrier.arrive $0xFFFF  }
0x250: {  	_ =	strace $0x90000047  }
0x251: {  	s0 =	stileid.u32;
	[bflag:$0x2] =	sbarrier.arrive $0xFFFF  }
0x252: {  	p0 =	sne.s32 s0, $0x0;
	s0 =	rddreg [dreg:$0x4]  }
0x253: {  	s0 =	sadd.s32 @!p0 $0x100000, s0  }
0x254: {  	[sflag:s0] =	ssyncadd.tile.s32 @!p0 $0x1;
	_ =	shalt  }
.Lfunc_end2:
_tile_overlayer_lowered:
.L_overlay_start_2:
0x255: {  	(tag) =	ssettag $0x2  }
0x256: {  	s0 =	rddreg [dreg:$0x0];
	s2 =	stileid.u32  }
0x257: {  	s1 =	rddreg [dreg:$0x1];
	p0 =	sne.s32 s2, $0x0  }
0x258: {  	s3 =	rddreg [dreg:$0x2];
	[bflag:$0x3] =	sbarrier.arrive $0xFFFF;
	s2 =	simm.s32 @!p0 $0x1C02  }
0x259: {  	[timem:s3], [sflag:s2] =	dma.local @!p0 [hbm:s0], s1  }
0x25a: {  	s0 =	simm.s32 @!p0 $0x2  }
0x25b: {  	_ =	swait.ge @!p0 [sflag:s0], s1  }
0x25c: {  	s1 =	ssub.s32 @!p0 $0x0, s1;
	[sflag:s0] =	ssyncset.done @!p0 $0x0  }
0x25d: {  	[sflag:s0] =	ssyncadd.s32 @!p0 s1  }
0x25e: {  	[bflag:$0x3] =	sbarrier.arrive $0xFFFF  }
0x25f: {  	_ =	shalt  }

// kernel: kernel.7.cloned.1.call-start
scs
__scs_entry_jumppad:
0x0: {  	(pc) =	sbr.rel $0x88, $3  }
0x1: {  	(tag) =	ssettag $0x0;
	lr =	simm.s32 $0x1  }
0x2: {  	[smem:$0x3F96] =	sst lr;
	_ =	strace $0xD0000000  }
0x3: {  	_ = 	snop  }
0x4: {  	_ = 	snop  }
0x5: {  	_ = 	snop  }
0x6: {  	_ = 	snop  }
0x7: {  	_ = 	snop  }
__scs_overlays_trampoline_lowered:
0x8: {  	[smem:$0x3FA5] =	sst s0  }
0x9: {  	[smem:$0x3FA6] =	sst s1  }
0xa: {  	[smem:$0x3FA7] =	sst s2  }
0xb: {  	[smem:$0x3FA8] =	sst s3  }
0xc: {  	[smem:$0x3FA9] =	sst s4  }
0xd: {  	[smem:$0x3FAA] =	sst s5  }
0xe: {  	[smem:$0x3FAB] =	sst s6  }
0xf: {  	[smem:$0x3FAC] =	sst s7  }
0x10: {  	[smem:$0x3FAD] =	sst s8  }
0x11: {  	[smem:$0x3FAE] =	sst s9;
	s0 =	simm.s32 @!p0 $0x0  }
0x12: {  	s1 =	sld [smem:$0x3F94];
	s0 =	simm.s32 @p0 $0x1  }
0x13: {  	[smem:$0x3FAF] =	sst s0;
	s0 =	simm.s32 @!p1 $0x0  }
0x14: {  	s2 =	sld [smem:$0x3F93];
	s0 =	simm.s32 @p1 $0x1  }
0x15: {  	[smem:$0x3FB0] =	sst s0;
	s0 =	simm.s32 @!p2 $0x0  }
0x16: {  	s3 =	sld [smem:$0x3FDB];
	s0 =	simm.s32 @p2 $0x1  }
0x17: {  	s4 =	simm.s32 $0x1BF5;
	[smem:$0x3FB2] =	sst s0  }
0x18: {  	s0 =	sld [smem:$0x3F95];
	_ =	swait.ge [sflag:s4], $0x0  }
0x19: {  	s7 =	sld [smem:$0x3F96]  }
0x1a: {  	s8 =	sadd.s32 $0xFFFFE003, lr  }
0x1b: {  	s9 =	sadd.s32 $0xFFFFFEF7, lr;
	s5 =	simm.s32 $0xFFFFFFFF;
	p2 =	slt.u32 s8, $0xFFFFF086  }
0x1c: {  	p1 =	slt.u32 s9, $0xF7A;
	s5 =	simm.s32 @!p2 $0x0  }
0x1d: {  	s5 =	simm.s32 @p1 $0x1;
	p0 =	seq.s32 s7, s2  }
0x1e: {  	s7 =	smul.u32 @!p0 $0xF7A, s2;
	p2 =	seq.s32 @!p0 s5, $0x0  }
0x1f: {  	s9 =	smul.u32 $0xF7A, s1;
	s8 =	simm.s32 @!p0 $0x1BF5;
	p2 =	por !p2, p0  }
0x20: {  	[sflag:s8] =	ssyncset.s32 @!p0 $0xFFFFF086;
	s6 =	sadd.s32 @!p0 s3, s7;
	s7 =	simm.s32 @!p0 $0x108  }
0x21: {  	s3 =	sadd.s32 s3, s9;
	s6 =	sadd.s32 @!p0 $0x88, s6;
	s7 =	simm.s32 @p2 $0x1082  }
0x22: {  	[simem:s7], [sflag:s8] =	dma.local @!p0 [hbm:s6], $0xF7A  }
0x23: {  	s9 =	sor.u32 $0xD0000000, s2;
	s6 =	simm.s32 $0x108;
	_ =	swait.ge @!p0 [sflag:s8], $0x0  }
0x24: {  	s3 =	sadd.s32 $0x88, s3;
	s6 =	simm.s32 @!p1 $0x1082;
	[sflag:s4] =	ssyncset.s32 $0xFFFFF086  }
0x25: {  	[simem:s6], [sflag:s4] =	dma.local [hbm:s3], $0xF7A  }
0x26: {  	[smem:$0x3F96] =	sst s1;
	(tag) =	ssettag s2;
	_ =	strace s9  }
0x27: {  	s1 =	sld [smem:$0x3FA6]  }
0x28: {  	s2 =	sld [smem:$0x3FA7]  }
0x29: {  	s4 =	sld [smem:$0x3FA9]  }
0x2a: {  	p0 =	seq.s32 s5, $0x0;
	s5 =	sld [smem:$0x3FAA]  }
0x2b: {  	s6 =	sld [smem:$0x3FAB]  }
0x2c: {  	s7 =	sld [smem:$0x3FAC]  }
0x2d: {  	s3 =	simm.s32 $0x108;
	s8 =	sld [smem:$0x3FAD]  }
0x2e: {  	s3 =	simm.s32 @!p0 $0x1082;
	s9 =	sld [smem:$0x3FAE]  }
0x2f: {  	lr =	sadd.s32 s0, s3;
	s0 =	sld [smem:$0x3FA5]  }
0x30: {  	s3 =	sld [smem:$0x3FA8]  }
0x31: {  	[smem:$0x3FB1] =	sst s10  }
0x32: {  	s10 =	sld [smem:$0x3FAF];
	_ =	sdelay $0x3  }
0x33: {  	p0 =	seq.s32 s10, $0x1;
	s10 =	sld [smem:$0x3FB1];
	_ =	sdelay $0x3  }
0x34: {  	[smem:$0x3FB1] =	sst s10  }
0x35: {  	s10 =	sld [smem:$0x3FB0];
	_ =	sdelay $0x3  }
0x36: {  	p1 =	seq.s32 s10, $0x1;
	s10 =	sld [smem:$0x3FB1];
	_ =	sdelay $0x3  }
0x37: {  	[smem:$0x3FB1] =	sst s10  }
0x38: {  	s10 =	sld [smem:$0x3FB2]  }
0x39: {  	_ = 	snop;
	(pc) =	sbr.ind lr, $3  }
0x3a: {  	_ = 	snop  }
0x3b: {  	_ = 	snop  }
0x3c: {  	p2 =	seq.s32 s10, $0x1;
	s10 =	sld [smem:$0x3FB1]  }
0x3d: {  	_ =	shalt  }
0x3e: {  	_ =	shalt  }
0x3f: {  	_ =	shalt  }
0x40: {  	_ =	shalt  }
0x41: {  	_ =	shalt  }
0x42: {  	_ =	shalt  }
0x43: {  	_ =	shalt  }
0x44: {  	_ =	shalt  }
0x45: {  	_ =	shalt  }
0x46: {  	_ =	shalt  }
0x47: {  	_ =	shalt  }
0x48: {  	_ =	shalt  }
0x49: {  	_ =	shalt  }
0x4a: {  	_ =	shalt  }
0x4b: {  	_ =	shalt  }
0x4c: {  	_ =	shalt  }
0x4d: {  	_ =	shalt  }
0x4e: {  	_ =	shalt  }
0x4f: {  	_ =	shalt  }
0x50: {  	_ =	shalt  }
0x51: {  	_ =	shalt  }
0x52: {  	_ =	shalt  }
0x53: {  	_ =	shalt  }
0x54: {  	_ =	shalt  }
0x55: {  	_ =	shalt  }
0x56: {  	_ =	shalt  }
0x57: {  	_ =	shalt  }
0x58: {  	_ =	shalt  }
0x59: {  	_ =	shalt  }
0x5a: {  	_ =	shalt  }
0x5b: {  	_ =	shalt  }
0x5c: {  	_ =	shalt  }
0x5d: {  	_ =	shalt  }
0x5e: {  	_ =	shalt  }
0x5f: {  	_ =	shalt  }
0x60: {  	_ =	shalt  }
0x61: {  	_ =	shalt  }
0x62: {  	_ =	shalt  }
0x63: {  	_ =	shalt  }
0x64: {  	_ =	shalt  }
0x65: {  	_ =	shalt  }
0x66: {  	_ =	shalt  }
0x67: {  	_ =	shalt  }
0x68: {  	_ =	shalt  }
0x69: {  	_ =	shalt  }
0x6a: {  	_ =	shalt  }
0x6b: {  	_ =	shalt  }
0x6c: {  	_ =	shalt  }
0x6d: {  	_ =	shalt  }
0x6e: {  	_ =	shalt  }
0x6f: {  	_ =	shalt  }
0x70: {  	_ =	shalt  }
0x71: {  	_ =	shalt  }
0x72: {  	_ =	shalt  }
0x73: {  	_ =	shalt  }
0x74: {  	_ =	shalt  }
0x75: {  	_ =	shalt  }
0x76: {  	_ =	shalt  }
0x77: {  	_ =	shalt  }
0x78: {  	_ =	shalt  }
0x79: {  	_ =	shalt  }
0x7a: {  	_ =	shalt  }
0x7b: {  	_ =	shalt  }
0x7c: {  	_ =	shalt  }
0x7d: {  	_ =	shalt  }
0x7e: {  	_ =	shalt  }
0x7f: {  	_ =	shalt  }
0x80: {  	_ =	shalt  }
0x81: {  	_ =	shalt  }
0x82: {  	_ =	shalt  }
0x83: {  	_ =	shalt  }
0x84: {  	_ =	shalt  }
0x85: {  	_ =	shalt  }
0x86: {  	_ =	shalt  }
0x87: {  	_ =	shalt  }
.Lfunc_end0:
.L_simem_size_0:
called_computation.1_lowered:
.L_overlay_start_0:
0x88: {  	s2 =	sld [smem:$0x3FD9]  }
0x89: {  	s3 =	sld [smem:$0x3FFE];
	_ =	sdelay $0x1  }
0x8a: {  	s1 =	srdreg.scid  }
0x8b: {  	s0 =	sand.u32 $0x1, s1  }
0x8c: {  	s17 =	sshll.u32 s0, $0xA;
	s2 =	sadd.s32 s3, s2  }
0x8d: {  	s2 =	sadd.s32 s2, s17  }
0x8e: {  	[smem:$0x3FBD] =	sst s2  }
0x8f: {  	_ = 	snop  }
0x90: {  	s2 =	sld [smem:$0x3FC9]  }
0x91: {  	s18 =	sld [smem:$0x3FC8]  }
0x92: {  	s4 =	sld [smem:$0x3FD0];
	(tm) =	ssettm $0x1  }
0x93: {  	s5 =	sld [smem:$0x3FFB];
	_ =	sdelay $0x3  }
0x94: {  	_ =	strace s5  }
0x95: {  	s5 =	sld [smem:$0x3FFC];
	_ =	sdelay $0x3  }
0x96: {  	_ =	strace s5  }
0x97: {  	s5 =	sld [smem:$0x3FFD];
	_ =	sdelay $0x3  }
0x98: {  	_ =	strace s5  }
0x99: {  	_ =	strace $0x8FFFFFFF  }
0x9a: {  	s19 =	sld [smem:$0x3FDB];
	_ =	sdelay $0x1  }
0x9b: {  	s6 =	simm.s32 $_scs_section_size  }
0x9c: {  	s7 =	simm.s32 $_size__tile_overlayer_lowered;
	s8 =	simm.s32 $_tile_overlayer_lowered  }
0x9d: {  	s22 =	simm.s32 $0x1BFF;
	s21 =	sshll.u32 s8, $0x1;
	s5 =	sadd.s32 s6, s19  }
0x9e: {  	s9 =	simm.s32 $0x0;
	s20 =	sshll.u32 s7, $0x1;
	s7 =	sadd.s32 s21, s5  }
0x9f: {  	[timem:s9], [sflag:s22] =	dma.local [hbm:s7], s20  }
0xa0: {  	_ =	swait.ge [sflag:s22], s20  }
0xa1: {  	s6 =	ssub.s32 $0x0, s20;
	[sflag:s22] =	ssyncset.done $0x0  }
0xa2: {  	[sflag:s22] =	ssyncadd.s32 s6;
	_ =	sdelay $0x1  }
0xa3: {  	s23 =	simm.s32 $0x1B8B  }
0xa4: {  	_ =	swait.ge [sflag:s23], $0x1  }
0xa5: {  	[sflag:s23] =	ssyncset.done $0x0  }
0xa6: {  	s25 =	simm.s32 $0x1B8E;
	s24 =	sld [smem:$0x3FFE];
	[sflag:s23] =	ssyncadd.s32 $0xFFFFFFFF  }
0xa7: {  	s26 =	simm.s32 $execute0_lowered;
	[smem:$0x3FD2] =	sst s25  }
0xa8: {  	s7 =	sshll.u32 s26, $0x1;
	_ =	strace $0x80000049;
	[dreg:$0x1] =	wrdreg $0xFFFFFFFF  }
0xa9: {  	s28 =	simm.s32 $_size_execute0_lowered;
	s5 =	sadd.s32 s5, s7;
	[dreg:$0x0] =	wrdreg $0x0  }
0xaa: {  	s7 =	sshll.u32 s28, $0x1;
	[dreg:$0x2] =	wrdreg s5  }
0xab: {  	[dreg:$0x3] =	wrdreg s7  }
0xac: {  	[dreg:$0x4] =	wrdreg $0xC0  }
0xad: {  	_ =	task [dreg:s9], $0x5FFFF  }
0xae: {  	[dreg:$0x1] =	wrdreg $0xFFFFFFFF  }
0xaf: {  	[dreg:$0x0] =	wrdreg $0x60  }
0xb0: {  	[dreg:$0x2] =	wrdreg s2  }
0xb1: {  	[dreg:$0x3] =	wrdreg s18  }
0xb2: {  	[dreg:$0x4] =	wrdreg s24  }
0xb3: {  	[dreg:$0x5] =	wrdreg s4  }
0xb4: {  	[dreg:$0x6] =	wrdreg $0x9  }
0xb5: {  	_ =	task.clear_ibuf [dreg:s9], $0x7FFFF;
	_ =	strace $0x90000049  }
0xb6: {  	s29 =	simm.s32 $0x9;
	_ =	strace $0x8000004B  }
0xb7: {  	_ =	swait.ge [sflag:s29], $0x1  }
0xb8: {  	[sflag:s29] =	ssyncadd.s32 $0xFFFFFFFF  }
0xb9: {  	_ =	strace $0x9000004B  }
0xba: {  	_ =	sfence  }
0xbb: {  	s30 =	sld [smem:$0x0];
	_ =	sdelay $0x2  }
0xbc: {  	s31 =	sshll.u32 s1, $0xD;
	s1 =	sshrl.u32 s1, $0x2  }
0xbd: {  	s3 =	sand.u32 $0x4000, s31;
	s1 =	sadd.s32 s1, s30  }
0xbe: {  	s0 =	sor.u32 s3, s0;
	s1 =	sshll.u32 s1, $0x11  }
0xbf: {  	s0 =	sor.u32 s1, s0  }
0xc0: {  	s0 =	sadd.s32 $0x8F2B, s0  }
0xc1: {  	[sflag:s0] =	ssyncadd.remote.s32 $0x1  }
0xc2: {  	_ =	sfence.sel $0xFFFF  }
0xc3: {  	[dreg:$0x0] =	wrdreg $0xFFFFFFFF;
	(pc) =	sbr.abs _section_cstart, $3  }
0xc4: {  	[dreg:$0x1] =	wrdreg $0xFFFFFFFF  }
0xc5: {  	_ =	task.clear_ibuf [dreg:s9], $0x2FFFF;
	_ =	strace $0x9FFFFFFF  }
0xc6: {  	(tm) =	ssettm $0x7FFFFFFF  }
0xc7: {  	_ =	shalt  }
tec
execute0_lowered:
.L_overlay_start_1:
0x0: {  	(tag) =	ssettag $0x1  }
0x1: {  	s0 =	rddreg [dreg:$0x0]  }
0x2: {  	s2 =	rddreg [dreg:$0x1]  }
0x3: {  	s5 =	rddreg [dreg:$0x2]  }
0x4: {  	s15 =	rddreg [dreg:$0x3];
	s1 =	simm.s32 $0x0;
	s4 =	srdreg.scid  }
0x5: {  	s8 =	stileid.u32;
	s17 =	simm.s32 $0x2;
	s19 =	simm.s32 $0x80  }
0x6: {  	s29 =	simm.s32 $0xA00;
	s31 =	simm.s32 $0x2A00;
	s18 =	simm.s32 $0x880  }
0x7: {  	s20 =	simm.s32 $0x700;
	s21 =	simm.s32 $0x900;
	s22 =	simm.s32 $0x780  }
0x8: {  	s23 =	simm.s32 $0x980;
	s24 =	simm.s32 $0x0;
	[smem:$0x7FF] =	sst s1  }
0x9: {  	s3 =	sadd.s32 $0x1000, s5;
	s14 =	sadd.s32 $0x5E200, s5;
	s6 =	sand.u32 $0x1, s4  }
0xa: {  	s4 =	sadd.s32 $0x1FE200, s5;
	s8 =	sshll.u32 s8, $0x1;
	s5 =	sadd.s32 $0x67E200, s5  }
0xb: {  	_ =	strace $0x8000004A;
	s7 =	ssub.s32 $0x2, s6;
	s6 =	sor.u32 s6, s8  }
0xc: {  	s9 =	sshrl.u32 s7, $0x1;
	s25 =	sshll.u32 s6, $0x6;
	s12 =	sshll.u32 s6, $0xC  }
0xd: {  	s16 =	ssub.s32 s7, s9;
	s6 =	sadd.s32 s0, s25;
	s7 =	sadd.s32 s2, s25  }
0xe: {  	s26 =	sor.u32 $0x400, s12;
	s8 =	sadd.s32 s14, s12;
	s9 =	sadd.s32 s15, s12  }
0xf: {  	s28 =	sor.u32 $0x800, s12;
	s30 =	sor.u32 $0xC00, s12;
	s0 =	simm.s32 $0x4A00  }
0x10: {  	s2 =	simm.s32 $0x680;
	s10 =	sadd.s32 s14, s26;
	s11 =	sadd.s32 s15, s26  }
0x11: {  	s12 =	sadd.s32 s14, s28;
	s13 =	sadd.s32 s15, s28;
	s14 =	sadd.s32 s14, s30  }
0x12: {  	s15 =	sadd.s32 s15, s30;
	s16 =	smax.u32 s16, $0x1;
	s26 =	simm.s32 $0x1  }
.LBB2_1:
0x13: {  	[tilespmem:s1], [sflag:$0x2] =	stream.linear.gather [hbm4b:s6+s1], $0x200, $0x38;
	[tilespmem:$0x6A00] =	vst v63  }
0x14: {  	_ =	swait.ge [sflag:s17], $0x200  }
0x15: {  	[sflag:s17] =	ssyncset.done $0x0  }
0x16: {  	s25 =	simm.s32 $0x200;
	[sflag:s17] =	ssyncadd.s32 $0xFFFFFE00  }
0x17: {  	[tilespmem:s25], [sflag:$0x2] =	stream.linear.gather [hbm4b:s7+s1], $0x200, $0x38;
	[tilespmem:$0x6A00] =	vst v63  }
0x18: {  	_ =	swait.ge [sflag:s17], $0x200  }
0x19: {  	[sflag:s17] =	ssyncset.done $0x0  }
0x1a: {  	s30 =	simm.s32 $0x400;
	[sflag:s17] =	ssyncadd.s32 $0xFFFFFE00  }
0x1b: {  	[tilespmem:s30], [sflag:$0x1] =	stream.indirect.gather [hbm4b:s3+s19], $0x1, s1, s19, $0xb8;
	[tilespmem:$0x6A00] =	vst v63  }
0x1c: {  	s30 =	simm.s32 $0x480  }
0x1d: {  	[tilespmem:s30], [sflag:$0x1] =	stream.indirect.gather [hbm4b:s3+s19], $0x1, s19, s19, $0xb8;
	[tilespmem:$0x6A00] =	vst v63  }
0x1e: {  	s28 =	simm.s32 $0x500;
	s30 =	simm.s32 $0x100  }
0x1f: {  	[tilespmem:s28], [sflag:$0x1] =	stream.indirect.gather [hbm4b:s3+s19], $0x1, s30, s19, $0xb8;
	[tilespmem:$0x6A00] =	vst v63  }
0x20: {  	s30 =	simm.s32 $0x180;
	s28 =	simm.s32 $0x580  }
0x21: {  	[tilespmem:s28], [sflag:$0x1] =	stream.indirect.gather [hbm4b:s3+s19], $0x1, s30, s19, $0xb8;
	[tilespmem:$0x6A00] =	vst v63  }
0x22: {  	_ =	swait.ge [sflag:s26], $0x80  }
0x23: {  	[sflag:s26] =	ssyncset.done $0x0  }
0x24: {  	[sflag:s26] =	ssyncadd.s32 $0xFFFFFF80  }
0x25: {  	_ =	swait.ge [sflag:s26], $0x80  }
0x26: {  	[sflag:s26] =	ssyncset.done $0x0  }
0x27: {  	[sflag:s26] =	ssyncadd.s32 $0xFFFFFF80  }
0x28: {  	_ =	swait.ge [sflag:s26], $0x80  }
0x29: {  	[sflag:s26] =	ssyncset.done $0x0  }
0x2a: {  	[sflag:s26] =	ssyncadd.s32 $0xFFFFFF80  }
0x2b: {  	_ =	swait.ge [sflag:s26], $0x80  }
0x2c: {  	[sflag:s26] =	ssyncset.done $0x0  }
0x2d: {  	[sflag:s26] =	ssyncadd.s32 $0xFFFFFF80  }
0x2e: {  	v0 =	vld [tilespmem:$0x400]  }
0x2f: {  	v4 =	vld [tilespmem:$0x410]  }
0x30: {  	v6 =	vld [tilespmem:$0x430]  }
0x31: {  	v13 =	vld [tilespmem:$0x450]  }
0x32: {  	v19 =	vld [tilespmem:$0x470]  }
0x33: {  	v62 =	vld [tilespmem:$0x480]  }
0x34: {  	v28 =	vld [tilespmem:$0x490]  }
0x35: {  	v33 =	vld [tilespmem:$0x4A0]  }
0x36: {  	v39 =	vld [tilespmem:$0x4D0];
	v2 =	vshrl.u32 v0, $0x2;
	v3 =	vshrl.u32 v0, $0x1;
	v0 =	vmul.u32 $0x18, v0  }
0x37: {  	v43 =	vld [tilespmem:$0x4E0];
	v5 =	vshrl.u32 v4, $0x2;
	v11 =	vshrl.u32 v6, $0x2;
	v12 =	vshrl.u32 v6, $0x1  }
0x38: {  	v54 =	vld [tilespmem:$0x500];
	v6 =	vmul.u32 $0x18, v6;
	v59 =	vshrl.u32 v13, $0x2;
	v15 =	vshrl.u32 v13, $0x1  }
0x39: {  	v13 =	vmul.u32 $0x18, v13;
	v27 =	vshrl.u32 v19, $0x2;
	v30 =	vshrl.u32 v19, $0x1  }
0x3a: {  	v21 =	vshrl.u32 v62, $0x2;
	v22 =	vshrl.u32 v62, $0x1;
	v19 =	vmul.u32 $0x18, v19  }
0x3b: {  	v34 =	vshrl.u32 v28, $0x2;
	v23 =	vshrl.u32 v28, $0x1;
	v25 =	vshrl.u32 v33, $0x2  }
0x3c: {  	v26 =	vshrl.u32 v33, $0x1;
	v48 =	vshrl.u32 v39, $0x2;
	v49 =	vshrl.u32 v39, $0x1  }
0x3d: {  	v1 =	vld [tilespmem:$0x200];
	v52 =	vshrl.u32 v43, $0x1;
	v55 =	vmul.u32 $0x18, v43;
	v57 =	vshrl.u32 v54, $0x1  }
0x3e: {  	v10 =	vld [tilespmem:$0x230];
	v2 =	vand.u32 $0x3FFFFFC0, v2;
	v3 =	vand.u32 $0x3F, v3;
	v11 =	vand.u32 $0x3FFFFFC0, v11  }
0x3f: {  	v24 =	vld [tilespmem:$0x4B0];
	v12 =	vand.u32 $0x3F, v12;
	v15 =	vand.u32 $0x3F, v15;
	v31 =	vand.u32 $0x3FFFFFC0, v21  }
0x40: {  	v36 =	vld [tilespmem:$0x2A0];
	v32 =	vand.u32 $0x3F, v22;
	v21 =	vand.u32 $0x3FFFFFC0, v34;
	v23 =	vand.u32 $0x3F, v23  }
0x41: {  	v25 =	vand.u32 $0x3FFFFFC0, v25;
	v26 =	vand.u32 $0x3F, v26;
	v22 =	vmul.u32 $0x18, v33  }
0x42: {  	v35 =	vld [tilespmem:$0x290];
	v50 =	vand.u32 $0x3F, v49;
	v2 =	vor.u32 v3, v2;
	v0 =	vadd.s32 v1, v0  }
0x43: {  	v3 =	vld [tilespmem:$0x420];
	v21 =	vor.u32 v23, v21;
	v25 =	vor.u32 v26, v25;
	v2 =	vmul.u32 $0x18, v2  }
0x44: {  	v7 =	vld [tilespmem:$0x210];
	v6 =	vadd.s32 v10, v6;
	v21 =	vmul.u32 $0x18, v21;
	v25 =	vmul.u32 $0x18, v25  }
0x45: {  	v22 =	vadd.s32 v36, v22;
	[tilespmem:$0x800] =	vst v0;
	v0 =	vmul.u32 $0x18, v24;
	v2 =	vadd.s32 v1, v2  }
0x46: {  	v1 =	vand.u32 $0x3FFFFFC0, v5;
	v5 =	vshrl.u32 v4, $0x1;
	v4 =	vmul.u32 $0x18, v4  }
0x47: {  	v47 =	vld [tilespmem:$0x2D0];
	v40 =	vadd.s32 v35, v21;
	v42 =	vadd.s32 v36, v25;
	v5 =	vand.u32 $0x3F, v5  }
0x48: {  	v8 =	vshrl.u32 v3, $0x2;
	v9 =	vshrl.u32 v3, $0x1;
	v1 =	vor.u32 v5, v1;
	v5 =	vld [tilespmem:$0x220]  }
0x49: {  	v36 =	vld [tilespmem:$0x550];
	v4 =	vadd.s32 v7, v4;
	v8 =	vand.u32 $0x3FFFFFC0, v8;
	v9 =	vand.u32 $0x3F, v9  }
0x4a: {  	v1 =	vmul.u32 $0x18, v1;
	[tilespmem:$0x810] =	vst v4;
	v4 =	vand.u32 $0x3FFFFFC0, v48;
	v8 =	vor.u32 v9, v8;
	v9 =	vld [tilespmem:$0x440]  }
0x4b: {  	v3 =	vmul.u32 $0x18, v3;
	v4 =	vor.u32 v50, v4;
	v8 =	vmul.u32 $0x18, v8  }
0x4c: {  	v1 =	vadd.s32 v7, v1;
	v7 =	vor.u32 v12, v11;
	v4 =	vmul.u32 $0x18, v4  }
0x4d: {  	v14 =	vld [tilespmem:$0x240];
	[tilespmem:$0x690] =	vst v40;
	v8 =	vadd.s32 v5, v8;
	v3 =	vadd.s32 v5, v3;
	v5 =	vmul.u32 $0x18, v7  }
0x4e: {  	v40 =	vshrl.u32 v36, $0x1;
	v7 =	vld [tilespmem:$0x460];
	v4 =	vadd.s32 v47, v4;
	[tilespmem:$0x620] =	vst v8;
	v8 =	vshrl.u32 v43, $0x2  }
0x4f: {  	v11 =	vshrl.u32 v9, $0x2;
	v58 =	vshrl.u32 v9, $0x1;
	v5 =	vadd.s32 v10, v5  }
0x50: {  	v53 =	vld [tilespmem:$0x4F0];
	v9 =	vmul.u32 $0x18, v9;
	v8 =	vand.u32 $0x3FFFFFC0, v8;
	v11 =	vand.u32 $0x3FFFFFC0, v11  }
0x51: {  	v12 =	vand.u32 $0x3F, v58;
	[tilespmem:$0x630] =	vst v5;
	v5 =	vmul.u32 $0x18, v39;
	v58 =	vand.u32 $0x3F, v57  }
0x52: {  	v39 =	vshrl.u32 v36, $0x2;
	v10 =	vor.u32 v12, v11;
	v12 =	vand.u32 $0x3FFFFFC0, v59  }
0x53: {  	[tilespmem:$0x6D0] =	vst v4;
	v4 =	vld [tilespmem:$0x570];
	v9 =	vadd.s32 v14, v9;
	v10 =	vmul.u32 $0x18, v10;
	v17 =	vshrl.u32 v7, $0x2  }
0x54: {  	v16 =	vld [tilespmem:$0x260];
	v18 =	vshrl.u32 v7, $0x1;
	v12 =	vor.u32 v15, v12;
	v7 =	vmul.u32 $0x18, v7  }
0x55: {  	v20 =	vld [tilespmem:$0x280];
	v5 =	vadd.s32 v47, v5;
	[tilespmem:$0x840] =	vst v9;
	v9 =	vshrl.u32 v53, $0x2;
	v60 =	vand.u32 $0x3FFFFFC0, v17  }
0x56: {  	v11 =	vld [tilespmem:$0x250];
	v61 =	vand.u32 $0x3F, v18;
	v12 =	vmul.u32 $0x18, v12;
	v18 =	vand.u32 $0x3F, v30  }
0x57: {  	v17 =	vmul.u32 $0x18, v62;
	v9 =	vand.u32 $0x3FFFFFC0, v9;
	v62 =	vmul.u32 $0x18, v53  }
0x58: {  	v29 =	vld [tilespmem:$0x270];
	v49 =	vshrl.u32 v4, $0x2;
	v50 =	vshrl.u32 v4, $0x1;
	v15 =	vor.u32 v61, v60  }
0x59: {  	v10 =	vadd.s32 v14, v10;
	v7 =	vadd.s32 v16, v7;
	v14 =	vand.u32 $0x3FFFFFC0, v27  }
0x5a: {  	v51 =	vld [tilespmem:$0x2E0];
	v15 =	vmul.u32 $0x18, v15;
	v14 =	vor.u32 v18, v14;
	v18 =	vor.u32 v32, v31  }
0x5b: {  	v17 =	vadd.s32 v20, v17;
	[tilespmem:$0x640] =	vst v10;
	v10 =	vshrl.u32 v53, $0x1;
	v12 =	vadd.s32 v11, v12  }
0x5c: {  	v30 =	vld [tilespmem:$0x4C0];
	v11 =	vadd.s32 v11, v13;
	v14 =	vmul.u32 $0x18, v14;
	v18 =	vmul.u32 $0x18, v18  }
0x5d: {  	v10 =	vand.u32 $0x3F, v10;
	v63 =	vadd.s32 v16, v15;
	v16 =	vadd.s32 v29, v19  }
0x5e: {  	v56 =	vld [tilespmem:$0x2F0];
	v15 =	vmul.u32 $0x18, v28;
	v28 =	vshrl.u32 v24, $0x2;
	[tilespmem:$0x650] =	vst v12;
	v9 =	vor.u32 v10, v9  }
0x5f: {  	v27 =	vld [tilespmem:$0x2B0];
	[tilespmem:$0x850] =	vst v11;
	v11 =	vshrl.u32 v54, $0x2;
	v12 =	vadd.s32 v51, v55;
	v14 =	vadd.s32 v29, v14  }
0x60: {  	[tilespmem:$0x610] =	vst v1;
	v61 =	vld [tilespmem:$0x520];
	v18 =	vadd.s32 v20, v18;
	v29 =	vshrl.u32 v24, $0x1;
	v37 =	vand.u32 $0x3FFFFFC0, v28  }
0x61: {  	v46 =	vld [tilespmem:$0x2C0];
	[tilespmem:$0x820] =	vst v3;
	v44 =	vshrl.u32 v30, $0x2;
	v45 =	vshrl.u32 v30, $0x1;
	v3 =	vmul.u32 $0x18, v30  }
0x62: {  	[tilespmem:$0x660] =	vst v63;
	v9 =	vmul.u32 $0x18, v9;
	v11 =	vand.u32 $0x3FFFFFC0, v11;
	v63 =	vmul.u32 $0x18, v54  }
0x63: {  	[tilespmem:$0x860] =	vst v7;
	v38 =	vand.u32 $0x3F, v29;
	v15 =	vadd.s32 v35, v15;
	v21 =	vand.u32 $0x3FFFFFC0, v44  }
0x64: {  	v53 =	vld [tilespmem:$0x590];
	v25 =	vand.u32 $0x3F, v45;
	v0 =	vadd.s32 v27, v0;
	v7 =	vor.u32 v58, v11;
	[tilespmem:$0x670] =	vst v14  }
0x65: {  	[tilespmem:$0x680] =	vst v18;
	v14 =	vadd.s32 v56, v62;
	v28 =	vshrl.u32 v61, $0x1;
	v26 =	vor.u32 v38, v37  }
0x66: {  	v10 =	vld [tilespmem:$0x300];
	v1 =	vor.u32 v25, v21;
	v25 =	vand.u32 $0x3F, v52;
	v3 =	vadd.s32 v46, v3;
	[tilespmem:$0x890] =	vst v15  }
0x67: {  	v7 =	vmul.u32 $0x18, v7;
	v9 =	vadd.s32 v56, v9;
	v18 =	vand.u32 $0x3F, v28;
	[tilespmem:$0x8B0] =	vst v0  }
0x68: {  	v29 =	vld [tilespmem:$0x320];
	v0 =	vmul.u32 $0x18, v61;
	v15 =	vand.u32 $0x3F, v40;
	[tilespmem:$0x8F0] =	vst v14;
	v14 =	vand.u32 $0x3FFFFFC0, v49  }
0x69: {  	v38 =	vld [tilespmem:$0x560];
	v56 =	vshrl.u32 v53, $0x2;
	v57 =	vshrl.u32 v53, $0x1;
	v41 =	vmul.u32 $0x18, v26  }
0x6a: {  	[tilespmem:$0x830] =	vst v6;
	v1 =	vmul.u32 $0x18, v1;
	v8 =	vor.u32 v25, v8;
	v58 =	vand.u32 $0x3F, v57  }
0x6b: {  	[tilespmem:$0x600] =	vst v2;
	v25 =	vld [tilespmem:$0x530];
	v6 =	vmul.u32 $0x18, v8;
	v7 =	vadd.s32 v10, v7;
	v10 =	vadd.s32 v10, v63  }
0x6c: {  	[tilespmem:$0x880] =	vst v17;
	v26 =	vld [tilespmem:$0x540];
	v2 =	vadd.s32 v27, v41;
	v1 =	vadd.s32 v46, v1;
	v27 =	vshrl.u32 v61, $0x2  }
0x6d: {  	v8 =	vld [tilespmem:$0x510];
	[tilespmem:$0x700] =	vst v7;
	v7 =	vmul.u32 $0x18, v36;
	v6 =	vadd.s32 v51, v6;
	v17 =	vand.u32 $0x3FFFFFC0, v27  }
0x6e: {  	v0 =	vadd.s32 v29, v0;
	v17 =	vor.u32 v18, v17;
	v44 =	vshrl.u32 v38, $0x2  }
0x6f: {  	v48 =	vld [tilespmem:$0x370];
	v45 =	vshrl.u32 v38, $0x1;
	v52 =	vmul.u32 $0x18, v38;
	[tilespmem:$0x920] =	vst v0;
	v0 =	vmul.u32 $0x18, v4  }
0x70: {  	v31 =	vshrl.u32 v25, $0x2;
	v32 =	vshrl.u32 v25, $0x1;
	v17 =	vmul.u32 $0x18, v17  }
0x71: {  	v33 =	vld [tilespmem:$0x340];
	[tilespmem:$0x6E0] =	vst v6;
	v34 =	vshrl.u32 v26, $0x2;
	v35 =	vshrl.u32 v26, $0x1;
	v6 =	vmul.u32 $0x18, v26  }
0x72: {  	[tilespmem:$0x6A0] =	vst v42;
	v54 =	vld [tilespmem:$0x5A0];
	v46 =	vand.u32 $0x3FFFFFC0, v44;
	v47 =	vand.u32 $0x3F, v45;
	v11 =	vshrl.u32 v8, $0x2  }
0x73: {  	[tilespmem:$0x8D0] =	vst v5;
	v60 =	vshrl.u32 v8, $0x1;
	v8 =	vmul.u32 $0x18, v8;
	v19 =	vand.u32 $0x3FFFFFC0, v31  }
0x74: {  	v59 =	vld [tilespmem:$0x310];
	[tilespmem:$0x8E0] =	vst v12;
	v20 =	vand.u32 $0x3F, v32;
	v12 =	vor.u32 v47, v46;
	v0 =	vadd.s32 v48, v0  }
0x75: {  	[tilespmem:$0x6B0] =	vst v2;
	v11 =	vand.u32 $0x3FFFFFC0, v11;
	v13 =	vand.u32 $0x3F, v60;
	v2 =	vor.u32 v20, v19  }
0x76: {  	[tilespmem:$0x900] =	vst v10;
	v51 =	vld [tilespmem:$0x580];
	v19 =	vand.u32 $0x3FFFFFC0, v34;
	v20 =	vand.u32 $0x3F, v35;
	v10 =	vmul.u32 $0x18, v12  }
0x77: {  	v43 =	vld [tilespmem:$0x360];
	[tilespmem:$0x8C0] =	vst v3;
	v6 =	vadd.s32 v33, v6;
	v60 =	vshrl.u32 v54, $0x1;
	v37 =	vor.u32 v20, v19  }
0x78: {  	v41 =	vld [tilespmem:$0x350];
	[tilespmem:$0x6C0] =	vst v1;
	v11 =	vor.u32 v13, v11;
	v1 =	vmul.u32 $0x18, v2;
	v13 =	vmul.u32 $0x18, v37  }
0x79: {  	v30 =	vld [tilespmem:$0x330];
	[tilespmem:$0x6F0] =	vst v9;
	v2 =	vmul.u32 $0x18, v25;
	v3 =	vadd.s32 v59, v8;
	v8 =	vadd.s32 v29, v17  }
0x7a: {  	v61 =	vld [tilespmem:$0x5B0];
	[tilespmem:$0x940] =	vst v6;
	v11 =	vmul.u32 $0x18, v11;
	v5 =	vadd.s32 v33, v13;
	v13 =	vand.u32 $0x3FFFFFC0, v39  }
0x7b: {  	v55 =	vshrl.u32 v51, $0x1;
	[tilespmem:$0x910] =	vst v3;
	v42 =	vor.u32 v15, v13;
	v15 =	vand.u32 $0x3F, v50  }
0x7c: {  	v6 =	vmul.u32 $0x18, v51;
	[tilespmem:$0x720] =	vst v8;
	v11 =	vadd.s32 v59, v11;
	v14 =	vor.u32 v15, v14  }
0x7d: {  	v3 =	vadd.s32 v41, v7;
	v7 =	vadd.s32 v43, v10;
	[tilespmem:$0x710] =	vst v11;
	v11 =	vmul.u32 $0x18, v14  }
0x7e: {  	v10 =	vadd.s32 v43, v52;
	v1 =	vadd.s32 v30, v1;
	v2 =	vadd.s32 v30, v2;
	[tilespmem:$0x760] =	vst v7  }
0x7f: {  	v7 =	vshrl.u32 v61, $0x2;
	[tilespmem:$0x730] =	vst v1;
	v8 =	vadd.s32 v48, v11;
	v11 =	vshrl.u32 v51, $0x2  }
0x80: {  	v4 =	vld [tilespmem:$0x380];
	[tilespmem:$0x930] =	vst v2;
	v2 =	vand.u32 $0x3FFFFFC0, v56;
	v13 =	vand.u32 $0x3F, v55;
	v11 =	vand.u32 $0x3FFFFFC0, v11  }
0x81: {  	[tilespmem:$0x740] =	vst v5;
	v5 =	vshrl.u32 v54, $0x2;
	v9 =	vmul.u32 $0x18, v42;
	v1 =	vor.u32 v13, v11;
	v11 =	vld [tilespmem:$0x390]  }
0x82: {  	[tilespmem:$0x8A0] =	vst v22;
	v59 =	vld [tilespmem:$0x3A0];
	v7 =	vand.u32 $0x3FFFFFC0, v7;
	v2 =	vor.u32 v58, v2;
	v5 =	vand.u32 $0x3FFFFFC0, v5  }
0x83: {  	v62 =	vld [tilespmem:$0x5C0];
	[tilespmem:$0x970] =	vst v0;
	v9 =	vadd.s32 v41, v9;
	v13 =	vand.u32 $0x3F, v60;
	v1 =	vmul.u32 $0x18, v1  }
0x84: {  	v2 =	vmul.u32 $0x18, v2;
	[tilespmem:$0x750] =	vst v9;
	v9 =	vmul.u32 $0x18, v53;
	v5 =	vor.u32 v13, v5  }
0x85: {  	[tilespmem:$0x950] =	vst v3;
	v3 =	vmul.u32 $0x18, v5;
	v1 =	vadd.s32 v4, v1;
	v4 =	vadd.s32 v4, v6;
	v6 =	vld [tilespmem:$0x5D0]  }
0x86: {  	[tilespmem:$0x770] =	vst v8;
	v8 =	vmul.u32 $0x18, v54;
	v5 =	vadd.s32 v11, v9;
	v9 =	vshrl.u32 v61, $0x1  }
0x87: {  	v63 =	vld [tilespmem:$0x5E0];
	[tilespmem:$0x960] =	vst v10;
	v3 =	vadd.s32 v59, v3;
	v2 =	vadd.s32 v11, v2;
	v9 =	vand.u32 $0x3F, v9  }
0x88: {  	v10 =	vld [tilespmem:$0x3B0];
	[tilespmem:$0x780] =	vst v1;
	v11 =	vshrl.u32 v62, $0x1;
	v0 =	vor.u32 v9, v7;
	v9 =	vshrl.u32 v62, $0x2  }
0x89: {  	[tilespmem:$0x790] =	vst v2;
	v2 =	vmul.u32 $0x18, v61;
	v7 =	vld [tilespmem:$0x3C0];
	v1 =	vand.u32 $0x3FFFFFC0, v9;
	v9 =	vand.u32 $0x3F, v11  }
0x8a: {  	[tilespmem:$0x980] =	vst v4;
	v11 =	vld [tilespmem:$0x3D0];
	v4 =	vshrl.u32 v6, $0x2;
	v1 =	vor.u32 v9, v1;
	v9 =	vshrl.u32 v6, $0x1  }
0x8b: {  	[tilespmem:$0x990] =	vst v5;
	v5 =	vmul.u32 $0x18, v62;
	v4 =	vand.u32 $0x3FFFFFC0, v4;
	v9 =	vand.u32 $0x3F, v9  }
0x8c: {  	[tilespmem:$0x870] =	vst v16;
	v0 =	vmul.u32 $0x18, v0;
	v1 =	vmul.u32 $0x18, v1;
	v4 =	vor.u32 v9, v4;
	v9 =	vld [tilespmem:$0x5F0]  }
0x8d: {  	[tilespmem:$0x7A0] =	vst v3;
	v3 =	vadd.s32 v59, v8;
	v2 =	vadd.s32 v10, v2;
	v4 =	vmul.u32 $0x18, v4  }
0x8e: {  	[tilespmem:$0x9A0] =	vst v3;
	v0 =	vadd.s32 v10, v0;
	v1 =	vadd.s32 v7, v1;
	v3 =	vadd.s32 v7, v5  }
0x8f: {  	[tilespmem:$0x7B0] =	vst v0;
	v5 =	vshrl.u32 v63, $0x2;
	v7 =	vshrl.u32 v63, $0x1;
	v0 =	vadd.s32 v11, v4;
	v4 =	vld [tilespmem:$0x3E0]  }
0x90: {  	[tilespmem:$0x9B0] =	vst v2;
	v2 =	vmul.u32 $0x18, v6;
	v5 =	vand.u32 $0x3FFFFFC0, v5;
	v6 =	vand.u32 $0x3F, v7  }
0x91: {  	[tilespmem:$0x7C0] =	vst v1;
	v1 =	vor.u32 v6, v5;
	v5 =	vld [tilespmem:$0x3F0];
	v6 =	vshrl.u32 v9, $0x2;
	v7 =	vshrl.u32 v9, $0x1  }
0x92: {  	[tilespmem:$0x9C0] =	vst v3;
	v1 =	vmul.u32 $0x18, v1;
	v3 =	vand.u32 $0x3FFFFFC0, v6;
	v6 =	vand.u32 $0x3F, v7  }
0x93: {  	[tilespmem:$0x7D0] =	vst v0;
	v0 =	vadd.s32 v11, v2;
	v2 =	vmul.u32 $0x18, v63;
	v3 =	vor.u32 v6, v3  }
0x94: {  	[tilespmem:$0x9D0] =	vst v0;
	v0 =	vadd.s32 v4, v1;
	v1 =	vmul.u32 $0x18, v3  }
0x95: {  	[tilespmem:$0x7E0] =	vst v0;
	v0 =	vadd.s32 v4, v2;
	v2 =	vmul.u32 $0x18, v9  }
0x96: {  	[tilespmem:$0x9E0] =	vst v0;
	v0 =	vadd.s32 v5, v1  }
0x97: {  	[tilespmem:$0x7F0] =	vst v0;
	v0 =	vadd.s32 v5, v2  }
0x98: {  	s30 =	simm.s32 $0x600;
	[tilespmem:$0x9F0] =	vst v0  }
0x99: {  	[tilespmem:s29], [sflag:$0x1] =	stream.indirect.gather [hbm4b:s4+s19], $0x40, s30, s19, $0xb8;
	[tilespmem:$0x6A00] =	vst v63  }
0x9a: {  	s30 =	simm.s32 $0x800  }
0x9b: {  	[tilespmem:s31], [sflag:$0x1] =	stream.indirect.gather [hbm4b:s5+s19], $0x40, s30, s19, $0xb8;
	[tilespmem:$0x6A00] =	vst v63  }
0x9c: {  	_ = 	snop  }
0x9d: {  	[tilespmem:s0], [sflag:$0x1] =	stream.linear.gather [hbm4b:s8+s1], $0x2000, $0x38;
	[tilespmem:$0x6A00] =	vst v63  }
0x9e: {  	_ =	swait.ge [sflag:s26], $0x2000  }
0x9f: {  	[sflag:s26] =	ssyncset.done $0x0  }
0xa0: {  	[sflag:s26] =	ssyncadd.s32 $0xFFFFE000  }
0xa1: {  	_ =	swait.ge [sflag:s26], $0x2000  }
0xa2: {  	[sflag:s26] =	ssyncset.done $0x0  }
0xa3: {  	[sflag:s26] =	ssyncadd.s32 $0xFFFFE000  }
0xa4: {  	_ =	swait.ge [sflag:s26], $0x2000  }
0xa5: {  	[sflag:s26] =	ssyncset.done $0x0  }
0xa6: {  	s25 =	simm.s32 $0x0;
	[sflag:s26] =	ssyncadd.s32 $0xFFFFE000  }
0xa7: {  	v5 =	vld [tilespmem:s25+$0x2A00]  }
0xa8: {  	v4 =	vld [tilespmem:s25+$0x2A10]  }
0xa9: {  	v3 =	vld [tilespmem:s25+$0xA00]  }
0xaa: {  	v2 =	vld [tilespmem:s25+$0xA10]  }
0xab: {  	v1 =	vld [tilespmem:s25+$0xA20]  }
0xac: {  	v0 =	vld [tilespmem:s25+$0xA30]  }
0xad: {  	v7 =	vld [tilespmem:s25+$0x4A00]  }
0xae: {  	v8 =	vld [tilespmem:s25+$0x4A10]  }
0xaf: {  	s28 =	simm.s32 $0x100;
	v6 =	vld [tilespmem:s25+$0x4A20]  }
.LBB2_2:
0xb0: {  	p0 =	sne.s32 s28, $0x7F00;
	v9 =	vld [tilespmem:s25+$0x4A30]  }
0xb1: {  	v10 =	vld [tilespmem:s25+$0x2A20]  }
0xb2: {  	s30 =	sshra.s32 s28, $0x2;
	v3 =	vadd.f32 v3, v7;
	v7 =	vld [tilespmem:s25+$0x2A30]  }
0xb3: {  	v11 =	vld [tilespmem:s30+$0x2A00];
	v2 =	vadd.f32 v2, v8  }
0xb4: {  	v8 =	vld [tilespmem:s30+$0x2A10];
	v5 =	vadd.f32 v5, v3;
	v1 =	vadd.f32 v1, v6  }
0xb5: {  	v3 =	vld [tilespmem:s30+$0xA00];
	v4 =	vadd.f32 v4, v2;
	v0 =	vadd.f32 v0, v9  }
0xb6: {  	v2 =	vld [tilespmem:s30+$0xA10];
	[tilespmem:s25+$0x4A00] =	vst v5;
	v6 =	vadd.f32 v10, v1  }
.Ltmp0:
0xb7: {  	v1 =	vld [tilespmem:s30+$0xA20];
	[tilespmem:s25+$0x4A10] =	vst v4;
	v9 =	vadd.f32 v7, v0;
	(pc) =	sbr.rel @p0 .LBB2_2-.Ltmp0, $4  }
0xb8: {  	v0 =	vld [tilespmem:s30+$0xA30];
	[tilespmem:s25+$0x4A20] =	vst v6;
	v5 =	vmov v11  }
0xb9: {  	v7 =	vld [tilespmem:s30+$0x4A00];
	[tilespmem:s25+$0x4A30] =	vst v9;
	v4 =	vmov v8;
	s25 =	smov.u32 s30  }
0xba: {  	v8 =	vld [tilespmem:s25+$0x4A10]  }
0xbb: {  	s28 =	sadd.s32 $0x100, s28;
	v6 =	vld [tilespmem:s25+$0x4A20]  }
0xbc: {  	v9 =	vld [tilespmem:s25+$0x4A30]  }
0xbd: {  	v10 =	vld [tilespmem:s25+$0x2A20]  }
0xbe: {  	v3 =	vadd.f32 v3, v7;
	v7 =	vld [tilespmem:s25+$0x2A30]  }
0xbf: {  	v2 =	vadd.f32 v2, v8  }
0xc0: {  	v3 =	vadd.f32 v5, v3;
	v1 =	vadd.f32 v1, v6  }
0xc1: {  	v2 =	vadd.f32 v4, v2;
	v0 =	vadd.f32 v0, v9  }
0xc2: {  	[tilespmem:s25+$0x4A00] =	vst v3;
	v1 =	vadd.f32 v10, v1  }
0xc3: {  	[tilespmem:s25+$0x4A10] =	vst v2;
	v0 =	vadd.f32 v7, v0  }
0xc4: {  	[tilespmem:s25+$0x4A20] =	vst v1  }
0xc5: {  	s30 =	simm.s32 $0x0;
	[tilespmem:s25+$0x4A30] =	vst v0  }
0xc6: {  	[hbm4b:s9+s30] =	stream.linear.scatter [tilespmem:s0], [sflag:$0x2], $0x2000, $0x38;
	[tilespmem:$0x6A00] =	vst v63  }
0xc7: {  	_ =	swait.ge [sflag:s17], $0x2000  }
0xc8: {  	[sflag:s17] =	ssyncset.done $0x0  }
0xc9: {  	[sflag:s17] =	ssyncadd.s32 $0xFFFFE000  }
0xca: {  	[tilespmem:s29], [sflag:$0x1] =	stream.indirect.gather [hbm4b:s4+s19], $0x40, s2, s19, $0xb8;
	[tilespmem:$0x6A00] =	vst v63  }
0xcb: {  	_ = 	snop  }
0xcc: {  	[tilespmem:s31], [sflag:$0x1] =	stream.indirect.gather [hbm4b:s5+s19], $0x40, s18, s19, $0xb8;
	[tilespmem:$0x6A00] =	vst v63  }
0xcd: {  	_ = 	snop  }
0xce: {  	[tilespmem:s0], [sflag:$0x1] =	stream.linear.gather [hbm4b:s10+s30], $0x2000, $0x38;
	[tilespmem:$0x6A00] =	vst v63  }
0xcf: {  	_ =	swait.ge [sflag:s26], $0x2000  }
0xd0: {  	[sflag:s26] =	ssyncset.done $0x0  }
0xd1: {  	[sflag:s26] =	ssyncadd.s32 $0xFFFFE000  }
0xd2: {  	_ =	swait.ge [sflag:s26], $0x2000  }
0xd3: {  	[sflag:s26] =	ssyncset.done $0x0  }
0xd4: {  	[sflag:s26] =	ssyncadd.s32 $0xFFFFE000  }
0xd5: {  	_ =	swait.ge [sflag:s26], $0x2000  }
0xd6: {  	[sflag:s26] =	ssyncset.done $0x0  }
0xd7: {  	s25 =	simm.s32 $0x0;
	[sflag:s26] =	ssyncadd.s32 $0xFFFFE000  }
0xd8: {  	v5 =	vld [tilespmem:s25+$0x2A00]  }
0xd9: {  	v4 =	vld [tilespmem:s25+$0x2A10]  }
0xda: {  	v3 =	vld [tilespmem:s25+$0xA00]  }
0xdb: {  	v2 =	vld [tilespmem:s25+$0xA10]  }
0xdc: {  	v1 =	vld [tilespmem:s25+$0xA20]  }
0xdd: {  	v0 =	vld [tilespmem:s25+$0xA30]  }
0xde: {  	v7 =	vld [tilespmem:s25+$0x4A00]  }
0xdf: {  	v8 =	vld [tilespmem:s25+$0x4A10]  }
0xe0: {  	s28 =	simm.s32 $0x100;
	v6 =	vld [tilespmem:s25+$0x4A20]  }
.LBB2_4:
0xe1: {  	p0 =	sne.s32 s28, $0x7F00;
	v9 =	vld [tilespmem:s25+$0x4A30]  }
0xe2: {  	v10 =	vld [tilespmem:s25+$0x2A20]  }
0xe3: {  	s30 =	sshra.s32 s28, $0x2;
	v3 =	vadd.f32 v3, v7;
	v7 =	vld [tilespmem:s25+$0x2A30]  }
0xe4: {  	v11 =	vld [tilespmem:s30+$0x2A00];
	v2 =	vadd.f32 v2, v8  }
0xe5: {  	v8 =	vld [tilespmem:s30+$0x2A10];
	v5 =	vadd.f32 v5, v3;
	v1 =	vadd.f32 v1, v6  }
0xe6: {  	v3 =	vld [tilespmem:s30+$0xA00];
	v4 =	vadd.f32 v4, v2;
	v0 =	vadd.f32 v0, v9  }
0xe7: {  	v2 =	vld [tilespmem:s30+$0xA10];
	[tilespmem:s25+$0x4A00] =	vst v5;
	v6 =	vadd.f32 v10, v1  }
.Ltmp1:
0xe8: {  	v1 =	vld [tilespmem:s30+$0xA20];
	[tilespmem:s25+$0x4A10] =	vst v4;
	v9 =	vadd.f32 v7, v0;
	(pc) =	sbr.rel @p0 .LBB2_4-.Ltmp1, $4  }
0xe9: {  	v0 =	vld [tilespmem:s30+$0xA30];
	[tilespmem:s25+$0x4A20] =	vst v6;
	v5 =	vmov v11  }
0xea: {  	v7 =	vld [tilespmem:s30+$0x4A00];
	[tilespmem:s25+$0x4A30] =	vst v9;
	v4 =	vmov v8;
	s25 =	smov.u32 s30  }
0xeb: {  	v8 =	vld [tilespmem:s25+$0x4A10]  }
0xec: {  	s28 =	sadd.s32 $0x100, s28;
	v6 =	vld [tilespmem:s25+$0x4A20]  }
0xed: {  	v9 =	vld [tilespmem:s25+$0x4A30]  }
0xee: {  	v10 =	vld [tilespmem:s25+$0x2A20]  }
0xef: {  	v3 =	vadd.f32 v3, v7;
	v7 =	vld [tilespmem:s25+$0x2A30]  }
0xf0: {  	v2 =	vadd.f32 v2, v8  }
0xf1: {  	v3 =	vadd.f32 v5, v3;
	v1 =	vadd.f32 v1, v6  }
0xf2: {  	v2 =	vadd.f32 v4, v2;
	v0 =	vadd.f32 v0, v9  }
0xf3: {  	[tilespmem:s25+$0x4A00] =	vst v3;
	v1 =	vadd.f32 v10, v1  }
0xf4: {  	[tilespmem:s25+$0x4A10] =	vst v2;
	v0 =	vadd.f32 v7, v0  }
0xf5: {  	[tilespmem:s25+$0x4A20] =	vst v1  }
0xf6: {  	s30 =	simm.s32 $0x0;
	[tilespmem:s25+$0x4A30] =	vst v0  }
0xf7: {  	[hbm4b:s11+s30] =	stream.linear.scatter [tilespmem:s0], [sflag:$0x2], $0x2000, $0x38;
	[tilespmem:$0x6A00] =	vst v63  }
0xf8: {  	_ =	swait.ge [sflag:s17], $0x2000  }
0xf9: {  	[sflag:s17] =	ssyncset.done $0x0  }
0xfa: {  	[sflag:s17] =	ssyncadd.s32 $0xFFFFE000  }
0xfb: {  	[tilespmem:s29], [sflag:$0x1] =	stream.indirect.gather [hbm4b:s4+s19], $0x40, s20, s19, $0xb8;
	[tilespmem:$0x6A00] =	vst v63  }
0xfc: {  	_ = 	snop  }
0xfd: {  	[tilespmem:s31], [sflag:$0x1] =	stream.indirect.gather [hbm4b:s5+s19], $0x40, s21, s19, $0xb8;
	[tilespmem:$0x6A00] =	vst v63  }
0xfe: {  	_ = 	snop  }
0xff: {  	[tilespmem:s0], [sflag:$0x1] =	stream.linear.gather [hbm4b:s12+s30], $0x2000, $0x38;
	[tilespmem:$0x6A00] =	vst v63  }
0x100: {  	_ =	swait.ge [sflag:s26], $0x2000  }
0x101: {  	[sflag:s26] =	ssyncset.done $0x0  }
0x102: {  	[sflag:s26] =	ssyncadd.s32 $0xFFFFE000  }
0x103: {  	_ =	swait.ge [sflag:s26], $0x2000  }
0x104: {  	[sflag:s26] =	ssyncset.done $0x0  }
0x105: {  	[sflag:s26] =	ssyncadd.s32 $0xFFFFE000  }
0x106: {  	_ =	swait.ge [sflag:s26], $0x2000  }
0x107: {  	[sflag:s26] =	ssyncset.done $0x0  }
0x108: {  	s25 =	simm.s32 $0x0;
	[sflag:s26] =	ssyncadd.s32 $0xFFFFE000  }
0x109: {  	v5 =	vld [tilespmem:s25+$0x2A00]  }
0x10a: {  	v4 =	vld [tilespmem:s25+$0x2A10]  }
0x10b: {  	v3 =	vld [tilespmem:s25+$0xA00]  }
0x10c: {  	v2 =	vld [tilespmem:s25+$0xA10]  }
0x10d: {  	v1 =	vld [tilespmem:s25+$0xA20]  }
0x10e: {  	v0 =	vld [tilespmem:s25+$0xA30]  }
0x10f: {  	v7 =	vld [tilespmem:s25+$0x4A00]  }
0x110: {  	v8 =	vld [tilespmem:s25+$0x4A10]  }
0x111: {  	s28 =	simm.s32 $0x100;
	v6 =	vld [tilespmem:s25+$0x4A20]  }
.LBB2_6:
0x112: {  	p0 =	sne.s32 s28, $0x7F00;
	v9 =	vld [tilespmem:s25+$0x4A30]  }
0x113: {  	v10 =	vld [tilespmem:s25+$0x2A20]  }
0x114: {  	s30 =	sshra.s32 s28, $0x2;
	v3 =	vadd.f32 v3, v7;
	v7 =	vld [tilespmem:s25+$0x2A30]  }
0x115: {  	v11 =	vld [tilespmem:s30+$0x2A00];
	v2 =	vadd.f32 v2, v8  }
0x116: {  	v8 =	vld [tilespmem:s30+$0x2A10];
	v5 =	vadd.f32 v5, v3;
	v1 =	vadd.f32 v1, v6  }
0x117: {  	v3 =	vld [tilespmem:s30+$0xA00];
	v4 =	vadd.f32 v4, v2;
	v0 =	vadd.f32 v0, v9  }
0x118: {  	v2 =	vld [tilespmem:s30+$0xA10];
	[tilespmem:s25+$0x4A00] =	vst v5;
	v6 =	vadd.f32 v10, v1  }
.Ltmp2:
0x119: {  	v1 =	vld [tilespmem:s30+$0xA20];
	[tilespmem:s25+$0x4A10] =	vst v4;
	v9 =	vadd.f32 v7, v0;
	(pc) =	sbr.rel @p0 .LBB2_6-.Ltmp2, $4  }
0x11a: {  	v0 =	vld [tilespmem:s30+$0xA30];
	[tilespmem:s25+$0x4A20] =	vst v6;
	v5 =	vmov v11  }
0x11b: {  	v7 =	vld [tilespmem:s30+$0x4A00];
	[tilespmem:s25+$0x4A30] =	vst v9;
	v4 =	vmov v8;
	s25 =	smov.u32 s30  }
0x11c: {  	v8 =	vld [tilespmem:s25+$0x4A10]  }
0x11d: {  	s28 =	sadd.s32 $0x100, s28;
	v6 =	vld [tilespmem:s25+$0x4A20]  }
0x11e: {  	v9 =	vld [tilespmem:s25+$0x4A30]  }
0x11f: {  	v10 =	vld [tilespmem:s25+$0x2A20]  }
0x120: {  	v3 =	vadd.f32 v3, v7;
	v7 =	vld [tilespmem:s25+$0x2A30]  }
0x121: {  	v2 =	vadd.f32 v2, v8  }
0x122: {  	v3 =	vadd.f32 v5, v3;
	v1 =	vadd.f32 v1, v6  }
0x123: {  	v2 =	vadd.f32 v4, v2;
	v0 =	vadd.f32 v0, v9  }
0x124: {  	[tilespmem:s25+$0x4A00] =	vst v3;
	v1 =	vadd.f32 v10, v1  }
0x125: {  	[tilespmem:s25+$0x4A10] =	vst v2;
	v0 =	vadd.f32 v7, v0  }
0x126: {  	[tilespmem:s25+$0x4A20] =	vst v1  }
0x127: {  	s30 =	simm.s32 $0x0;
	[tilespmem:s25+$0x4A30] =	vst v0  }
0x128: {  	[hbm4b:s13+s30] =	stream.linear.scatter [tilespmem:s0], [sflag:$0x2], $0x2000, $0x38;
	[tilespmem:$0x6A00] =	vst v63  }
0x129: {  	_ =	swait.ge [sflag:s17], $0x2000  }
0x12a: {  	[sflag:s17] =	ssyncset.done $0x0  }
0x12b: {  	[sflag:s17] =	ssyncadd.s32 $0xFFFFE000  }
0x12c: {  	[tilespmem:s29], [sflag:$0x1] =	stream.indirect.gather [hbm4b:s4+s19], $0x40, s22, s19, $0xb8;
	[tilespmem:$0x6A00] =	vst v63  }
0x12d: {  	_ = 	snop  }
0x12e: {  	[tilespmem:s31], [sflag:$0x1] =	stream.indirect.gather [hbm4b:s5+s19], $0x40, s23, s19, $0xb8;
	[tilespmem:$0x6A00] =	vst v63  }
0x12f: {  	_ = 	snop  }
0x130: {  	[tilespmem:s0], [sflag:$0x1] =	stream.linear.gather [hbm4b:s14+s30], $0x2000, $0x38;
	[tilespmem:$0x6A00] =	vst v63  }
0x131: {  	_ =	swait.ge [sflag:s26], $0x2000  }
0x132: {  	[sflag:s26] =	ssyncset.done $0x0  }
0x133: {  	[sflag:s26] =	ssyncadd.s32 $0xFFFFE000  }
0x134: {  	_ =	swait.ge [sflag:s26], $0x2000  }
0x135: {  	[sflag:s26] =	ssyncset.done $0x0  }
0x136: {  	[sflag:s26] =	ssyncadd.s32 $0xFFFFE000  }
0x137: {  	_ =	swait.ge [sflag:s26], $0x2000  }
0x138: {  	[sflag:s26] =	ssyncset.done $0x0  }
0x139: {  	s25 =	simm.s32 $0x0;
	[sflag:s26] =	ssyncadd.s32 $0xFFFFE000  }
0x13a: {  	v5 =	vld [tilespmem:s25+$0x2A00]  }
0x13b: {  	v4 =	vld [tilespmem:s25+$0x2A10]  }
0x13c: {  	v3 =	vld [tilespmem:s25+$0xA00]  }
0x13d: {  	v2 =	vld [tilespmem:s25+$0xA10]  }
0x13e: {  	v1 =	vld [tilespmem:s25+$0xA20]  }
0x13f: {  	v0 =	vld [tilespmem:s25+$0xA30]  }
0x140: {  	v7 =	vld [tilespmem:s25+$0x4A00]  }
0x141: {  	v8 =	vld [tilespmem:s25+$0x4A10]  }
0x142: {  	s28 =	simm.s32 $0x100;
	v6 =	vld [tilespmem:s25+$0x4A20]  }
.LBB2_8:
0x143: {  	p0 =	sne.s32 s28, $0x7F00;
	v9 =	vld [tilespmem:s25+$0x4A30]  }
0x144: {  	v10 =	vld [tilespmem:s25+$0x2A20]  }
0x145: {  	s30 =	sshra.s32 s28, $0x2;
	v3 =	vadd.f32 v3, v7;
	v7 =	vld [tilespmem:s25+$0x2A30]  }
0x146: {  	v11 =	vld [tilespmem:s30+$0x2A00];
	v2 =	vadd.f32 v2, v8  }
0x147: {  	v8 =	vld [tilespmem:s30+$0x2A10];
	v5 =	vadd.f32 v5, v3;
	v1 =	vadd.f32 v1, v6  }
0x148: {  	v3 =	vld [tilespmem:s30+$0xA00];
	v4 =	vadd.f32 v4, v2;
	v0 =	vadd.f32 v0, v9  }
0x149: {  	v2 =	vld [tilespmem:s30+$0xA10];
	[tilespmem:s25+$0x4A00] =	vst v5;
	v6 =	vadd.f32 v10, v1  }
.Ltmp3:
0x14a: {  	v1 =	vld [tilespmem:s30+$0xA20];
	[tilespmem:s25+$0x4A10] =	vst v4;
	v9 =	vadd.f32 v7, v0;
	(pc) =	sbr.rel @p0 .LBB2_8-.Ltmp3, $4  }
0x14b: {  	v0 =	vld [tilespmem:s30+$0xA30];
	[tilespmem:s25+$0x4A20] =	vst v6;
	v5 =	vmov v11  }
0x14c: {  	v7 =	vld [tilespmem:s30+$0x4A00];
	[tilespmem:s25+$0x4A30] =	vst v9;
	v4 =	vmov v8;
	s25 =	smov.u32 s30  }
0x14d: {  	v8 =	vld [tilespmem:s25+$0x4A10]  }
0x14e: {  	s28 =	sadd.s32 $0x100, s28;
	v6 =	vld [tilespmem:s25+$0x4A20]  }
0x14f: {  	v9 =	vld [tilespmem:s25+$0x4A30]  }
0x150: {  	v10 =	vld [tilespmem:s25+$0x2A20]  }
0x151: {  	v63 =	vld [tilespmem:s25+$0x2A30];
	v3 =	vadd.f32 v3, v7  }
0x152: {  	v2 =	vadd.f32 v2, v8  }
0x153: {  	v3 =	vadd.f32 v5, v3;
	v1 =	vadd.f32 v1, v6  }
0x154: {  	v2 =	vadd.f32 v4, v2;
	v0 =	vadd.f32 v0, v9  }
0x155: {  	[tilespmem:s25+$0x4A00] =	vst v3;
	v1 =	vadd.f32 v10, v1  }
0x156: {  	s24 =	sadd.s32 $0x1, s24;
	[tilespmem:s25+$0x4A10] =	vst v2;
	v0 =	vadd.f32 v63, v0  }
0x157: {  	p0 =	sne.s32 s24, s16;
	[tilespmem:s25+$0x4A20] =	vst v1  }
.Ltmp4:
0x158: {  	[tilespmem:s25+$0x4A30] =	vst v0;
	(pc) =	sbr.rel @p0 .LBB2_1-.Ltmp4, $4  }
0x159: {  	[hbm4b:s15+s1] =	stream.linear.scatter [tilespmem:s0], [sflag:$0x2], $0x2000, $0x38;
	[tilespmem:$0x6A00] =	vst v63  }
0x15a: {  	_ =	swait.ge [sflag:s17], $0x2000  }
0x15b: {  	[sflag:s17] =	ssyncset.done $0x0  }
0x15c: {  	[sflag:s17] =	ssyncadd.s32 $0xFFFFE000  }
0x15d: {  	_ =	sfence.sel $0x180000  }
0x15e: {  	[bflag:$0x0] =	sbarrier.arrive $0xFFFF  }
0x15f: {  	_ =	strace $0x9000004A  }
0x160: {  	s0 =	stileid.u32;
	[bflag:$0x2] =	sbarrier.arrive $0xFFFF  }
0x161: {  	p0 =	sne.s32 s0, $0x0;
	s0 =	rddreg [dreg:$0x4]  }
0x162: {  	s0 =	sadd.s32 @!p0 $0x100000, s0  }
0x163: {  	[sflag:s0] =	ssyncadd.tile.s32 @!p0 $0x1;
	_ =	shalt  }
.Lfunc_end2:
_tile_overlayer_lowered:
.L_overlay_start_2:
0x164: {  	(tag) =	ssettag $0x2  }
0x165: {  	s0 =	rddreg [dreg:$0x0];
	s2 =	stileid.u32  }
0x166: {  	s1 =	rddreg [dreg:$0x1];
	p0 =	sne.s32 s2, $0x0  }
0x167: {  	s3 =	rddreg [dreg:$0x2];
	[bflag:$0x3] =	sbarrier.arrive $0xFFFF;
	s2 =	simm.s32 @!p0 $0x1C02  }
0x168: {  	[timem:s3], [sflag:s2] =	dma.local @!p0 [hbm:s0], s1  }
0x169: {  	s0 =	simm.s32 @!p0 $0x2  }
0x16a: {  	_ =	swait.ge @!p0 [sflag:s0], s1  }
0x16b: {  	s1 =	ssub.s32 @!p0 $0x0, s1;
	[sflag:s0] =	ssyncset.done @!p0 $0x0  }
0x16c: {  	[sflag:s0] =	ssyncadd.s32 @!p0 s1  }
0x16d: {  	[bflag:$0x3] =	sbarrier.arrive $0xFFFF  }
0x16e: {  	_ =	shalt  }

</sc_bundles>
